<compile_context>
chip_gen: v7x
topology: tpu7x:2x2x1
jax: 0.10.2.dev20260603
libtpu: 0.0.44.dev20260713+nightly
codegen_flags: <defaults>
</compile_context>

<pallas_src>
import functools

import jax
import jax.numpy as jnp
from jax import lax
from jax.experimental import pallas as pl
from jax.experimental.pallas import tpu as pltpu
from jax.experimental.pallas import tpu_sc as plsc

N_NODES = 10020
D = 128
N_PAD = 10240
N_TILES = 32
RPT = N_PAD // 16
E = 320640
CHUNK = 128
NBUF = 4
_NCH_MIN = -(-E // (N_TILES * CHUNK))
NCH = -(-_NCH_MIN // NBUF) * NBUF
E_PAD = N_TILES * CHUNK * NCH
EPT = E_PAD // N_TILES
SCHUNK = 128
NPASS = 2
CP_A = 60
CP_B = 20
_TOT = 16 * NPASS * (CP_A + CP_B) * SCHUNK
assert _TOT == E_PAD, (_TOT, E_PAD)
NUM_GRAPHS = 334
NODES_PER_GRAPH = 30
IDX_PAD = 16384
UV = 2 * IDX_PAD
UV_PT = UV // N_TILES
UV_NCH = UV_PT // CHUNK

_MESH = plsc.VectorSubcoreMesh(core_axis_name="c", subcore_axis_name="s")


def _zero_fill(buf):
    zeros16 = jnp.zeros((16,), jnp.float32)

    def zb(i, carry):
        for j in range(D // 16):
            buf[i, pl.ds(j * 16, 16)] = zeros16
        return carry

    lax.fori_loop(0, 128, zb, 0)



@functools.partial(
    pl.kernel,
    out_type=jax.ShapeDtypeStruct((2 * N_PAD, D), jnp.float32),
    mesh=_MESH,
    scratch_types=[
        pltpu.VMEM((NCH, CHUNK), jnp.int32),
        pltpu.VMEM((CHUNK, D), jnp.float32),
        pltpu.VMEM_SHARED((N_PAD, D), jnp.float32),
        pltpu.SemaphoreType.DMA,
    ],
)
def _sc_deg(dstp3, onesr, out, dst_all, ones_v, acc_sh, ssem):
    cid = lax.axis_index("c")
    sid = lax.axis_index("s")
    wid = sid * 2 + cid
    _zero_fill(ones_v)
    for k in range(RPT // CHUNK):
        pltpu.sync_copy(ones_v, acc_sh.at[pl.ds(sid * RPT + k * CHUNK, CHUNK)])
    pltpu.sync_copy(dstp3.at[wid], dst_all)
    pltpu.sync_copy(onesr, ones_v)
    plsc.subcore_barrier()

    def fire(t, carry):
        pltpu.async_copy(ones_v, acc_sh.at[dst_all.at[t]], ssem, add=True)
        return carry

    lax.fori_loop(0, NCH, fire, 0)

    def drain(t, carry):
        pltpu.make_async_copy(ones_v, acc_sh.at[dst_all.at[0]], ssem).wait()
        return carry

    lax.fori_loop(0, NCH, drain, 0)
    plsc.subcore_barrier()
    pltpu.sync_copy(acc_sh.at[pl.ds(sid * RPT, RPT)],
                    out.at[pl.ds(cid * N_PAD + sid * RPT, RPT)])



@functools.partial(
    pl.kernel,
    out_type=jax.ShapeDtypeStruct((2 * N_PAD, D), jnp.float32),
    mesh=_MESH,
    scratch_types=[
        pltpu.VMEM((CP_A, SCHUNK), jnp.int32),
        pltpu.VMEM((CP_A, SCHUNK), jnp.int32),
        pltpu.VMEM((SCHUNK, D), jnp.float32),
        pltpu.VMEM((SCHUNK, D), jnp.float32),
        pltpu.VMEM_SHARED((N_PAD, D), jnp.float32),
        pltpu.SemaphoreType.DMA,
        pltpu.SemaphoreType.DMA,
    ],
)
def _sc_scatter(hs, srcp4, dstp4, out, src_all, dst_all,
                r0, r1, acc_sh, g0, g1):
    rows = (r0, r1)
    gsem = (g0, g1)
    cid = lax.axis_index("c")
    sid = lax.axis_index("s")
    wid = sid * 2 + cid
    _zero_fill(r0)
    for k in range(RPT // SCHUNK):
        pltpu.sync_copy(r0, acc_sh.at[pl.ds(sid * RPT + k * SCHUNK, SCHUNK)])
    plsc.subcore_barrier()

    for p in range(NPASS):
        pltpu.sync_copy(srcp4.at[wid, p], src_all)
        pltpu.sync_copy(dstp4.at[wid, p], dst_all)

        @pl.when(cid == 0)
        def _pipelined():
            pltpu.async_copy(hs.at[src_all.at[0]], rows[0], gsem[0])

            def outer(t2, carry):
                for b in range(2):
                    t = t2 * 2 + b
                    ob = 1 - b
                    pltpu.make_async_copy(hs.at[src_all.at[t]], rows[b],
                                          gsem[b]).wait()

                    @pl.when(t + 1 < CP_A)
                    def _fire():
                        pltpu.async_copy(hs.at[src_all.at[t + 1]], rows[ob],
                                         gsem[ob])

                    pltpu.sync_copy(rows[b], acc_sh.at[dst_all.at[t]],
                                    add=True)
                return carry

            lax.fori_loop(0, CP_A // 2, outer, 0)

        @pl.when(cid == 1)
        def _serial():
            def sbody(t, carry):
                pltpu.async_copy(hs.at[src_all.at[t]], rows[0], gsem[0]).wait()
                pltpu.sync_copy(rows[0], acc_sh.at[dst_all.at[t]], add=True)
                return carry

            lax.fori_loop(0, CP_B, sbody, 0)

    plsc.subcore_barrier()
    pltpu.sync_copy(acc_sh.at[pl.ds(sid * RPT, RPT)],
                    out.at[pl.ds(cid * N_PAD + sid * RPT, RPT)])



@functools.partial(
    pl.kernel,
    out_type=jax.ShapeDtypeStruct((UV, D), jnp.float32),
    mesh=_MESH,
    scratch_types=[
        pltpu.VMEM((UV_NCH, CHUNK), jnp.int32),
        pltpu.VMEM((CHUNK, D), jnp.float32),
        pltpu.VMEM((CHUNK, D), jnp.float32),
        pltpu.VMEM((CHUNK, D), jnp.float32),
        pltpu.VMEM((CHUNK, D), jnp.float32),
        pltpu.SemaphoreType.DMA,
        pltpu.SemaphoreType.DMA,
        pltpu.SemaphoreType.DMA,
        pltpu.SemaphoreType.DMA,
        pltpu.SemaphoreType.DMA,
        pltpu.SemaphoreType.DMA,
        pltpu.SemaphoreType.DMA,
        pltpu.SemaphoreType.DMA,
    ],
)
def _sc_gather(h3, idx3, out, idx_all, r0, r1, r2, r3,
               g0, g1, g2, g3, w0, w1, w2, w3):
    rows = (r0, r1, r2, r3)
    gsem = (g0, g1, g2, g3)
    wsem = (w0, w1, w2, w3)
    cid = lax.axis_index("c")
    sid = lax.axis_index("s")
    wid = sid * 2 + cid
    pltpu.sync_copy(idx3.at[wid], idx_all)
    for b in range(3):
        pltpu.async_copy(h3.at[idx_all.at[b]], rows[b], gsem[b])

    def outer(t2, carry):
        for b in range(NBUF):
            t = t2 * NBUF + b
            b3 = (b + 3) % NBUF
            pltpu.make_async_copy(h3.at[idx_all.at[t]], rows[b], gsem[b]).wait()
            pltpu.async_copy(rows[b],
                             out.at[pl.ds(wid * UV_PT + t * CHUNK, CHUNK)],
                             wsem[b])

            @pl.when(t >= 1)
            def _drain():
                pltpu.make_async_copy(
                    rows[b3], out.at[pl.ds(wid * UV_PT, CHUNK)],
                    wsem[b3]).wait()

            @pl.when(t + 3 < UV_NCH)
            def _fire():
                pltpu.async_copy(h3.at[idx_all.at[t + 3]], rows[b3], gsem[b3])
        return carry

    lax.fori_loop(0, UV_NCH // NBUF, outer, 0)
    pltpu.make_async_copy(rows[(UV_NCH - 1) % NBUF],
                          out.at[pl.ds(wid * UV_PT, CHUNK)],
                          wsem[(UV_NCH - 1) % NBUF]).wait()



GB = 8
RB = N_PAD // GB
RB2 = IDX_PAD // GB


def _dinv_col(degp):
    return lax.rsqrt(degp[0] + degp[1] + 1.0)


def _tenc_body(x_ref, ew, eb, h_ref):
    h_ref[...] = (jnp.dot(x_ref[...], ew[...],
                          preferred_element_type=jnp.float32) + eb[...])


def _tenc(x_pad, enc_W, enc_b2):
    return pl.pallas_call(
        _tenc_body,
        grid=(GB,),
        in_specs=[
            pl.BlockSpec((RB, D), lambda i: (i, 0)),
            pl.BlockSpec((D, D), lambda i: (0, 0)),
            pl.BlockSpec((1, D), lambda i: (0, 0)),
        ],
        out_specs=pl.BlockSpec((RB, D), lambda i: (i, 0)),
        out_shape=jax.ShapeDtypeStruct((N_PAD, D), jnp.float32),
    )(x_pad, enc_W, enc_b2)


def _t0_body(h_ref, w0, degp, hs_ref):
    dinv = _dinv_col(degp)
    hs_ref[...] = dinv * jnp.dot(h_ref[...], w0[...],
                                 preferred_element_type=jnp.float32)


def _t0(h, W0, degp):
    return pl.pallas_call(
        _t0_body,
        grid=(GB,),
        in_specs=[
            pl.BlockSpec((RB, D), lambda i: (i, 0)),
            pl.BlockSpec((D, D), lambda i: (0, 0)),
            pl.BlockSpec((2, RB, 1), lambda i: (0, i, 0)),
        ],
        out_specs=pl.BlockSpec((RB, D), lambda i: (i, 0)),
        out_shape=jax.ShapeDtypeStruct((N_PAD, D), jnp.float32),
    )(h, W0, degp)


def _layer_math(sp_ref, hs_ref, h_ref, degp, cb, g, b, m, v):
    dinv = _dinv_col(degp)
    S = sp_ref[0] + sp_ref[1]
    pre = dinv * (S + hs_ref[...]) + cb[...]
    inv_std = lax.rsqrt(v[...] + 1e-5)
    bn = (pre - m[...]) * inv_std * g[...] + b[...]
    return jnp.maximum(bn, 0.0) + h_ref[...], dinv


def _tl_body(sp_ref, hs_ref, h_ref, degp, cb, g, b, m, v, wn, hn_ref, hsn_ref):
    hn, dinv = _layer_math(sp_ref, hs_ref, h_ref, degp, cb, g, b, m, v)
    hn_ref[...] = hn
    hsn_ref[...] = dinv * jnp.dot(hn, wn[...],
                                  preferred_element_type=jnp.float32)


def _tl_last_body(sp_ref, hs_ref, h_ref, degp, cb, g, b, m, v, hn_ref):
    hn, _ = _layer_math(sp_ref, hs_ref, h_ref, degp, cb, g, b, m, v)
    hn_ref[...] = hn


_VEC_SPEC = pl.BlockSpec((1, D), lambda i: (0, 0))


def _tl(Sp, hs, h, degp, cb, g, b, m, v, Wn):
    return pl.pallas_call(
        _tl_body,
        grid=(GB,),
        in_specs=[
            pl.BlockSpec((2, RB, D), lambda i: (0, i, 0)),
            pl.BlockSpec((RB, D), lambda i: (i, 0)),
            pl.BlockSpec((RB, D), lambda i: (i, 0)),
            pl.BlockSpec((2, RB, 1), lambda i: (0, i, 0)),
            _VEC_SPEC, _VEC_SPEC, _VEC_SPEC, _VEC_SPEC, _VEC_SPEC,
            pl.BlockSpec((D, D), lambda i: (0, 0)),
        ],
        out_specs=[pl.BlockSpec((RB, D), lambda i: (i, 0))] * 2,
        out_shape=[jax.ShapeDtypeStruct((N_PAD, D), jnp.float32)] * 2,
    )(Sp, hs, h, degp, cb, g, b, m, v, Wn)


def _tl_last(Sp, hs, h, degp, cb, g, b, m, v):
    return pl.pallas_call(
        _tl_last_body,
        grid=(GB,),
        in_specs=[
            pl.BlockSpec((2, RB, D), lambda i: (0, i, 0)),
            pl.BlockSpec((RB, D), lambda i: (i, 0)),
            pl.BlockSpec((RB, D), lambda i: (i, 0)),
            pl.BlockSpec((2, RB, 1), lambda i: (0, i, 0)),
            _VEC_SPEC, _VEC_SPEC, _VEC_SPEC, _VEC_SPEC, _VEC_SPEC,
        ],
        out_specs=pl.BlockSpec((RB, D), lambda i: (i, 0)),
        out_shape=jax.ShapeDtypeStruct((N_PAD, D), jnp.float32),
    )(Sp, hs, h, degp, cb, g, b, m, v)


def _mlp_body(nu, nv, w1a, w1b, b1, w2, b2, out_ref):
    hid = (jnp.dot(nu[...], w1a[...], preferred_element_type=jnp.float32)
           + jnp.dot(nv[...], w1b[...], preferred_element_type=jnp.float32)
           + b1[...])
    hid = jnp.maximum(hid, 0.0)
    out_ref[...] = jnp.dot(hid, w2[...], preferred_element_type=jnp.float32) + b2[...]


def _mlp(nu, nv, W1a, W1b, b1, W2, b2):
    return pl.pallas_call(
        _mlp_body,
        grid=(GB,),
        in_specs=[
            pl.BlockSpec((RB2, D), lambda i: (i, 0)),
            pl.BlockSpec((RB2, D), lambda i: (i, 0)),
            pl.BlockSpec((D, D), lambda i: (0, 0)),
            pl.BlockSpec((D, D), lambda i: (0, 0)),
            _VEC_SPEC,
            pl.BlockSpec((D, 1), lambda i: (0, 0)),
            pl.BlockSpec((1, 1), lambda i: (0, 0)),
        ],
        out_specs=pl.BlockSpec((RB2, 1), lambda i: (i, 0)),
        out_shape=jax.ShapeDtypeStruct((IDX_PAD, 1), jnp.float32),
    )(nu, nv, W1a, W1b, b1, W2, b2)



def kernel(x, edge_index, num_graphs, branch_u, branch_v, enc_W, enc_b,
           conv_W, conv_b, bn_gamma, bn_beta, bn_mean, bn_var,
           mlp_W1, mlp_b1, mlp_W2, mlp_b2):
    src = edge_index[0]
    dst = edge_index[1]
    pad_e = E_PAD - E
    srcp = jnp.concatenate([src, jnp.zeros((pad_e,), jnp.int32)])
    dstp = jnp.concatenate([dst, jnp.full((pad_e,), N_NODES, jnp.int32)])
    dstp3 = dstp.reshape(N_TILES, NCH, CHUNK)
    def _split_idx(a):
        e0 = 16 * NPASS * CP_A * SCHUNK
        c0b = a[:e0].reshape(16, NPASS, CP_A, SCHUNK)
        c1b = a[e0:].reshape(16, NPASS, CP_B, SCHUNK)
        c1b = jnp.pad(c1b, ((0, 0), (0, 0), (0, CP_A - CP_B), (0, 0)))
        return jnp.stack([c0b, c1b], axis=1).reshape(
            N_TILES, NPASS, CP_A, SCHUNK)

    srcp4 = _split_idx(srcp)
    dstp4 = _split_idx(dstp)
    x_pad = jnp.pad(x, ((0, N_PAD - N_NODES), (0, 0)))
    onesr = jnp.ones((CHUNK, D), jnp.float32)

    degp = _sc_deg(dstp3, onesr).reshape(2, N_PAD, D)[:, :, :1]

    h = _tenc(x_pad, enc_W, enc_b.reshape(1, D))
    hs = _t0(h, conv_W[0], degp)
    for i in range(3):
        Sp = _sc_scatter(hs, srcp4, dstp4).reshape(2, N_PAD, D)
        args = (Sp, hs, h, degp, conv_b[i].reshape(1, D),
                bn_gamma[i].reshape(1, D), bn_beta[i].reshape(1, D),
                bn_mean[i].reshape(1, D), bn_var[i].reshape(1, D))
        if i < 2:
            h, hs = _tl(*args, conv_W[i + 1])
        else:
            h = _tl_last(*args)

    nb = branch_u.shape[0]
    num_graphs_zero = (jnp.asarray(num_graphs) * 0).astype(branch_u.dtype)
    offsets = (jnp.arange(NUM_GRAPHS, dtype=branch_u.dtype) * NODES_PER_GRAPH
               + num_graphs_zero)
    u_idx = (branch_u[None, :] + offsets[:, None]).reshape(-1)
    v_idx = (branch_v[None, :] + offsets[:, None]).reshape(-1)
    nout = NUM_GRAPHS * nb
    pad_i = IDX_PAD - nout
    uv = jnp.concatenate([
        u_idx, jnp.zeros((pad_i,), branch_u.dtype),
        v_idx, jnp.zeros((pad_i,), branch_u.dtype),
    ]).reshape(N_TILES, UV_NCH, CHUNK)
    gth = _sc_gather(h, uv)
    out_full = _mlp(gth[:IDX_PAD], gth[IDX_PAD:], mlp_W1[:D], mlp_W1[D:],
                    mlp_b1.reshape(1, D), mlp_W2, mlp_b2.reshape(1, 1))
    return out_full[:nout]

# --- scband reference (transcript-rebuilt; emitter-appended) ---
"""Pipeline reference for scband-deep-edge-congestion-gnn-20693152432290 (READ-ONLY COPY).

The authoritative reference and input builder live on the scoring server;
editing this copy changes nothing except your own understanding.
"""

import jax, jax.numpy as jnp
import numpy as np

N_NODES = 10020
N_EDGES = 320640
IN_CH = 128
HID = 128
N_LAYERS = 3
NUM_GRAPHS = 334
NODES_PER_GRAPH = 30
BRANCH_U = [0,0,1,2,1,1,3,4,5,5,5,5,8,8,3,11,11,11,11,13,15,14,17,18,9,9,9,9,20,14,21,22,23,24,24,27,26,26,28,7,5]
BRANCH_V = [1,2,3,3,4,5,5,6,6,7,8,9,10,9,11,12,13,14,15,14,16,17,18,19,19,16,20,21,21,22,23,23,24,25,26,26,28,29,29,27,27]


def setup_inputs(seed: int = 0):
    key = jax.random.key(seed)
    ks = jax.random.split(key, 8)
    x = jax.random.normal(ks[0], (N_NODES, IN_CH), dtype=jnp.float32)
    edge_index = jax.random.randint(ks[1], (2, N_EDGES), 0, N_NODES, dtype=jnp.int32)
    enc_W = jax.random.normal(ks[2], (IN_CH, HID), dtype=jnp.float32) * 0.05
    enc_b = jnp.zeros((HID,), dtype=jnp.float32)
    conv_W = jax.random.normal(ks[3], (N_LAYERS, HID, HID), dtype=jnp.float32) * 0.05
    conv_b = jnp.zeros((N_LAYERS, HID), dtype=jnp.float32)
    bn_gamma = jnp.ones((N_LAYERS, HID), dtype=jnp.float32)
    bn_beta = jnp.zeros((N_LAYERS, HID), dtype=jnp.float32)
    bn_mean = jnp.zeros((N_LAYERS, HID), dtype=jnp.float32)
    bn_var = jnp.ones((N_LAYERS, HID), dtype=jnp.float32)
    mlp_W1 = jax.random.normal(ks[4], (2 * HID, HID), dtype=jnp.float32) * 0.05
    mlp_b1 = jnp.zeros((HID,), dtype=jnp.float32)
    mlp_W2 = jax.random.normal(ks[5], (HID, 1), dtype=jnp.float32) * 0.05
    mlp_b2 = jnp.zeros((1,), dtype=jnp.float32)
    branch_u = jnp.array(BRANCH_U, dtype=jnp.int32)
    branch_v = jnp.array(BRANCH_V, dtype=jnp.int32)
    return {
        'x': x, 'edge_index': edge_index, 'num_graphs': NUM_GRAPHS,
        'branch_u': branch_u, 'branch_v': branch_v,
        'enc_W': enc_W, 'enc_b': enc_b, 'conv_W': conv_W, 'conv_b': conv_b,
        'bn_gamma': bn_gamma, 'bn_beta': bn_beta, 'bn_mean': bn_mean, 'bn_var': bn_var,
        'mlp_W1': mlp_W1, 'mlp_b1': mlp_b1, 'mlp_W2': mlp_W2, 'mlp_b2': mlp_b2,
    }


def reference(x, edge_index, num_graphs, branch_u, branch_v, enc_W, enc_b, conv_W, conv_b, bn_gamma, bn_beta, bn_mean, bn_var, mlp_W1, mlp_b1, mlp_W2, mlp_b2):
    N = x.shape[0]
    # node encoder
    h = x @ enc_W + enc_b
    # GCN normalization with self-loops (PyG GCNConv default)
    src, dst = edge_index[0], edge_index[1]
    loop = jnp.arange(N, dtype=src.dtype)
    src2 = jnp.concatenate([src, loop])
    dst2 = jnp.concatenate([dst, loop])
    deg = jnp.zeros((N,), dtype=jnp.float32).at[dst2].add(1.0)
    dinv = jnp.where(deg > 0, deg ** -0.5, 0.0)
    norm = dinv[src2] * dinv[dst2]
    for i in range(N_LAYERS):
        h_res = h
        hw = h @ conv_W[i]
        msg = hw[src2] * norm[:, None]
        agg = jnp.zeros_like(hw).at[dst2].add(msg) + conv_b[i]
        # BatchNorm1d in eval mode (running stats)
        agg = (agg - bn_mean[i]) / jnp.sqrt(bn_var[i] + 1e-5) * bn_gamma[i] + bn_beta[i]
        agg = jax.nn.relu(agg)
        # dropout is identity in eval
        h = agg + h_res
    num_graphs_zero = (jnp.asarray(num_graphs) * 0).astype(branch_u.dtype)
    offsets = jnp.arange(NUM_GRAPHS, dtype=branch_u.dtype) * NODES_PER_GRAPH + num_graphs_zero
    u_idx = (branch_u[None, :] + offsets[:, None]).reshape(-1)
    v_idx = (branch_v[None, :] + offsets[:, None]).reshape(-1)
    nodes_u = h[u_idx]
    nodes_v = h[v_idx]
    edge_h = jnp.concatenate([nodes_u, nodes_v], axis=-1)
    hid = jax.nn.relu(edge_h @ mlp_W1 + mlp_b1)
    out = hid @ mlp_W2 + mlp_b2
    return out

if __name__ == "__main__":
    import jax
    _d = setup_inputs()
    print(jax.jit(kernel)(*tuple(_d.values())))

</pallas_src>

<mosaic_0001>
#map = affine_map<(d0, d1) -> (0, 0, 0)>
#map1 = affine_map<(d0, d1) -> (0, 0)>
module attributes {stable_mosaic.version = 14 : i64} {
  func.func @_sc_deg(%arg0: i32, %arg1: i32, %arg2: memref<32x80x128xi32, #tpu.memory_space<hbm>>, %arg3: memref<128x128xf32, #tpu.memory_space<hbm>>, %arg4: memref<20480x128xf32, #tpu.memory_space<hbm>>, %arg5: memref<80x128xi32, #tpu.memory_space<vmem>>, %arg6: memref<128x128xf32, #tpu.memory_space<vmem>>, %arg7: memref<10240x128xf32, #tpu.memory_space<vmem_shared>>, %arg8: memref<!tpu.dma_semaphore, #tpu.memory_space<semaphore_mem>>) attributes {dimension_semantics = [#tpu.dimension_semantics<core_parallel>, #tpu.dimension_semantics<subcore_parallel>], iteration_bounds = array<i64: 2, 16>, scalar_prefetch = 0 : i64, scratch_operands = 4 : i64, tpu.core_type = #tpu.core_type<sc_vector_subcore>, window_params = [{transform_indices = #map}, {transform_indices = #map1}, {transform_indices = #map1}]} {
    %mul3A = arith.constant 2 : i32
    %mul3A_0 = arith.muli %arg1, %mul3A : i32
    %add3A = arith.addi %mul3A_0, %arg0 : i32
    %broadcast_in_dim3A = arith.constant 0.000000e+00 : f32
    %broadcast_in_dim3A_1 = vector.broadcast %broadcast_in_dim3A : f32 to vector<16xf32>
    %scan3A = arith.constant 0 : i32
    %scan3A_2 = arith.constant 0 : i32
    %scan3A_3 = arith.constant 128 : i32
    %scan3A_4 = arith.addi %scan3A_2, %scan3A_3 : i32
    %scan3A_5 = arith.constant 1 : i32
    scf.for %scan3A_47 = %scan3A_2 to %scan3A_4 step %scan3A_5  : i32 {
      %swap3A = arith.index_cast %scan3A_47 : i32 to index
      %swap3A_48 = arith.constant 0 : index
      %swap3A_49 = tpu.vector_load %arg6[%swap3A, %swap3A_48] {strides = array<i32>} : memref<128x128xf32, #tpu.memory_space<vmem>>, vector<1x16xf32>,
      %swap3A_50 = vector.shape_cast %swap3A_49 : vector<1x16xf32> to vector<16xf32>
      %swap3A_51 = vector.shape_cast %broadcast_in_dim3A_1 : vector<16xf32> to vector<1x16xf32>
      tpu.vector_store %arg6[%swap3A, %swap3A_48], %swap3A_51 {strides = array<i32>} : memref<128x128xf32, #tpu.memory_space<vmem>>, vector<1x16xf32>,
      %swap3A_52 = arith.index_cast %scan3A_47 : i32 to index
      %swap3A_53 = arith.constant 16 : index
      %swap3A_54 = tpu.vector_load %arg6[%swap3A_52, %swap3A_53] {strides = array<i32>} : memref<128x128xf32, #tpu.memory_space<vmem>>, vector<1x16xf32>,
      %swap3A_55 = vector.shape_cast %swap3A_54 : vector<1x16xf32> to vector<16xf32>
      %swap3A_56 = vector.shape_cast %broadcast_in_dim3A_1 : vector<16xf32> to vector<1x16xf32>
      tpu.vector_store %arg6[%swap3A_52, %swap3A_53], %swap3A_56 {strides = array<i32>} : memref<128x128xf32, #tpu.memory_space<vmem>>, vector<1x16xf32>,
      %swap3A_57 = arith.index_cast %scan3A_47 : i32 to index
      %swap3A_58 = arith.constant 32 : index
      %swap3A_59 = tpu.vector_load %arg6[%swap3A_57, %swap3A_58] {strides = array<i32>} : memref<128x128xf32, #tpu.memory_space<vmem>>, vector<1x16xf32>,
      %swap3A_60 = vector.shape_cast %swap3A_59 : vector<1x16xf32> to vector<16xf32>
      %swap3A_61 = vector.shape_cast %broadcast_in_dim3A_1 : vector<16xf32> to vector<1x16xf32>
      tpu.vector_store %arg6[%swap3A_57, %swap3A_58], %swap3A_61 {strides = array<i32>} : memref<128x128xf32, #tpu.memory_space<vmem>>, vector<1x16xf32>,
      %swap3A_62 = arith.index_cast %scan3A_47 : i32 to index
      %swap3A_63 = arith.constant 48 : index
      %swap3A_64 = tpu.vector_load %arg6[%swap3A_62, %swap3A_63] {strides = array<i32>} : memref<128x128xf32, #tpu.memory_space<vmem>>, vector<1x16xf32>,
      %swap3A_65 = vector.shape_cast %swap3A_64 : vector<1x16xf32> to vector<16xf32>
      %swap3A_66 = vector.shape_cast %broadcast_in_dim3A_1 : vector<16xf32> to vector<1x16xf32>
      tpu.vector_store %arg6[%swap3A_62, %swap3A_63], %swap3A_66 {strides = array<i32>} : memref<128x128xf32, #tpu.memory_space<vmem>>, vector<1x16xf32>,
      %swap3A_67 = arith.index_cast %scan3A_47 : i32 to index
      %swap3A_68 = arith.constant 64 : index
      %swap3A_69 = tpu.vector_load %arg6[%swap3A_67, %swap3A_68] {strides = array<i32>} : memref<128x128xf32, #tpu.memory_space<vmem>>, vector<1x16xf32>,
      %swap3A_70 = vector.shape_cast %swap3A_69 : vector<1x16xf32> to vector<16xf32>
      %swap3A_71 = vector.shape_cast %broadcast_in_dim3A_1 : vector<16xf32> to vector<1x16xf32>
      tpu.vector_store %arg6[%swap3A_67, %swap3A_68], %swap3A_71 {strides = array<i32>} : memref<128x128xf32, #tpu.memory_space<vmem>>, vector<1x16xf32>,
      %swap3A_72 = arith.index_cast %scan3A_47 : i32 to index
      %swap3A_73 = arith.constant 80 : index
      %swap3A_74 = tpu.vector_load %arg6[%swap3A_72, %swap3A_73] {strides = array<i32>} : memref<128x128xf32, #tpu.memory_space<vmem>>, vector<1x16xf32>,
      %swap3A_75 = vector.shape_cast %swap3A_74 : vector<1x16xf32> to vector<16xf32>
      %swap3A_76 = vector.shape_cast %broadcast_in_dim3A_1 : vector<16xf32> to vector<1x16xf32>
      tpu.vector_store %arg6[%swap3A_72, %swap3A_73], %swap3A_76 {strides = array<i32>} : memref<128x128xf32, #tpu.memory_space<vmem>>, vector<1x16xf32>,
      %swap3A_77 = arith.index_cast %scan3A_47 : i32 to index
      %swap3A_78 = arith.constant 96 : index
      %swap3A_79 = tpu.vector_load %arg6[%swap3A_77, %swap3A_78] {strides = array<i32>} : memref<128x128xf32, #tpu.memory_space<vmem>>, vector<1x16xf32>,
      %swap3A_80 = vector.shape_cast %swap3A_79 : vector<1x16xf32> to vector<16xf32>
      %swap3A_81 = vector.shape_cast %broadcast_in_dim3A_1 : vector<16xf32> to vector<1x16xf32>
      tpu.vector_store %arg6[%swap3A_77, %swap3A_78], %swap3A_81 {strides = array<i32>} : memref<128x128xf32, #tpu.memory_space<vmem>>, vector<1x16xf32>,
      %swap3A_82 = arith.index_cast %scan3A_47 : i32 to index
      %swap3A_83 = arith.constant 112 : index
      %swap3A_84 = tpu.vector_load %arg6[%swap3A_82, %swap3A_83] {strides = array<i32>} : memref<128x128xf32, #tpu.memory_space<vmem>>, vector<1x16xf32>,
      %swap3A_85 = vector.shape_cast %swap3A_84 : vector<1x16xf32> to vector<16xf32>
      %swap3A_86 = vector.shape_cast %broadcast_in_dim3A_1 : vector<16xf32> to vector<1x16xf32>
      tpu.vector_store %arg6[%swap3A_82, %swap3A_83], %swap3A_86 {strides = array<i32>} : memref<128x128xf32, #tpu.memory_space<vmem>>, vector<1x16xf32>,
    }
    %scan3A_6 = arith.constant 128 : i32
    %mul3A_7 = arith.constant 640 : i32
    %mul3A_8 = arith.muli %arg1, %mul3A_7 : i32
    %add3A_9 = arith.constant 0 : i32
    %add3A_10 = arith.addi %mul3A_8, %add3A_9 : i32
    "tpu.region"() ({
      %run_scoped3A = tpu.sem_alloc : memref<!tpu.dma_semaphore, #tpu.memory_space<semaphore_mem>>
      %dma_start3A = arith.constant 0 : i32
      %dma_start3A_47 = tpu.memref_slice %arg7[%add3A_10, %dma_start3A] : memref<10240x128xf32, #tpu.memory_space<vmem_shared>> -> memref<128x128xf32, #tpu.memory_space<vmem_shared>>
      %dma_start3A_48 = arith.constant 0 : i32
      %dma_start3A_49 = tpu.memref_slice %arg7[%add3A_10, %dma_start3A_48] : memref<10240x128xf32, #tpu.memory_space<vmem_shared>> -> memref<128x128xf32, #tpu.memory_space<vmem_shared>>
      tpu.enqueue_dma source(%arg6 : memref<128x128xf32, #tpu.memory_space<vmem>>) target(%dma_start3A_49 : memref<128x128xf32, #tpu.memory_space<vmem_shared>>) target_semaphore(%run_scoped3A : memref<!tpu.dma_semaphore, #tpu.memory_space<semaphore_mem>>)
      %dma_wait3A = arith.constant 0 : i32
      %dma_wait3A_50 = tpu.memref_slice %arg7[%add3A_10, %dma_wait3A] : memref<10240x128xf32, #tpu.memory_space<vmem_shared>> -> memref<128x128xf32, #tpu.memory_space<vmem_shared>>
      %dma_wait3A_51 = arith.constant 0 : i32
      %dma_wait3A_52 = tpu.memref_slice %arg7[%add3A_10, %dma_wait3A_51] : memref<10240x128xf32, #tpu.memory_space<vmem_shared>> -> memref<128x128xf32, #tpu.memory_space<vmem_shared>>
      tpu.wait_dma2 semaphore(%run_scoped3A : memref<!tpu.dma_semaphore, #tpu.memory_space<semaphore_mem>>) src(%arg6 : memref<128x128xf32, #tpu.memory_space<vmem>>) dst(%dma_wait3A_52 : memref<128x128xf32, #tpu.memory_space<vmem_shared>>)
      tpu.yield
    }) : () -> ()
    %mul3A_11 = arith.constant 640 : i32
    %mul3A_12 = arith.muli %arg1, %mul3A_11 : i32
    %add3A_13 = arith.constant 128 : i32
    %add3A_14 = arith.addi %mul3A_12, %add3A_13 : i32
    "tpu.region"() ({
      %run_scoped3A = tpu.sem_alloc : memref<!tpu.dma_semaphore, #tpu.memory_space<semaphore_mem>>
      %dma_start3A = arith.constant 0 : i32
      %dma_start3A_47 = tpu.memref_slice %arg7[%add3A_14, %dma_start3A] : memref<10240x128xf32, #tpu.memory_space<vmem_shared>> -> memref<128x128xf32, #tpu.memory_space<vmem_shared>>
      %dma_start3A_48 = arith.constant 0 : i32
      %dma_start3A_49 = tpu.memref_slice %arg7[%add3A_14, %dma_start3A_48] : memref<10240x128xf32, #tpu.memory_space<vmem_shared>> -> memref<128x128xf32, #tpu.memory_space<vmem_shared>>
      tpu.enqueue_dma source(%arg6 : memref<128x128xf32, #tpu.memory_space<vmem>>) target(%dma_start3A_49 : memref<128x128xf32, #tpu.memory_space<vmem_shared>>) target_semaphore(%run_scoped3A : memref<!tpu.dma_semaphore, #tpu.memory_space<semaphore_mem>>)
      %dma_wait3A = arith.constant 0 : i32
      %dma_wait3A_50 = tpu.memref_slice %arg7[%add3A_14, %dma_wait3A] : memref<10240x128xf32, #tpu.memory_space<vmem_shared>> -> memref<128x128xf32, #tpu.memory_space<vmem_shared>>
      %dma_wait3A_51 = arith.constant 0 : i32
      %dma_wait3A_52 = tpu.memref_slice %arg7[%add3A_14, %dma_wait3A_51] : memref<10240x128xf32, #tpu.memory_space<vmem_shared>> -> memref<128x128xf32, #tpu.memory_space<vmem_shared>>
      tpu.wait_dma2 semaphore(%run_scoped3A : memref<!tpu.dma_semaphore, #tpu.memory_space<semaphore_mem>>) src(%arg6 : memref<128x128xf32, #tpu.memory_space<vmem>>) dst(%dma_wait3A_52 : memref<128x128xf32, #tpu.memory_space<vmem_shared>>)
      tpu.yield
    }) : () -> ()
    %mul3A_15 = arith.constant 640 : i32
    %mul3A_16 = arith.muli %arg1, %mul3A_15 : i32
    %add3A_17 = arith.constant 256 : i32
    %add3A_18 = arith.addi %mul3A_16, %add3A_17 : i32
    "tpu.region"() ({
      %run_scoped3A = tpu.sem_alloc : memref<!tpu.dma_semaphore, #tpu.memory_space<semaphore_mem>>
      %dma_start3A = arith.constant 0 : i32
      %dma_start3A_47 = tpu.memref_slice %arg7[%add3A_18, %dma_start3A] : memref<10240x128xf32, #tpu.memory_space<vmem_shared>> -> memref<128x128xf32, #tpu.memory_space<vmem_shared>>
      %dma_start3A_48 = arith.constant 0 : i32
      %dma_start3A_49 = tpu.memref_slice %arg7[%add3A_18, %dma_start3A_48] : memref<10240x128xf32, #tpu.memory_space<vmem_shared>> -> memref<128x128xf32, #tpu.memory_space<vmem_shared>>
      tpu.enqueue_dma source(%arg6 : memref<128x128xf32, #tpu.memory_space<vmem>>) target(%dma_start3A_49 : memref<128x128xf32, #tpu.memory_space<vmem_shared>>) target_semaphore(%run_scoped3A : memref<!tpu.dma_semaphore, #tpu.memory_space<semaphore_mem>>)
      %dma_wait3A = arith.constant 0 : i32
      %dma_wait3A_50 = tpu.memref_slice %arg7[%add3A_18, %dma_wait3A] : memref<10240x128xf32, #tpu.memory_space<vmem_shared>> -> memref<128x128xf32, #tpu.memory_space<vmem_shared>>
      %dma_wait3A_51 = arith.constant 0 : i32
      %dma_wait3A_52 = tpu.memref_slice %arg7[%add3A_18, %dma_wait3A_51] : memref<10240x128xf32, #tpu.memory_space<vmem_shared>> -> memref<128x128xf32, #tpu.memory_space<vmem_shared>>
      tpu.wait_dma2 semaphore(%run_scoped3A : memref<!tpu.dma_semaphore, #tpu.memory_space<semaphore_mem>>) src(%arg6 : memref<128x128xf32, #tpu.memory_space<vmem>>) dst(%dma_wait3A_52 : memref<128x128xf32, #tpu.memory_space<vmem_shared>>)
      tpu.yield
    }) : () -> ()
    %mul3A_19 = arith.constant 640 : i32
    %mul3A_20 = arith.muli %arg1, %mul3A_19 : i32
    %add3A_21 = arith.constant 384 : i32
    %add3A_22 = arith.addi %mul3A_20, %add3A_21 : i32
    "tpu.region"() ({
      %run_scoped3A = tpu.sem_alloc : memref<!tpu.dma_semaphore, #tpu.memory_space<semaphore_mem>>
      %dma_start3A = arith.constant 0 : i32
      %dma_start3A_47 = tpu.memref_slice %arg7[%add3A_22, %dma_start3A] : memref<10240x128xf32, #tpu.memory_space<vmem_shared>> -> memref<128x128xf32, #tpu.memory_space<vmem_shared>>
      %dma_start3A_48 = arith.constant 0 : i32
      %dma_start3A_49 = tpu.memref_slice %arg7[%add3A_22, %dma_start3A_48] : memref<10240x128xf32, #tpu.memory_space<vmem_shared>> -> memref<128x128xf32, #tpu.memory_space<vmem_shared>>
      tpu.enqueue_dma source(%arg6 : memref<128x128xf32, #tpu.memory_space<vmem>>) target(%dma_start3A_49 : memref<128x128xf32, #tpu.memory_space<vmem_shared>>) target_semaphore(%run_scoped3A : memref<!tpu.dma_semaphore, #tpu.memory_space<semaphore_mem>>)
      %dma_wait3A = arith.constant 0 : i32
      %dma_wait3A_50 = tpu.memref_slice %arg7[%add3A_22, %dma_wait3A] : memref<10240x128xf32, #tpu.memory_space<vmem_shared>> -> memref<128x128xf32, #tpu.memory_space<vmem_shared>>
      %dma_wait3A_51 = arith.constant 0 : i32
      %dma_wait3A_52 = tpu.memref_slice %arg7[%add3A_22, %dma_wait3A_51] : memref<10240x128xf32, #tpu.memory_space<vmem_shared>> -> memref<128x128xf32, #tpu.memory_space<vmem_shared>>
      tpu.wait_dma2 semaphore(%run_scoped3A : memref<!tpu.dma_semaphore, #tpu.memory_space<semaphore_mem>>) src(%arg6 : memref<128x128xf32, #tpu.memory_space<vmem>>) dst(%dma_wait3A_52 : memref<128x128xf32, #tpu.memory_space<vmem_shared>>)
      tpu.yield
    }) : () -> ()
    %mul3A_23 = arith.constant 640 : i32
    %mul3A_24 = arith.muli %arg1, %mul3A_23 : i32
    %add3A_25 = arith.constant 512 : i32
    %add3A_26 = arith.addi %mul3A_24, %add3A_25 : i32
    "tpu.region"() ({
      %run_scoped3A = tpu.sem_alloc : memref<!tpu.dma_semaphore, #tpu.memory_space<semaphore_mem>>
      %dma_start3A = arith.constant 0 : i32
      %dma_start3A_47 = tpu.memref_slice %arg7[%add3A_26, %dma_start3A] : memref<10240x128xf32, #tpu.memory_space<vmem_shared>> -> memref<128x128xf32, #tpu.memory_space<vmem_shared>>
      %dma_start3A_48 = arith.constant 0 : i32
      %dma_start3A_49 = tpu.memref_slice %arg7[%add3A_26, %dma_start3A_48] : memref<10240x128xf32, #tpu.memory_space<vmem_shared>> -> memref<128x128xf32, #tpu.memory_space<vmem_shared>>
      tpu.enqueue_dma source(%arg6 : memref<128x128xf32, #tpu.memory_space<vmem>>) target(%dma_start3A_49 : memref<128x128xf32, #tpu.memory_space<vmem_shared>>) target_semaphore(%run_scoped3A : memref<!tpu.dma_semaphore, #tpu.memory_space<semaphore_mem>>)
      %dma_wait3A = arith.constant 0 : i32
      %dma_wait3A_50 = tpu.memref_slice %arg7[%add3A_26, %dma_wait3A] : memref<10240x128xf32, #tpu.memory_space<vmem_shared>> -> memref<128x128xf32, #tpu.memory_space<vmem_shared>>
      %dma_wait3A_51 = arith.constant 0 : i32
      %dma_wait3A_52 = tpu.memref_slice %arg7[%add3A_26, %dma_wait3A_51] : memref<10240x128xf32, #tpu.memory_space<vmem_shared>> -> memref<128x128xf32, #tpu.memory_space<vmem_shared>>
      tpu.wait_dma2 semaphore(%run_scoped3A : memref<!tpu.dma_semaphore, #tpu.memory_space<semaphore_mem>>) src(%arg6 : memref<128x128xf32, #tpu.memory_space<vmem>>) dst(%dma_wait3A_52 : memref<128x128xf32, #tpu.memory_space<vmem_shared>>)
      tpu.yield
    }) : () -> ()
    "tpu.region"() ({
      %run_scoped3A = tpu.sem_alloc : memref<!tpu.dma_semaphore, #tpu.memory_space<semaphore_mem>>
      %dma_start3A = arith.constant 0 : i32
      %dma_start3A_47 = arith.constant 0 : i32
      %dma_start3A_48 = tpu.memref_slice %arg2[%add3A, %dma_start3A, %dma_start3A_47] : memref<32x80x128xi32, #tpu.memory_space<hbm>> -> memref<1x80x128xi32, #tpu.memory_space<hbm>>
      %dma_start3A_49 = tpu.memref_squeeze %dma_start3A_48 : memref<1x80x128xi32, #tpu.memory_space<hbm>> -> memref<80x128xi32, #tpu.memory_space<hbm>>
      %dma_start3A_50 = arith.constant 0 : i32
      %dma_start3A_51 = arith.constant 0 : i32
      %dma_start3A_52 = tpu.memref_slice %arg2[%add3A, %dma_start3A_50, %dma_start3A_51] : memref<32x80x128xi32, #tpu.memory_space<hbm>> -> memref<1x80x128xi32, #tpu.memory_space<hbm>>
      %dma_start3A_53 = tpu.memref_squeeze %dma_start3A_52 : memref<1x80x128xi32, #tpu.memory_space<hbm>> -> memref<80x128xi32, #tpu.memory_space<hbm>>
      tpu.enqueue_dma source(%dma_start3A_53 : memref<80x128xi32, #tpu.memory_space<hbm>>) target(%arg5 : memref<80x128xi32, #tpu.memory_space<vmem>>) target_semaphore(%run_scoped3A : memref<!tpu.dma_semaphore, #tpu.memory_space<semaphore_mem>>)
      %dma_wait3A = arith.constant 0 : i32
      %dma_wait3A_54 = arith.constant 0 : i32
      %dma_wait3A_55 = tpu.memref_slice %arg2[%add3A, %dma_wait3A, %dma_wait3A_54] : memref<32x80x128xi32, #tpu.memory_space<hbm>> -> memref<1x80x128xi32, #tpu.memory_space<hbm>>
      %dma_wait3A_56 = tpu.memref_squeeze %dma_wait3A_55 : memref<1x80x128xi32, #tpu.memory_space<hbm>> -> memref<80x128xi32, #tpu.memory_space<hbm>>
      %dma_wait3A_57 = arith.constant 0 : i32
      %dma_wait3A_58 = arith.constant 0 : i32
      %dma_wait3A_59 = tpu.memref_slice %arg2[%add3A, %dma_wait3A_57, %dma_wait3A_58] : memref<32x80x128xi32, #tpu.memory_space<hbm>> -> memref<1x80x128xi32, #tpu.memory_space<hbm>>
      %dma_wait3A_60 = tpu.memref_squeeze %dma_wait3A_59 : memref<1x80x128xi32, #tpu.memory_space<hbm>> -> memref<80x128xi32, #tpu.memory_space<hbm>>
      tpu.wait_dma2 semaphore(%run_scoped3A : memref<!tpu.dma_semaphore, #tpu.memory_space<semaphore_mem>>) src(%dma_wait3A_60 : memref<80x128xi32, #tpu.memory_space<hbm>>) dst(%arg5 : memref<80x128xi32, #tpu.memory_space<vmem>>)
      tpu.yield
    }) : () -> ()
    "tpu.region"() ({
      %run_scoped3A = tpu.sem_alloc : memref<!tpu.dma_semaphore, #tpu.memory_space<semaphore_mem>>
      tpu.enqueue_dma source(%arg3 : memref<128x128xf32, #tpu.memory_space<hbm>>) target(%arg6 : memref<128x128xf32, #tpu.memory_space<vmem>>) target_semaphore(%run_scoped3A : memref<!tpu.dma_semaphore, #tpu.memory_space<semaphore_mem>>)
      tpu.wait_dma2 semaphore(%run_scoped3A : memref<!tpu.dma_semaphore, #tpu.memory_space<semaphore_mem>>) src(%arg3 : memref<128x128xf32, #tpu.memory_space<hbm>>) dst(%arg6 : memref<128x128xf32, #tpu.memory_space<vmem>>)
      tpu.yield
    }) : () -> ()
    %barrier3A = arith.constant 0 : index
    tpu.barrier barrier_id(%barrier3A)
    %scan3A_27 = arith.constant 0 : i32
    %scan3A_28 = arith.constant 0 : i32
    %scan3A_29 = arith.constant 80 : i32
    %scan3A_30 = arith.addi %scan3A_28, %scan3A_29 : i32
    %scan3A_31 = arith.constant 1 : i32
    scf.for %scan3A_47 = %scan3A_28 to %scan3A_30 step %scan3A_31  : i32 {
      %dma_start3A = arith.constant 0 : i32
      %dma_start3A_48 = tpu.memref_slice %arg5[%scan3A_47, %dma_start3A] : memref<80x128xi32, #tpu.memory_space<vmem>> -> memref<1x128xi32, #tpu.memory_space<vmem>>
      %dma_start3A_49 = tpu.memref_squeeze %dma_start3A_48 : memref<1x128xi32, #tpu.memory_space<vmem>> -> memref<128xi32, #tpu.memory_space<vmem>>
      %dma_start3A_50 = arith.constant 0 : i32
      %dma_start3A_51 = arith.constant 0 : i32
      %dma_start3A_52 = tpu.memref_slice %arg7[%dma_start3A_50, %dma_start3A_51] : memref<10240x128xf32, #tpu.memory_space<vmem_shared>> -> memref<10240x128xf32, #tpu.memory_space<vmem_shared>>
      tpu.enqueue_indirect_dma source(%arg6 : memref<128x128xf32, #tpu.memory_space<vmem>>) target(%dma_start3A_52 : memref<10240x128xf32, #tpu.memory_space<vmem_shared>>) offsets(%dma_start3A_49 : memref<128xi32, #tpu.memory_space<vmem>>) semaphore(%arg8 : memref<!tpu.dma_semaphore, #tpu.memory_space<semaphore_mem>>) {add = true}
    }
    %scan3A_32 = arith.constant 80 : i32
    %scan3A_33 = arith.constant 0 : i32
    %scan3A_34 = arith.constant 0 : i32
    %scan3A_35 = arith.constant 80 : i32
    %scan3A_36 = arith.addi %scan3A_34, %scan3A_35 : i32
    %scan3A_37 = arith.constant 1 : i32
    scf.for %scan3A_47 = %scan3A_34 to %scan3A_36 step %scan3A_37  : i32 {
      %dma_wait3A = arith.constant 0 : i32
      %dma_wait3A_48 = arith.constant 0 : i32
      %dma_wait3A_49 = tpu.memref_slice %arg5[%dma_wait3A, %dma_wait3A_48] : memref<80x128xi32, #tpu.memory_space<vmem>> -> memref<1x128xi32, #tpu.memory_space<vmem>>
      %dma_wait3A_50 = tpu.memref_squeeze %dma_wait3A_49 : memref<1x128xi32, #tpu.memory_space<vmem>> -> memref<128xi32, #tpu.memory_space<vmem>>
      %dma_wait3A_51 = arith.constant 0 : i32
      %dma_wait3A_52 = arith.constant 0 : i32
      %dma_wait3A_53 = tpu.memref_slice %arg7[%dma_wait3A_51, %dma_wait3A_52] : memref<10240x128xf32, #tpu.memory_space<vmem_shared>> -> memref<10240x128xf32, #tpu.memory_space<vmem_shared>>
      tpu.wait_indirect_dma semaphore(%arg8 : memref<!tpu.dma_semaphore, #tpu.memory_space<semaphore_mem>>) src(%arg6 : memref<128x128xf32, #tpu.memory_space<vmem>>) dst(%dma_wait3A_53 : memref<10240x128xf32, #tpu.memory_space<vmem_shared>>)
    }
    %scan3A_38 = arith.constant 80 : i32
    %barrier3A_39 = arith.constant 0 : index
    tpu.barrier barrier_id(%barrier3A_39)
    %mul3A_40 = arith.constant 640 : i32
    %mul3A_41 = arith.muli %arg1, %mul3A_40 : i32
    %mul3A_42 = arith.constant 10240 : i32
    %mul3A_43 = arith.muli %arg0, %mul3A_42 : i32
    %mul3A_44 = arith.constant 640 : i32
    %mul3A_45 = arith.muli %arg1, %mul3A_44 : i32
    %add3A_46 = arith.addi %mul3A_43, %mul3A_45 : i32
    "tpu.region"() ({
      %run_scoped3A = tpu.sem_alloc : memref<!tpu.dma_semaphore, #tpu.memory_space<semaphore_mem>>
      %dma_start3A = arith.constant 0 : i32
      %dma_start3A_47 = tpu.memref_slice %arg4[%add3A_46, %dma_start3A] : memref<20480x128xf32, #tpu.memory_space<hbm>> -> memref<640x128xf32, #tpu.memory_space<hbm>>
      %dma_start3A_48 = arith.constant 0 : i32
      %dma_start3A_49 = tpu.memref_slice %arg7[%mul3A_41, %dma_start3A_48] : memref<10240x128xf32, #tpu.memory_space<vmem_shared>> -> memref<640x128xf32, #tpu.memory_space<vmem_shared>>
      tpu.enqueue_dma source(%dma_start3A_49 : memref<640x128xf32, #tpu.memory_space<vmem_shared>>) target(%dma_start3A_47 : memref<640x128xf32, #tpu.memory_space<hbm>>) target_semaphore(%run_scoped3A : memref<!tpu.dma_semaphore, #tpu.memory_space<semaphore_mem>>)
      %dma_wait3A = arith.constant 0 : i32
      %dma_wait3A_50 = tpu.memref_slice %arg4[%add3A_46, %dma_wait3A] : memref<20480x128xf32, #tpu.memory_space<hbm>> -> memref<640x128xf32, #tpu.memory_space<hbm>>
      %dma_wait3A_51 = arith.constant 0 : i32
      %dma_wait3A_52 = tpu.memref_slice %arg7[%mul3A_41, %dma_wait3A_51] : memref<10240x128xf32, #tpu.memory_space<vmem_shared>> -> memref<640x128xf32, #tpu.memory_space<vmem_shared>>
      tpu.wait_dma2 semaphore(%run_scoped3A : memref<!tpu.dma_semaphore, #tpu.memory_space<semaphore_mem>>) src(%dma_wait3A_52 : memref<640x128xf32, #tpu.memory_space<vmem_shared>>) dst(%dma_wait3A_50 : memref<640x128xf32, #tpu.memory_space<hbm>>)
      tpu.yield
    }) : () -> ()
    return
  }
}

#map = affine_map<(d0, d1) -> (0, 0)>
#map1 = affine_map<(d0, d1) -> (0, 0, 0, 0)>
module attributes {stable_mosaic.version = 14 : i64} {
  func.func @_sc_scatter(%arg0: i32, %arg1: i32, %arg2: memref<10240x128xf32, #tpu.memory_space<hbm>>, %arg3: memref<32x2x60x128xi32, #tpu.memory_space<hbm>>, %arg4: memref<32x2x60x128xi32, #tpu.memory_space<hbm>>, %arg5: memref<20480x128xf32, #tpu.memory_space<hbm>>, %arg6: memref<60x128xi32, #tpu.memory_space<vmem>>, %arg7: memref<60x128xi32, #tpu.memory_space<vmem>>, %arg8: memref<128x128xf32, #tpu.memory_space<vmem>>, %arg9: memref<128x128xf32, #tpu.memory_space<vmem>>, %arg10: memref<10240x128xf32, #tpu.memory_space<vmem_shared>>, %arg11: memref<!tpu.dma_semaphore, #tpu.memory_space<semaphore_mem>>, %arg12: memref<!tpu.dma_semaphore, #tpu.memory_space<semaphore_mem>>) attributes {dimension_semantics = [#tpu.dimension_semantics<core_parallel>, #tpu.dimension_semantics<subcore_parallel>], iteration_bounds = array<i64: 2, 16>, scalar_prefetch = 0 : i64, scratch_operands = 7 : i64, tpu.core_type = #tpu.core_type<sc_vector_subcore>, window_params = [{transform_indices = #map}, {transform_indices = #map1}, {transform_indices = #map1}, {transform_indices = #map}]} {
    %mul3A = arith.constant 2 : i32
    %mul3A_0 = arith.muli %arg1, %mul3A : i32
    %add3A = arith.addi %mul3A_0, %arg0 : i32
    %broadcast_in_dim3A = arith.constant 0.000000e+00 : f32
    %broadcast_in_dim3A_1 = vector.broadcast %broadcast_in_dim3A : f32 to vector<16xf32>
    %scan3A = arith.constant 0 : i32
    %scan3A_2 = arith.constant 0 : i32
    %scan3A_3 = arith.constant 128 : i32
    %scan3A_4 = arith.addi %scan3A_2, %scan3A_3 : i32
    %scan3A_5 = arith.constant 1 : i32
    scf.for %scan3A_55 = %scan3A_2 to %scan3A_4 step %scan3A_5  : i32 {
      %swap3A = arith.index_cast %scan3A_55 : i32 to index
      %swap3A_56 = arith.constant 0 : index
      %swap3A_57 = tpu.vector_load %arg8[%swap3A, %swap3A_56] {strides = array<i32>} : memref<128x128xf32, #tpu.memory_space<vmem>>, vector<1x16xf32>,
      %swap3A_58 = vector.shape_cast %swap3A_57 : vector<1x16xf32> to vector<16xf32>
      %swap3A_59 = vector.shape_cast %broadcast_in_dim3A_1 : vector<16xf32> to vector<1x16xf32>
      tpu.vector_store %arg8[%swap3A, %swap3A_56], %swap3A_59 {strides = array<i32>} : memref<128x128xf32, #tpu.memory_space<vmem>>, vector<1x16xf32>,
      %swap3A_60 = arith.index_cast %scan3A_55 : i32 to index
      %swap3A_61 = arith.constant 16 : index
      %swap3A_62 = tpu.vector_load %arg8[%swap3A_60, %swap3A_61] {strides = array<i32>} : memref<128x128xf32, #tpu.memory_space<vmem>>, vector<1x16xf32>,
      %swap3A_63 = vector.shape_cast %swap3A_62 : vector<1x16xf32> to vector<16xf32>
      %swap3A_64 = vector.shape_cast %broadcast_in_dim3A_1 : vector<16xf32> to vector<1x16xf32>
      tpu.vector_store %arg8[%swap3A_60, %swap3A_61], %swap3A_64 {strides = array<i32>} : memref<128x128xf32, #tpu.memory_space<vmem>>, vector<1x16xf32>,
      %swap3A_65 = arith.index_cast %scan3A_55 : i32 to index
      %swap3A_66 = arith.constant 32 : index
      %swap3A_67 = tpu.vector_load %arg8[%swap3A_65, %swap3A_66] {strides = array<i32>} : memref<128x128xf32, #tpu.memory_space<vmem>>, vector<1x16xf32>,
      %swap3A_68 = vector.shape_cast %swap3A_67 : vector<1x16xf32> to vector<16xf32>
      %swap3A_69 = vector.shape_cast %broadcast_in_dim3A_1 : vector<16xf32> to vector<1x16xf32>
      tpu.vector_store %arg8[%swap3A_65, %swap3A_66], %swap3A_69 {strides = array<i32>} : memref<128x128xf32, #tpu.memory_space<vmem>>, vector<1x16xf32>,
      %swap3A_70 = arith.index_cast %scan3A_55 : i32 to index
      %swap3A_71 = arith.constant 48 : index
      %swap3A_72 = tpu.vector_load %arg8[%swap3A_70, %swap3A_71] {strides = array<i32>} : memref<128x128xf32, #tpu.memory_space<vmem>>, vector<1x16xf32>,
      %swap3A_73 = vector.shape_cast %swap3A_72 : vector<1x16xf32> to vector<16xf32>
      %swap3A_74 = vector.shape_cast %broadcast_in_dim3A_1 : vector<16xf32> to vector<1x16xf32>
      tpu.vector_store %arg8[%swap3A_70, %swap3A_71], %swap3A_74 {strides = array<i32>} : memref<128x128xf32, #tpu.memory_space<vmem>>, vector<1x16xf32>,
      %swap3A_75 = arith.index_cast %scan3A_55 : i32 to index
      %swap3A_76 = arith.constant 64 : index
      %swap3A_77 = tpu.vector_load %arg8[%swap3A_75, %swap3A_76] {strides = array<i32>} : memref<128x128xf32, #tpu.memory_space<vmem>>, vector<1x16xf32>,
      %swap3A_78 = vector.shape_cast %swap3A_77 : vector<1x16xf32> to vector<16xf32>
      %swap3A_79 = vector.shape_cast %broadcast_in_dim3A_1 : vector<16xf32> to vector<1x16xf32>
      tpu.vector_store %arg8[%swap3A_75, %swap3A_76], %swap3A_79 {strides = array<i32>} : memref<128x128xf32, #tpu.memory_space<vmem>>, vector<1x16xf32>,
      %swap3A_80 = arith.index_cast %scan3A_55 : i32 to index
      %swap3A_81 = arith.constant 80 : index
      %swap3A_82 = tpu.vector_load %arg8[%swap3A_80, %swap3A_81] {strides = array<i32>} : memref<128x128xf32, #tpu.memory_space<vmem>>, vector<1x16xf32>,
      %swap3A_83 = vector.shape_cast %swap3A_82 : vector<1x16xf32> to vector<16xf32>
      %swap3A_84 = vector.shape_cast %broadcast_in_dim3A_1 : vector<16xf32> to vector<1x16xf32>
      tpu.vector_store %arg8[%swap3A_80, %swap3A_81], %swap3A_84 {strides = array<i32>} : memref<128x128xf32, #tpu.memory_space<vmem>>, vector<1x16xf32>,
      %swap3A_85 = arith.index_cast %scan3A_55 : i32 to index
      %swap3A_86 = arith.constant 96 : index
      %swap3A_87 = tpu.vector_load %arg8[%swap3A_85, %swap3A_86] {strides = array<i32>} : memref<128x128xf32, #tpu.memory_space<vmem>>, vector<1x16xf32>,
      %swap3A_88 = vector.shape_cast %swap3A_87 : vector<1x16xf32> to vector<16xf32>
      %swap3A_89 = vector.shape_cast %broadcast_in_dim3A_1 : vector<16xf32> to vector<1x16xf32>
      tpu.vector_store %arg8[%swap3A_85, %swap3A_86], %swap3A_89 {strides = array<i32>} : memref<128x128xf32, #tpu.memory_space<vmem>>, vector<1x16xf32>,
      %swap3A_90 = arith.index_cast %scan3A_55 : i32 to index
      %swap3A_91 = arith.constant 112 : index
      %swap3A_92 = tpu.vector_load %arg8[%swap3A_90, %swap3A_91] {strides = array<i32>} : memref<128x128xf32, #tpu.memory_space<vmem>>, vector<1x16xf32>,
      %swap3A_93 = vector.shape_cast %swap3A_92 : vector<1x16xf32> to vector<16xf32>
      %swap3A_94 = vector.shape_cast %broadcast_in_dim3A_1 : vector<16xf32> to vector<1x16xf32>
      tpu.vector_store %arg8[%swap3A_90, %swap3A_91], %swap3A_94 {strides = array<i32>} : memref<128x128xf32, #tpu.memory_space<vmem>>, vector<1x16xf32>,
    }
    %scan3A_6 = arith.constant 128 : i32
    %mul3A_7 = arith.constant 640 : i32
    %mul3A_8 = arith.muli %arg1, %mul3A_7 : i32
    %add3A_9 = arith.constant 0 : i32
    %add3A_10 = arith.addi %mul3A_8, %add3A_9 : i32
    "tpu.region"() ({
      %run_scoped3A_55 = tpu.sem_alloc : memref<!tpu.dma_semaphore, #tpu.memory_space<semaphore_mem>>
      %dma_start3A = arith.constant 0 : i32
      %dma_start3A_56 = tpu.memref_slice %arg10[%add3A_10, %dma_start3A] : memref<10240x128xf32, #tpu.memory_space<vmem_shared>> -> memref<128x128xf32, #tpu.memory_space<vmem_shared>>
      %dma_start3A_57 = arith.constant 0 : i32
      %dma_start3A_58 = tpu.memref_slice %arg10[%add3A_10, %dma_start3A_57] : memref<10240x128xf32, #tpu.memory_space<vmem_shared>> -> memref<128x128xf32, #tpu.memory_space<vmem_shared>>
      tpu.enqueue_dma source(%arg8 : memref<128x128xf32, #tpu.memory_space<vmem>>) target(%dma_start3A_58 : memref<128x128xf32, #tpu.memory_space<vmem_shared>>) target_semaphore(%run_scoped3A_55 : memref<!tpu.dma_semaphore, #tpu.memory_space<semaphore_mem>>)
      %dma_wait3A = arith.constant 0 : i32
      %dma_wait3A_59 = tpu.memref_slice %arg10[%add3A_10, %dma_wait3A] : memref<10240x128xf32, #tpu.memory_space<vmem_shared>> -> memref<128x128xf32, #tpu.memory_space<vmem_shared>>
      %dma_wait3A_60 = arith.constant 0 : i32
      %dma_wait3A_61 = tpu.memref_slice %arg10[%add3A_10, %dma_wait3A_60] : memref<10240x128xf32, #tpu.memory_space<vmem_shared>> -> memref<128x128xf32, #tpu.memory_space<vmem_shared>>
      tpu.wait_dma2 semaphore(%run_scoped3A_55 : memref<!tpu.dma_semaphore, #tpu.memory_space<semaphore_mem>>) src(%arg8 : memref<128x128xf32, #tpu.memory_space<vmem>>) dst(%dma_wait3A_61 : memref<128x128xf32, #tpu.memory_space<vmem_shared>>)
      tpu.yield
    }) : () -> ()
    %mul3A_11 = arith.constant 640 : i32
    %mul3A_12 = arith.muli %arg1, %mul3A_11 : i32
    %add3A_13 = arith.constant 128 : i32
    %add3A_14 = arith.addi %mul3A_12, %add3A_13 : i32
    "tpu.region"() ({
      %run_scoped3A_55 = tpu.sem_alloc : memref<!tpu.dma_semaphore, #tpu.memory_space<semaphore_mem>>
      %dma_start3A = arith.constant 0 : i32
      %dma_start3A_56 = tpu.memref_slice %arg10[%add3A_14, %dma_start3A] : memref<10240x128xf32, #tpu.memory_space<vmem_shared>> -> memref<128x128xf32, #tpu.memory_space<vmem_shared>>
      %dma_start3A_57 = arith.constant 0 : i32
      %dma_start3A_58 = tpu.memref_slice %arg10[%add3A_14, %dma_start3A_57] : memref<10240x128xf32, #tpu.memory_space<vmem_shared>> -> memref<128x128xf32, #tpu.memory_space<vmem_shared>>
      tpu.enqueue_dma source(%arg8 : memref<128x128xf32, #tpu.memory_space<vmem>>) target(%dma_start3A_58 : memref<128x128xf32, #tpu.memory_space<vmem_shared>>) target_semaphore(%run_scoped3A_55 : memref<!tpu.dma_semaphore, #tpu.memory_space<semaphore_mem>>)
      %dma_wait3A = arith.constant 0 : i32
      %dma_wait3A_59 = tpu.memref_slice %arg10[%add3A_14, %dma_wait3A] : memref<10240x128xf32, #tpu.memory_space<vmem_shared>> -> memref<128x128xf32, #tpu.memory_space<vmem_shared>>
      %dma_wait3A_60 = arith.constant 0 : i32
      %dma_wait3A_61 = tpu.memref_slice %arg10[%add3A_14, %dma_wait3A_60] : memref<10240x128xf32, #tpu.memory_space<vmem_shared>> -> memref<128x128xf32, #tpu.memory_space<vmem_shared>>
      tpu.wait_dma2 semaphore(%run_scoped3A_55 : memref<!tpu.dma_semaphore, #tpu.memory_space<semaphore_mem>>) src(%arg8 : memref<128x128xf32, #tpu.memory_space<vmem>>) dst(%dma_wait3A_61 : memref<128x128xf32, #tpu.memory_space<vmem_shared>>)
      tpu.yield
    }) : () -> ()
    %mul3A_15 = arith.constant 640 : i32
    %mul3A_16 = arith.muli %arg1, %mul3A_15 : i32
    %add3A_17 = arith.constant 256 : i32
    %add3A_18 = arith.addi %mul3A_16, %add3A_17 : i32
    "tpu.region"() ({
      %run_scoped3A_55 = tpu.sem_alloc : memref<!tpu.dma_semaphore, #tpu.memory_space<semaphore_mem>>
      %dma_start3A = arith.constant 0 : i32
      %dma_start3A_56 = tpu.memref_slice %arg10[%add3A_18, %dma_start3A] : memref<10240x128xf32, #tpu.memory_space<vmem_shared>> -> memref<128x128xf32, #tpu.memory_space<vmem_shared>>
      %dma_start3A_57 = arith.constant 0 : i32
      %dma_start3A_58 = tpu.memref_slice %arg10[%add3A_18, %dma_start3A_57] : memref<10240x128xf32, #tpu.memory_space<vmem_shared>> -> memref<128x128xf32, #tpu.memory_space<vmem_shared>>
      tpu.enqueue_dma source(%arg8 : memref<128x128xf32, #tpu.memory_space<vmem>>) target(%dma_start3A_58 : memref<128x128xf32, #tpu.memory_space<vmem_shared>>) target_semaphore(%run_scoped3A_55 : memref<!tpu.dma_semaphore, #tpu.memory_space<semaphore_mem>>)
      %dma_wait3A = arith.constant 0 : i32
      %dma_wait3A_59 = tpu.memref_slice %arg10[%add3A_18, %dma_wait3A] : memref<10240x128xf32, #tpu.memory_space<vmem_shared>> -> memref<128x128xf32, #tpu.memory_space<vmem_shared>>
      %dma_wait3A_60 = arith.constant 0 : i32
      %dma_wait3A_61 = tpu.memref_slice %arg10[%add3A_18, %dma_wait3A_60] : memref<10240x128xf32, #tpu.memory_space<vmem_shared>> -> memref<128x128xf32, #tpu.memory_space<vmem_shared>>
      tpu.wait_dma2 semaphore(%run_scoped3A_55 : memref<!tpu.dma_semaphore, #tpu.memory_space<semaphore_mem>>) src(%arg8 : memref<128x128xf32, #tpu.memory_space<vmem>>) dst(%dma_wait3A_61 : memref<128x128xf32, #tpu.memory_space<vmem_shared>>)
      tpu.yield
    }) : () -> ()
    %mul3A_19 = arith.constant 640 : i32
    %mul3A_20 = arith.muli %arg1, %mul3A_19 : i32
    %add3A_21 = arith.constant 384 : i32
    %add3A_22 = arith.addi %mul3A_20, %add3A_21 : i32
    "tpu.region"() ({
      %run_scoped3A_55 = tpu.sem_alloc : memref<!tpu.dma_semaphore, #tpu.memory_space<semaphore_mem>>
      %dma_start3A = arith.constant 0 : i32
      %dma_start3A_56 = tpu.memref_slice %arg10[%add3A_22, %dma_start3A] : memref<10240x128xf32, #tpu.memory_space<vmem_shared>> -> memref<128x128xf32, #tpu.memory_space<vmem_shared>>
      %dma_start3A_57 = arith.constant 0 : i32
      %dma_start3A_58 = tpu.memref_slice %arg10[%add3A_22, %dma_start3A_57] : memref<10240x128xf32, #tpu.memory_space<vmem_shared>> -> memref<128x128xf32, #tpu.memory_space<vmem_shared>>
      tpu.enqueue_dma source(%arg8 : memref<128x128xf32, #tpu.memory_space<vmem>>) target(%dma_start3A_58 : memref<128x128xf32, #tpu.memory_space<vmem_shared>>) target_semaphore(%run_scoped3A_55 : memref<!tpu.dma_semaphore, #tpu.memory_space<semaphore_mem>>)
      %dma_wait3A = arith.constant 0 : i32
      %dma_wait3A_59 = tpu.memref_slice %arg10[%add3A_22, %dma_wait3A] : memref<10240x128xf32, #tpu.memory_space<vmem_shared>> -> memref<128x128xf32, #tpu.memory_space<vmem_shared>>
      %dma_wait3A_60 = arith.constant 0 : i32
      %dma_wait3A_61 = tpu.memref_slice %arg10[%add3A_22, %dma_wait3A_60] : memref<10240x128xf32, #tpu.memory_space<vmem_shared>> -> memref<128x128xf32, #tpu.memory_space<vmem_shared>>
      tpu.wait_dma2 semaphore(%run_scoped3A_55 : memref<!tpu.dma_semaphore, #tpu.memory_space<semaphore_mem>>) src(%arg8 : memref<128x128xf32, #tpu.memory_space<vmem>>) dst(%dma_wait3A_61 : memref<128x128xf32, #tpu.memory_space<vmem_shared>>)
      tpu.yield
    }) : () -> ()
    %mul3A_23 = arith.constant 640 : i32
    %mul3A_24 = arith.muli %arg1, %mul3A_23 : i32
    %add3A_25 = arith.constant 512 : i32
    %add3A_26 = arith.addi %mul3A_24, %add3A_25 : i32
    "tpu.region"() ({
      %run_scoped3A_55 = tpu.sem_alloc : memref<!tpu.dma_semaphore, #tpu.memory_space<semaphore_mem>>
      %dma_start3A = arith.constant 0 : i32
      %dma_start3A_56 = tpu.memref_slice %arg10[%add3A_26, %dma_start3A] : memref<10240x128xf32, #tpu.memory_space<vmem_shared>> -> memref<128x128xf32, #tpu.memory_space<vmem_shared>>
      %dma_start3A_57 = arith.constant 0 : i32
      %dma_start3A_58 = tpu.memref_slice %arg10[%add3A_26, %dma_start3A_57] : memref<10240x128xf32, #tpu.memory_space<vmem_shared>> -> memref<128x128xf32, #tpu.memory_space<vmem_shared>>
      tpu.enqueue_dma source(%arg8 : memref<128x128xf32, #tpu.memory_space<vmem>>) target(%dma_start3A_58 : memref<128x128xf32, #tpu.memory_space<vmem_shared>>) target_semaphore(%run_scoped3A_55 : memref<!tpu.dma_semaphore, #tpu.memory_space<semaphore_mem>>)
      %dma_wait3A = arith.constant 0 : i32
      %dma_wait3A_59 = tpu.memref_slice %arg10[%add3A_26, %dma_wait3A] : memref<10240x128xf32, #tpu.memory_space<vmem_shared>> -> memref<128x128xf32, #tpu.memory_space<vmem_shared>>
      %dma_wait3A_60 = arith.constant 0 : i32
      %dma_wait3A_61 = tpu.memref_slice %arg10[%add3A_26, %dma_wait3A_60] : memref<10240x128xf32, #tpu.memory_space<vmem_shared>> -> memref<128x128xf32, #tpu.memory_space<vmem_shared>>
      tpu.wait_dma2 semaphore(%run_scoped3A_55 : memref<!tpu.dma_semaphore, #tpu.memory_space<semaphore_mem>>) src(%arg8 : memref<128x128xf32, #tpu.memory_space<vmem>>) dst(%dma_wait3A_61 : memref<128x128xf32, #tpu.memory_space<vmem_shared>>)
      tpu.yield
    }) : () -> ()
    %barrier3A = arith.constant 0 : index
    tpu.barrier barrier_id(%barrier3A)
    %run_scoped3A = arith.constant 0 : i32
    "tpu.region"() ({
      %run_scoped3A_55 = tpu.sem_alloc : memref<!tpu.dma_semaphore, #tpu.memory_space<semaphore_mem>>
      %dma_start3A = arith.constant 0 : i32
      %dma_start3A_56 = arith.constant 0 : i32
      %dma_start3A_57 = tpu.memref_slice %arg3[%add3A, %run_scoped3A, %dma_start3A, %dma_start3A_56] : memref<32x2x60x128xi32, #tpu.memory_space<hbm>> -> memref<1x1x60x128xi32, #tpu.memory_space<hbm>>
      %dma_start3A_58 = tpu.memref_squeeze %dma_start3A_57 : memref<1x1x60x128xi32, #tpu.memory_space<hbm>> -> memref<60x128xi32, #tpu.memory_space<hbm>>
      %dma_start3A_59 = arith.constant 0 : i32
      %dma_start3A_60 = arith.constant 0 : i32
      %dma_start3A_61 = tpu.memref_slice %arg3[%add3A, %run_scoped3A, %dma_start3A_59, %dma_start3A_60] : memref<32x2x60x128xi32, #tpu.memory_space<hbm>> -> memref<1x1x60x128xi32, #tpu.memory_space<hbm>>
      %dma_start3A_62 = tpu.memref_squeeze %dma_start3A_61 : memref<1x1x60x128xi32, #tpu.memory_space<hbm>> -> memref<60x128xi32, #tpu.memory_space<hbm>>
      tpu.enqueue_dma source(%dma_start3A_62 : memref<60x128xi32, #tpu.memory_space<hbm>>) target(%arg6 : memref<60x128xi32, #tpu.memory_space<vmem>>) target_semaphore(%run_scoped3A_55 : memref<!tpu.dma_semaphore, #tpu.memory_space<semaphore_mem>>)
      %dma_wait3A = arith.constant 0 : i32
      %dma_wait3A_63 = arith.constant 0 : i32
      %dma_wait3A_64 = tpu.memref_slice %arg3[%add3A, %run_scoped3A, %dma_wait3A, %dma_wait3A_63] : memref<32x2x60x128xi32, #tpu.memory_space<hbm>> -> memref<1x1x60x128xi32, #tpu.memory_space<hbm>>
      %dma_wait3A_65 = tpu.memref_squeeze %dma_wait3A_64 : memref<1x1x60x128xi32, #tpu.memory_space<hbm>> -> memref<60x128xi32, #tpu.memory_space<hbm>>
      %dma_wait3A_66 = arith.constant 0 : i32
      %dma_wait3A_67 = arith.constant 0 : i32
      %dma_wait3A_68 = tpu.memref_slice %arg3[%add3A, %run_scoped3A, %dma_wait3A_66, %dma_wait3A_67] : memref<32x2x60x128xi32, #tpu.memory_space<hbm>> -> memref<1x1x60x128xi32, #tpu.memory_space<hbm>>
      %dma_wait3A_69 = tpu.memref_squeeze %dma_wait3A_68 : memref<1x1x60x128xi32, #tpu.memory_space<hbm>> -> memref<60x128xi32, #tpu.memory_space<hbm>>
      tpu.wait_dma2 semaphore(%run_scoped3A_55 : memref<!tpu.dma_semaphore, #tpu.memory_space<semaphore_mem>>) src(%dma_wait3A_69 : memref<60x128xi32, #tpu.memory_space<hbm>>) dst(%arg6 : memref<60x128xi32, #tpu.memory_space<vmem>>)
      tpu.yield
    }) : () -> ()
    %run_scoped3A_27 = arith.constant 0 : i32
    "tpu.region"() ({
      %run_scoped3A_55 = tpu.sem_alloc : memref<!tpu.dma_semaphore, #tpu.memory_space<semaphore_mem>>
      %dma_start3A = arith.constant 0 : i32
      %dma_start3A_56 = arith.constant 0 : i32
      %dma_start3A_57 = tpu.memref_slice %arg4[%add3A, %run_scoped3A_27, %dma_start3A, %dma_start3A_56] : memref<32x2x60x128xi32, #tpu.memory_space<hbm>> -> memref<1x1x60x128xi32, #tpu.memory_space<hbm>>
      %dma_start3A_58 = tpu.memref_squeeze %dma_start3A_57 : memref<1x1x60x128xi32, #tpu.memory_space<hbm>> -> memref<60x128xi32, #tpu.memory_space<hbm>>
      %dma_start3A_59 = arith.constant 0 : i32
      %dma_start3A_60 = arith.constant 0 : i32
      %dma_start3A_61 = tpu.memref_slice %arg4[%add3A, %run_scoped3A_27, %dma_start3A_59, %dma_start3A_60] : memref<32x2x60x128xi32, #tpu.memory_space<hbm>> -> memref<1x1x60x128xi32, #tpu.memory_space<hbm>>
      %dma_start3A_62 = tpu.memref_squeeze %dma_start3A_61 : memref<1x1x60x128xi32, #tpu.memory_space<hbm>> -> memref<60x128xi32, #tpu.memory_space<hbm>>
      tpu.enqueue_dma source(%dma_start3A_62 : memref<60x128xi32, #tpu.memory_space<hbm>>) target(%arg7 : memref<60x128xi32, #tpu.memory_space<vmem>>) target_semaphore(%run_scoped3A_55 : memref<!tpu.dma_semaphore, #tpu.memory_space<semaphore_mem>>)
      %dma_wait3A = arith.constant 0 : i32
      %dma_wait3A_63 = arith.constant 0 : i32
      %dma_wait3A_64 = tpu.memref_slice %arg4[%add3A, %run_scoped3A_27, %dma_wait3A, %dma_wait3A_63] : memref<32x2x60x128xi32, #tpu.memory_space<hbm>> -> memref<1x1x60x128xi32, #tpu.memory_space<hbm>>
      %dma_wait3A_65 = tpu.memref_squeeze %dma_wait3A_64 : memref<1x1x60x128xi32, #tpu.memory_space<hbm>> -> memref<60x128xi32, #tpu.memory_space<hbm>>
      %dma_wait3A_66 = arith.constant 0 : i32
      %dma_wait3A_67 = arith.constant 0 : i32
      %dma_wait3A_68 = tpu.memref_slice %arg4[%add3A, %run_scoped3A_27, %dma_wait3A_66, %dma_wait3A_67] : memref<32x2x60x128xi32, #tpu.memory_space<hbm>> -> memref<1x1x60x128xi32, #tpu.memory_space<hbm>>
      %dma_wait3A_69 = tpu.memref_squeeze %dma_wait3A_68 : memref<1x1x60x128xi32, #tpu.memory_space<hbm>> -> memref<60x128xi32, #tpu.memory_space<hbm>>
      tpu.wait_dma2 semaphore(%run_scoped3A_55 : memref<!tpu.dma_semaphore, #tpu.memory_space<semaphore_mem>>) src(%dma_wait3A_69 : memref<60x128xi32, #tpu.memory_space<hbm>>) dst(%arg7 : memref<60x128xi32, #tpu.memory_space<vmem>>)
      tpu.yield
    }) : () -> ()
    %eq3A = arith.constant 0 : i32
    %eq3A_28 = arith.cmpi eq, %arg0, %eq3A : i32
    %convert_element_type3A = arith.extui %eq3A_28 : i1 to i32
    %cond3A = arith.constant 0 : i32
    %cond3A_29 = arith.cmpi ne, %convert_element_type3A, %cond3A : i32
    scf.if %cond3A_29 {
      %dma_start3A = arith.constant 0 : i32
      %dma_start3A_55 = arith.constant 0 : i32
      %dma_start3A_56 = tpu.memref_slice %arg6[%dma_start3A, %dma_start3A_55] : memref<60x128xi32, #tpu.memory_space<vmem>> -> memref<1x128xi32, #tpu.memory_space<vmem>>
      %dma_start3A_57 = tpu.memref_squeeze %dma_start3A_56 : memref<1x128xi32, #tpu.memory_space<vmem>> -> memref<128xi32, #tpu.memory_space<vmem>>
      %dma_start3A_58 = arith.constant 0 : i32
      %dma_start3A_59 = arith.constant 0 : i32
      %dma_start3A_60 = tpu.memref_slice %arg2[%dma_start3A_58, %dma_start3A_59] : memref<10240x128xf32, #tpu.memory_space<hbm>> -> memref<10240x128xf32, #tpu.memory_space<hbm>>
      tpu.enqueue_indirect_dma source(%dma_start3A_60 : memref<10240x128xf32, #tpu.memory_space<hbm>>) target(%arg8 : memref<128x128xf32, #tpu.memory_space<vmem>>) offsets(%dma_start3A_57 : memref<128xi32, #tpu.memory_space<vmem>>) semaphore(%arg11 : memref<!tpu.dma_semaphore, #tpu.memory_space<semaphore_mem>>)
      %scan3A_61 = arith.constant 0 : i32
      %scan3A_62 = arith.constant 0 : i32
      %scan3A_63 = arith.constant 30 : i32
      %scan3A_64 = arith.addi %scan3A_62, %scan3A_63 : i32
      %scan3A_65 = arith.constant 1 : i32
      scf.for %scan3A_67 = %scan3A_62 to %scan3A_64 step %scan3A_65  : i32 {
        %mul3A_68 = arith.constant 2 : i32
        %mul3A_69 = arith.muli %scan3A_67, %mul3A_68 : i32
        %add3A_70 = arith.constant 0 : i32
        %add3A_71 = arith.addi %mul3A_69, %add3A_70 : i32
        %dma_wait3A = arith.constant 0 : i32
        %dma_wait3A_72 = tpu.memref_slice %arg6[%add3A_71, %dma_wait3A] : memref<60x128xi32, #tpu.memory_space<vmem>> -> memref<1x128xi32, #tpu.memory_space<vmem>>
        %dma_wait3A_73 = tpu.memref_squeeze %dma_wait3A_72 : memref<1x128xi32, #tpu.memory_space<vmem>> -> memref<128xi32, #tpu.memory_space<vmem>>
        %dma_wait3A_74 = arith.constant 0 : i32
        %dma_wait3A_75 = arith.constant 0 : i32
        %dma_wait3A_76 = tpu.memref_slice %arg2[%dma_wait3A_74, %dma_wait3A_75] : memref<10240x128xf32, #tpu.memory_space<hbm>> -> memref<10240x128xf32, #tpu.memory_space<hbm>>
        tpu.wait_indirect_dma semaphore(%arg11 : memref<!tpu.dma_semaphore, #tpu.memory_space<semaphore_mem>>) src(%dma_wait3A_76 : memref<10240x128xf32, #tpu.memory_space<hbm>>) dst(%arg8 : memref<128x128xf32, #tpu.memory_space<vmem>>)
        %add3A_77 = arith.constant 1 : i32
        %add3A_78 = arith.addi %add3A_71, %add3A_77 : i32
        %lt3A = arith.constant 60 : i32
        %lt3A_79 = arith.cmpi slt, %add3A_78, %lt3A : i32
        %convert_element_type3A_80 = arith.extui %lt3A_79 : i1 to i32
        %cond3A_81 = arith.constant 0 : i32
        %cond3A_82 = arith.cmpi ne, %convert_element_type3A_80, %cond3A_81 : i32
        scf.if %cond3A_82 {
          %add3A_100 = arith.constant 1 : i32
          %add3A_101 = arith.addi %add3A_71, %add3A_100 : i32
          %dma_start3A_102 = arith.constant 0 : i32
          %dma_start3A_103 = tpu.memref_slice %arg6[%add3A_101, %dma_start3A_102] : memref<60x128xi32, #tpu.memory_space<vmem>> -> memref<1x128xi32, #tpu.memory_space<vmem>>
          %dma_start3A_104 = tpu.memref_squeeze %dma_start3A_103 : memref<1x128xi32, #tpu.memory_space<vmem>> -> memref<128xi32, #tpu.memory_space<vmem>>
          %dma_start3A_105 = arith.constant 0 : i32
          %dma_start3A_106 = arith.constant 0 : i32
          %dma_start3A_107 = tpu.memref_slice %arg2[%dma_start3A_105, %dma_start3A_106] : memref<10240x128xf32, #tpu.memory_space<hbm>> -> memref<10240x128xf32, #tpu.memory_space<hbm>>
          tpu.enqueue_indirect_dma source(%dma_start3A_107 : memref<10240x128xf32, #tpu.memory_space<hbm>>) target(%arg9 : memref<128x128xf32, #tpu.memory_space<vmem>>) offsets(%dma_start3A_104 : memref<128xi32, #tpu.memory_space<vmem>>) semaphore(%arg12 : memref<!tpu.dma_semaphore, #tpu.memory_space<semaphore_mem>>)
        } else {
        }
        "tpu.region"() ({
          %run_scoped3A_100 = tpu.sem_alloc : memref<!tpu.dma_semaphore, #tpu.memory_space<semaphore_mem>>
          %dma_start3A_101 = arith.constant 0 : i32
          %dma_start3A_102 = tpu.memref_slice %arg7[%add3A_71, %dma_start3A_101] : memref<60x128xi32, #tpu.memory_space<vmem>> -> memref<1x128xi32, #tpu.memory_space<vmem>>
          %dma_start3A_103 = tpu.memref_squeeze %dma_start3A_102 : memref<1x128xi32, #tpu.memory_space<vmem>> -> memref<128xi32, #tpu.memory_space<vmem>>
          %dma_start3A_104 = arith.constant 0 : i32
          %dma_start3A_105 = arith.constant 0 : i32
          %dma_start3A_106 = tpu.memref_slice %arg10[%dma_start3A_104, %dma_start3A_105] : memref<10240x128xf32, #tpu.memory_space<vmem_shared>> -> memref<10240x128xf32, #tpu.memory_space<vmem_shared>>
          tpu.enqueue_indirect_dma source(%arg8 : memref<128x128xf32, #tpu.memory_space<vmem>>) target(%dma_start3A_106 : memref<10240x128xf32, #tpu.memory_space<vmem_shared>>) offsets(%dma_start3A_103 : memref<128xi32, #tpu.memory_space<vmem>>) semaphore(%run_scoped3A_100 : memref<!tpu.dma_semaphore, #tpu.memory_space<semaphore_mem>>) {add = true}
          %dma_wait3A_107 = arith.constant 0 : i32
          %dma_wait3A_108 = tpu.memref_slice %arg7[%add3A_71, %dma_wait3A_107] : memref<60x128xi32, #tpu.memory_space<vmem>> -> memref<1x128xi32, #tpu.memory_space<vmem>>
          %dma_wait3A_109 = tpu.memref_squeeze %dma_wait3A_108 : memref<1x128xi32, #tpu.memory_space<vmem>> -> memref<128xi32, #tpu.memory_space<vmem>>
          %dma_wait3A_110 = arith.constant 0 : i32
          %dma_wait3A_111 = arith.constant 0 : i32
          %dma_wait3A_112 = tpu.memref_slice %arg10[%dma_wait3A_110, %dma_wait3A_111] : memref<10240x128xf32, #tpu.memory_space<vmem_shared>> -> memref<10240x128xf32, #tpu.memory_space<vmem_shared>>
          tpu.wait_indirect_dma semaphore(%run_scoped3A_100 : memref<!tpu.dma_semaphore, #tpu.memory_space<semaphore_mem>>) src(%arg8 : memref<128x128xf32, #tpu.memory_space<vmem>>) dst(%dma_wait3A_112 : memref<10240x128xf32, #tpu.memory_space<vmem_shared>>)
          tpu.yield
        }) : () -> ()
        %mul3A_83 = arith.constant 2 : i32
        %mul3A_84 = arith.muli %scan3A_67, %mul3A_83 : i32
        %add3A_85 = arith.constant 1 : i32
        %add3A_86 = arith.addi %mul3A_84, %add3A_85 : i32
        %dma_wait3A_87 = arith.constant 0 : i32
        %dma_wait3A_88 = tpu.memref_slice %arg6[%add3A_86, %dma_wait3A_87] : memref<60x128xi32, #tpu.memory_space<vmem>> -> memref<1x128xi32, #tpu.memory_space<vmem>>
        %dma_wait3A_89 = tpu.memref_squeeze %dma_wait3A_88 : memref<1x128xi32, #tpu.memory_space<vmem>> -> memref<128xi32, #tpu.memory_space<vmem>>
        %dma_wait3A_90 = arith.constant 0 : i32
        %dma_wait3A_91 = arith.constant 0 : i32
        %dma_wait3A_92 = tpu.memref_slice %arg2[%dma_wait3A_90, %dma_wait3A_91] : memref<10240x128xf32, #tpu.memory_space<hbm>> -> memref<10240x128xf32, #tpu.memory_space<hbm>>
        tpu.wait_indirect_dma semaphore(%arg12 : memref<!tpu.dma_semaphore, #tpu.memory_space<semaphore_mem>>) src(%dma_wait3A_92 : memref<10240x128xf32, #tpu.memory_space<hbm>>) dst(%arg9 : memref<128x128xf32, #tpu.memory_space<vmem>>)
        %add3A_93 = arith.constant 1 : i32
        %add3A_94 = arith.addi %add3A_86, %add3A_93 : i32
        %lt3A_95 = arith.constant 60 : i32
        %lt3A_96 = arith.cmpi slt, %add3A_94, %lt3A_95 : i32
        %convert_element_type3A_97 = arith.extui %lt3A_96 : i1 to i32
        %cond3A_98 = arith.constant 0 : i32
        %cond3A_99 = arith.cmpi ne, %convert_element_type3A_97, %cond3A_98 : i32
        scf.if %cond3A_99 {
          %add3A_100 = arith.constant 1 : i32
          %add3A_101 = arith.addi %add3A_86, %add3A_100 : i32
          %dma_start3A_102 = arith.constant 0 : i32
          %dma_start3A_103 = tpu.memref_slice %arg6[%add3A_101, %dma_start3A_102] : memref<60x128xi32, #tpu.memory_space<vmem>> -> memref<1x128xi32, #tpu.memory_space<vmem>>
          %dma_start3A_104 = tpu.memref_squeeze %dma_start3A_103 : memref<1x128xi32, #tpu.memory_space<vmem>> -> memref<128xi32, #tpu.memory_space<vmem>>
          %dma_start3A_105 = arith.constant 0 : i32
          %dma_start3A_106 = arith.constant 0 : i32
          %dma_start3A_107 = tpu.memref_slice %arg2[%dma_start3A_105, %dma_start3A_106] : memref<10240x128xf32, #tpu.memory_space<hbm>> -> memref<10240x128xf32, #tpu.memory_space<hbm>>
          tpu.enqueue_indirect_dma source(%dma_start3A_107 : memref<10240x128xf32, #tpu.memory_space<hbm>>) target(%arg8 : memref<128x128xf32, #tpu.memory_space<vmem>>) offsets(%dma_start3A_104 : memref<128xi32, #tpu.memory_space<vmem>>) semaphore(%arg11 : memref<!tpu.dma_semaphore, #tpu.memory_space<semaphore_mem>>)
        } else {
        }
        "tpu.region"() ({
          %run_scoped3A_100 = tpu.sem_alloc : memref<!tpu.dma_semaphore, #tpu.memory_space<semaphore_mem>>
          %dma_start3A_101 = arith.constant 0 : i32
          %dma_start3A_102 = tpu.memref_slice %arg7[%add3A_86, %dma_start3A_101] : memref<60x128xi32, #tpu.memory_space<vmem>> -> memref<1x128xi32, #tpu.memory_space<vmem>>
          %dma_start3A_103 = tpu.memref_squeeze %dma_start3A_102 : memref<1x128xi32, #tpu.memory_space<vmem>> -> memref<128xi32, #tpu.memory_space<vmem>>
          %dma_start3A_104 = arith.constant 0 : i32
          %dma_start3A_105 = arith.constant 0 : i32
          %dma_start3A_106 = tpu.memref_slice %arg10[%dma_start3A_104, %dma_start3A_105] : memref<10240x128xf32, #tpu.memory_space<vmem_shared>> -> memref<10240x128xf32, #tpu.memory_space<vmem_shared>>
          tpu.enqueue_indirect_dma source(%arg9 : memref<128x128xf32, #tpu.memory_space<vmem>>) target(%dma_start3A_106 : memref<10240x128xf32, #tpu.memory_space<vmem_shared>>) offsets(%dma_start3A_103 : memref<128xi32, #tpu.memory_space<vmem>>) semaphore(%run_scoped3A_100 : memref<!tpu.dma_semaphore, #tpu.memory_space<semaphore_mem>>) {add = true}
          %dma_wait3A_107 = arith.constant 0 : i32
          %dma_wait3A_108 = tpu.memref_slice %arg7[%add3A_86, %dma_wait3A_107] : memref<60x128xi32, #tpu.memory_space<vmem>> -> memref<1x128xi32, #tpu.memory_space<vmem>>
          %dma_wait3A_109 = tpu.memref_squeeze %dma_wait3A_108 : memref<1x128xi32, #tpu.memory_space<vmem>> -> memref<128xi32, #tpu.memory_space<vmem>>
          %dma_wait3A_110 = arith.constant 0 : i32
          %dma_wait3A_111 = arith.constant 0 : i32
          %dma_wait3A_112 = tpu.memref_slice %arg10[%dma_wait3A_110, %dma_wait3A_111] : memref<10240x128xf32, #tpu.memory_space<vmem_shared>> -> memref<10240x128xf32, #tpu.memory_space<vmem_shared>>
          tpu.wait_indirect_dma semaphore(%run_scoped3A_100 : memref<!tpu.dma_semaphore, #tpu.memory_space<semaphore_mem>>) src(%arg9 : memref<128x128xf32, #tpu.memory_space<vmem>>) dst(%dma_wait3A_112 : memref<10240x128xf32, #tpu.memory_space<vmem_shared>>)
          tpu.yield
        }) : () -> ()
      }
      %scan3A_66 = arith.constant 30 : i32
    } else {
    }
    %eq3A_30 = arith.constant 1 : i32
    %eq3A_31 = arith.cmpi eq, %arg0, %eq3A_30 : i32
    %convert_element_type3A_32 = arith.extui %eq3A_31 : i1 to i32
    %cond3A_33 = arith.constant 0 : i32
    %cond3A_34 = arith.cmpi ne, %convert_element_type3A_32, %cond3A_33 : i32
    scf.if %cond3A_34 {
      %scan3A_55 = arith.constant 0 : i32
      %scan3A_56 = arith.constant 0 : i32
      %scan3A_57 = arith.constant 20 : i32
      %scan3A_58 = arith.addi %scan3A_56, %scan3A_57 : i32
      %scan3A_59 = arith.constant 1 : i32
      scf.for %scan3A_61 = %scan3A_56 to %scan3A_58 step %scan3A_59  : i32 {
        %dma_start3A = arith.constant 0 : i32
        %dma_start3A_62 = tpu.memref_slice %arg6[%scan3A_61, %dma_start3A] : memref<60x128xi32, #tpu.memory_space<vmem>> -> memref<1x128xi32, #tpu.memory_space<vmem>>
        %dma_start3A_63 = tpu.memref_squeeze %dma_start3A_62 : memref<1x128xi32, #tpu.memory_space<vmem>> -> memref<128xi32, #tpu.memory_space<vmem>>
        %dma_start3A_64 = arith.constant 0 : i32
        %dma_start3A_65 = arith.constant 0 : i32
        %dma_start3A_66 = tpu.memref_slice %arg2[%dma_start3A_64, %dma_start3A_65] : memref<10240x128xf32, #tpu.memory_space<hbm>> -> memref<10240x128xf32, #tpu.memory_space<hbm>>
        tpu.enqueue_indirect_dma source(%dma_start3A_66 : memref<10240x128xf32, #tpu.memory_space<hbm>>) target(%arg8 : memref<128x128xf32, #tpu.memory_space<vmem>>) offsets(%dma_start3A_63 : memref<128xi32, #tpu.memory_space<vmem>>) semaphore(%arg11 : memref<!tpu.dma_semaphore, #tpu.memory_space<semaphore_mem>>)
        %dma_wait3A = arith.constant 0 : i32
        %dma_wait3A_67 = tpu.memref_slice %arg6[%scan3A_61, %dma_wait3A] : memref<60x128xi32, #tpu.memory_space<vmem>> -> memref<1x128xi32, #tpu.memory_space<vmem>>
        %dma_wait3A_68 = tpu.memref_squeeze %dma_wait3A_67 : memref<1x128xi32, #tpu.memory_space<vmem>> -> memref<128xi32, #tpu.memory_space<vmem>>
        %dma_wait3A_69 = arith.constant 0 : i32
        %dma_wait3A_70 = arith.constant 0 : i32
        %dma_wait3A_71 = tpu.memref_slice %arg2[%dma_wait3A_69, %dma_wait3A_70] : memref<10240x128xf32, #tpu.memory_space<hbm>> -> memref<10240x128xf32, #tpu.memory_space<hbm>>
        tpu.wait_indirect_dma semaphore(%arg11 : memref<!tpu.dma_semaphore, #tpu.memory_space<semaphore_mem>>) src(%dma_wait3A_71 : memref<10240x128xf32, #tpu.memory_space<hbm>>) dst(%arg8 : memref<128x128xf32, #tpu.memory_space<vmem>>)
        "tpu.region"() ({
          %run_scoped3A_72 = tpu.sem_alloc : memref<!tpu.dma_semaphore, #tpu.memory_space<semaphore_mem>>
          %dma_start3A_73 = arith.constant 0 : i32
          %dma_start3A_74 = tpu.memref_slice %arg7[%scan3A_61, %dma_start3A_73] : memref<60x128xi32, #tpu.memory_space<vmem>> -> memref<1x128xi32, #tpu.memory_space<vmem>>
          %dma_start3A_75 = tpu.memref_squeeze %dma_start3A_74 : memref<1x128xi32, #tpu.memory_space<vmem>> -> memref<128xi32, #tpu.memory_space<vmem>>
          %dma_start3A_76 = arith.constant 0 : i32
          %dma_start3A_77 = arith.constant 0 : i32
          %dma_start3A_78 = tpu.memref_slice %arg10[%dma_start3A_76, %dma_start3A_77] : memref<10240x128xf32, #tpu.memory_space<vmem_shared>> -> memref<10240x128xf32, #tpu.memory_space<vmem_shared>>
          tpu.enqueue_indirect_dma source(%arg8 : memref<128x128xf32, #tpu.memory_space<vmem>>) target(%dma_start3A_78 : memref<10240x128xf32, #tpu.memory_space<vmem_shared>>) offsets(%dma_start3A_75 : memref<128xi32, #tpu.memory_space<vmem>>) semaphore(%run_scoped3A_72 : memref<!tpu.dma_semaphore, #tpu.memory_space<semaphore_mem>>) {add = true}
          %dma_wait3A_79 = arith.constant 0 : i32
          %dma_wait3A_80 = tpu.memref_slice %arg7[%scan3A_61, %dma_wait3A_79] : memref<60x128xi32, #tpu.memory_space<vmem>> -> memref<1x128xi32, #tpu.memory_space<vmem>>
          %dma_wait3A_81 = tpu.memref_squeeze %dma_wait3A_80 : memref<1x128xi32, #tpu.memory_space<vmem>> -> memref<128xi32, #tpu.memory_space<vmem>>
          %dma_wait3A_82 = arith.constant 0 : i32
          %dma_wait3A_83 = arith.constant 0 : i32
          %dma_wait3A_84 = tpu.memref_slice %arg10[%dma_wait3A_82, %dma_wait3A_83] : memref<10240x128xf32, #tpu.memory_space<vmem_shared>> -> memref<10240x128xf32, #tpu.memory_space<vmem_shared>>
          tpu.wait_indirect_dma semaphore(%run_scoped3A_72 : memref<!tpu.dma_semaphore, #tpu.memory_space<semaphore_mem>>) src(%arg8 : memref<128x128xf32, #tpu.memory_space<vmem>>) dst(%dma_wait3A_84 : memref<10240x128xf32, #tpu.memory_space<vmem_shared>>)
          tpu.yield
        }) : () -> ()
      }
      %scan3A_60 = arith.constant 20 : i32
    } else {
    }
    %run_scoped3A_35 = arith.constant 1 : i32
    "tpu.region"() ({
      %run_scoped3A_55 = tpu.sem_alloc : memref<!tpu.dma_semaphore, #tpu.memory_space<semaphore_mem>>
      %dma_start3A = arith.constant 0 : i32
      %dma_start3A_56 = arith.constant 0 : i32
      %dma_start3A_57 = tpu.memref_slice %arg3[%add3A, %run_scoped3A_35, %dma_start3A, %dma_start3A_56] : memref<32x2x60x128xi32, #tpu.memory_space<hbm>> -> memref<1x1x60x128xi32, #tpu.memory_space<hbm>>
      %dma_start3A_58 = tpu.memref_squeeze %dma_start3A_57 : memref<1x1x60x128xi32, #tpu.memory_space<hbm>> -> memref<60x128xi32, #tpu.memory_space<hbm>>
      %dma_start3A_59 = arith.constant 0 : i32
      %dma_start3A_60 = arith.constant 0 : i32
      %dma_start3A_61 = tpu.memref_slice %arg3[%add3A, %run_scoped3A_35, %dma_start3A_59, %dma_start3A_60] : memref<32x2x60x128xi32, #tpu.memory_space<hbm>> -> memref<1x1x60x128xi32, #tpu.memory_space<hbm>>
      %dma_start3A_62 = tpu.memref_squeeze %dma_start3A_61 : memref<1x1x60x128xi32, #tpu.memory_space<hbm>> -> memref<60x128xi32, #tpu.memory_space<hbm>>
      tpu.enqueue_dma source(%dma_start3A_62 : memref<60x128xi32, #tpu.memory_space<hbm>>) target(%arg6 : memref<60x128xi32, #tpu.memory_space<vmem>>) target_semaphore(%run_scoped3A_55 : memref<!tpu.dma_semaphore, #tpu.memory_space<semaphore_mem>>)
      %dma_wait3A = arith.constant 0 : i32
      %dma_wait3A_63 = arith.constant 0 : i32
      %dma_wait3A_64 = tpu.memref_slice %arg3[%add3A, %run_scoped3A_35, %dma_wait3A, %dma_wait3A_63] : memref<32x2x60x128xi32, #tpu.memory_space<hbm>> -> memref<1x1x60x128xi32, #tpu.memory_space<hbm>>
      %dma_wait3A_65 = tpu.memref_squeeze %dma_wait3A_64 : memref<1x1x60x128xi32, #tpu.memory_space<hbm>> -> memref<60x128xi32, #tpu.memory_space<hbm>>
      %dma_wait3A_66 = arith.constant 0 : i32
      %dma_wait3A_67 = arith.constant 0 : i32
      %dma_wait3A_68 = tpu.memref_slice %arg3[%add3A, %run_scoped3A_35, %dma_wait3A_66, %dma_wait3A_67] : memref<32x2x60x128xi32, #tpu.memory_space<hbm>> -> memref<1x1x60x128xi32, #tpu.memory_space<hbm>>
      %dma_wait3A_69 = tpu.memref_squeeze %dma_wait3A_68 : memref<1x1x60x128xi32, #tpu.memory_space<hbm>> -> memref<60x128xi32, #tpu.memory_space<hbm>>
      tpu.wait_dma2 semaphore(%run_scoped3A_55 : memref<!tpu.dma_semaphore, #tpu.memory_space<semaphore_mem>>) src(%dma_wait3A_69 : memref<60x128xi32, #tpu.memory_space<hbm>>) dst(%arg6 : memref<60x128xi32, #tpu.memory_space<vmem>>)
      tpu.yield
    }) : () -> ()
    %run_scoped3A_36 = arith.constant 1 : i32
    "tpu.region"() ({
      %run_scoped3A_55 = tpu.sem_alloc : memref<!tpu.dma_semaphore, #tpu.memory_space<semaphore_mem>>
      %dma_start3A = arith.constant 0 : i32
      %dma_start3A_56 = arith.constant 0 : i32
      %dma_start3A_57 = tpu.memref_slice %arg4[%add3A, %run_scoped3A_36, %dma_start3A, %dma_start3A_56] : memref<32x2x60x128xi32, #tpu.memory_space<hbm>> -> memref<1x1x60x128xi32, #tpu.memory_space<hbm>>
      %dma_start3A_58 = tpu.memref_squeeze %dma_start3A_57 : memref<1x1x60x128xi32, #tpu.memory_space<hbm>> -> memref<60x128xi32, #tpu.memory_space<hbm>>
      %dma_start3A_59 = arith.constant 0 : i32
      %dma_start3A_60 = arith.constant 0 : i32
      %dma_start3A_61 = tpu.memref_slice %arg4[%add3A, %run_scoped3A_36, %dma_start3A_59, %dma_start3A_60] : memref<32x2x60x128xi32, #tpu.memory_space<hbm>> -> memref<1x1x60x128xi32, #tpu.memory_space<hbm>>
      %dma_start3A_62 = tpu.memref_squeeze %dma_start3A_61 : memref<1x1x60x128xi32, #tpu.memory_space<hbm>> -> memref<60x128xi32, #tpu.memory_space<hbm>>
      tpu.enqueue_dma source(%dma_start3A_62 : memref<60x128xi32, #tpu.memory_space<hbm>>) target(%arg7 : memref<60x128xi32, #tpu.memory_space<vmem>>) target_semaphore(%run_scoped3A_55 : memref<!tpu.dma_semaphore, #tpu.memory_space<semaphore_mem>>)
      %dma_wait3A = arith.constant 0 : i32
      %dma_wait3A_63 = arith.constant 0 : i32
      %dma_wait3A_64 = tpu.memref_slice %arg4[%add3A, %run_scoped3A_36, %dma_wait3A, %dma_wait3A_63] : memref<32x2x60x128xi32, #tpu.memory_space<hbm>> -> memref<1x1x60x128xi32, #tpu.memory_space<hbm>>
      %dma_wait3A_65 = tpu.memref_squeeze %dma_wait3A_64 : memref<1x1x60x128xi32, #tpu.memory_space<hbm>> -> memref<60x128xi32, #tpu.memory_space<hbm>>
      %dma_wait3A_66 = arith.constant 0 : i32
      %dma_wait3A_67 = arith.constant 0 : i32
      %dma_wait3A_68 = tpu.memref_slice %arg4[%add3A, %run_scoped3A_36, %dma_wait3A_66, %dma_wait3A_67] : memref<32x2x60x128xi32, #tpu.memory_space<hbm>> -> memref<1x1x60x128xi32, #tpu.memory_space<hbm>>
      %dma_wait3A_69 = tpu.memref_squeeze %dma_wait3A_68 : memref<1x1x60x128xi32, #tpu.memory_space<hbm>> -> memref<60x128xi32, #tpu.memory_space<hbm>>
      tpu.wait_dma2 semaphore(%run_scoped3A_55 : memref<!tpu.dma_semaphore, #tpu.memory_space<semaphore_mem>>) src(%dma_wait3A_69 : memref<60x128xi32, #tpu.memory_space<hbm>>) dst(%arg7 : memref<60x128xi32, #tpu.memory_space<vmem>>)
      tpu.yield
    }) : () -> ()
    %eq3A_37 = arith.constant 0 : i32
    %eq3A_38 = arith.cmpi eq, %arg0, %eq3A_37 : i32
    %convert_element_type3A_39 = arith.extui %eq3A_38 : i1 to i32
    %cond3A_40 = arith.constant 0 : i32
    %cond3A_41 = arith.cmpi ne, %convert_element_type3A_39, %cond3A_40 : i32
    scf.if %cond3A_41 {
      %dma_start3A = arith.constant 0 : i32
      %dma_start3A_55 = arith.constant 0 : i32
      %dma_start3A_56 = tpu.memref_slice %arg6[%dma_start3A, %dma_start3A_55] : memref<60x128xi32, #tpu.memory_space<vmem>> -> memref<1x128xi32, #tpu.memory_space<vmem>>
      %dma_start3A_57 = tpu.memref_squeeze %dma_start3A_56 : memref<1x128xi32, #tpu.memory_space<vmem>> -> memref<128xi32, #tpu.memory_space<vmem>>
      %dma_start3A_58 = arith.constant 0 : i32
      %dma_start3A_59 = arith.constant 0 : i32
      %dma_start3A_60 = tpu.memref_slice %arg2[%dma_start3A_58, %dma_start3A_59] : memref<10240x128xf32, #tpu.memory_space<hbm>> -> memref<10240x128xf32, #tpu.memory_space<hbm>>
      tpu.enqueue_indirect_dma source(%dma_start3A_60 : memref<10240x128xf32, #tpu.memory_space<hbm>>) target(%arg8 : memref<128x128xf32, #tpu.memory_space<vmem>>) offsets(%dma_start3A_57 : memref<128xi32, #tpu.memory_space<vmem>>) semaphore(%arg11 : memref<!tpu.dma_semaphore, #tpu.memory_space<semaphore_mem>>)
      %scan3A_61 = arith.constant 0 : i32
      %scan3A_62 = arith.constant 0 : i32
      %scan3A_63 = arith.constant 30 : i32
      %scan3A_64 = arith.addi %scan3A_62, %scan3A_63 : i32
      %scan3A_65 = arith.constant 1 : i32
      scf.for %scan3A_67 = %scan3A_62 to %scan3A_64 step %scan3A_65  : i32 {
        %mul3A_68 = arith.constant 2 : i32
        %mul3A_69 = arith.muli %scan3A_67, %mul3A_68 : i32
        %add3A_70 = arith.constant 0 : i32
        %add3A_71 = arith.addi %mul3A_69, %add3A_70 : i32
        %dma_wait3A = arith.constant 0 : i32
        %dma_wait3A_72 = tpu.memref_slice %arg6[%add3A_71, %dma_wait3A] : memref<60x128xi32, #tpu.memory_space<vmem>> -> memref<1x128xi32, #tpu.memory_space<vmem>>
        %dma_wait3A_73 = tpu.memref_squeeze %dma_wait3A_72 : memref<1x128xi32, #tpu.memory_space<vmem>> -> memref<128xi32, #tpu.memory_space<vmem>>
        %dma_wait3A_74 = arith.constant 0 : i32
        %dma_wait3A_75 = arith.constant 0 : i32
        %dma_wait3A_76 = tpu.memref_slice %arg2[%dma_wait3A_74, %dma_wait3A_75] : memref<10240x128xf32, #tpu.memory_space<hbm>> -> memref<10240x128xf32, #tpu.memory_space<hbm>>
        tpu.wait_indirect_dma semaphore(%arg11 : memref<!tpu.dma_semaphore, #tpu.memory_space<semaphore_mem>>) src(%dma_wait3A_76 : memref<10240x128xf32, #tpu.memory_space<hbm>>) dst(%arg8 : memref<128x128xf32, #tpu.memory_space<vmem>>)
        %add3A_77 = arith.constant 1 : i32
        %add3A_78 = arith.addi %add3A_71, %add3A_77 : i32
        %lt3A = arith.constant 60 : i32
        %lt3A_79 = arith.cmpi slt, %add3A_78, %lt3A : i32
        %convert_element_type3A_80 = arith.extui %lt3A_79 : i1 to i32
        %cond3A_81 = arith.constant 0 : i32
        %cond3A_82 = arith.cmpi ne, %convert_element_type3A_80, %cond3A_81 : i32
        scf.if %cond3A_82 {
          %add3A_100 = arith.constant 1 : i32
          %add3A_101 = arith.addi %add3A_71, %add3A_100 : i32
          %dma_start3A_102 = arith.constant 0 : i32
          %dma_start3A_103 = tpu.memref_slice %arg6[%add3A_101, %dma_start3A_102] : memref<60x128xi32, #tpu.memory_space<vmem>> -> memref<1x128xi32, #tpu.memory_space<vmem>>
          %dma_start3A_104 = tpu.memref_squeeze %dma_start3A_103 : memref<1x128xi32, #tpu.memory_space<vmem>> -> memref<128xi32, #tpu.memory_space<vmem>>
          %dma_start3A_105 = arith.constant 0 : i32
          %dma_start3A_106 = arith.constant 0 : i32
          %dma_start3A_107 = tpu.memref_slice %arg2[%dma_start3A_105, %dma_start3A_106] : memref<10240x128xf32, #tpu.memory_space<hbm>> -> memref<10240x128xf32, #tpu.memory_space<hbm>>
          tpu.enqueue_indirect_dma source(%dma_start3A_107 : memref<10240x128xf32, #tpu.memory_space<hbm>>) target(%arg9 : memref<128x128xf32, #tpu.memory_space<vmem>>) offsets(%dma_start3A_104 : memref<128xi32, #tpu.memory_space<vmem>>) semaphore(%arg12 : memref<!tpu.dma_semaphore, #tpu.memory_space<semaphore_mem>>)
        } else {
        }
        "tpu.region"() ({
          %run_scoped3A_100 = tpu.sem_alloc : memref<!tpu.dma_semaphore, #tpu.memory_space<semaphore_mem>>
          %dma_start3A_101 = arith.constant 0 : i32
          %dma_start3A_102 = tpu.memref_slice %arg7[%add3A_71, %dma_start3A_101] : memref<60x128xi32, #tpu.memory_space<vmem>> -> memref<1x128xi32, #tpu.memory_space<vmem>>
          %dma_start3A_103 = tpu.memref_squeeze %dma_start3A_102 : memref<1x128xi32, #tpu.memory_space<vmem>> -> memref<128xi32, #tpu.memory_space<vmem>>
          %dma_start3A_104 = arith.constant 0 : i32
          %dma_start3A_105 = arith.constant 0 : i32
          %dma_start3A_106 = tpu.memref_slice %arg10[%dma_start3A_104, %dma_start3A_105] : memref<10240x128xf32, #tpu.memory_space<vmem_shared>> -> memref<10240x128xf32, #tpu.memory_space<vmem_shared>>
          tpu.enqueue_indirect_dma source(%arg8 : memref<128x128xf32, #tpu.memory_space<vmem>>) target(%dma_start3A_106 : memref<10240x128xf32, #tpu.memory_space<vmem_shared>>) offsets(%dma_start3A_103 : memref<128xi32, #tpu.memory_space<vmem>>) semaphore(%run_scoped3A_100 : memref<!tpu.dma_semaphore, #tpu.memory_space<semaphore_mem>>) {add = true}
          %dma_wait3A_107 = arith.constant 0 : i32
          %dma_wait3A_108 = tpu.memref_slice %arg7[%add3A_71, %dma_wait3A_107] : memref<60x128xi32, #tpu.memory_space<vmem>> -> memref<1x128xi32, #tpu.memory_space<vmem>>
          %dma_wait3A_109 = tpu.memref_squeeze %dma_wait3A_108 : memref<1x128xi32, #tpu.memory_space<vmem>> -> memref<128xi32, #tpu.memory_space<vmem>>
          %dma_wait3A_110 = arith.constant 0 : i32
          %dma_wait3A_111 = arith.constant 0 : i32
          %dma_wait3A_112 = tpu.memref_slice %arg10[%dma_wait3A_110, %dma_wait3A_111] : memref<10240x128xf32, #tpu.memory_space<vmem_shared>> -> memref<10240x128xf32, #tpu.memory_space<vmem_shared>>
          tpu.wait_indirect_dma semaphore(%run_scoped3A_100 : memref<!tpu.dma_semaphore, #tpu.memory_space<semaphore_mem>>) src(%arg8 : memref<128x128xf32, #tpu.memory_space<vmem>>) dst(%dma_wait3A_112 : memref<10240x128xf32, #tpu.memory_space<vmem_shared>>)
          tpu.yield
        }) : () -> ()
        %mul3A_83 = arith.constant 2 : i32
        %mul3A_84 = arith.muli %scan3A_67, %mul3A_83 : i32
        %add3A_85 = arith.constant 1 : i32
        %add3A_86 = arith.addi %mul3A_84, %add3A_85 : i32
        %dma_wait3A_87 = arith.constant 0 : i32
        %dma_wait3A_88 = tpu.memref_slice %arg6[%add3A_86, %dma_wait3A_87] : memref<60x128xi32, #tpu.memory_space<vmem>> -> memref<1x128xi32, #tpu.memory_space<vmem>>
        %dma_wait3A_89 = tpu.memref_squeeze %dma_wait3A_88 : memref<1x128xi32, #tpu.memory_space<vmem>> -> memref<128xi32, #tpu.memory_space<vmem>>
        %dma_wait3A_90 = arith.constant 0 : i32
        %dma_wait3A_91 = arith.constant 0 : i32
        %dma_wait3A_92 = tpu.memref_slice %arg2[%dma_wait3A_90, %dma_wait3A_91] : memref<10240x128xf32, #tpu.memory_space<hbm>> -> memref<10240x128xf32, #tpu.memory_space<hbm>>
        tpu.wait_indirect_dma semaphore(%arg12 : memref<!tpu.dma_semaphore, #tpu.memory_space<semaphore_mem>>) src(%dma_wait3A_92 : memref<10240x128xf32, #tpu.memory_space<hbm>>) dst(%arg9 : memref<128x128xf32, #tpu.memory_space<vmem>>)
        %add3A_93 = arith.constant 1 : i32
        %add3A_94 = arith.addi %add3A_86, %add3A_93 : i32
        %lt3A_95 = arith.constant 60 : i32
        %lt3A_96 = arith.cmpi slt, %add3A_94, %lt3A_95 : i32
        %convert_element_type3A_97 = arith.extui %lt3A_96 : i1 to i32
        %cond3A_98 = arith.constant 0 : i32
        %cond3A_99 = arith.cmpi ne, %convert_element_type3A_97, %cond3A_98 : i32
        scf.if %cond3A_99 {
          %add3A_100 = arith.constant 1 : i32
          %add3A_101 = arith.addi %add3A_86, %add3A_100 : i32
          %dma_start3A_102 = arith.constant 0 : i32
          %dma_start3A_103 = tpu.memref_slice %arg6[%add3A_101, %dma_start3A_102] : memref<60x128xi32, #tpu.memory_space<vmem>> -> memref<1x128xi32, #tpu.memory_space<vmem>>
          %dma_start3A_104 = tpu.memref_squeeze %dma_start3A_103 : memref<1x128xi32, #tpu.memory_space<vmem>> -> memref<128xi32, #tpu.memory_space<vmem>>
          %dma_start3A_105 = arith.constant 0 : i32
          %dma_start3A_106 = arith.constant 0 : i32
          %dma_start3A_107 = tpu.memref_slice %arg2[%dma_start3A_105, %dma_start3A_106] : memref<10240x128xf32, #tpu.memory_space<hbm>> -> memref<10240x128xf32, #tpu.memory_space<hbm>>
          tpu.enqueue_indirect_dma source(%dma_start3A_107 : memref<10240x128xf32, #tpu.memory_space<hbm>>) target(%arg8 : memref<128x128xf32, #tpu.memory_space<vmem>>) offsets(%dma_start3A_104 : memref<128xi32, #tpu.memory_space<vmem>>) semaphore(%arg11 : memref<!tpu.dma_semaphore, #tpu.memory_space<semaphore_mem>>)
        } else {
        }
        "tpu.region"() ({
          %run_scoped3A_100 = tpu.sem_alloc : memref<!tpu.dma_semaphore, #tpu.memory_space<semaphore_mem>>
          %dma_start3A_101 = arith.constant 0 : i32
          %dma_start3A_102 = tpu.memref_slice %arg7[%add3A_86, %dma_start3A_101] : memref<60x128xi32, #tpu.memory_space<vmem>> -> memref<1x128xi32, #tpu.memory_space<vmem>>
          %dma_start3A_103 = tpu.memref_squeeze %dma_start3A_102 : memref<1x128xi32, #tpu.memory_space<vmem>> -> memref<128xi32, #tpu.memory_space<vmem>>
          %dma_start3A_104 = arith.constant 0 : i32
          %dma_start3A_105 = arith.constant 0 : i32
          %dma_start3A_106 = tpu.memref_slice %arg10[%dma_start3A_104, %dma_start3A_105] : memref<10240x128xf32, #tpu.memory_space<vmem_shared>> -> memref<10240x128xf32, #tpu.memory_space<vmem_shared>>
          tpu.enqueue_indirect_dma source(%arg9 : memref<128x128xf32, #tpu.memory_space<vmem>>) target(%dma_start3A_106 : memref<10240x128xf32, #tpu.memory_space<vmem_shared>>) offsets(%dma_start3A_103 : memref<128xi32, #tpu.memory_space<vmem>>) semaphore(%run_scoped3A_100 : memref<!tpu.dma_semaphore, #tpu.memory_space<semaphore_mem>>) {add = true}
          %dma_wait3A_107 = arith.constant 0 : i32
          %dma_wait3A_108 = tpu.memref_slice %arg7[%add3A_86, %dma_wait3A_107] : memref<60x128xi32, #tpu.memory_space<vmem>> -> memref<1x128xi32, #tpu.memory_space<vmem>>
          %dma_wait3A_109 = tpu.memref_squeeze %dma_wait3A_108 : memref<1x128xi32, #tpu.memory_space<vmem>> -> memref<128xi32, #tpu.memory_space<vmem>>
          %dma_wait3A_110 = arith.constant 0 : i32
          %dma_wait3A_111 = arith.constant 0 : i32
          %dma_wait3A_112 = tpu.memref_slice %arg10[%dma_wait3A_110, %dma_wait3A_111] : memref<10240x128xf32, #tpu.memory_space<vmem_shared>> -> memref<10240x128xf32, #tpu.memory_space<vmem_shared>>
          tpu.wait_indirect_dma semaphore(%run_scoped3A_100 : memref<!tpu.dma_semaphore, #tpu.memory_space<semaphore_mem>>) src(%arg9 : memref<128x128xf32, #tpu.memory_space<vmem>>) dst(%dma_wait3A_112 : memref<10240x128xf32, #tpu.memory_space<vmem_shared>>)
          tpu.yield
        }) : () -> ()
      }
      %scan3A_66 = arith.constant 30 : i32
    } else {
    }
    %eq3A_42 = arith.constant 1 : i32
    %eq3A_43 = arith.cmpi eq, %arg0, %eq3A_42 : i32
    %convert_element_type3A_44 = arith.extui %eq3A_43 : i1 to i32
    %cond3A_45 = arith.constant 0 : i32
    %cond3A_46 = arith.cmpi ne, %convert_element_type3A_44, %cond3A_45 : i32
    scf.if %cond3A_46 {
      %scan3A_55 = arith.constant 0 : i32
      %scan3A_56 = arith.constant 0 : i32
      %scan3A_57 = arith.constant 20 : i32
      %scan3A_58 = arith.addi %scan3A_56, %scan3A_57 : i32
      %scan3A_59 = arith.constant 1 : i32
      scf.for %scan3A_61 = %scan3A_56 to %scan3A_58 step %scan3A_59  : i32 {
        %dma_start3A = arith.constant 0 : i32
        %dma_start3A_62 = tpu.memref_slice %arg6[%scan3A_61, %dma_start3A] : memref<60x128xi32, #tpu.memory_space<vmem>> -> memref<1x128xi32, #tpu.memory_space<vmem>>
        %dma_start3A_63 = tpu.memref_squeeze %dma_start3A_62 : memref<1x128xi32, #tpu.memory_space<vmem>> -> memref<128xi32, #tpu.memory_space<vmem>>
        %dma_start3A_64 = arith.constant 0 : i32
        %dma_start3A_65 = arith.constant 0 : i32
        %dma_start3A_66 = tpu.memref_slice %arg2[%dma_start3A_64, %dma_start3A_65] : memref<10240x128xf32, #tpu.memory_space<hbm>> -> memref<10240x128xf32, #tpu.memory_space<hbm>>
        tpu.enqueue_indirect_dma source(%dma_start3A_66 : memref<10240x128xf32, #tpu.memory_space<hbm>>) target(%arg8 : memref<128x128xf32, #tpu.memory_space<vmem>>) offsets(%dma_start3A_63 : memref<128xi32, #tpu.memory_space<vmem>>) semaphore(%arg11 : memref<!tpu.dma_semaphore, #tpu.memory_space<semaphore_mem>>)
        %dma_wait3A = arith.constant 0 : i32
        %dma_wait3A_67 = tpu.memref_slice %arg6[%scan3A_61, %dma_wait3A] : memref<60x128xi32, #tpu.memory_space<vmem>> -> memref<1x128xi32, #tpu.memory_space<vmem>>
        %dma_wait3A_68 = tpu.memref_squeeze %dma_wait3A_67 : memref<1x128xi32, #tpu.memory_space<vmem>> -> memref<128xi32, #tpu.memory_space<vmem>>
        %dma_wait3A_69 = arith.constant 0 : i32
        %dma_wait3A_70 = arith.constant 0 : i32
        %dma_wait3A_71 = tpu.memref_slice %arg2[%dma_wait3A_69, %dma_wait3A_70] : memref<10240x128xf32, #tpu.memory_space<hbm>> -> memref<10240x128xf32, #tpu.memory_space<hbm>>
        tpu.wait_indirect_dma semaphore(%arg11 : memref<!tpu.dma_semaphore, #tpu.memory_space<semaphore_mem>>) src(%dma_wait3A_71 : memref<10240x128xf32, #tpu.memory_space<hbm>>) dst(%arg8 : memref<128x128xf32, #tpu.memory_space<vmem>>)
        "tpu.region"() ({
          %run_scoped3A_72 = tpu.sem_alloc : memref<!tpu.dma_semaphore, #tpu.memory_space<semaphore_mem>>
          %dma_start3A_73 = arith.constant 0 : i32
          %dma_start3A_74 = tpu.memref_slice %arg7[%scan3A_61, %dma_start3A_73] : memref<60x128xi32, #tpu.memory_space<vmem>> -> memref<1x128xi32, #tpu.memory_space<vmem>>
          %dma_start3A_75 = tpu.memref_squeeze %dma_start3A_74 : memref<1x128xi32, #tpu.memory_space<vmem>> -> memref<128xi32, #tpu.memory_space<vmem>>
          %dma_start3A_76 = arith.constant 0 : i32
          %dma_start3A_77 = arith.constant 0 : i32
          %dma_start3A_78 = tpu.memref_slice %arg10[%dma_start3A_76, %dma_start3A_77] : memref<10240x128xf32, #tpu.memory_space<vmem_shared>> -> memref<10240x128xf32, #tpu.memory_space<vmem_shared>>
          tpu.enqueue_indirect_dma source(%arg8 : memref<128x128xf32, #tpu.memory_space<vmem>>) target(%dma_start3A_78 : memref<10240x128xf32, #tpu.memory_space<vmem_shared>>) offsets(%dma_start3A_75 : memref<128xi32, #tpu.memory_space<vmem>>) semaphore(%run_scoped3A_72 : memref<!tpu.dma_semaphore, #tpu.memory_space<semaphore_mem>>) {add = true}
          %dma_wait3A_79 = arith.constant 0 : i32
          %dma_wait3A_80 = tpu.memref_slice %arg7[%scan3A_61, %dma_wait3A_79] : memref<60x128xi32, #tpu.memory_space<vmem>> -> memref<1x128xi32, #tpu.memory_space<vmem>>
          %dma_wait3A_81 = tpu.memref_squeeze %dma_wait3A_80 : memref<1x128xi32, #tpu.memory_space<vmem>> -> memref<128xi32, #tpu.memory_space<vmem>>
          %dma_wait3A_82 = arith.constant 0 : i32
          %dma_wait3A_83 = arith.constant 0 : i32
          %dma_wait3A_84 = tpu.memref_slice %arg10[%dma_wait3A_82, %dma_wait3A_83] : memref<10240x128xf32, #tpu.memory_space<vmem_shared>> -> memref<10240x128xf32, #tpu.memory_space<vmem_shared>>
          tpu.wait_indirect_dma semaphore(%run_scoped3A_72 : memref<!tpu.dma_semaphore, #tpu.memory_space<semaphore_mem>>) src(%arg8 : memref<128x128xf32, #tpu.memory_space<vmem>>) dst(%dma_wait3A_84 : memref<10240x128xf32, #tpu.memory_space<vmem_shared>>)
          tpu.yield
        }) : () -> ()
      }
      %scan3A_60 = arith.constant 20 : i32
    } else {
    }
    %barrier3A_47 = arith.constant 0 : index
    tpu.barrier barrier_id(%barrier3A_47)
    %mul3A_48 = arith.constant 640 : i32
    %mul3A_49 = arith.muli %arg1, %mul3A_48 : i32
    %mul3A_50 = arith.constant 10240 : i32
    %mul3A_51 = arith.muli %arg0, %mul3A_50 : i32
    %mul3A_52 = arith.constant 640 : i32
    %mul3A_53 = arith.muli %arg1, %mul3A_52 : i32
    %add3A_54 = arith.addi %mul3A_51, %mul3A_53 : i32
    "tpu.region"() ({
      %run_scoped3A_55 = tpu.sem_alloc : memref<!tpu.dma_semaphore, #tpu.memory_space<semaphore_mem>>
      %dma_start3A = arith.constant 0 : i32
      %dma_start3A_56 = tpu.memref_slice %arg5[%add3A_54, %dma_start3A] : memref<20480x128xf32, #tpu.memory_space<hbm>> -> memref<640x128xf32, #tpu.memory_space<hbm>>
      %dma_start3A_57 = arith.constant 0 : i32
      %dma_start3A_58 = tpu.memref_slice %arg10[%mul3A_49, %dma_start3A_57] : memref<10240x128xf32, #tpu.memory_space<vmem_shared>> -> memref<640x128xf32, #tpu.memory_space<vmem_shared>>
      tpu.enqueue_dma source(%dma_start3A_58 : memref<640x128xf32, #tpu.memory_space<vmem_shared>>) target(%dma_start3A_56 : memref<640x128xf32, #tpu.memory_space<hbm>>) target_semaphore(%run_scoped3A_55 : memref<!tpu.dma_semaphore, #tpu.memory_space<semaphore_mem>>)
      %dma_wait3A = arith.constant 0 : i32
      %dma_wait3A_59 = tpu.memref_slice %arg5[%add3A_54, %dma_wait3A] : memref<20480x128xf32, #tpu.memory_space<hbm>> -> memref<640x128xf32, #tpu.memory_space<hbm>>
      %dma_wait3A_60 = arith.constant 0 : i32
      %dma_wait3A_61 = tpu.memref_slice %arg10[%mul3A_49, %dma_wait3A_60] : memref<10240x128xf32, #tpu.memory_space<vmem_shared>> -> memref<640x128xf32, #tpu.memory_space<vmem_shared>>
      tpu.wait_dma2 semaphore(%run_scoped3A_55 : memref<!tpu.dma_semaphore, #tpu.memory_space<semaphore_mem>>) src(%dma_wait3A_61 : memref<640x128xf32, #tpu.memory_space<vmem_shared>>) dst(%dma_wait3A_59 : memref<640x128xf32, #tpu.memory_space<hbm>>)
      tpu.yield
    }) : () -> ()
    return
  }
}

#map = affine_map<(d0, d1) -> (0, 0)>
#map1 = affine_map<(d0, d1) -> (0, 0, 0, 0)>
module attributes {stable_mosaic.version = 14 : i64} {
  func.func @_sc_scatter(%arg0: i32, %arg1: i32, %arg2: memref<10240x128xf32, #tpu.memory_space<hbm>>, %arg3: memref<32x2x60x128xi32, #tpu.memory_space<hbm>>, %arg4: memref<32x2x60x128xi32, #tpu.memory_space<hbm>>, %arg5: memref<20480x128xf32, #tpu.memory_space<hbm>>, %arg6: memref<60x128xi32, #tpu.memory_space<vmem>>, %arg7: memref<60x128xi32, #tpu.memory_space<vmem>>, %arg8: memref<128x128xf32, #tpu.memory_space<vmem>>, %arg9: memref<128x128xf32, #tpu.memory_space<vmem>>, %arg10: memref<10240x128xf32, #tpu.memory_space<vmem_shared>>, %arg11: memref<!tpu.dma_semaphore, #tpu.memory_space<semaphore_mem>>, %arg12: memref<!tpu.dma_semaphore, #tpu.memory_space<semaphore_mem>>) attributes {dimension_semantics = [#tpu.dimension_semantics<core_parallel>, #tpu.dimension_semantics<subcore_parallel>], iteration_bounds = array<i64: 2, 16>, scalar_prefetch = 0 : i64, scratch_operands = 7 : i64, tpu.core_type = #tpu.core_type<sc_vector_subcore>, window_params = [{transform_indices = #map}, {transform_indices = #map1}, {transform_indices = #map1}, {transform_indices = #map}]} {
    %mul3A = arith.constant 2 : i32
    %mul3A_0 = arith.muli %arg1, %mul3A : i32
    %add3A = arith.addi %mul3A_0, %arg0 : i32
    %broadcast_in_dim3A = arith.constant 0.000000e+00 : f32
    %broadcast_in_dim3A_1 = vector.broadcast %broadcast_in_dim3A : f32 to vector<16xf32>
    %scan3A = arith.constant 0 : i32
    %scan3A_2 = arith.constant 0 : i32
    %scan3A_3 = arith.constant 128 : i32
    %scan3A_4 = arith.addi %scan3A_2, %scan3A_3 : i32
    %scan3A_5 = arith.constant 1 : i32
    scf.for %scan3A_55 = %scan3A_2 to %scan3A_4 step %scan3A_5  : i32 {
      %swap3A = arith.index_cast %scan3A_55 : i32 to index
      %swap3A_56 = arith.constant 0 : index
      %swap3A_57 = tpu.vector_load %arg8[%swap3A, %swap3A_56] {strides = array<i32>} : memref<128x128xf32, #tpu.memory_space<vmem>>, vector<1x16xf32>,
      %swap3A_58 = vector.shape_cast %swap3A_57 : vector<1x16xf32> to vector<16xf32>
      %swap3A_59 = vector.shape_cast %broadcast_in_dim3A_1 : vector<16xf32> to vector<1x16xf32>
      tpu.vector_store %arg8[%swap3A, %swap3A_56], %swap3A_59 {strides = array<i32>} : memref<128x128xf32, #tpu.memory_space<vmem>>, vector<1x16xf32>,
      %swap3A_60 = arith.index_cast %scan3A_55 : i32 to index
      %swap3A_61 = arith.constant 16 : index
      %swap3A_62 = tpu.vector_load %arg8[%swap3A_60, %swap3A_61] {strides = array<i32>} : memref<128x128xf32, #tpu.memory_space<vmem>>, vector<1x16xf32>,
      %swap3A_63 = vector.shape_cast %swap3A_62 : vector<1x16xf32> to vector<16xf32>
      %swap3A_64 = vector.shape_cast %broadcast_in_dim3A_1 : vector<16xf32> to vector<1x16xf32>
      tpu.vector_store %arg8[%swap3A_60, %swap3A_61], %swap3A_64 {strides = array<i32>} : memref<128x128xf32, #tpu.memory_space<vmem>>, vector<1x16xf32>,
      %swap3A_65 = arith.index_cast %scan3A_55 : i32 to index
      %swap3A_66 = arith.constant 32 : index
      %swap3A_67 = tpu.vector_load %arg8[%swap3A_65, %swap3A_66] {strides = array<i32>} : memref<128x128xf32, #tpu.memory_space<vmem>>, vector<1x16xf32>,
      %swap3A_68 = vector.shape_cast %swap3A_67 : vector<1x16xf32> to vector<16xf32>
      %swap3A_69 = vector.shape_cast %broadcast_in_dim3A_1 : vector<16xf32> to vector<1x16xf32>
      tpu.vector_store %arg8[%swap3A_65, %swap3A_66], %swap3A_69 {strides = array<i32>} : memref<128x128xf32, #tpu.memory_space<vmem>>, vector<1x16xf32>,
      %swap3A_70 = arith.index_cast %scan3A_55 : i32 to index
      %swap3A_71 = arith.constant 48 : index
      %swap3A_72 = tpu.vector_load %arg8[%swap3A_70, %swap3A_71] {strides = array<i32>} : memref<128x128xf32, #tpu.memory_space<vmem>>, vector<1x16xf32>,
      %swap3A_73 = vector.shape_cast %swap3A_72 : vector<1x16xf32> to vector<16xf32>
      %swap3A_74 = vector.shape_cast %broadcast_in_dim3A_1 : vector<16xf32> to vector<1x16xf32>
      tpu.vector_store %arg8[%swap3A_70, %swap3A_71], %swap3A_74 {strides = array<i32>} : memref<128x128xf32, #tpu.memory_space<vmem>>, vector<1x16xf32>,
      %swap3A_75 = arith.index_cast %scan3A_55 : i32 to index
      %swap3A_76 = arith.constant 64 : index
      %swap3A_77 = tpu.vector_load %arg8[%swap3A_75, %swap3A_76] {strides = array<i32>} : memref<128x128xf32, #tpu.memory_space<vmem>>, vector<1x16xf32>,
      %swap3A_78 = vector.shape_cast %swap3A_77 : vector<1x16xf32> to vector<16xf32>
      %swap3A_79 = vector.shape_cast %broadcast_in_dim3A_1 : vector<16xf32> to vector<1x16xf32>
      tpu.vector_store %arg8[%swap3A_75, %swap3A_76], %swap3A_79 {strides = array<i32>} : memref<128x128xf32, #tpu.memory_space<vmem>>, vector<1x16xf32>,
      %swap3A_80 = arith.index_cast %scan3A_55 : i32 to index
      %swap3A_81 = arith.constant 80 : index
      %swap3A_82 = tpu.vector_load %arg8[%swap3A_80, %swap3A_81] {strides = array<i32>} : memref<128x128xf32, #tpu.memory_space<vmem>>, vector<1x16xf32>,
      %swap3A_83 = vector.shape_cast %swap3A_82 : vector<1x16xf32> to vector<16xf32>
      %swap3A_84 = vector.shape_cast %broadcast_in_dim3A_1 : vector<16xf32> to vector<1x16xf32>
      tpu.vector_store %arg8[%swap3A_80, %swap3A_81], %swap3A_84 {strides = array<i32>} : memref<128x128xf32, #tpu.memory_space<vmem>>, vector<1x16xf32>,
      %swap3A_85 = arith.index_cast %scan3A_55 : i32 to index
      %swap3A_86 = arith.constant 96 : index
      %swap3A_87 = tpu.vector_load %arg8[%swap3A_85, %swap3A_86] {strides = array<i32>} : memref<128x128xf32, #tpu.memory_space<vmem>>, vector<1x16xf32>,
      %swap3A_88 = vector.shape_cast %swap3A_87 : vector<1x16xf32> to vector<16xf32>
      %swap3A_89 = vector.shape_cast %broadcast_in_dim3A_1 : vector<16xf32> to vector<1x16xf32>
      tpu.vector_store %arg8[%swap3A_85, %swap3A_86], %swap3A_89 {strides = array<i32>} : memref<128x128xf32, #tpu.memory_space<vmem>>, vector<1x16xf32>,
      %swap3A_90 = arith.index_cast %scan3A_55 : i32 to index
      %swap3A_91 = arith.constant 112 : index
      %swap3A_92 = tpu.vector_load %arg8[%swap3A_90, %swap3A_91] {strides = array<i32>} : memref<128x128xf32, #tpu.memory_space<vmem>>, vector<1x16xf32>,
      %swap3A_93 = vector.shape_cast %swap3A_92 : vector<1x16xf32> to vector<16xf32>
      %swap3A_94 = vector.shape_cast %broadcast_in_dim3A_1 : vector<16xf32> to vector<1x16xf32>
      tpu.vector_store %arg8[%swap3A_90, %swap3A_91], %swap3A_94 {strides = array<i32>} : memref<128x128xf32, #tpu.memory_space<vmem>>, vector<1x16xf32>,
    }
    %scan3A_6 = arith.constant 128 : i32
    %mul3A_7 = arith.constant 640 : i32
    %mul3A_8 = arith.muli %arg1, %mul3A_7 : i32
    %add3A_9 = arith.constant 0 : i32
    %add3A_10 = arith.addi %mul3A_8, %add3A_9 : i32
    "tpu.region"() ({
      %run_scoped3A_55 = tpu.sem_alloc : memref<!tpu.dma_semaphore, #tpu.memory_space<semaphore_mem>>
      %dma_start3A = arith.constant 0 : i32
      %dma_start3A_56 = tpu.memref_slice %arg10[%add3A_10, %dma_start3A] : memref<10240x128xf32, #tpu.memory_space<vmem_shared>> -> memref<128x128xf32, #tpu.memory_space<vmem_shared>>
      %dma_start3A_57 = arith.constant 0 : i32
      %dma_start3A_58 = tpu.memref_slice %arg10[%add3A_10, %dma_start3A_57] : memref<10240x128xf32, #tpu.memory_space<vmem_shared>> -> memref<128x128xf32, #tpu.memory_space<vmem_shared>>
      tpu.enqueue_dma source(%arg8 : memref<128x128xf32, #tpu.memory_space<vmem>>) target(%dma_start3A_58 : memref<128x128xf32, #tpu.memory_space<vmem_shared>>) target_semaphore(%run_scoped3A_55 : memref<!tpu.dma_semaphore, #tpu.memory_space<semaphore_mem>>)
      %dma_wait3A = arith.constant 0 : i32
      %dma_wait3A_59 = tpu.memref_slice %arg10[%add3A_10, %dma_wait3A] : memref<10240x128xf32, #tpu.memory_space<vmem_shared>> -> memref<128x128xf32, #tpu.memory_space<vmem_shared>>
      %dma_wait3A_60 = arith.constant 0 : i32
      %dma_wait3A_61 = tpu.memref_slice %arg10[%add3A_10, %dma_wait3A_60] : memref<10240x128xf32, #tpu.memory_space<vmem_shared>> -> memref<128x128xf32, #tpu.memory_space<vmem_shared>>
      tpu.wait_dma2 semaphore(%run_scoped3A_55 : memref<!tpu.dma_semaphore, #tpu.memory_space<semaphore_mem>>) src(%arg8 : memref<128x128xf32, #tpu.memory_space<vmem>>) dst(%dma_wait3A_61 : memref<128x128xf32, #tpu.memory_space<vmem_shared>>)
      tpu.yield
    }) : () -> ()
    %mul3A_11 = arith.constant 640 : i32
    %mul3A_12 = arith.muli %arg1, %mul3A_11 : i32
    %add3A_13 = arith.constant 128 : i32
    %add3A_14 = arith.addi %mul3A_12, %add3A_13 : i32
    "tpu.region"() ({
      %run_scoped3A_55 = tpu.sem_alloc : memref<!tpu.dma_semaphore, #tpu.memory_space<semaphore_mem>>
      %dma_start3A = arith.constant 0 : i32
      %dma_start3A_56 = tpu.memref_slice %arg10[%add3A_14, %dma_start3A] : memref<10240x128xf32, #tpu.memory_space<vmem_shared>> -> memref<128x128xf32, #tpu.memory_space<vmem_shared>>
      %dma_start3A_57 = arith.constant 0 : i32
      %dma_start3A_58 = tpu.memref_slice %arg10[%add3A_14, %dma_start3A_57] : memref<10240x128xf32, #tpu.memory_space<vmem_shared>> -> memref<128x128xf32, #tpu.memory_space<vmem_shared>>
      tpu.enqueue_dma source(%arg8 : memref<128x128xf32, #tpu.memory_space<vmem>>) target(%dma_start3A_58 : memref<128x128xf32, #tpu.memory_space<vmem_shared>>) target_semaphore(%run_scoped3A_55 : memref<!tpu.dma_semaphore, #tpu.memory_space<semaphore_mem>>)
      %dma_wait3A = arith.constant 0 : i32
      %dma_wait3A_59 = tpu.memref_slice %arg10[%add3A_14, %dma_wait3A] : memref<10240x128xf32, #tpu.memory_space<vmem_shared>> -> memref<128x128xf32, #tpu.memory_space<vmem_shared>>
      %dma_wait3A_60 = arith.constant 0 : i32
      %dma_wait3A_61 = tpu.memref_slice %arg10[%add3A_14, %dma_wait3A_60] : memref<10240x128xf32, #tpu.memory_space<vmem_shared>> -> memref<128x128xf32, #tpu.memory_space<vmem_shared>>
      tpu.wait_dma2 semaphore(%run_scoped3A_55 : memref<!tpu.dma_semaphore, #tpu.memory_space<semaphore_mem>>) src(%arg8 : memref<128x128xf32, #tpu.memory_space<vmem>>) dst(%dma_wait3A_61 : memref<128x128xf32, #tpu.memory_space<vmem_shared>>)
      tpu.yield
    }) : () -> ()
    %mul3A_15 = arith.constant 640 : i32
    %mul3A_16 = arith.muli %arg1, %mul3A_15 : i32
    %add3A_17 = arith.constant 256 : i32
    %add3A_18 = arith.addi %mul3A_16, %add3A_17 : i32
    "tpu.region"() ({
      %run_scoped3A_55 = tpu.sem_alloc : memref<!tpu.dma_semaphore, #tpu.memory_space<semaphore_mem>>
      %dma_start3A = arith.constant 0 : i32
      %dma_start3A_56 = tpu.memref_slice %arg10[%add3A_18, %dma_start3A] : memref<10240x128xf32, #tpu.memory_space<vmem_shared>> -> memref<128x128xf32, #tpu.memory_space<vmem_shared>>
      %dma_start3A_57 = arith.constant 0 : i32
      %dma_start3A_58 = tpu.memref_slice %arg10[%add3A_18, %dma_start3A_57] : memref<10240x128xf32, #tpu.memory_space<vmem_shared>> -> memref<128x128xf32, #tpu.memory_space<vmem_shared>>
      tpu.enqueue_dma source(%arg8 : memref<128x128xf32, #tpu.memory_space<vmem>>) target(%dma_start3A_58 : memref<128x128xf32, #tpu.memory_space<vmem_shared>>) target_semaphore(%run_scoped3A_55 : memref<!tpu.dma_semaphore, #tpu.memory_space<semaphore_mem>>)
      %dma_wait3A = arith.constant 0 : i32
      %dma_wait3A_59 = tpu.memref_slice %arg10[%add3A_18, %dma_wait3A] : memref<10240x128xf32, #tpu.memory_space<vmem_shared>> -> memref<128x128xf32, #tpu.memory_space<vmem_shared>>
      %dma_wait3A_60 = arith.constant 0 : i32
      %dma_wait3A_61 = tpu.memref_slice %arg10[%add3A_18, %dma_wait3A_60] : memref<10240x128xf32, #tpu.memory_space<vmem_shared>> -> memref<128x128xf32, #tpu.memory_space<vmem_shared>>
      tpu.wait_dma2 semaphore(%run_scoped3A_55 : memref<!tpu.dma_semaphore, #tpu.memory_space<semaphore_mem>>) src(%arg8 : memref<128x128xf32, #tpu.memory_space<vmem>>) dst(%dma_wait3A_61 : memref<128x128xf32, #tpu.memory_space<vmem_shared>>)
      tpu.yield
    }) : () -> ()
    %mul3A_19 = arith.constant 640 : i32
    %mul3A_20 = arith.muli %arg1, %mul3A_19 : i32
    %add3A_21 = arith.constant 384 : i32
    %add3A_22 = arith.addi %mul3A_20, %add3A_21 : i32
    "tpu.region"() ({
      %run_scoped3A_55 = tpu.sem_alloc : memref<!tpu.dma_semaphore, #tpu.memory_space<semaphore_mem>>
      %dma_start3A = arith.constant 0 : i32
      %dma_start3A_56 = tpu.memref_slice %arg10[%add3A_22, %dma_start3A] : memref<10240x128xf32, #tpu.memory_space<vmem_shared>> -> memref<128x128xf32, #tpu.memory_space<vmem_shared>>
      %dma_start3A_57 = arith.constant 0 : i32
      %dma_start3A_58 = tpu.memref_slice %arg10[%add3A_22, %dma_start3A_57] : memref<10240x128xf32, #tpu.memory_space<vmem_shared>> -> memref<128x128xf32, #tpu.memory_space<vmem_shared>>
      tpu.enqueue_dma source(%arg8 : memref<128x128xf32, #tpu.memory_space<vmem>>) target(%dma_start3A_58 : memref<128x128xf32, #tpu.memory_space<vmem_shared>>) target_semaphore(%run_scoped3A_55 : memref<!tpu.dma_semaphore, #tpu.memory_space<semaphore_mem>>)
      %dma_wait3A = arith.constant 0 : i32
      %dma_wait3A_59 = tpu.memref_slice %arg10[%add3A_22, %dma_wait3A] : memref<10240x128xf32, #tpu.memory_space<vmem_shared>> -> memref<128x128xf32, #tpu.memory_space<vmem_shared>>
      %dma_wait3A_60 = arith.constant 0 : i32
      %dma_wait3A_61 = tpu.memref_slice %arg10[%add3A_22, %dma_wait3A_60] : memref<10240x128xf32, #tpu.memory_space<vmem_shared>> -> memref<128x128xf32, #tpu.memory_space<vmem_shared>>
      tpu.wait_dma2 semaphore(%run_scoped3A_55 : memref<!tpu.dma_semaphore, #tpu.memory_space<semaphore_mem>>) src(%arg8 : memref<128x128xf32, #tpu.memory_space<vmem>>) dst(%dma_wait3A_61 : memref<128x128xf32, #tpu.memory_space<vmem_shared>>)
      tpu.yield
    }) : () -> ()
    %mul3A_23 = arith.constant 640 : i32
    %mul3A_24 = arith.muli %arg1, %mul3A_23 : i32
    %add3A_25 = arith.constant 512 : i32
    %add3A_26 = arith.addi %mul3A_24, %add3A_25 : i32
    "tpu.region"() ({
      %run_scoped3A_55 = tpu.sem_alloc : memref<!tpu.dma_semaphore, #tpu.memory_space<semaphore_mem>>
      %dma_start3A = arith.constant 0 : i32
      %dma_start3A_56 = tpu.memref_slice %arg10[%add3A_26, %dma_start3A] : memref<10240x128xf32, #tpu.memory_space<vmem_shared>> -> memref<128x128xf32, #tpu.memory_space<vmem_shared>>
      %dma_start3A_57 = arith.constant 0 : i32
      %dma_start3A_58 = tpu.memref_slice %arg10[%add3A_26, %dma_start3A_57] : memref<10240x128xf32, #tpu.memory_space<vmem_shared>> -> memref<128x128xf32, #tpu.memory_space<vmem_shared>>
      tpu.enqueue_dma source(%arg8 : memref<128x128xf32, #tpu.memory_space<vmem>>) target(%dma_start3A_58 : memref<128x128xf32, #tpu.memory_space<vmem_shared>>) target_semaphore(%run_scoped3A_55 : memref<!tpu.dma_semaphore, #tpu.memory_space<semaphore_mem>>)
      %dma_wait3A = arith.constant 0 : i32
      %dma_wait3A_59 = tpu.memref_slice %arg10[%add3A_26, %dma_wait3A] : memref<10240x128xf32, #tpu.memory_space<vmem_shared>> -> memref<128x128xf32, #tpu.memory_space<vmem_shared>>
      %dma_wait3A_60 = arith.constant 0 : i32
      %dma_wait3A_61 = tpu.memref_slice %arg10[%add3A_26, %dma_wait3A_60] : memref<10240x128xf32, #tpu.memory_space<vmem_shared>> -> memref<128x128xf32, #tpu.memory_space<vmem_shared>>
      tpu.wait_dma2 semaphore(%run_scoped3A_55 : memref<!tpu.dma_semaphore, #tpu.memory_space<semaphore_mem>>) src(%arg8 : memref<128x128xf32, #tpu.memory_space<vmem>>) dst(%dma_wait3A_61 : memref<128x128xf32, #tpu.memory_space<vmem_shared>>)
      tpu.yield
    }) : () -> ()
    %barrier3A = arith.constant 0 : index
    tpu.barrier barrier_id(%barrier3A)
    %run_scoped3A = arith.constant 0 : i32
    "tpu.region"() ({
      %run_scoped3A_55 = tpu.sem_alloc : memref<!tpu.dma_semaphore, #tpu.memory_space<semaphore_mem>>
      %dma_start3A = arith.constant 0 : i32
      %dma_start3A_56 = arith.constant 0 : i32
      %dma_start3A_57 = tpu.memref_slice %arg3[%add3A, %run_scoped3A, %dma_start3A, %dma_start3A_56] : memref<32x2x60x128xi32, #tpu.memory_space<hbm>> -> memref<1x1x60x128xi32, #tpu.memory_space<hbm>>
      %dma_start3A_58 = tpu.memref_squeeze %dma_start3A_57 : memref<1x1x60x128xi32, #tpu.memory_space<hbm>> -> memref<60x128xi32, #tpu.memory_space<hbm>>
      %dma_start3A_59 = arith.constant 0 : i32
      %dma_start3A_60 = arith.constant 0 : i32
      %dma_start3A_61 = tpu.memref_slice %arg3[%add3A, %run_scoped3A, %dma_start3A_59, %dma_start3A_60] : memref<32x2x60x128xi32, #tpu.memory_space<hbm>> -> memref<1x1x60x128xi32, #tpu.memory_space<hbm>>
      %dma_start3A_62 = tpu.memref_squeeze %dma_start3A_61 : memref<1x1x60x128xi32, #tpu.memory_space<hbm>> -> memref<60x128xi32, #tpu.memory_space<hbm>>
      tpu.enqueue_dma source(%dma_start3A_62 : memref<60x128xi32, #tpu.memory_space<hbm>>) target(%arg6 : memref<60x128xi32, #tpu.memory_space<vmem>>) target_semaphore(%run_scoped3A_55 : memref<!tpu.dma_semaphore, #tpu.memory_space<semaphore_mem>>)
      %dma_wait3A = arith.constant 0 : i32
      %dma_wait3A_63 = arith.constant 0 : i32
      %dma_wait3A_64 = tpu.memref_slice %arg3[%add3A, %run_scoped3A, %dma_wait3A, %dma_wait3A_63] : memref<32x2x60x128xi32, #tpu.memory_space<hbm>> -> memref<1x1x60x128xi32, #tpu.memory_space<hbm>>
      %dma_wait3A_65 = tpu.memref_squeeze %dma_wait3A_64 : memref<1x1x60x128xi32, #tpu.memory_space<hbm>> -> memref<60x128xi32, #tpu.memory_space<hbm>>
      %dma_wait3A_66 = arith.constant 0 : i32
      %dma_wait3A_67 = arith.constant 0 : i32
      %dma_wait3A_68 = tpu.memref_slice %arg3[%add3A, %run_scoped3A, %dma_wait3A_66, %dma_wait3A_67] : memref<32x2x60x128xi32, #tpu.memory_space<hbm>> -> memref<1x1x60x128xi32, #tpu.memory_space<hbm>>
      %dma_wait3A_69 = tpu.memref_squeeze %dma_wait3A_68 : memref<1x1x60x128xi32, #tpu.memory_space<hbm>> -> memref<60x128xi32, #tpu.memory_space<hbm>>
      tpu.wait_dma2 semaphore(%run_scoped3A_55 : memref<!tpu.dma_semaphore, #tpu.memory_space<semaphore_mem>>) src(%dma_wait3A_69 : memref<60x128xi32, #tpu.memory_space<hbm>>) dst(%arg6 : memref<60x128xi32, #tpu.memory_space<vmem>>)
      tpu.yield
    }) : () -> ()
    %run_scoped3A_27 = arith.constant 0 : i32
    "tpu.region"() ({
      %run_scoped3A_55 = tpu.sem_alloc : memref<!tpu.dma_semaphore, #tpu.memory_space<semaphore_mem>>
      %dma_start3A = arith.constant 0 : i32
      %dma_start3A_56 = arith.constant 0 : i32
      %dma_start3A_57 = tpu.memref_slice %arg4[%add3A, %run_scoped3A_27, %dma_start3A, %dma_start3A_56] : memref<32x2x60x128xi32, #tpu.memory_space<hbm>> -> memref<1x1x60x128xi32, #tpu.memory_space<hbm>>
      %dma_start3A_58 = tpu.memref_squeeze %dma_start3A_57 : memref<1x1x60x128xi32, #tpu.memory_space<hbm>> -> memref<60x128xi32, #tpu.memory_space<hbm>>
      %dma_start3A_59 = arith.constant 0 : i32
      %dma_start3A_60 = arith.constant 0 : i32
      %dma_start3A_61 = tpu.memref_slice %arg4[%add3A, %run_scoped3A_27, %dma_start3A_59, %dma_start3A_60] : memref<32x2x60x128xi32, #tpu.memory_space<hbm>> -> memref<1x1x60x128xi32, #tpu.memory_space<hbm>>
      %dma_start3A_62 = tpu.memref_squeeze %dma_start3A_61 : memref<1x1x60x128xi32, #tpu.memory_space<hbm>> -> memref<60x128xi32, #tpu.memory_space<hbm>>
      tpu.enqueue_dma source(%dma_start3A_62 : memref<60x128xi32, #tpu.memory_space<hbm>>) target(%arg7 : memref<60x128xi32, #tpu.memory_space<vmem>>) target_semaphore(%run_scoped3A_55 : memref<!tpu.dma_semaphore, #tpu.memory_space<semaphore_mem>>)
      %dma_wait3A = arith.constant 0 : i32
      %dma_wait3A_63 = arith.constant 0 : i32
      %dma_wait3A_64 = tpu.memref_slice %arg4[%add3A, %run_scoped3A_27, %dma_wait3A, %dma_wait3A_63] : memref<32x2x60x128xi32, #tpu.memory_space<hbm>> -> memref<1x1x60x128xi32, #tpu.memory_space<hbm>>
      %dma_wait3A_65 = tpu.memref_squeeze %dma_wait3A_64 : memref<1x1x60x128xi32, #tpu.memory_space<hbm>> -> memref<60x128xi32, #tpu.memory_space<hbm>>
      %dma_wait3A_66 = arith.constant 0 : i32
      %dma_wait3A_67 = arith.constant 0 : i32
      %dma_wait3A_68 = tpu.memref_slice %arg4[%add3A, %run_scoped3A_27, %dma_wait3A_66, %dma_wait3A_67] : memref<32x2x60x128xi32, #tpu.memory_space<hbm>> -> memref<1x1x60x128xi32, #tpu.memory_space<hbm>>
      %dma_wait3A_69 = tpu.memref_squeeze %dma_wait3A_68 : memref<1x1x60x128xi32, #tpu.memory_space<hbm>> -> memref<60x128xi32, #tpu.memory_space<hbm>>
      tpu.wait_dma2 semaphore(%run_scoped3A_55 : memref<!tpu.dma_semaphore, #tpu.memory_space<semaphore_mem>>) src(%dma_wait3A_69 : memref<60x128xi32, #tpu.memory_space<hbm>>) dst(%arg7 : memref<60x128xi32, #tpu.memory_space<vmem>>)
      tpu.yield
    }) : () -> ()
    %eq3A = arith.constant 0 : i32
    %eq3A_28 = arith.cmpi eq, %arg0, %eq3A : i32
    %convert_element_type3A = arith.extui %eq3A_28 : i1 to i32
    %cond3A = arith.constant 0 : i32
    %cond3A_29 = arith.cmpi ne, %convert_element_type3A, %cond3A : i32
    scf.if %cond3A_29 {
      %dma_start3A = arith.constant 0 : i32
      %dma_start3A_55 = arith.constant 0 : i32
      %dma_start3A_56 = tpu.memref_slice %arg6[%dma_start3A, %dma_start3A_55] : memref<60x128xi32, #tpu.memory_space<vmem>> -> memref<1x128xi32, #tpu.memory_space<vmem>>
      %dma_start3A_57 = tpu.memref_squeeze %dma_start3A_56 : memref<1x128xi32, #tpu.memory_space<vmem>> -> memref<128xi32, #tpu.memory_space<vmem>>
      %dma_start3A_58 = arith.constant 0 : i32
      %dma_start3A_59 = arith.constant 0 : i32
      %dma_start3A_60 = tpu.memref_slice %arg2[%dma_start3A_58, %dma_start3A_59] : memref<10240x128xf32, #tpu.memory_space<hbm>> -> memref<10240x128xf32, #tpu.memory_space<hbm>>
      tpu.enqueue_indirect_dma source(%dma_start3A_60 : memref<10240x128xf32, #tpu.memory_space<hbm>>) target(%arg8 : memref<128x128xf32, #tpu.memory_space<vmem>>) offsets(%dma_start3A_57 : memref<128xi32, #tpu.memory_space<vmem>>) semaphore(%arg11 : memref<!tpu.dma_semaphore, #tpu.memory_space<semaphore_mem>>)
      %scan3A_61 = arith.constant 0 : i32
      %scan3A_62 = arith.constant 0 : i32
      %scan3A_63 = arith.constant 30 : i32
      %scan3A_64 = arith.addi %scan3A_62, %scan3A_63 : i32
      %scan3A_65 = arith.constant 1 : i32
      scf.for %scan3A_67 = %scan3A_62 to %scan3A_64 step %scan3A_65  : i32 {
        %mul3A_68 = arith.constant 2 : i32
        %mul3A_69 = arith.muli %scan3A_67, %mul3A_68 : i32
        %add3A_70 = arith.constant 0 : i32
        %add3A_71 = arith.addi %mul3A_69, %add3A_70 : i32
        %dma_wait3A = arith.constant 0 : i32
        %dma_wait3A_72 = tpu.memref_slice %arg6[%add3A_71, %dma_wait3A] : memref<60x128xi32, #tpu.memory_space<vmem>> -> memref<1x128xi32, #tpu.memory_space<vmem>>
        %dma_wait3A_73 = tpu.memref_squeeze %dma_wait3A_72 : memref<1x128xi32, #tpu.memory_space<vmem>> -> memref<128xi32, #tpu.memory_space<vmem>>
        %dma_wait3A_74 = arith.constant 0 : i32
        %dma_wait3A_75 = arith.constant 0 : i32
        %dma_wait3A_76 = tpu.memref_slice %arg2[%dma_wait3A_74, %dma_wait3A_75] : memref<10240x128xf32, #tpu.memory_space<hbm>> -> memref<10240x128xf32, #tpu.memory_space<hbm>>
        tpu.wait_indirect_dma semaphore(%arg11 : memref<!tpu.dma_semaphore, #tpu.memory_space<semaphore_mem>>) src(%dma_wait3A_76 : memref<10240x128xf32, #tpu.memory_space<hbm>>) dst(%arg8 : memref<128x128xf32, #tpu.memory_space<vmem>>)
        %add3A_77 = arith.constant 1 : i32
        %add3A_78 = arith.addi %add3A_71, %add3A_77 : i32
        %lt3A = arith.constant 60 : i32
        %lt3A_79 = arith.cmpi slt, %add3A_78, %lt3A : i32
        %convert_element_type3A_80 = arith.extui %lt3A_79 : i1 to i32
        %cond3A_81 = arith.constant 0 : i32
        %cond3A_82 = arith.cmpi ne, %convert_element_type3A_80, %cond3A_81 : i32
        scf.if %cond3A_82 {
          %add3A_100 = arith.constant 1 : i32
          %add3A_101 = arith.addi %add3A_71, %add3A_100 : i32
          %dma_start3A_102 = arith.constant 0 : i32
          %dma_start3A_103 = tpu.memref_slice %arg6[%add3A_101, %dma_start3A_102] : memref<60x128xi32, #tpu.memory_space<vmem>> -> memref<1x128xi32, #tpu.memory_space<vmem>>
          %dma_start3A_104 = tpu.memref_squeeze %dma_start3A_103 : memref<1x128xi32, #tpu.memory_space<vmem>> -> memref<128xi32, #tpu.memory_space<vmem>>
          %dma_start3A_105 = arith.constant 0 : i32
          %dma_start3A_106 = arith.constant 0 : i32
          %dma_start3A_107 = tpu.memref_slice %arg2[%dma_start3A_105, %dma_start3A_106] : memref<10240x128xf32, #tpu.memory_space<hbm>> -> memref<10240x128xf32, #tpu.memory_space<hbm>>
          tpu.enqueue_indirect_dma source(%dma_start3A_107 : memref<10240x128xf32, #tpu.memory_space<hbm>>) target(%arg9 : memref<128x128xf32, #tpu.memory_space<vmem>>) offsets(%dma_start3A_104 : memref<128xi32, #tpu.memory_space<vmem>>) semaphore(%arg12 : memref<!tpu.dma_semaphore, #tpu.memory_space<semaphore_mem>>)
        } else {
        }
        "tpu.region"() ({
          %run_scoped3A_100 = tpu.sem_alloc : memref<!tpu.dma_semaphore, #tpu.memory_space<semaphore_mem>>
          %dma_start3A_101 = arith.constant 0 : i32
          %dma_start3A_102 = tpu.memref_slice %arg7[%add3A_71, %dma_start3A_101] : memref<60x128xi32, #tpu.memory_space<vmem>> -> memref<1x128xi32, #tpu.memory_space<vmem>>
          %dma_start3A_103 = tpu.memref_squeeze %dma_start3A_102 : memref<1x128xi32, #tpu.memory_space<vmem>> -> memref<128xi32, #tpu.memory_space<vmem>>
          %dma_start3A_104 = arith.constant 0 : i32
          %dma_start3A_105 = arith.constant 0 : i32
          %dma_start3A_106 = tpu.memref_slice %arg10[%dma_start3A_104, %dma_start3A_105] : memref<10240x128xf32, #tpu.memory_space<vmem_shared>> -> memref<10240x128xf32, #tpu.memory_space<vmem_shared>>
          tpu.enqueue_indirect_dma source(%arg8 : memref<128x128xf32, #tpu.memory_space<vmem>>) target(%dma_start3A_106 : memref<10240x128xf32, #tpu.memory_space<vmem_shared>>) offsets(%dma_start3A_103 : memref<128xi32, #tpu.memory_space<vmem>>) semaphore(%run_scoped3A_100 : memref<!tpu.dma_semaphore, #tpu.memory_space<semaphore_mem>>) {add = true}
          %dma_wait3A_107 = arith.constant 0 : i32
          %dma_wait3A_108 = tpu.memref_slice %arg7[%add3A_71, %dma_wait3A_107] : memref<60x128xi32, #tpu.memory_space<vmem>> -> memref<1x128xi32, #tpu.memory_space<vmem>>
          %dma_wait3A_109 = tpu.memref_squeeze %dma_wait3A_108 : memref<1x128xi32, #tpu.memory_space<vmem>> -> memref<128xi32, #tpu.memory_space<vmem>>
          %dma_wait3A_110 = arith.constant 0 : i32
          %dma_wait3A_111 = arith.constant 0 : i32
          %dma_wait3A_112 = tpu.memref_slice %arg10[%dma_wait3A_110, %dma_wait3A_111] : memref<10240x128xf32, #tpu.memory_space<vmem_shared>> -> memref<10240x128xf32, #tpu.memory_space<vmem_shared>>
          tpu.wait_indirect_dma semaphore(%run_scoped3A_100 : memref<!tpu.dma_semaphore, #tpu.memory_space<semaphore_mem>>) src(%arg8 : memref<128x128xf32, #tpu.memory_space<vmem>>) dst(%dma_wait3A_112 : memref<10240x128xf32, #tpu.memory_space<vmem_shared>>)
          tpu.yield
        }) : () -> ()
        %mul3A_83 = arith.constant 2 : i32
        %mul3A_84 = arith.muli %scan3A_67, %mul3A_83 : i32
        %add3A_85 = arith.constant 1 : i32
        %add3A_86 = arith.addi %mul3A_84, %add3A_85 : i32
        %dma_wait3A_87 = arith.constant 0 : i32
        %dma_wait3A_88 = tpu.memref_slice %arg6[%add3A_86, %dma_wait3A_87] : memref<60x128xi32, #tpu.memory_space<vmem>> -> memref<1x128xi32, #tpu.memory_space<vmem>>
        %dma_wait3A_89 = tpu.memref_squeeze %dma_wait3A_88 : memref<1x128xi32, #tpu.memory_space<vmem>> -> memref<128xi32, #tpu.memory_space<vmem>>
        %dma_wait3A_90 = arith.constant 0 : i32
        %dma_wait3A_91 = arith.constant 0 : i32
        %dma_wait3A_92 = tpu.memref_slice %arg2[%dma_wait3A_90, %dma_wait3A_91] : memref<10240x128xf32, #tpu.memory_space<hbm>> -> memref<10240x128xf32, #tpu.memory_space<hbm>>
        tpu.wait_indirect_dma semaphore(%arg12 : memref<!tpu.dma_semaphore, #tpu.memory_space<semaphore_mem>>) src(%dma_wait3A_92 : memref<10240x128xf32, #tpu.memory_space<hbm>>) dst(%arg9 : memref<128x128xf32, #tpu.memory_space<vmem>>)
        %add3A_93 = arith.constant 1 : i32
        %add3A_94 = arith.addi %add3A_86, %add3A_93 : i32
        %lt3A_95 = arith.constant 60 : i32
        %lt3A_96 = arith.cmpi slt, %add3A_94, %lt3A_95 : i32
        %convert_element_type3A_97 = arith.extui %lt3A_96 : i1 to i32
        %cond3A_98 = arith.constant 0 : i32
        %cond3A_99 = arith.cmpi ne, %convert_element_type3A_97, %cond3A_98 : i32
        scf.if %cond3A_99 {
          %add3A_100 = arith.constant 1 : i32
          %add3A_101 = arith.addi %add3A_86, %add3A_100 : i32
          %dma_start3A_102 = arith.constant 0 : i32
          %dma_start3A_103 = tpu.memref_slice %arg6[%add3A_101, %dma_start3A_102] : memref<60x128xi32, #tpu.memory_space<vmem>> -> memref<1x128xi32, #tpu.memory_space<vmem>>
          %dma_start3A_104 = tpu.memref_squeeze %dma_start3A_103 : memref<1x128xi32, #tpu.memory_space<vmem>> -> memref<128xi32, #tpu.memory_space<vmem>>
          %dma_start3A_105 = arith.constant 0 : i32
          %dma_start3A_106 = arith.constant 0 : i32
          %dma_start3A_107 = tpu.memref_slice %arg2[%dma_start3A_105, %dma_start3A_106] : memref<10240x128xf32, #tpu.memory_space<hbm>> -> memref<10240x128xf32, #tpu.memory_space<hbm>>
          tpu.enqueue_indirect_dma source(%dma_start3A_107 : memref<10240x128xf32, #tpu.memory_space<hbm>>) target(%arg8 : memref<128x128xf32, #tpu.memory_space<vmem>>) offsets(%dma_start3A_104 : memref<128xi32, #tpu.memory_space<vmem>>) semaphore(%arg11 : memref<!tpu.dma_semaphore, #tpu.memory_space<semaphore_mem>>)
        } else {
        }
        "tpu.region"() ({
          %run_scoped3A_100 = tpu.sem_alloc : memref<!tpu.dma_semaphore, #tpu.memory_space<semaphore_mem>>
          %dma_start3A_101 = arith.constant 0 : i32
          %dma_start3A_102 = tpu.memref_slice %arg7[%add3A_86, %dma_start3A_101] : memref<60x128xi32, #tpu.memory_space<vmem>> -> memref<1x128xi32, #tpu.memory_space<vmem>>
          %dma_start3A_103 = tpu.memref_squeeze %dma_start3A_102 : memref<1x128xi32, #tpu.memory_space<vmem>> -> memref<128xi32, #tpu.memory_space<vmem>>
          %dma_start3A_104 = arith.constant 0 : i32
          %dma_start3A_105 = arith.constant 0 : i32
          %dma_start3A_106 = tpu.memref_slice %arg10[%dma_start3A_104, %dma_start3A_105] : memref<10240x128xf32, #tpu.memory_space<vmem_shared>> -> memref<10240x128xf32, #tpu.memory_space<vmem_shared>>
          tpu.enqueue_indirect_dma source(%arg9 : memref<128x128xf32, #tpu.memory_space<vmem>>) target(%dma_start3A_106 : memref<10240x128xf32, #tpu.memory_space<vmem_shared>>) offsets(%dma_start3A_103 : memref<128xi32, #tpu.memory_space<vmem>>) semaphore(%run_scoped3A_100 : memref<!tpu.dma_semaphore, #tpu.memory_space<semaphore_mem>>) {add = true}
          %dma_wait3A_107 = arith.constant 0 : i32
          %dma_wait3A_108 = tpu.memref_slice %arg7[%add3A_86, %dma_wait3A_107] : memref<60x128xi32, #tpu.memory_space<vmem>> -> memref<1x128xi32, #tpu.memory_space<vmem>>
          %dma_wait3A_109 = tpu.memref_squeeze %dma_wait3A_108 : memref<1x128xi32, #tpu.memory_space<vmem>> -> memref<128xi32, #tpu.memory_space<vmem>>
          %dma_wait3A_110 = arith.constant 0 : i32
          %dma_wait3A_111 = arith.constant 0 : i32
          %dma_wait3A_112 = tpu.memref_slice %arg10[%dma_wait3A_110, %dma_wait3A_111] : memref<10240x128xf32, #tpu.memory_space<vmem_shared>> -> memref<10240x128xf32, #tpu.memory_space<vmem_shared>>
          tpu.wait_indirect_dma semaphore(%run_scoped3A_100 : memref<!tpu.dma_semaphore, #tpu.memory_space<semaphore_mem>>) src(%arg9 : memref<128x128xf32, #tpu.memory_space<vmem>>) dst(%dma_wait3A_112 : memref<10240x128xf32, #tpu.memory_space<vmem_shared>>)
          tpu.yield
        }) : () -> ()
      }
      %scan3A_66 = arith.constant 30 : i32
    } else {
    }
    %eq3A_30 = arith.constant 1 : i32
    %eq3A_31 = arith.cmpi eq, %arg0, %eq3A_30 : i32
    %convert_element_type3A_32 = arith.extui %eq3A_31 : i1 to i32
    %cond3A_33 = arith.constant 0 : i32
    %cond3A_34 = arith.cmpi ne, %convert_element_type3A_32, %cond3A_33 : i32
    scf.if %cond3A_34 {
      %scan3A_55 = arith.constant 0 : i32
      %scan3A_56 = arith.constant 0 : i32
      %scan3A_57 = arith.constant 20 : i32
      %scan3A_58 = arith.addi %scan3A_56, %scan3A_57 : i32
      %scan3A_59 = arith.constant 1 : i32
      scf.for %scan3A_61 = %scan3A_56 to %scan3A_58 step %scan3A_59  : i32 {
        %dma_start3A = arith.constant 0 : i32
        %dma_start3A_62 = tpu.memref_slice %arg6[%scan3A_61, %dma_start3A] : memref<60x128xi32, #tpu.memory_space<vmem>> -> memref<1x128xi32, #tpu.memory_space<vmem>>
        %dma_start3A_63 = tpu.memref_squeeze %dma_start3A_62 : memref<1x128xi32, #tpu.memory_space<vmem>> -> memref<128xi32, #tpu.memory_space<vmem>>
        %dma_start3A_64 = arith.constant 0 : i32
        %dma_start3A_65 = arith.constant 0 : i32
        %dma_start3A_66 = tpu.memref_slice %arg2[%dma_start3A_64, %dma_start3A_65] : memref<10240x128xf32, #tpu.memory_space<hbm>> -> memref<10240x128xf32, #tpu.memory_space<hbm>>
        tpu.enqueue_indirect_dma source(%dma_start3A_66 : memref<10240x128xf32, #tpu.memory_space<hbm>>) target(%arg8 : memref<128x128xf32, #tpu.memory_space<vmem>>) offsets(%dma_start3A_63 : memref<128xi32, #tpu.memory_space<vmem>>) semaphore(%arg11 : memref<!tpu.dma_semaphore, #tpu.memory_space<semaphore_mem>>)
        %dma_wait3A = arith.constant 0 : i32
        %dma_wait3A_67 = tpu.memref_slice %arg6[%scan3A_61, %dma_wait3A] : memref<60x128xi32, #tpu.memory_space<vmem>> -> memref<1x128xi32, #tpu.memory_space<vmem>>
        %dma_wait3A_68 = tpu.memref_squeeze %dma_wait3A_67 : memref<1x128xi32, #tpu.memory_space<vmem>> -> memref<128xi32, #tpu.memory_space<vmem>>
        %dma_wait3A_69 = arith.constant 0 : i32
        %dma_wait3A_70 = arith.constant 0 : i32
        %dma_wait3A_71 = tpu.memref_slice %arg2[%dma_wait3A_69, %dma_wait3A_70] : memref<10240x128xf32, #tpu.memory_space<hbm>> -> memref<10240x128xf32, #tpu.memory_space<hbm>>
        tpu.wait_indirect_dma semaphore(%arg11 : memref<!tpu.dma_semaphore, #tpu.memory_space<semaphore_mem>>) src(%dma_wait3A_71 : memref<10240x128xf32, #tpu.memory_space<hbm>>) dst(%arg8 : memref<128x128xf32, #tpu.memory_space<vmem>>)
        "tpu.region"() ({
          %run_scoped3A_72 = tpu.sem_alloc : memref<!tpu.dma_semaphore, #tpu.memory_space<semaphore_mem>>
          %dma_start3A_73 = arith.constant 0 : i32
          %dma_start3A_74 = tpu.memref_slice %arg7[%scan3A_61, %dma_start3A_73] : memref<60x128xi32, #tpu.memory_space<vmem>> -> memref<1x128xi32, #tpu.memory_space<vmem>>
          %dma_start3A_75 = tpu.memref_squeeze %dma_start3A_74 : memref<1x128xi32, #tpu.memory_space<vmem>> -> memref<128xi32, #tpu.memory_space<vmem>>
          %dma_start3A_76 = arith.constant 0 : i32
          %dma_start3A_77 = arith.constant 0 : i32
          %dma_start3A_78 = tpu.memref_slice %arg10[%dma_start3A_76, %dma_start3A_77] : memref<10240x128xf32, #tpu.memory_space<vmem_shared>> -> memref<10240x128xf32, #tpu.memory_space<vmem_shared>>
          tpu.enqueue_indirect_dma source(%arg8 : memref<128x128xf32, #tpu.memory_space<vmem>>) target(%dma_start3A_78 : memref<10240x128xf32, #tpu.memory_space<vmem_shared>>) offsets(%dma_start3A_75 : memref<128xi32, #tpu.memory_space<vmem>>) semaphore(%run_scoped3A_72 : memref<!tpu.dma_semaphore, #tpu.memory_space<semaphore_mem>>) {add = true}
          %dma_wait3A_79 = arith.constant 0 : i32
          %dma_wait3A_80 = tpu.memref_slice %arg7[%scan3A_61, %dma_wait3A_79] : memref<60x128xi32, #tpu.memory_space<vmem>> -> memref<1x128xi32, #tpu.memory_space<vmem>>
          %dma_wait3A_81 = tpu.memref_squeeze %dma_wait3A_80 : memref<1x128xi32, #tpu.memory_space<vmem>> -> memref<128xi32, #tpu.memory_space<vmem>>
          %dma_wait3A_82 = arith.constant 0 : i32
          %dma_wait3A_83 = arith.constant 0 : i32
          %dma_wait3A_84 = tpu.memref_slice %arg10[%dma_wait3A_82, %dma_wait3A_83] : memref<10240x128xf32, #tpu.memory_space<vmem_shared>> -> memref<10240x128xf32, #tpu.memory_space<vmem_shared>>
          tpu.wait_indirect_dma semaphore(%run_scoped3A_72 : memref<!tpu.dma_semaphore, #tpu.memory_space<semaphore_mem>>) src(%arg8 : memref<128x128xf32, #tpu.memory_space<vmem>>) dst(%dma_wait3A_84 : memref<10240x128xf32, #tpu.memory_space<vmem_shared>>)
          tpu.yield
        }) : () -> ()
      }
      %scan3A_60 = arith.constant 20 : i32
    } else {
    }
    %run_scoped3A_35 = arith.constant 1 : i32
    "tpu.region"() ({
      %run_scoped3A_55 = tpu.sem_alloc : memref<!tpu.dma_semaphore, #tpu.memory_space<semaphore_mem>>
      %dma_start3A = arith.constant 0 : i32
      %dma_start3A_56 = arith.constant 0 : i32
      %dma_start3A_57 = tpu.memref_slice %arg3[%add3A, %run_scoped3A_35, %dma_start3A, %dma_start3A_56] : memref<32x2x60x128xi32, #tpu.memory_space<hbm>> -> memref<1x1x60x128xi32, #tpu.memory_space<hbm>>
      %dma_start3A_58 = tpu.memref_squeeze %dma_start3A_57 : memref<1x1x60x128xi32, #tpu.memory_space<hbm>> -> memref<60x128xi32, #tpu.memory_space<hbm>>
      %dma_start3A_59 = arith.constant 0 : i32
      %dma_start3A_60 = arith.constant 0 : i32
      %dma_start3A_61 = tpu.memref_slice %arg3[%add3A, %run_scoped3A_35, %dma_start3A_59, %dma_start3A_60] : memref<32x2x60x128xi32, #tpu.memory_space<hbm>> -> memref<1x1x60x128xi32, #tpu.memory_space<hbm>>
      %dma_start3A_62 = tpu.memref_squeeze %dma_start3A_61 : memref<1x1x60x128xi32, #tpu.memory_space<hbm>> -> memref<60x128xi32, #tpu.memory_space<hbm>>
      tpu.enqueue_dma source(%dma_start3A_62 : memref<60x128xi32, #tpu.memory_space<hbm>>) target(%arg6 : memref<60x128xi32, #tpu.memory_space<vmem>>) target_semaphore(%run_scoped3A_55 : memref<!tpu.dma_semaphore, #tpu.memory_space<semaphore_mem>>)
      %dma_wait3A = arith.constant 0 : i32
      %dma_wait3A_63 = arith.constant 0 : i32
      %dma_wait3A_64 = tpu.memref_slice %arg3[%add3A, %run_scoped3A_35, %dma_wait3A, %dma_wait3A_63] : memref<32x2x60x128xi32, #tpu.memory_space<hbm>> -> memref<1x1x60x128xi32, #tpu.memory_space<hbm>>
      %dma_wait3A_65 = tpu.memref_squeeze %dma_wait3A_64 : memref<1x1x60x128xi32, #tpu.memory_space<hbm>> -> memref<60x128xi32, #tpu.memory_space<hbm>>
      %dma_wait3A_66 = arith.constant 0 : i32
      %dma_wait3A_67 = arith.constant 0 : i32
      %dma_wait3A_68 = tpu.memref_slice %arg3[%add3A, %run_scoped3A_35, %dma_wait3A_66, %dma_wait3A_67] : memref<32x2x60x128xi32, #tpu.memory_space<hbm>> -> memref<1x1x60x128xi32, #tpu.memory_space<hbm>>
      %dma_wait3A_69 = tpu.memref_squeeze %dma_wait3A_68 : memref<1x1x60x128xi32, #tpu.memory_space<hbm>> -> memref<60x128xi32, #tpu.memory_space<hbm>>
      tpu.wait_dma2 semaphore(%run_scoped3A_55 : memref<!tpu.dma_semaphore, #tpu.memory_space<semaphore_mem>>) src(%dma_wait3A_69 : memref<60x128xi32, #tpu.memory_space<hbm>>) dst(%arg6 : memref<60x128xi32, #tpu.memory_space<vmem>>)
      tpu.yield
    }) : () -> ()
    %run_scoped3A_36 = arith.constant 1 : i32
    "tpu.region"() ({
      %run_scoped3A_55 = tpu.sem_alloc : memref<!tpu.dma_semaphore, #tpu.memory_space<semaphore_mem>>
      %dma_start3A = arith.constant 0 : i32
      %dma_start3A_56 = arith.constant 0 : i32
      %dma_start3A_57 = tpu.memref_slice %arg4[%add3A, %run_scoped3A_36, %dma_start3A, %dma_start3A_56] : memref<32x2x60x128xi32, #tpu.memory_space<hbm>> -> memref<1x1x60x128xi32, #tpu.memory_space<hbm>>
      %dma_start3A_58 = tpu.memref_squeeze %dma_start3A_57 : memref<1x1x60x128xi32, #tpu.memory_space<hbm>> -> memref<60x128xi32, #tpu.memory_space<hbm>>
      %dma_start3A_59 = arith.constant 0 : i32
      %dma_start3A_60 = arith.constant 0 : i32
      %dma_start3A_61 = tpu.memref_slice %arg4[%add3A, %run_scoped3A_36, %dma_start3A_59, %dma_start3A_60] : memref<32x2x60x128xi32, #tpu.memory_space<hbm>> -> memref<1x1x60x128xi32, #tpu.memory_space<hbm>>
      %dma_start3A_62 = tpu.memref_squeeze %dma_start3A_61 : memref<1x1x60x128xi32, #tpu.memory_space<hbm>> -> memref<60x128xi32, #tpu.memory_space<hbm>>
      tpu.enqueue_dma source(%dma_start3A_62 : memref<60x128xi32, #tpu.memory_space<hbm>>) target(%arg7 : memref<60x128xi32, #tpu.memory_space<vmem>>) target_semaphore(%run_scoped3A_55 : memref<!tpu.dma_semaphore, #tpu.memory_space<semaphore_mem>>)
      %dma_wait3A = arith.constant 0 : i32
      %dma_wait3A_63 = arith.constant 0 : i32
      %dma_wait3A_64 = tpu.memref_slice %arg4[%add3A, %run_scoped3A_36, %dma_wait3A, %dma_wait3A_63] : memref<32x2x60x128xi32, #tpu.memory_space<hbm>> -> memref<1x1x60x128xi32, #tpu.memory_space<hbm>>
      %dma_wait3A_65 = tpu.memref_squeeze %dma_wait3A_64 : memref<1x1x60x128xi32, #tpu.memory_space<hbm>> -> memref<60x128xi32, #tpu.memory_space<hbm>>
      %dma_wait3A_66 = arith.constant 0 : i32
      %dma_wait3A_67 = arith.constant 0 : i32
      %dma_wait3A_68 = tpu.memref_slice %arg4[%add3A, %run_scoped3A_36, %dma_wait3A_66, %dma_wait3A_67] : memref<32x2x60x128xi32, #tpu.memory_space<hbm>> -> memref<1x1x60x128xi32, #tpu.memory_space<hbm>>
      %dma_wait3A_69 = tpu.memref_squeeze %dma_wait3A_68 : memref<1x1x60x128xi32, #tpu.memory_space<hbm>> -> memref<60x128xi32, #tpu.memory_space<hbm>>
      tpu.wait_dma2 semaphore(%run_scoped3A_55 : memref<!tpu.dma_semaphore, #tpu.memory_space<semaphore_mem>>) src(%dma_wait3A_69 : memref<60x128xi32, #tpu.memory_space<hbm>>) dst(%arg7 : memref<60x128xi32, #tpu.memory_space<vmem>>)
      tpu.yield
    }) : () -> ()
    %eq3A_37 = arith.constant 0 : i32
    %eq3A_38 = arith.cmpi eq, %arg0, %eq3A_37 : i32
    %convert_element_type3A_39 = arith.extui %eq3A_38 : i1 to i32
    %cond3A_40 = arith.constant 0 : i32
    %cond3A_41 = arith.cmpi ne, %convert_element_type3A_39, %cond3A_40 : i32
    scf.if %cond3A_41 {
      %dma_start3A = arith.constant 0 : i32
      %dma_start3A_55 = arith.constant 0 : i32
      %dma_start3A_56 = tpu.memref_slice %arg6[%dma_start3A, %dma_start3A_55] : memref<60x128xi32, #tpu.memory_space<vmem>> -> memref<1x128xi32, #tpu.memory_space<vmem>>
      %dma_start3A_57 = tpu.memref_squeeze %dma_start3A_56 : memref<1x128xi32, #tpu.memory_space<vmem>> -> memref<128xi32, #tpu.memory_space<vmem>>
      %dma_start3A_58 = arith.constant 0 : i32
      %dma_start3A_59 = arith.constant 0 : i32
      %dma_start3A_60 = tpu.memref_slice %arg2[%dma_start3A_58, %dma_start3A_59] : memref<10240x128xf32, #tpu.memory_space<hbm>> -> memref<10240x128xf32, #tpu.memory_space<hbm>>
      tpu.enqueue_indirect_dma source(%dma_start3A_60 : memref<10240x128xf32, #tpu.memory_space<hbm>>) target(%arg8 : memref<128x128xf32, #tpu.memory_space<vmem>>) offsets(%dma_start3A_57 : memref<128xi32, #tpu.memory_space<vmem>>) semaphore(%arg11 : memref<!tpu.dma_semaphore, #tpu.memory_space<semaphore_mem>>)
      %scan3A_61 = arith.constant 0 : i32
      %scan3A_62 = arith.constant 0 : i32
      %scan3A_63 = arith.constant 30 : i32
      %scan3A_64 = arith.addi %scan3A_62, %scan3A_63 : i32
      %scan3A_65 = arith.constant 1 : i32
      scf.for %scan3A_67 = %scan3A_62 to %scan3A_64 step %scan3A_65  : i32 {
        %mul3A_68 = arith.constant 2 : i32
        %mul3A_69 = arith.muli %scan3A_67, %mul3A_68 : i32
        %add3A_70 = arith.constant 0 : i32
        %add3A_71 = arith.addi %mul3A_69, %add3A_70 : i32
        %dma_wait3A = arith.constant 0 : i32
        %dma_wait3A_72 = tpu.memref_slice %arg6[%add3A_71, %dma_wait3A] : memref<60x128xi32, #tpu.memory_space<vmem>> -> memref<1x128xi32, #tpu.memory_space<vmem>>
        %dma_wait3A_73 = tpu.memref_squeeze %dma_wait3A_72 : memref<1x128xi32, #tpu.memory_space<vmem>> -> memref<128xi32, #tpu.memory_space<vmem>>
        %dma_wait3A_74 = arith.constant 0 : i32
        %dma_wait3A_75 = arith.constant 0 : i32
        %dma_wait3A_76 = tpu.memref_slice %arg2[%dma_wait3A_74, %dma_wait3A_75] : memref<10240x128xf32, #tpu.memory_space<hbm>> -> memref<10240x128xf32, #tpu.memory_space<hbm>>
        tpu.wait_indirect_dma semaphore(%arg11 : memref<!tpu.dma_semaphore, #tpu.memory_space<semaphore_mem>>) src(%dma_wait3A_76 : memref<10240x128xf32, #tpu.memory_space<hbm>>) dst(%arg8 : memref<128x128xf32, #tpu.memory_space<vmem>>)
        %add3A_77 = arith.constant 1 : i32
        %add3A_78 = arith.addi %add3A_71, %add3A_77 : i32
        %lt3A = arith.constant 60 : i32
        %lt3A_79 = arith.cmpi slt, %add3A_78, %lt3A : i32
        %convert_element_type3A_80 = arith.extui %lt3A_79 : i1 to i32
        %cond3A_81 = arith.constant 0 : i32
        %cond3A_82 = arith.cmpi ne, %convert_element_type3A_80, %cond3A_81 : i32
        scf.if %cond3A_82 {
          %add3A_100 = arith.constant 1 : i32
          %add3A_101 = arith.addi %add3A_71, %add3A_100 : i32
          %dma_start3A_102 = arith.constant 0 : i32
          %dma_start3A_103 = tpu.memref_slice %arg6[%add3A_101, %dma_start3A_102] : memref<60x128xi32, #tpu.memory_space<vmem>> -> memref<1x128xi32, #tpu.memory_space<vmem>>
          %dma_start3A_104 = tpu.memref_squeeze %dma_start3A_103 : memref<1x128xi32, #tpu.memory_space<vmem>> -> memref<128xi32, #tpu.memory_space<vmem>>
          %dma_start3A_105 = arith.constant 0 : i32
          %dma_start3A_106 = arith.constant 0 : i32
          %dma_start3A_107 = tpu.memref_slice %arg2[%dma_start3A_105, %dma_start3A_106] : memref<10240x128xf32, #tpu.memory_space<hbm>> -> memref<10240x128xf32, #tpu.memory_space<hbm>>
          tpu.enqueue_indirect_dma source(%dma_start3A_107 : memref<10240x128xf32, #tpu.memory_space<hbm>>) target(%arg9 : memref<128x128xf32, #tpu.memory_space<vmem>>) offsets(%dma_start3A_104 : memref<128xi32, #tpu.memory_space<vmem>>) semaphore(%arg12 : memref<!tpu.dma_semaphore, #tpu.memory_space<semaphore_mem>>)
        } else {
        }
        "tpu.region"() ({
          %run_scoped3A_100 = tpu.sem_alloc : memref<!tpu.dma_semaphore, #tpu.memory_space<semaphore_mem>>
          %dma_start3A_101 = arith.constant 0 : i32
          %dma_start3A_102 = tpu.memref_slice %arg7[%add3A_71, %dma_start3A_101] : memref<60x128xi32, #tpu.memory_space<vmem>> -> memref<1x128xi32, #tpu.memory_space<vmem>>
          %dma_start3A_103 = tpu.memref_squeeze %dma_start3A_102 : memref<1x128xi32, #tpu.memory_space<vmem>> -> memref<128xi32, #tpu.memory_space<vmem>>
          %dma_start3A_104 = arith.constant 0 : i32
          %dma_start3A_105 = arith.constant 0 : i32
          %dma_start3A_106 = tpu.memref_slice %arg10[%dma_start3A_104, %dma_start3A_105] : memref<10240x128xf32, #tpu.memory_space<vmem_shared>> -> memref<10240x128xf32, #tpu.memory_space<vmem_shared>>
          tpu.enqueue_indirect_dma source(%arg8 : memref<128x128xf32, #tpu.memory_space<vmem>>) target(%dma_start3A_106 : memref<10240x128xf32, #tpu.memory_space<vmem_shared>>) offsets(%dma_start3A_103 : memref<128xi32, #tpu.memory_space<vmem>>) semaphore(%run_scoped3A_100 : memref<!tpu.dma_semaphore, #tpu.memory_space<semaphore_mem>>) {add = true}
          %dma_wait3A_107 = arith.constant 0 : i32
          %dma_wait3A_108 = tpu.memref_slice %arg7[%add3A_71, %dma_wait3A_107] : memref<60x128xi32, #tpu.memory_space<vmem>> -> memref<1x128xi32, #tpu.memory_space<vmem>>
          %dma_wait3A_109 = tpu.memref_squeeze %dma_wait3A_108 : memref<1x128xi32, #tpu.memory_space<vmem>> -> memref<128xi32, #tpu.memory_space<vmem>>
          %dma_wait3A_110 = arith.constant 0 : i32
          %dma_wait3A_111 = arith.constant 0 : i32
          %dma_wait3A_112 = tpu.memref_slice %arg10[%dma_wait3A_110, %dma_wait3A_111] : memref<10240x128xf32, #tpu.memory_space<vmem_shared>> -> memref<10240x128xf32, #tpu.memory_space<vmem_shared>>
          tpu.wait_indirect_dma semaphore(%run_scoped3A_100 : memref<!tpu.dma_semaphore, #tpu.memory_space<semaphore_mem>>) src(%arg8 : memref<128x128xf32, #tpu.memory_space<vmem>>) dst(%dma_wait3A_112 : memref<10240x128xf32, #tpu.memory_space<vmem_shared>>)
          tpu.yield
        }) : () -> ()
        %mul3A_83 = arith.constant 2 : i32
        %mul3A_84 = arith.muli %scan3A_67, %mul3A_83 : i32
        %add3A_85 = arith.constant 1 : i32
        %add3A_86 = arith.addi %mul3A_84, %add3A_85 : i32
        %dma_wait3A_87 = arith.constant 0 : i32
        %dma_wait3A_88 = tpu.memref_slice %arg6[%add3A_86, %dma_wait3A_87] : memref<60x128xi32, #tpu.memory_space<vmem>> -> memref<1x128xi32, #tpu.memory_space<vmem>>
        %dma_wait3A_89 = tpu.memref_squeeze %dma_wait3A_88 : memref<1x128xi32, #tpu.memory_space<vmem>> -> memref<128xi32, #tpu.memory_space<vmem>>
        %dma_wait3A_90 = arith.constant 0 : i32
        %dma_wait3A_91 = arith.constant 0 : i32
        %dma_wait3A_92 = tpu.memref_slice %arg2[%dma_wait3A_90, %dma_wait3A_91] : memref<10240x128xf32, #tpu.memory_space<hbm>> -> memref<10240x128xf32, #tpu.memory_space<hbm>>
        tpu.wait_indirect_dma semaphore(%arg12 : memref<!tpu.dma_semaphore, #tpu.memory_space<semaphore_mem>>) src(%dma_wait3A_92 : memref<10240x128xf32, #tpu.memory_space<hbm>>) dst(%arg9 : memref<128x128xf32, #tpu.memory_space<vmem>>)
        %add3A_93 = arith.constant 1 : i32
        %add3A_94 = arith.addi %add3A_86, %add3A_93 : i32
        %lt3A_95 = arith.constant 60 : i32
        %lt3A_96 = arith.cmpi slt, %add3A_94, %lt3A_95 : i32
        %convert_element_type3A_97 = arith.extui %lt3A_96 : i1 to i32
        %cond3A_98 = arith.constant 0 : i32
        %cond3A_99 = arith.cmpi ne, %convert_element_type3A_97, %cond3A_98 : i32
        scf.if %cond3A_99 {
          %add3A_100 = arith.constant 1 : i32
          %add3A_101 = arith.addi %add3A_86, %add3A_100 : i32
          %dma_start3A_102 = arith.constant 0 : i32
          %dma_start3A_103 = tpu.memref_slice %arg6[%add3A_101, %dma_start3A_102] : memref<60x128xi32, #tpu.memory_space<vmem>> -> memref<1x128xi32, #tpu.memory_space<vmem>>
          %dma_start3A_104 = tpu.memref_squeeze %dma_start3A_103 : memref<1x128xi32, #tpu.memory_space<vmem>> -> memref<128xi32, #tpu.memory_space<vmem>>
          %dma_start3A_105 = arith.constant 0 : i32
          %dma_start3A_106 = arith.constant 0 : i32
          %dma_start3A_107 = tpu.memref_slice %arg2[%dma_start3A_105, %dma_start3A_106] : memref<10240x128xf32, #tpu.memory_space<hbm>> -> memref<10240x128xf32, #tpu.memory_space<hbm>>
          tpu.enqueue_indirect_dma source(%dma_start3A_107 : memref<10240x128xf32, #tpu.memory_space<hbm>>) target(%arg8 : memref<128x128xf32, #tpu.memory_space<vmem>>) offsets(%dma_start3A_104 : memref<128xi32, #tpu.memory_space<vmem>>) semaphore(%arg11 : memref<!tpu.dma_semaphore, #tpu.memory_space<semaphore_mem>>)
        } else {
        }
        "tpu.region"() ({
          %run_scoped3A_100 = tpu.sem_alloc : memref<!tpu.dma_semaphore, #tpu.memory_space<semaphore_mem>>
          %dma_start3A_101 = arith.constant 0 : i32
          %dma_start3A_102 = tpu.memref_slice %arg7[%add3A_86, %dma_start3A_101] : memref<60x128xi32, #tpu.memory_space<vmem>> -> memref<1x128xi32, #tpu.memory_space<vmem>>
          %dma_start3A_103 = tpu.memref_squeeze %dma_start3A_102 : memref<1x128xi32, #tpu.memory_space<vmem>> -> memref<128xi32, #tpu.memory_space<vmem>>
          %dma_start3A_104 = arith.constant 0 : i32
          %dma_start3A_105 = arith.constant 0 : i32
          %dma_start3A_106 = tpu.memref_slice %arg10[%dma_start3A_104, %dma_start3A_105] : memref<10240x128xf32, #tpu.memory_space<vmem_shared>> -> memref<10240x128xf32, #tpu.memory_space<vmem_shared>>
          tpu.enqueue_indirect_dma source(%arg9 : memref<128x128xf32, #tpu.memory_space<vmem>>) target(%dma_start3A_106 : memref<10240x128xf32, #tpu.memory_space<vmem_shared>>) offsets(%dma_start3A_103 : memref<128xi32, #tpu.memory_space<vmem>>) semaphore(%run_scoped3A_100 : memref<!tpu.dma_semaphore, #tpu.memory_space<semaphore_mem>>) {add = true}
          %dma_wait3A_107 = arith.constant 0 : i32
          %dma_wait3A_108 = tpu.memref_slice %arg7[%add3A_86, %dma_wait3A_107] : memref<60x128xi32, #tpu.memory_space<vmem>> -> memref<1x128xi32, #tpu.memory_space<vmem>>
          %dma_wait3A_109 = tpu.memref_squeeze %dma_wait3A_108 : memref<1x128xi32, #tpu.memory_space<vmem>> -> memref<128xi32, #tpu.memory_space<vmem>>
          %dma_wait3A_110 = arith.constant 0 : i32
          %dma_wait3A_111 = arith.constant 0 : i32
          %dma_wait3A_112 = tpu.memref_slice %arg10[%dma_wait3A_110, %dma_wait3A_111] : memref<10240x128xf32, #tpu.memory_space<vmem_shared>> -> memref<10240x128xf32, #tpu.memory_space<vmem_shared>>
          tpu.wait_indirect_dma semaphore(%run_scoped3A_100 : memref<!tpu.dma_semaphore, #tpu.memory_space<semaphore_mem>>) src(%arg9 : memref<128x128xf32, #tpu.memory_space<vmem>>) dst(%dma_wait3A_112 : memref<10240x128xf32, #tpu.memory_space<vmem_shared>>)
          tpu.yield
        }) : () -> ()
      }
      %scan3A_66 = arith.constant 30 : i32
    } else {
    }
    %eq3A_42 = arith.constant 1 : i32
    %eq3A_43 = arith.cmpi eq, %arg0, %eq3A_42 : i32
    %convert_element_type3A_44 = arith.extui %eq3A_43 : i1 to i32
    %cond3A_45 = arith.constant 0 : i32
    %cond3A_46 = arith.cmpi ne, %convert_element_type3A_44, %cond3A_45 : i32
    scf.if %cond3A_46 {
      %scan3A_55 = arith.constant 0 : i32
      %scan3A_56 = arith.constant 0 : i32
      %scan3A_57 = arith.constant 20 : i32
      %scan3A_58 = arith.addi %scan3A_56, %scan3A_57 : i32
      %scan3A_59 = arith.constant 1 : i32
      scf.for %scan3A_61 = %scan3A_56 to %scan3A_58 step %scan3A_59  : i32 {
        %dma_start3A = arith.constant 0 : i32
        %dma_start3A_62 = tpu.memref_slice %arg6[%scan3A_61, %dma_start3A] : memref<60x128xi32, #tpu.memory_space<vmem>> -> memref<1x128xi32, #tpu.memory_space<vmem>>
        %dma_start3A_63 = tpu.memref_squeeze %dma_start3A_62 : memref<1x128xi32, #tpu.memory_space<vmem>> -> memref<128xi32, #tpu.memory_space<vmem>>
        %dma_start3A_64 = arith.constant 0 : i32
        %dma_start3A_65 = arith.constant 0 : i32
        %dma_start3A_66 = tpu.memref_slice %arg2[%dma_start3A_64, %dma_start3A_65] : memref<10240x128xf32, #tpu.memory_space<hbm>> -> memref<10240x128xf32, #tpu.memory_space<hbm>>
        tpu.enqueue_indirect_dma source(%dma_start3A_66 : memref<10240x128xf32, #tpu.memory_space<hbm>>) target(%arg8 : memref<128x128xf32, #tpu.memory_space<vmem>>) offsets(%dma_start3A_63 : memref<128xi32, #tpu.memory_space<vmem>>) semaphore(%arg11 : memref<!tpu.dma_semaphore, #tpu.memory_space<semaphore_mem>>)
        %dma_wait3A = arith.constant 0 : i32
        %dma_wait3A_67 = tpu.memref_slice %arg6[%scan3A_61, %dma_wait3A] : memref<60x128xi32, #tpu.memory_space<vmem>> -> memref<1x128xi32, #tpu.memory_space<vmem>>
        %dma_wait3A_68 = tpu.memref_squeeze %dma_wait3A_67 : memref<1x128xi32, #tpu.memory_space<vmem>> -> memref<128xi32, #tpu.memory_space<vmem>>
        %dma_wait3A_69 = arith.constant 0 : i32
        %dma_wait3A_70 = arith.constant 0 : i32
        %dma_wait3A_71 = tpu.memref_slice %arg2[%dma_wait3A_69, %dma_wait3A_70] : memref<10240x128xf32, #tpu.memory_space<hbm>> -> memref<10240x128xf32, #tpu.memory_space<hbm>>
        tpu.wait_indirect_dma semaphore(%arg11 : memref<!tpu.dma_semaphore, #tpu.memory_space<semaphore_mem>>) src(%dma_wait3A_71 : memref<10240x128xf32, #tpu.memory_space<hbm>>) dst(%arg8 : memref<128x128xf32, #tpu.memory_space<vmem>>)
        "tpu.region"() ({
          %run_scoped3A_72 = tpu.sem_alloc : memref<!tpu.dma_semaphore, #tpu.memory_space<semaphore_mem>>
          %dma_start3A_73 = arith.constant 0 : i32
          %dma_start3A_74 = tpu.memref_slice %arg7[%scan3A_61, %dma_start3A_73] : memref<60x128xi32, #tpu.memory_space<vmem>> -> memref<1x128xi32, #tpu.memory_space<vmem>>
          %dma_start3A_75 = tpu.memref_squeeze %dma_start3A_74 : memref<1x128xi32, #tpu.memory_space<vmem>> -> memref<128xi32, #tpu.memory_space<vmem>>
          %dma_start3A_76 = arith.constant 0 : i32
          %dma_start3A_77 = arith.constant 0 : i32
          %dma_start3A_78 = tpu.memref_slice %arg10[%dma_start3A_76, %dma_start3A_77] : memref<10240x128xf32, #tpu.memory_space<vmem_shared>> -> memref<10240x128xf32, #tpu.memory_space<vmem_shared>>
          tpu.enqueue_indirect_dma source(%arg8 : memref<128x128xf32, #tpu.memory_space<vmem>>) target(%dma_start3A_78 : memref<10240x128xf32, #tpu.memory_space<vmem_shared>>) offsets(%dma_start3A_75 : memref<128xi32, #tpu.memory_space<vmem>>) semaphore(%run_scoped3A_72 : memref<!tpu.dma_semaphore, #tpu.memory_space<semaphore_mem>>) {add = true}
          %dma_wait3A_79 = arith.constant 0 : i32
          %dma_wait3A_80 = tpu.memref_slice %arg7[%scan3A_61, %dma_wait3A_79] : memref<60x128xi32, #tpu.memory_space<vmem>> -> memref<1x128xi32, #tpu.memory_space<vmem>>
          %dma_wait3A_81 = tpu.memref_squeeze %dma_wait3A_80 : memref<1x128xi32, #tpu.memory_space<vmem>> -> memref<128xi32, #tpu.memory_space<vmem>>
          %dma_wait3A_82 = arith.constant 0 : i32
          %dma_wait3A_83 = arith.constant 0 : i32
          %dma_wait3A_84 = tpu.memref_slice %arg10[%dma_wait3A_82, %dma_wait3A_83] : memref<10240x128xf32, #tpu.memory_space<vmem_shared>> -> memref<10240x128xf32, #tpu.memory_space<vmem_shared>>
          tpu.wait_indirect_dma semaphore(%run_scoped3A_72 : memref<!tpu.dma_semaphore, #tpu.memory_space<semaphore_mem>>) src(%arg8 : memref<128x128xf32, #tpu.memory_space<vmem>>) dst(%dma_wait3A_84 : memref<10240x128xf32, #tpu.memory_space<vmem_shared>>)
          tpu.yield
        }) : () -> ()
      }
      %scan3A_60 = arith.constant 20 : i32
    } else {
    }
    %barrier3A_47 = arith.constant 0 : index
    tpu.barrier barrier_id(%barrier3A_47)
    %mul3A_48 = arith.constant 640 : i32
    %mul3A_49 = arith.muli %arg1, %mul3A_48 : i32
    %mul3A_50 = arith.constant 10240 : i32
    %mul3A_51 = arith.muli %arg0, %mul3A_50 : i32
    %mul3A_52 = arith.constant 640 : i32
    %mul3A_53 = arith.muli %arg1, %mul3A_52 : i32
    %add3A_54 = arith.addi %mul3A_51, %mul3A_53 : i32
    "tpu.region"() ({
      %run_scoped3A_55 = tpu.sem_alloc : memref<!tpu.dma_semaphore, #tpu.memory_space<semaphore_mem>>
      %dma_start3A = arith.constant 0 : i32
      %dma_start3A_56 = tpu.memref_slice %arg5[%add3A_54, %dma_start3A] : memref<20480x128xf32, #tpu.memory_space<hbm>> -> memref<640x128xf32, #tpu.memory_space<hbm>>
      %dma_start3A_57 = arith.constant 0 : i32
      %dma_start3A_58 = tpu.memref_slice %arg10[%mul3A_49, %dma_start3A_57] : memref<10240x128xf32, #tpu.memory_space<vmem_shared>> -> memref<640x128xf32, #tpu.memory_space<vmem_shared>>
      tpu.enqueue_dma source(%dma_start3A_58 : memref<640x128xf32, #tpu.memory_space<vmem_shared>>) target(%dma_start3A_56 : memref<640x128xf32, #tpu.memory_space<hbm>>) target_semaphore(%run_scoped3A_55 : memref<!tpu.dma_semaphore, #tpu.memory_space<semaphore_mem>>)
      %dma_wait3A = arith.constant 0 : i32
      %dma_wait3A_59 = tpu.memref_slice %arg5[%add3A_54, %dma_wait3A] : memref<20480x128xf32, #tpu.memory_space<hbm>> -> memref<640x128xf32, #tpu.memory_space<hbm>>
      %dma_wait3A_60 = arith.constant 0 : i32
      %dma_wait3A_61 = tpu.memref_slice %arg10[%mul3A_49, %dma_wait3A_60] : memref<10240x128xf32, #tpu.memory_space<vmem_shared>> -> memref<640x128xf32, #tpu.memory_space<vmem_shared>>
      tpu.wait_dma2 semaphore(%run_scoped3A_55 : memref<!tpu.dma_semaphore, #tpu.memory_space<semaphore_mem>>) src(%dma_wait3A_61 : memref<640x128xf32, #tpu.memory_space<vmem_shared>>) dst(%dma_wait3A_59 : memref<640x128xf32, #tpu.memory_space<hbm>>)
      tpu.yield
    }) : () -> ()
    return
  }
}

#map = affine_map<(d0, d1) -> (0, 0)>
#map1 = affine_map<(d0, d1) -> (0, 0, 0, 0)>
module attributes {stable_mosaic.version = 14 : i64} {
  func.func @_sc_scatter(%arg0: i32, %arg1: i32, %arg2: memref<10240x128xf32, #tpu.memory_space<hbm>>, %arg3: memref<32x2x60x128xi32, #tpu.memory_space<hbm>>, %arg4: memref<32x2x60x128xi32, #tpu.memory_space<hbm>>, %arg5: memref<20480x128xf32, #tpu.memory_space<hbm>>, %arg6: memref<60x128xi32, #tpu.memory_space<vmem>>, %arg7: memref<60x128xi32, #tpu.memory_space<vmem>>, %arg8: memref<128x128xf32, #tpu.memory_space<vmem>>, %arg9: memref<128x128xf32, #tpu.memory_space<vmem>>, %arg10: memref<10240x128xf32, #tpu.memory_space<vmem_shared>>, %arg11: memref<!tpu.dma_semaphore, #tpu.memory_space<semaphore_mem>>, %arg12: memref<!tpu.dma_semaphore, #tpu.memory_space<semaphore_mem>>) attributes {dimension_semantics = [#tpu.dimension_semantics<core_parallel>, #tpu.dimension_semantics<subcore_parallel>], iteration_bounds = array<i64: 2, 16>, scalar_prefetch = 0 : i64, scratch_operands = 7 : i64, tpu.core_type = #tpu.core_type<sc_vector_subcore>, window_params = [{transform_indices = #map}, {transform_indices = #map1}, {transform_indices = #map1}, {transform_indices = #map}]} {
    %mul3A = arith.constant 2 : i32
    %mul3A_0 = arith.muli %arg1, %mul3A : i32
    %add3A = arith.addi %mul3A_0, %arg0 : i32
    %broadcast_in_dim3A = arith.constant 0.000000e+00 : f32
    %broadcast_in_dim3A_1 = vector.broadcast %broadcast_in_dim3A : f32 to vector<16xf32>
    %scan3A = arith.constant 0 : i32
    %scan3A_2 = arith.constant 0 : i32
    %scan3A_3 = arith.constant 128 : i32
    %scan3A_4 = arith.addi %scan3A_2, %scan3A_3 : i32
    %scan3A_5 = arith.constant 1 : i32
    scf.for %scan3A_55 = %scan3A_2 to %scan3A_4 step %scan3A_5  : i32 {
      %swap3A = arith.index_cast %scan3A_55 : i32 to index
      %swap3A_56 = arith.constant 0 : index
      %swap3A_57 = tpu.vector_load %arg8[%swap3A, %swap3A_56] {strides = array<i32>} : memref<128x128xf32, #tpu.memory_space<vmem>>, vector<1x16xf32>,
      %swap3A_58 = vector.shape_cast %swap3A_57 : vector<1x16xf32> to vector<16xf32>
      %swap3A_59 = vector.shape_cast %broadcast_in_dim3A_1 : vector<16xf32> to vector<1x16xf32>
      tpu.vector_store %arg8[%swap3A, %swap3A_56], %swap3A_59 {strides = array<i32>} : memref<128x128xf32, #tpu.memory_space<vmem>>, vector<1x16xf32>,
      %swap3A_60 = arith.index_cast %scan3A_55 : i32 to index
      %swap3A_61 = arith.constant 16 : index
      %swap3A_62 = tpu.vector_load %arg8[%swap3A_60, %swap3A_61] {strides = array<i32>} : memref<128x128xf32, #tpu.memory_space<vmem>>, vector<1x16xf32>,
      %swap3A_63 = vector.shape_cast %swap3A_62 : vector<1x16xf32> to vector<16xf32>
      %swap3A_64 = vector.shape_cast %broadcast_in_dim3A_1 : vector<16xf32> to vector<1x16xf32>
      tpu.vector_store %arg8[%swap3A_60, %swap3A_61], %swap3A_64 {strides = array<i32>} : memref<128x128xf32, #tpu.memory_space<vmem>>, vector<1x16xf32>,
      %swap3A_65 = arith.index_cast %scan3A_55 : i32 to index
      %swap3A_66 = arith.constant 32 : index
      %swap3A_67 = tpu.vector_load %arg8[%swap3A_65, %swap3A_66] {strides = array<i32>} : memref<128x128xf32, #tpu.memory_space<vmem>>, vector<1x16xf32>,
      %swap3A_68 = vector.shape_cast %swap3A_67 : vector<1x16xf32> to vector<16xf32>
      %swap3A_69 = vector.shape_cast %broadcast_in_dim3A_1 : vector<16xf32> to vector<1x16xf32>
      tpu.vector_store %arg8[%swap3A_65, %swap3A_66], %swap3A_69 {strides = array<i32>} : memref<128x128xf32, #tpu.memory_space<vmem>>, vector<1x16xf32>,
      %swap3A_70 = arith.index_cast %scan3A_55 : i32 to index
      %swap3A_71 = arith.constant 48 : index
      %swap3A_72 = tpu.vector_load %arg8[%swap3A_70, %swap3A_71] {strides = array<i32>} : memref<128x128xf32, #tpu.memory_space<vmem>>, vector<1x16xf32>,
      %swap3A_73 = vector.shape_cast %swap3A_72 : vector<1x16xf32> to vector<16xf32>
      %swap3A_74 = vector.shape_cast %broadcast_in_dim3A_1 : vector<16xf32> to vector<1x16xf32>
      tpu.vector_store %arg8[%swap3A_70, %swap3A_71], %swap3A_74 {strides = array<i32>} : memref<128x128xf32, #tpu.memory_space<vmem>>, vector<1x16xf32>,
      %swap3A_75 = arith.index_cast %scan3A_55 : i32 to index
      %swap3A_76 = arith.constant 64 : index
      %swap3A_77 = tpu.vector_load %arg8[%swap3A_75, %swap3A_76] {strides = array<i32>} : memref<128x128xf32, #tpu.memory_space<vmem>>, vector<1x16xf32>,
      %swap3A_78 = vector.shape_cast %swap3A_77 : vector<1x16xf32> to vector<16xf32>
      %swap3A_79 = vector.shape_cast %broadcast_in_dim3A_1 : vector<16xf32> to vector<1x16xf32>
      tpu.vector_store %arg8[%swap3A_75, %swap3A_76], %swap3A_79 {strides = array<i32>} : memref<128x128xf32, #tpu.memory_space<vmem>>, vector<1x16xf32>,
      %swap3A_80 = arith.index_cast %scan3A_55 : i32 to index
      %swap3A_81 = arith.constant 80 : index
      %swap3A_82 = tpu.vector_load %arg8[%swap3A_80, %swap3A_81] {strides = array<i32>} : memref<128x128xf32, #tpu.memory_space<vmem>>, vector<1x16xf32>,
      %swap3A_83 = vector.shape_cast %swap3A_82 : vector<1x16xf32> to vector<16xf32>
      %swap3A_84 = vector.shape_cast %broadcast_in_dim3A_1 : vector<16xf32> to vector<1x16xf32>
      tpu.vector_store %arg8[%swap3A_80, %swap3A_81], %swap3A_84 {strides = array<i32>} : memref<128x128xf32, #tpu.memory_space<vmem>>, vector<1x16xf32>,
      %swap3A_85 = arith.index_cast %scan3A_55 : i32 to index
      %swap3A_86 = arith.constant 96 : index
      %swap3A_87 = tpu.vector_load %arg8[%swap3A_85, %swap3A_86] {strides = array<i32>} : memref<128x128xf32, #tpu.memory_space<vmem>>, vector<1x16xf32>,
      %swap3A_88 = vector.shape_cast %swap3A_87 : vector<1x16xf32> to vector<16xf32>
      %swap3A_89 = vector.shape_cast %broadcast_in_dim3A_1 : vector<16xf32> to vector<1x16xf32>
      tpu.vector_store %arg8[%swap3A_85, %swap3A_86], %swap3A_89 {strides = array<i32>} : memref<128x128xf32, #tpu.memory_space<vmem>>, vector<1x16xf32>,
      %swap3A_90 = arith.index_cast %scan3A_55 : i32 to index
      %swap3A_91 = arith.constant 112 : index
      %swap3A_92 = tpu.vector_load %arg8[%swap3A_90, %swap3A_91] {strides = array<i32>} : memref<128x128xf32, #tpu.memory_space<vmem>>, vector<1x16xf32>,
      %swap3A_93 = vector.shape_cast %swap3A_92 : vector<1x16xf32> to vector<16xf32>
      %swap3A_94 = vector.shape_cast %broadcast_in_dim3A_1 : vector<16xf32> to vector<1x16xf32>
      tpu.vector_store %arg8[%swap3A_90, %swap3A_91], %swap3A_94 {strides = array<i32>} : memref<128x128xf32, #tpu.memory_space<vmem>>, vector<1x16xf32>,
    }
    %scan3A_6 = arith.constant 128 : i32
    %mul3A_7 = arith.constant 640 : i32
    %mul3A_8 = arith.muli %arg1, %mul3A_7 : i32
    %add3A_9 = arith.constant 0 : i32
    %add3A_10 = arith.addi %mul3A_8, %add3A_9 : i32
    "tpu.region"() ({
      %run_scoped3A_55 = tpu.sem_alloc : memref<!tpu.dma_semaphore, #tpu.memory_space<semaphore_mem>>
      %dma_start3A = arith.constant 0 : i32
      %dma_start3A_56 = tpu.memref_slice %arg10[%add3A_10, %dma_start3A] : memref<10240x128xf32, #tpu.memory_space<vmem_shared>> -> memref<128x128xf32, #tpu.memory_space<vmem_shared>>
      %dma_start3A_57 = arith.constant 0 : i32
      %dma_start3A_58 = tpu.memref_slice %arg10[%add3A_10, %dma_start3A_57] : memref<10240x128xf32, #tpu.memory_space<vmem_shared>> -> memref<128x128xf32, #tpu.memory_space<vmem_shared>>
      tpu.enqueue_dma source(%arg8 : memref<128x128xf32, #tpu.memory_space<vmem>>) target(%dma_start3A_58 : memref<128x128xf32, #tpu.memory_space<vmem_shared>>) target_semaphore(%run_scoped3A_55 : memref<!tpu.dma_semaphore, #tpu.memory_space<semaphore_mem>>)
      %dma_wait3A = arith.constant 0 : i32
      %dma_wait3A_59 = tpu.memref_slice %arg10[%add3A_10, %dma_wait3A] : memref<10240x128xf32, #tpu.memory_space<vmem_shared>> -> memref<128x128xf32, #tpu.memory_space<vmem_shared>>
      %dma_wait3A_60 = arith.constant 0 : i32
      %dma_wait3A_61 = tpu.memref_slice %arg10[%add3A_10, %dma_wait3A_60] : memref<10240x128xf32, #tpu.memory_space<vmem_shared>> -> memref<128x128xf32, #tpu.memory_space<vmem_shared>>
      tpu.wait_dma2 semaphore(%run_scoped3A_55 : memref<!tpu.dma_semaphore, #tpu.memory_space<semaphore_mem>>) src(%arg8 : memref<128x128xf32, #tpu.memory_space<vmem>>) dst(%dma_wait3A_61 : memref<128x128xf32, #tpu.memory_space<vmem_shared>>)
      tpu.yield
    }) : () -> ()
    %mul3A_11 = arith.constant 640 : i32
    %mul3A_12 = arith.muli %arg1, %mul3A_11 : i32
    %add3A_13 = arith.constant 128 : i32
    %add3A_14 = arith.addi %mul3A_12, %add3A_13 : i32
    "tpu.region"() ({
      %run_scoped3A_55 = tpu.sem_alloc : memref<!tpu.dma_semaphore, #tpu.memory_space<semaphore_mem>>
      %dma_start3A = arith.constant 0 : i32
      %dma_start3A_56 = tpu.memref_slice %arg10[%add3A_14, %dma_start3A] : memref<10240x128xf32, #tpu.memory_space<vmem_shared>> -> memref<128x128xf32, #tpu.memory_space<vmem_shared>>
      %dma_start3A_57 = arith.constant 0 : i32
      %dma_start3A_58 = tpu.memref_slice %arg10[%add3A_14, %dma_start3A_57] : memref<10240x128xf32, #tpu.memory_space<vmem_shared>> -> memref<128x128xf32, #tpu.memory_space<vmem_shared>>
      tpu.enqueue_dma source(%arg8 : memref<128x128xf32, #tpu.memory_space<vmem>>) target(%dma_start3A_58 : memref<128x128xf32, #tpu.memory_space<vmem_shared>>) target_semaphore(%run_scoped3A_55 : memref<!tpu.dma_semaphore, #tpu.memory_space<semaphore_mem>>)
      %dma_wait3A = arith.constant 0 : i32
      %dma_wait3A_59 = tpu.memref_slice %arg10[%add3A_14, %dma_wait3A] : memref<10240x128xf32, #tpu.memory_space<vmem_shared>> -> memref<128x128xf32, #tpu.memory_space<vmem_shared>>
      %dma_wait3A_60 = arith.constant 0 : i32
      %dma_wait3A_61 = tpu.memref_slice %arg10[%add3A_14, %dma_wait3A_60] : memref<10240x128xf32, #tpu.memory_space<vmem_shared>> -> memref<128x128xf32, #tpu.memory_space<vmem_shared>>
      tpu.wait_dma2 semaphore(%run_scoped3A_55 : memref<!tpu.dma_semaphore, #tpu.memory_space<semaphore_mem>>) src(%arg8 : memref<128x128xf32, #tpu.memory_space<vmem>>) dst(%dma_wait3A_61 : memref<128x128xf32, #tpu.memory_space<vmem_shared>>)
      tpu.yield
    }) : () -> ()
    %mul3A_15 = arith.constant 640 : i32
    %mul3A_16 = arith.muli %arg1, %mul3A_15 : i32
    %add3A_17 = arith.constant 256 : i32
    %add3A_18 = arith.addi %mul3A_16, %add3A_17 : i32
    "tpu.region"() ({
      %run_scoped3A_55 = tpu.sem_alloc : memref<!tpu.dma_semaphore, #tpu.memory_space<semaphore_mem>>
      %dma_start3A = arith.constant 0 : i32
      %dma_start3A_56 = tpu.memref_slice %arg10[%add3A_18, %dma_start3A] : memref<10240x128xf32, #tpu.memory_space<vmem_shared>> -> memref<128x128xf32, #tpu.memory_space<vmem_shared>>
      %dma_start3A_57 = arith.constant 0 : i32
      %dma_start3A_58 = tpu.memref_slice %arg10[%add3A_18, %dma_start3A_57] : memref<10240x128xf32, #tpu.memory_space<vmem_shared>> -> memref<128x128xf32, #tpu.memory_space<vmem_shared>>
      tpu.enqueue_dma source(%arg8 : memref<128x128xf32, #tpu.memory_space<vmem>>) target(%dma_start3A_58 : memref<128x128xf32, #tpu.memory_space<vmem_shared>>) target_semaphore(%run_scoped3A_55 : memref<!tpu.dma_semaphore, #tpu.memory_space<semaphore_mem>>)
      %dma_wait3A = arith.constant 0 : i32
      %dma_wait3A_59 = tpu.memref_slice %arg10[%add3A_18, %dma_wait3A] : memref<10240x128xf32, #tpu.memory_space<vmem_shared>> -> memref<128x128xf32, #tpu.memory_space<vmem_shared>>
      %dma_wait3A_60 = arith.constant 0 : i32
      %dma_wait3A_61 = tpu.memref_slice %arg10[%add3A_18, %dma_wait3A_60] : memref<10240x128xf32, #tpu.memory_space<vmem_shared>> -> memref<128x128xf32, #tpu.memory_space<vmem_shared>>
      tpu.wait_dma2 semaphore(%run_scoped3A_55 : memref<!tpu.dma_semaphore, #tpu.memory_space<semaphore_mem>>) src(%arg8 : memref<128x128xf32, #tpu.memory_space<vmem>>) dst(%dma_wait3A_61 : memref<128x128xf32, #tpu.memory_space<vmem_shared>>)
      tpu.yield
    }) : () -> ()
    %mul3A_19 = arith.constant 640 : i32
    %mul3A_20 = arith.muli %arg1, %mul3A_19 : i32
    %add3A_21 = arith.constant 384 : i32
    %add3A_22 = arith.addi %mul3A_20, %add3A_21 : i32
    "tpu.region"() ({
      %run_scoped3A_55 = tpu.sem_alloc : memref<!tpu.dma_semaphore, #tpu.memory_space<semaphore_mem>>
      %dma_start3A = arith.constant 0 : i32
      %dma_start3A_56 = tpu.memref_slice %arg10[%add3A_22, %dma_start3A] : memref<10240x128xf32, #tpu.memory_space<vmem_shared>> -> memref<128x128xf32, #tpu.memory_space<vmem_shared>>
      %dma_start3A_57 = arith.constant 0 : i32
      %dma_start3A_58 = tpu.memref_slice %arg10[%add3A_22, %dma_start3A_57] : memref<10240x128xf32, #tpu.memory_space<vmem_shared>> -> memref<128x128xf32, #tpu.memory_space<vmem_shared>>
      tpu.enqueue_dma source(%arg8 : memref<128x128xf32, #tpu.memory_space<vmem>>) target(%dma_start3A_58 : memref<128x128xf32, #tpu.memory_space<vmem_shared>>) target_semaphore(%run_scoped3A_55 : memref<!tpu.dma_semaphore, #tpu.memory_space<semaphore_mem>>)
      %dma_wait3A = arith.constant 0 : i32
      %dma_wait3A_59 = tpu.memref_slice %arg10[%add3A_22, %dma_wait3A] : memref<10240x128xf32, #tpu.memory_space<vmem_shared>> -> memref<128x128xf32, #tpu.memory_space<vmem_shared>>
      %dma_wait3A_60 = arith.constant 0 : i32
      %dma_wait3A_61 = tpu.memref_slice %arg10[%add3A_22, %dma_wait3A_60] : memref<10240x128xf32, #tpu.memory_space<vmem_shared>> -> memref<128x128xf32, #tpu.memory_space<vmem_shared>>
      tpu.wait_dma2 semaphore(%run_scoped3A_55 : memref<!tpu.dma_semaphore, #tpu.memory_space<semaphore_mem>>) src(%arg8 : memref<128x128xf32, #tpu.memory_space<vmem>>) dst(%dma_wait3A_61 : memref<128x128xf32, #tpu.memory_space<vmem_shared>>)
      tpu.yield
    }) : () -> ()
    %mul3A_23 = arith.constant 640 : i32
    %mul3A_24 = arith.muli %arg1, %mul3A_23 : i32
    %add3A_25 = arith.constant 512 : i32
    %add3A_26 = arith.addi %mul3A_24, %add3A_25 : i32
    "tpu.region"() ({
      %run_scoped3A_55 = tpu.sem_alloc : memref<!tpu.dma_semaphore, #tpu.memory_space<semaphore_mem>>
      %dma_start3A = arith.constant 0 : i32
      %dma_start3A_56 = tpu.memref_slice %arg10[%add3A_26, %dma_start3A] : memref<10240x128xf32, #tpu.memory_space<vmem_shared>> -> memref<128x128xf32, #tpu.memory_space<vmem_shared>>
      %dma_start3A_57 = arith.constant 0 : i32
      %dma_start3A_58 = tpu.memref_slice %arg10[%add3A_26, %dma_start3A_57] : memref<10240x128xf32, #tpu.memory_space<vmem_shared>> -> memref<128x128xf32, #tpu.memory_space<vmem_shared>>
      tpu.enqueue_dma source(%arg8 : memref<128x128xf32, #tpu.memory_space<vmem>>) target(%dma_start3A_58 : memref<128x128xf32, #tpu.memory_space<vmem_shared>>) target_semaphore(%run_scoped3A_55 : memref<!tpu.dma_semaphore, #tpu.memory_space<semaphore_mem>>)
      %dma_wait3A = arith.constant 0 : i32
      %dma_wait3A_59 = tpu.memref_slice %arg10[%add3A_26, %dma_wait3A] : memref<10240x128xf32, #tpu.memory_space<vmem_shared>> -> memref<128x128xf32, #tpu.memory_space<vmem_shared>>
      %dma_wait3A_60 = arith.constant 0 : i32
      %dma_wait3A_61 = tpu.memref_slice %arg10[%add3A_26, %dma_wait3A_60] : memref<10240x128xf32, #tpu.memory_space<vmem_shared>> -> memref<128x128xf32, #tpu.memory_space<vmem_shared>>
      tpu.wait_dma2 semaphore(%run_scoped3A_55 : memref<!tpu.dma_semaphore, #tpu.memory_space<semaphore_mem>>) src(%arg8 : memref<128x128xf32, #tpu.memory_space<vmem>>) dst(%dma_wait3A_61 : memref<128x128xf32, #tpu.memory_space<vmem_shared>>)
      tpu.yield
    }) : () -> ()
    %barrier3A = arith.constant 0 : index
    tpu.barrier barrier_id(%barrier3A)
    %run_scoped3A = arith.constant 0 : i32
    "tpu.region"() ({
      %run_scoped3A_55 = tpu.sem_alloc : memref<!tpu.dma_semaphore, #tpu.memory_space<semaphore_mem>>
      %dma_start3A = arith.constant 0 : i32
      %dma_start3A_56 = arith.constant 0 : i32
      %dma_start3A_57 = tpu.memref_slice %arg3[%add3A, %run_scoped3A, %dma_start3A, %dma_start3A_56] : memref<32x2x60x128xi32, #tpu.memory_space<hbm>> -> memref<1x1x60x128xi32, #tpu.memory_space<hbm>>
      %dma_start3A_58 = tpu.memref_squeeze %dma_start3A_57 : memref<1x1x60x128xi32, #tpu.memory_space<hbm>> -> memref<60x128xi32, #tpu.memory_space<hbm>>
      %dma_start3A_59 = arith.constant 0 : i32
      %dma_start3A_60 = arith.constant 0 : i32
      %dma_start3A_61 = tpu.memref_slice %arg3[%add3A, %run_scoped3A, %dma_start3A_59, %dma_start3A_60] : memref<32x2x60x128xi32, #tpu.memory_space<hbm>> -> memref<1x1x60x128xi32, #tpu.memory_space<hbm>>
      %dma_start3A_62 = tpu.memref_squeeze %dma_start3A_61 : memref<1x1x60x128xi32, #tpu.memory_space<hbm>> -> memref<60x128xi32, #tpu.memory_space<hbm>>
      tpu.enqueue_dma source(%dma_start3A_62 : memref<60x128xi32, #tpu.memory_space<hbm>>) target(%arg6 : memref<60x128xi32, #tpu.memory_space<vmem>>) target_semaphore(%run_scoped3A_55 : memref<!tpu.dma_semaphore, #tpu.memory_space<semaphore_mem>>)
      %dma_wait3A = arith.constant 0 : i32
      %dma_wait3A_63 = arith.constant 0 : i32
      %dma_wait3A_64 = tpu.memref_slice %arg3[%add3A, %run_scoped3A, %dma_wait3A, %dma_wait3A_63] : memref<32x2x60x128xi32, #tpu.memory_space<hbm>> -> memref<1x1x60x128xi32, #tpu.memory_space<hbm>>
      %dma_wait3A_65 = tpu.memref_squeeze %dma_wait3A_64 : memref<1x1x60x128xi32, #tpu.memory_space<hbm>> -> memref<60x128xi32, #tpu.memory_space<hbm>>
      %dma_wait3A_66 = arith.constant 0 : i32
      %dma_wait3A_67 = arith.constant 0 : i32
      %dma_wait3A_68 = tpu.memref_slice %arg3[%add3A, %run_scoped3A, %dma_wait3A_66, %dma_wait3A_67] : memref<32x2x60x128xi32, #tpu.memory_space<hbm>> -> memref<1x1x60x128xi32, #tpu.memory_space<hbm>>
      %dma_wait3A_69 = tpu.memref_squeeze %dma_wait3A_68 : memref<1x1x60x128xi32, #tpu.memory_space<hbm>> -> memref<60x128xi32, #tpu.memory_space<hbm>>
      tpu.wait_dma2 semaphore(%run_scoped3A_55 : memref<!tpu.dma_semaphore, #tpu.memory_space<semaphore_mem>>) src(%dma_wait3A_69 : memref<60x128xi32, #tpu.memory_space<hbm>>) dst(%arg6 : memref<60x128xi32, #tpu.memory_space<vmem>>)
      tpu.yield
    }) : () -> ()
    %run_scoped3A_27 = arith.constant 0 : i32
    "tpu.region"() ({
      %run_scoped3A_55 = tpu.sem_alloc : memref<!tpu.dma_semaphore, #tpu.memory_space<semaphore_mem>>
      %dma_start3A = arith.constant 0 : i32
      %dma_start3A_56 = arith.constant 0 : i32
      %dma_start3A_57 = tpu.memref_slice %arg4[%add3A, %run_scoped3A_27, %dma_start3A, %dma_start3A_56] : memref<32x2x60x128xi32, #tpu.memory_space<hbm>> -> memref<1x1x60x128xi32, #tpu.memory_space<hbm>>
      %dma_start3A_58 = tpu.memref_squeeze %dma_start3A_57 : memref<1x1x60x128xi32, #tpu.memory_space<hbm>> -> memref<60x128xi32, #tpu.memory_space<hbm>>
      %dma_start3A_59 = arith.constant 0 : i32
      %dma_start3A_60 = arith.constant 0 : i32
      %dma_start3A_61 = tpu.memref_slice %arg4[%add3A, %run_scoped3A_27, %dma_start3A_59, %dma_start3A_60] : memref<32x2x60x128xi32, #tpu.memory_space<hbm>> -> memref<1x1x60x128xi32, #tpu.memory_space<hbm>>
      %dma_start3A_62 = tpu.memref_squeeze %dma_start3A_61 : memref<1x1x60x128xi32, #tpu.memory_space<hbm>> -> memref<60x128xi32, #tpu.memory_space<hbm>>
      tpu.enqueue_dma source(%dma_start3A_62 : memref<60x128xi32, #tpu.memory_space<hbm>>) target(%arg7 : memref<60x128xi32, #tpu.memory_space<vmem>>) target_semaphore(%run_scoped3A_55 : memref<!tpu.dma_semaphore, #tpu.memory_space<semaphore_mem>>)
      %dma_wait3A = arith.constant 0 : i32
      %dma_wait3A_63 = arith.constant 0 : i32
      %dma_wait3A_64 = tpu.memref_slice %arg4[%add3A, %run_scoped3A_27, %dma_wait3A, %dma_wait3A_63] : memref<32x2x60x128xi32, #tpu.memory_space<hbm>> -> memref<1x1x60x128xi32, #tpu.memory_space<hbm>>
      %dma_wait3A_65 = tpu.memref_squeeze %dma_wait3A_64 : memref<1x1x60x128xi32, #tpu.memory_space<hbm>> -> memref<60x128xi32, #tpu.memory_space<hbm>>
      %dma_wait3A_66 = arith.constant 0 : i32
      %dma_wait3A_67 = arith.constant 0 : i32
      %dma_wait3A_68 = tpu.memref_slice %arg4[%add3A, %run_scoped3A_27, %dma_wait3A_66, %dma_wait3A_67] : memref<32x2x60x128xi32, #tpu.memory_space<hbm>> -> memref<1x1x60x128xi32, #tpu.memory_space<hbm>>
      %dma_wait3A_69 = tpu.memref_squeeze %dma_wait3A_68 : memref<1x1x60x128xi32, #tpu.memory_space<hbm>> -> memref<60x128xi32, #tpu.memory_space<hbm>>
      tpu.wait_dma2 semaphore(%run_scoped3A_55 : memref<!tpu.dma_semaphore, #tpu.memory_space<semaphore_mem>>) src(%dma_wait3A_69 : memref<60x128xi32, #tpu.memory_space<hbm>>) dst(%arg7 : memref<60x128xi32, #tpu.memory_space<vmem>>)
      tpu.yield
    }) : () -> ()
    %eq3A = arith.constant 0 : i32
    %eq3A_28 = arith.cmpi eq, %arg0, %eq3A : i32
    %convert_element_type3A = arith.extui %eq3A_28 : i1 to i32
    %cond3A = arith.constant 0 : i32
    %cond3A_29 = arith.cmpi ne, %convert_element_type3A, %cond3A : i32
    scf.if %cond3A_29 {
      %dma_start3A = arith.constant 0 : i32
      %dma_start3A_55 = arith.constant 0 : i32
      %dma_start3A_56 = tpu.memref_slice %arg6[%dma_start3A, %dma_start3A_55] : memref<60x128xi32, #tpu.memory_space<vmem>> -> memref<1x128xi32, #tpu.memory_space<vmem>>
      %dma_start3A_57 = tpu.memref_squeeze %dma_start3A_56 : memref<1x128xi32, #tpu.memory_space<vmem>> -> memref<128xi32, #tpu.memory_space<vmem>>
      %dma_start3A_58 = arith.constant 0 : i32
      %dma_start3A_59 = arith.constant 0 : i32
      %dma_start3A_60 = tpu.memref_slice %arg2[%dma_start3A_58, %dma_start3A_59] : memref<10240x128xf32, #tpu.memory_space<hbm>> -> memref<10240x128xf32, #tpu.memory_space<hbm>>
      tpu.enqueue_indirect_dma source(%dma_start3A_60 : memref<10240x128xf32, #tpu.memory_space<hbm>>) target(%arg8 : memref<128x128xf32, #tpu.memory_space<vmem>>) offsets(%dma_start3A_57 : memref<128xi32, #tpu.memory_space<vmem>>) semaphore(%arg11 : memref<!tpu.dma_semaphore, #tpu.memory_space<semaphore_mem>>)
      %scan3A_61 = arith.constant 0 : i32
      %scan3A_62 = arith.constant 0 : i32
      %scan3A_63 = arith.constant 30 : i32
      %scan3A_64 = arith.addi %scan3A_62, %scan3A_63 : i32
      %scan3A_65 = arith.constant 1 : i32
      scf.for %scan3A_67 = %scan3A_62 to %scan3A_64 step %scan3A_65  : i32 {
        %mul3A_68 = arith.constant 2 : i32
        %mul3A_69 = arith.muli %scan3A_67, %mul3A_68 : i32
        %add3A_70 = arith.constant 0 : i32
        %add3A_71 = arith.addi %mul3A_69, %add3A_70 : i32
        %dma_wait3A = arith.constant 0 : i32
        %dma_wait3A_72 = tpu.memref_slice %arg6[%add3A_71, %dma_wait3A] : memref<60x128xi32, #tpu.memory_space<vmem>> -> memref<1x128xi32, #tpu.memory_space<vmem>>
        %dma_wait3A_73 = tpu.memref_squeeze %dma_wait3A_72 : memref<1x128xi32, #tpu.memory_space<vmem>> -> memref<128xi32, #tpu.memory_space<vmem>>
        %dma_wait3A_74 = arith.constant 0 : i32
        %dma_wait3A_75 = arith.constant 0 : i32
        %dma_wait3A_76 = tpu.memref_slice %arg2[%dma_wait3A_74, %dma_wait3A_75] : memref<10240x128xf32, #tpu.memory_space<hbm>> -> memref<10240x128xf32, #tpu.memory_space<hbm>>
        tpu.wait_indirect_dma semaphore(%arg11 : memref<!tpu.dma_semaphore, #tpu.memory_space<semaphore_mem>>) src(%dma_wait3A_76 : memref<10240x128xf32, #tpu.memory_space<hbm>>) dst(%arg8 : memref<128x128xf32, #tpu.memory_space<vmem>>)
        %add3A_77 = arith.constant 1 : i32
        %add3A_78 = arith.addi %add3A_71, %add3A_77 : i32
        %lt3A = arith.constant 60 : i32
        %lt3A_79 = arith.cmpi slt, %add3A_78, %lt3A : i32
        %convert_element_type3A_80 = arith.extui %lt3A_79 : i1 to i32
        %cond3A_81 = arith.constant 0 : i32
        %cond3A_82 = arith.cmpi ne, %convert_element_type3A_80, %cond3A_81 : i32
        scf.if %cond3A_82 {
          %add3A_100 = arith.constant 1 : i32
          %add3A_101 = arith.addi %add3A_71, %add3A_100 : i32
          %dma_start3A_102 = arith.constant 0 : i32
          %dma_start3A_103 = tpu.memref_slice %arg6[%add3A_101, %dma_start3A_102] : memref<60x128xi32, #tpu.memory_space<vmem>> -> memref<1x128xi32, #tpu.memory_space<vmem>>
          %dma_start3A_104 = tpu.memref_squeeze %dma_start3A_103 : memref<1x128xi32, #tpu.memory_space<vmem>> -> memref<128xi32, #tpu.memory_space<vmem>>
          %dma_start3A_105 = arith.constant 0 : i32
          %dma_start3A_106 = arith.constant 0 : i32
          %dma_start3A_107 = tpu.memref_slice %arg2[%dma_start3A_105, %dma_start3A_106] : memref<10240x128xf32, #tpu.memory_space<hbm>> -> memref<10240x128xf32, #tpu.memory_space<hbm>>
          tpu.enqueue_indirect_dma source(%dma_start3A_107 : memref<10240x128xf32, #tpu.memory_space<hbm>>) target(%arg9 : memref<128x128xf32, #tpu.memory_space<vmem>>) offsets(%dma_start3A_104 : memref<128xi32, #tpu.memory_space<vmem>>) semaphore(%arg12 : memref<!tpu.dma_semaphore, #tpu.memory_space<semaphore_mem>>)
        } else {
        }
        "tpu.region"() ({
          %run_scoped3A_100 = tpu.sem_alloc : memref<!tpu.dma_semaphore, #tpu.memory_space<semaphore_mem>>
          %dma_start3A_101 = arith.constant 0 : i32
          %dma_start3A_102 = tpu.memref_slice %arg7[%add3A_71, %dma_start3A_101] : memref<60x128xi32, #tpu.memory_space<vmem>> -> memref<1x128xi32, #tpu.memory_space<vmem>>
          %dma_start3A_103 = tpu.memref_squeeze %dma_start3A_102 : memref<1x128xi32, #tpu.memory_space<vmem>> -> memref<128xi32, #tpu.memory_space<vmem>>
          %dma_start3A_104 = arith.constant 0 : i32
          %dma_start3A_105 = arith.constant 0 : i32
          %dma_start3A_106 = tpu.memref_slice %arg10[%dma_start3A_104, %dma_start3A_105] : memref<10240x128xf32, #tpu.memory_space<vmem_shared>> -> memref<10240x128xf32, #tpu.memory_space<vmem_shared>>
          tpu.enqueue_indirect_dma source(%arg8 : memref<128x128xf32, #tpu.memory_space<vmem>>) target(%dma_start3A_106 : memref<10240x128xf32, #tpu.memory_space<vmem_shared>>) offsets(%dma_start3A_103 : memref<128xi32, #tpu.memory_space<vmem>>) semaphore(%run_scoped3A_100 : memref<!tpu.dma_semaphore, #tpu.memory_space<semaphore_mem>>) {add = true}
          %dma_wait3A_107 = arith.constant 0 : i32
          %dma_wait3A_108 = tpu.memref_slice %arg7[%add3A_71, %dma_wait3A_107] : memref<60x128xi32, #tpu.memory_space<vmem>> -> memref<1x128xi32, #tpu.memory_space<vmem>>
          %dma_wait3A_109 = tpu.memref_squeeze %dma_wait3A_108 : memref<1x128xi32, #tpu.memory_space<vmem>> -> memref<128xi32, #tpu.memory_space<vmem>>
          %dma_wait3A_110 = arith.constant 0 : i32
          %dma_wait3A_111 = arith.constant 0 : i32
          %dma_wait3A_112 = tpu.memref_slice %arg10[%dma_wait3A_110, %dma_wait3A_111] : memref<10240x128xf32, #tpu.memory_space<vmem_shared>> -> memref<10240x128xf32, #tpu.memory_space<vmem_shared>>
          tpu.wait_indirect_dma semaphore(%run_scoped3A_100 : memref<!tpu.dma_semaphore, #tpu.memory_space<semaphore_mem>>) src(%arg8 : memref<128x128xf32, #tpu.memory_space<vmem>>) dst(%dma_wait3A_112 : memref<10240x128xf32, #tpu.memory_space<vmem_shared>>)
          tpu.yield
        }) : () -> ()
        %mul3A_83 = arith.constant 2 : i32
        %mul3A_84 = arith.muli %scan3A_67, %mul3A_83 : i32
        %add3A_85 = arith.constant 1 : i32
        %add3A_86 = arith.addi %mul3A_84, %add3A_85 : i32
        %dma_wait3A_87 = arith.constant 0 : i32
        %dma_wait3A_88 = tpu.memref_slice %arg6[%add3A_86, %dma_wait3A_87] : memref<60x128xi32, #tpu.memory_space<vmem>> -> memref<1x128xi32, #tpu.memory_space<vmem>>
        %dma_wait3A_89 = tpu.memref_squeeze %dma_wait3A_88 : memref<1x128xi32, #tpu.memory_space<vmem>> -> memref<128xi32, #tpu.memory_space<vmem>>
        %dma_wait3A_90 = arith.constant 0 : i32
        %dma_wait3A_91 = arith.constant 0 : i32
        %dma_wait3A_92 = tpu.memref_slice %arg2[%dma_wait3A_90, %dma_wait3A_91] : memref<10240x128xf32, #tpu.memory_space<hbm>> -> memref<10240x128xf32, #tpu.memory_space<hbm>>
        tpu.wait_indirect_dma semaphore(%arg12 : memref<!tpu.dma_semaphore, #tpu.memory_space<semaphore_mem>>) src(%dma_wait3A_92 : memref<10240x128xf32, #tpu.memory_space<hbm>>) dst(%arg9 : memref<128x128xf32, #tpu.memory_space<vmem>>)
        %add3A_93 = arith.constant 1 : i32
        %add3A_94 = arith.addi %add3A_86, %add3A_93 : i32
        %lt3A_95 = arith.constant 60 : i32
        %lt3A_96 = arith.cmpi slt, %add3A_94, %lt3A_95 : i32
        %convert_element_type3A_97 = arith.extui %lt3A_96 : i1 to i32
        %cond3A_98 = arith.constant 0 : i32
        %cond3A_99 = arith.cmpi ne, %convert_element_type3A_97, %cond3A_98 : i32
        scf.if %cond3A_99 {
          %add3A_100 = arith.constant 1 : i32
          %add3A_101 = arith.addi %add3A_86, %add3A_100 : i32
          %dma_start3A_102 = arith.constant 0 : i32
          %dma_start3A_103 = tpu.memref_slice %arg6[%add3A_101, %dma_start3A_102] : memref<60x128xi32, #tpu.memory_space<vmem>> -> memref<1x128xi32, #tpu.memory_space<vmem>>
          %dma_start3A_104 = tpu.memref_squeeze %dma_start3A_103 : memref<1x128xi32, #tpu.memory_space<vmem>> -> memref<128xi32, #tpu.memory_space<vmem>>
          %dma_start3A_105 = arith.constant 0 : i32
          %dma_start3A_106 = arith.constant 0 : i32
          %dma_start3A_107 = tpu.memref_slice %arg2[%dma_start3A_105, %dma_start3A_106] : memref<10240x128xf32, #tpu.memory_space<hbm>> -> memref<10240x128xf32, #tpu.memory_space<hbm>>
          tpu.enqueue_indirect_dma source(%dma_start3A_107 : memref<10240x128xf32, #tpu.memory_space<hbm>>) target(%arg8 : memref<128x128xf32, #tpu.memory_space<vmem>>) offsets(%dma_start3A_104 : memref<128xi32, #tpu.memory_space<vmem>>) semaphore(%arg11 : memref<!tpu.dma_semaphore, #tpu.memory_space<semaphore_mem>>)
        } else {
        }
        "tpu.region"() ({
          %run_scoped3A_100 = tpu.sem_alloc : memref<!tpu.dma_semaphore, #tpu.memory_space<semaphore_mem>>
          %dma_start3A_101 = arith.constant 0 : i32
          %dma_start3A_102 = tpu.memref_slice %arg7[%add3A_86, %dma_start3A_101] : memref<60x128xi32, #tpu.memory_space<vmem>> -> memref<1x128xi32, #tpu.memory_space<vmem>>
          %dma_start3A_103 = tpu.memref_squeeze %dma_start3A_102 : memref<1x128xi32, #tpu.memory_space<vmem>> -> memref<128xi32, #tpu.memory_space<vmem>>
          %dma_start3A_104 = arith.constant 0 : i32
          %dma_start3A_105 = arith.constant 0 : i32
          %dma_start3A_106 = tpu.memref_slice %arg10[%dma_start3A_104, %dma_start3A_105] : memref<10240x128xf32, #tpu.memory_space<vmem_shared>> -> memref<10240x128xf32, #tpu.memory_space<vmem_shared>>
          tpu.enqueue_indirect_dma source(%arg9 : memref<128x128xf32, #tpu.memory_space<vmem>>) target(%dma_start3A_106 : memref<10240x128xf32, #tpu.memory_space<vmem_shared>>) offsets(%dma_start3A_103 : memref<128xi32, #tpu.memory_space<vmem>>) semaphore(%run_scoped3A_100 : memref<!tpu.dma_semaphore, #tpu.memory_space<semaphore_mem>>) {add = true}
          %dma_wait3A_107 = arith.constant 0 : i32
          %dma_wait3A_108 = tpu.memref_slice %arg7[%add3A_86, %dma_wait3A_107] : memref<60x128xi32, #tpu.memory_space<vmem>> -> memref<1x128xi32, #tpu.memory_space<vmem>>
          %dma_wait3A_109 = tpu.memref_squeeze %dma_wait3A_108 : memref<1x128xi32, #tpu.memory_space<vmem>> -> memref<128xi32, #tpu.memory_space<vmem>>
          %dma_wait3A_110 = arith.constant 0 : i32
          %dma_wait3A_111 = arith.constant 0 : i32
          %dma_wait3A_112 = tpu.memref_slice %arg10[%dma_wait3A_110, %dma_wait3A_111] : memref<10240x128xf32, #tpu.memory_space<vmem_shared>> -> memref<10240x128xf32, #tpu.memory_space<vmem_shared>>
          tpu.wait_indirect_dma semaphore(%run_scoped3A_100 : memref<!tpu.dma_semaphore, #tpu.memory_space<semaphore_mem>>) src(%arg9 : memref<128x128xf32, #tpu.memory_space<vmem>>) dst(%dma_wait3A_112 : memref<10240x128xf32, #tpu.memory_space<vmem_shared>>)
          tpu.yield
        }) : () -> ()
      }
      %scan3A_66 = arith.constant 30 : i32
    } else {
    }
    %eq3A_30 = arith.constant 1 : i32
    %eq3A_31 = arith.cmpi eq, %arg0, %eq3A_30 : i32
    %convert_element_type3A_32 = arith.extui %eq3A_31 : i1 to i32
    %cond3A_33 = arith.constant 0 : i32
    %cond3A_34 = arith.cmpi ne, %convert_element_type3A_32, %cond3A_33 : i32
    scf.if %cond3A_34 {
      %scan3A_55 = arith.constant 0 : i32
      %scan3A_56 = arith.constant 0 : i32
      %scan3A_57 = arith.constant 20 : i32
      %scan3A_58 = arith.addi %scan3A_56, %scan3A_57 : i32
      %scan3A_59 = arith.constant 1 : i32
      scf.for %scan3A_61 = %scan3A_56 to %scan3A_58 step %scan3A_59  : i32 {
        %dma_start3A = arith.constant 0 : i32
        %dma_start3A_62 = tpu.memref_slice %arg6[%scan3A_61, %dma_start3A] : memref<60x128xi32, #tpu.memory_space<vmem>> -> memref<1x128xi32, #tpu.memory_space<vmem>>
        %dma_start3A_63 = tpu.memref_squeeze %dma_start3A_62 : memref<1x128xi32, #tpu.memory_space<vmem>> -> memref<128xi32, #tpu.memory_space<vmem>>
        %dma_start3A_64 = arith.constant 0 : i32
        %dma_start3A_65 = arith.constant 0 : i32
        %dma_start3A_66 = tpu.memref_slice %arg2[%dma_start3A_64, %dma_start3A_65] : memref<10240x128xf32, #tpu.memory_space<hbm>> -> memref<10240x128xf32, #tpu.memory_space<hbm>>
        tpu.enqueue_indirect_dma source(%dma_start3A_66 : memref<10240x128xf32, #tpu.memory_space<hbm>>) target(%arg8 : memref<128x128xf32, #tpu.memory_space<vmem>>) offsets(%dma_start3A_63 : memref<128xi32, #tpu.memory_space<vmem>>) semaphore(%arg11 : memref<!tpu.dma_semaphore, #tpu.memory_space<semaphore_mem>>)
        %dma_wait3A = arith.constant 0 : i32
        %dma_wait3A_67 = tpu.memref_slice %arg6[%scan3A_61, %dma_wait3A] : memref<60x128xi32, #tpu.memory_space<vmem>> -> memref<1x128xi32, #tpu.memory_space<vmem>>
        %dma_wait3A_68 = tpu.memref_squeeze %dma_wait3A_67 : memref<1x128xi32, #tpu.memory_space<vmem>> -> memref<128xi32, #tpu.memory_space<vmem>>
        %dma_wait3A_69 = arith.constant 0 : i32
        %dma_wait3A_70 = arith.constant 0 : i32
        %dma_wait3A_71 = tpu.memref_slice %arg2[%dma_wait3A_69, %dma_wait3A_70] : memref<10240x128xf32, #tpu.memory_space<hbm>> -> memref<10240x128xf32, #tpu.memory_space<hbm>>
        tpu.wait_indirect_dma semaphore(%arg11 : memref<!tpu.dma_semaphore, #tpu.memory_space<semaphore_mem>>) src(%dma_wait3A_71 : memref<10240x128xf32, #tpu.memory_space<hbm>>) dst(%arg8 : memref<128x128xf32, #tpu.memory_space<vmem>>)
        "tpu.region"() ({
          %run_scoped3A_72 = tpu.sem_alloc : memref<!tpu.dma_semaphore, #tpu.memory_space<semaphore_mem>>
          %dma_start3A_73 = arith.constant 0 : i32
          %dma_start3A_74 = tpu.memref_slice %arg7[%scan3A_61, %dma_start3A_73] : memref<60x128xi32, #tpu.memory_space<vmem>> -> memref<1x128xi32, #tpu.memory_space<vmem>>
          %dma_start3A_75 = tpu.memref_squeeze %dma_start3A_74 : memref<1x128xi32, #tpu.memory_space<vmem>> -> memref<128xi32, #tpu.memory_space<vmem>>
          %dma_start3A_76 = arith.constant 0 : i32
          %dma_start3A_77 = arith.constant 0 : i32
          %dma_start3A_78 = tpu.memref_slice %arg10[%dma_start3A_76, %dma_start3A_77] : memref<10240x128xf32, #tpu.memory_space<vmem_shared>> -> memref<10240x128xf32, #tpu.memory_space<vmem_shared>>
          tpu.enqueue_indirect_dma source(%arg8 : memref<128x128xf32, #tpu.memory_space<vmem>>) target(%dma_start3A_78 : memref<10240x128xf32, #tpu.memory_space<vmem_shared>>) offsets(%dma_start3A_75 : memref<128xi32, #tpu.memory_space<vmem>>) semaphore(%run_scoped3A_72 : memref<!tpu.dma_semaphore, #tpu.memory_space<semaphore_mem>>) {add = true}
          %dma_wait3A_79 = arith.constant 0 : i32
          %dma_wait3A_80 = tpu.memref_slice %arg7[%scan3A_61, %dma_wait3A_79] : memref<60x128xi32, #tpu.memory_space<vmem>> -> memref<1x128xi32, #tpu.memory_space<vmem>>
          %dma_wait3A_81 = tpu.memref_squeeze %dma_wait3A_80 : memref<1x128xi32, #tpu.memory_space<vmem>> -> memref<128xi32, #tpu.memory_space<vmem>>
          %dma_wait3A_82 = arith.constant 0 : i32
          %dma_wait3A_83 = arith.constant 0 : i32
          %dma_wait3A_84 = tpu.memref_slice %arg10[%dma_wait3A_82, %dma_wait3A_83] : memref<10240x128xf32, #tpu.memory_space<vmem_shared>> -> memref<10240x128xf32, #tpu.memory_space<vmem_shared>>
          tpu.wait_indirect_dma semaphore(%run_scoped3A_72 : memref<!tpu.dma_semaphore, #tpu.memory_space<semaphore_mem>>) src(%arg8 : memref<128x128xf32, #tpu.memory_space<vmem>>) dst(%dma_wait3A_84 : memref<10240x128xf32, #tpu.memory_space<vmem_shared>>)
          tpu.yield
        }) : () -> ()
      }
      %scan3A_60 = arith.constant 20 : i32
    } else {
    }
    %run_scoped3A_35 = arith.constant 1 : i32
    "tpu.region"() ({
      %run_scoped3A_55 = tpu.sem_alloc : memref<!tpu.dma_semaphore, #tpu.memory_space<semaphore_mem>>
      %dma_start3A = arith.constant 0 : i32
      %dma_start3A_56 = arith.constant 0 : i32
      %dma_start3A_57 = tpu.memref_slice %arg3[%add3A, %run_scoped3A_35, %dma_start3A, %dma_start3A_56] : memref<32x2x60x128xi32, #tpu.memory_space<hbm>> -> memref<1x1x60x128xi32, #tpu.memory_space<hbm>>
      %dma_start3A_58 = tpu.memref_squeeze %dma_start3A_57 : memref<1x1x60x128xi32, #tpu.memory_space<hbm>> -> memref<60x128xi32, #tpu.memory_space<hbm>>
      %dma_start3A_59 = arith.constant 0 : i32
      %dma_start3A_60 = arith.constant 0 : i32
      %dma_start3A_61 = tpu.memref_slice %arg3[%add3A, %run_scoped3A_35, %dma_start3A_59, %dma_start3A_60] : memref<32x2x60x128xi32, #tpu.memory_space<hbm>> -> memref<1x1x60x128xi32, #tpu.memory_space<hbm>>
      %dma_start3A_62 = tpu.memref_squeeze %dma_start3A_61 : memref<1x1x60x128xi32, #tpu.memory_space<hbm>> -> memref<60x128xi32, #tpu.memory_space<hbm>>
      tpu.enqueue_dma source(%dma_start3A_62 : memref<60x128xi32, #tpu.memory_space<hbm>>) target(%arg6 : memref<60x128xi32, #tpu.memory_space<vmem>>) target_semaphore(%run_scoped3A_55 : memref<!tpu.dma_semaphore, #tpu.memory_space<semaphore_mem>>)
      %dma_wait3A = arith.constant 0 : i32
      %dma_wait3A_63 = arith.constant 0 : i32
      %dma_wait3A_64 = tpu.memref_slice %arg3[%add3A, %run_scoped3A_35, %dma_wait3A, %dma_wait3A_63] : memref<32x2x60x128xi32, #tpu.memory_space<hbm>> -> memref<1x1x60x128xi32, #tpu.memory_space<hbm>>
      %dma_wait3A_65 = tpu.memref_squeeze %dma_wait3A_64 : memref<1x1x60x128xi32, #tpu.memory_space<hbm>> -> memref<60x128xi32, #tpu.memory_space<hbm>>
      %dma_wait3A_66 = arith.constant 0 : i32
      %dma_wait3A_67 = arith.constant 0 : i32
      %dma_wait3A_68 = tpu.memref_slice %arg3[%add3A, %run_scoped3A_35, %dma_wait3A_66, %dma_wait3A_67] : memref<32x2x60x128xi32, #tpu.memory_space<hbm>> -> memref<1x1x60x128xi32, #tpu.memory_space<hbm>>
      %dma_wait3A_69 = tpu.memref_squeeze %dma_wait3A_68 : memref<1x1x60x128xi32, #tpu.memory_space<hbm>> -> memref<60x128xi32, #tpu.memory_space<hbm>>
      tpu.wait_dma2 semaphore(%run_scoped3A_55 : memref<!tpu.dma_semaphore, #tpu.memory_space<semaphore_mem>>) src(%dma_wait3A_69 : memref<60x128xi32, #tpu.memory_space<hbm>>) dst(%arg6 : memref<60x128xi32, #tpu.memory_space<vmem>>)
      tpu.yield
    }) : () -> ()
    %run_scoped3A_36 = arith.constant 1 : i32
    "tpu.region"() ({
      %run_scoped3A_55 = tpu.sem_alloc : memref<!tpu.dma_semaphore, #tpu.memory_space<semaphore_mem>>
      %dma_start3A = arith.constant 0 : i32
      %dma_start3A_56 = arith.constant 0 : i32
      %dma_start3A_57 = tpu.memref_slice %arg4[%add3A, %run_scoped3A_36, %dma_start3A, %dma_start3A_56] : memref<32x2x60x128xi32, #tpu.memory_space<hbm>> -> memref<1x1x60x128xi32, #tpu.memory_space<hbm>>
      %dma_start3A_58 = tpu.memref_squeeze %dma_start3A_57 : memref<1x1x60x128xi32, #tpu.memory_space<hbm>> -> memref<60x128xi32, #tpu.memory_space<hbm>>
      %dma_start3A_59 = arith.constant 0 : i32
      %dma_start3A_60 = arith.constant 0 : i32
      %dma_start3A_61 = tpu.memref_slice %arg4[%add3A, %run_scoped3A_36, %dma_start3A_59, %dma_start3A_60] : memref<32x2x60x128xi32, #tpu.memory_space<hbm>> -> memref<1x1x60x128xi32, #tpu.memory_space<hbm>>
      %dma_start3A_62 = tpu.memref_squeeze %dma_start3A_61 : memref<1x1x60x128xi32, #tpu.memory_space<hbm>> -> memref<60x128xi32, #tpu.memory_space<hbm>>
      tpu.enqueue_dma source(%dma_start3A_62 : memref<60x128xi32, #tpu.memory_space<hbm>>) target(%arg7 : memref<60x128xi32, #tpu.memory_space<vmem>>) target_semaphore(%run_scoped3A_55 : memref<!tpu.dma_semaphore, #tpu.memory_space<semaphore_mem>>)
      %dma_wait3A = arith.constant 0 : i32
      %dma_wait3A_63 = arith.constant 0 : i32
      %dma_wait3A_64 = tpu.memref_slice %arg4[%add3A, %run_scoped3A_36, %dma_wait3A, %dma_wait3A_63] : memref<32x2x60x128xi32, #tpu.memory_space<hbm>> -> memref<1x1x60x128xi32, #tpu.memory_space<hbm>>
      %dma_wait3A_65 = tpu.memref_squeeze %dma_wait3A_64 : memref<1x1x60x128xi32, #tpu.memory_space<hbm>> -> memref<60x128xi32, #tpu.memory_space<hbm>>
      %dma_wait3A_66 = arith.constant 0 : i32
      %dma_wait3A_67 = arith.constant 0 : i32
      %dma_wait3A_68 = tpu.memref_slice %arg4[%add3A, %run_scoped3A_36, %dma_wait3A_66, %dma_wait3A_67] : memref<32x2x60x128xi32, #tpu.memory_space<hbm>> -> memref<1x1x60x128xi32, #tpu.memory_space<hbm>>
      %dma_wait3A_69 = tpu.memref_squeeze %dma_wait3A_68 : memref<1x1x60x128xi32, #tpu.memory_space<hbm>> -> memref<60x128xi32, #tpu.memory_space<hbm>>
      tpu.wait_dma2 semaphore(%run_scoped3A_55 : memref<!tpu.dma_semaphore, #tpu.memory_space<semaphore_mem>>) src(%dma_wait3A_69 : memref<60x128xi32, #tpu.memory_space<hbm>>) dst(%arg7 : memref<60x128xi32, #tpu.memory_space<vmem>>)
      tpu.yield
    }) : () -> ()
    %eq3A_37 = arith.constant 0 : i32
    %eq3A_38 = arith.cmpi eq, %arg0, %eq3A_37 : i32
    %convert_element_type3A_39 = arith.extui %eq3A_38 : i1 to i32
    %cond3A_40 = arith.constant 0 : i32
    %cond3A_41 = arith.cmpi ne, %convert_element_type3A_39, %cond3A_40 : i32
    scf.if %cond3A_41 {
      %dma_start3A = arith.constant 0 : i32
      %dma_start3A_55 = arith.constant 0 : i32
      %dma_start3A_56 = tpu.memref_slice %arg6[%dma_start3A, %dma_start3A_55] : memref<60x128xi32, #tpu.memory_space<vmem>> -> memref<1x128xi32, #tpu.memory_space<vmem>>
      %dma_start3A_57 = tpu.memref_squeeze %dma_start3A_56 : memref<1x128xi32, #tpu.memory_space<vmem>> -> memref<128xi32, #tpu.memory_space<vmem>>
      %dma_start3A_58 = arith.constant 0 : i32
      %dma_start3A_59 = arith.constant 0 : i32
      %dma_start3A_60 = tpu.memref_slice %arg2[%dma_start3A_58, %dma_start3A_59] : memref<10240x128xf32, #tpu.memory_space<hbm>> -> memref<10240x128xf32, #tpu.memory_space<hbm>>
      tpu.enqueue_indirect_dma source(%dma_start3A_60 : memref<10240x128xf32, #tpu.memory_space<hbm>>) target(%arg8 : memref<128x128xf32, #tpu.memory_space<vmem>>) offsets(%dma_start3A_57 : memref<128xi32, #tpu.memory_space<vmem>>) semaphore(%arg11 : memref<!tpu.dma_semaphore, #tpu.memory_space<semaphore_mem>>)
      %scan3A_61 = arith.constant 0 : i32
      %scan3A_62 = arith.constant 0 : i32
      %scan3A_63 = arith.constant 30 : i32
      %scan3A_64 = arith.addi %scan3A_62, %scan3A_63 : i32
      %scan3A_65 = arith.constant 1 : i32
      scf.for %scan3A_67 = %scan3A_62 to %scan3A_64 step %scan3A_65  : i32 {
        %mul3A_68 = arith.constant 2 : i32
        %mul3A_69 = arith.muli %scan3A_67, %mul3A_68 : i32
        %add3A_70 = arith.constant 0 : i32
        %add3A_71 = arith.addi %mul3A_69, %add3A_70 : i32
        %dma_wait3A = arith.constant 0 : i32
        %dma_wait3A_72 = tpu.memref_slice %arg6[%add3A_71, %dma_wait3A] : memref<60x128xi32, #tpu.memory_space<vmem>> -> memref<1x128xi32, #tpu.memory_space<vmem>>
        %dma_wait3A_73 = tpu.memref_squeeze %dma_wait3A_72 : memref<1x128xi32, #tpu.memory_space<vmem>> -> memref<128xi32, #tpu.memory_space<vmem>>
        %dma_wait3A_74 = arith.constant 0 : i32
        %dma_wait3A_75 = arith.constant 0 : i32
        %dma_wait3A_76 = tpu.memref_slice %arg2[%dma_wait3A_74, %dma_wait3A_75] : memref<10240x128xf32, #tpu.memory_space<hbm>> -> memref<10240x128xf32, #tpu.memory_space<hbm>>
        tpu.wait_indirect_dma semaphore(%arg11 : memref<!tpu.dma_semaphore, #tpu.memory_space<semaphore_mem>>) src(%dma_wait3A_76 : memref<10240x128xf32, #tpu.memory_space<hbm>>) dst(%arg8 : memref<128x128xf32, #tpu.memory_space<vmem>>)
        %add3A_77 = arith.constant 1 : i32
        %add3A_78 = arith.addi %add3A_71, %add3A_77 : i32
        %lt3A = arith.constant 60 : i32
        %lt3A_79 = arith.cmpi slt, %add3A_78, %lt3A : i32
        %convert_element_type3A_80 = arith.extui %lt3A_79 : i1 to i32
        %cond3A_81 = arith.constant 0 : i32
        %cond3A_82 = arith.cmpi ne, %convert_element_type3A_80, %cond3A_81 : i32
        scf.if %cond3A_82 {
          %add3A_100 = arith.constant 1 : i32
          %add3A_101 = arith.addi %add3A_71, %add3A_100 : i32
          %dma_start3A_102 = arith.constant 0 : i32
          %dma_start3A_103 = tpu.memref_slice %arg6[%add3A_101, %dma_start3A_102] : memref<60x128xi32, #tpu.memory_space<vmem>> -> memref<1x128xi32, #tpu.memory_space<vmem>>
          %dma_start3A_104 = tpu.memref_squeeze %dma_start3A_103 : memref<1x128xi32, #tpu.memory_space<vmem>> -> memref<128xi32, #tpu.memory_space<vmem>>
          %dma_start3A_105 = arith.constant 0 : i32
          %dma_start3A_106 = arith.constant 0 : i32
          %dma_start3A_107 = tpu.memref_slice %arg2[%dma_start3A_105, %dma_start3A_106] : memref<10240x128xf32, #tpu.memory_space<hbm>> -> memref<10240x128xf32, #tpu.memory_space<hbm>>
          tpu.enqueue_indirect_dma source(%dma_start3A_107 : memref<10240x128xf32, #tpu.memory_space<hbm>>) target(%arg9 : memref<128x128xf32, #tpu.memory_space<vmem>>) offsets(%dma_start3A_104 : memref<128xi32, #tpu.memory_space<vmem>>) semaphore(%arg12 : memref<!tpu.dma_semaphore, #tpu.memory_space<semaphore_mem>>)
        } else {
        }
        "tpu.region"() ({
          %run_scoped3A_100 = tpu.sem_alloc : memref<!tpu.dma_semaphore, #tpu.memory_space<semaphore_mem>>
          %dma_start3A_101 = arith.constant 0 : i32
          %dma_start3A_102 = tpu.memref_slice %arg7[%add3A_71, %dma_start3A_101] : memref<60x128xi32, #tpu.memory_space<vmem>> -> memref<1x128xi32, #tpu.memory_space<vmem>>
          %dma_start3A_103 = tpu.memref_squeeze %dma_start3A_102 : memref<1x128xi32, #tpu.memory_space<vmem>> -> memref<128xi32, #tpu.memory_space<vmem>>
          %dma_start3A_104 = arith.constant 0 : i32
          %dma_start3A_105 = arith.constant 0 : i32
          %dma_start3A_106 = tpu.memref_slice %arg10[%dma_start3A_104, %dma_start3A_105] : memref<10240x128xf32, #tpu.memory_space<vmem_shared>> -> memref<10240x128xf32, #tpu.memory_space<vmem_shared>>
          tpu.enqueue_indirect_dma source(%arg8 : memref<128x128xf32, #tpu.memory_space<vmem>>) target(%dma_start3A_106 : memref<10240x128xf32, #tpu.memory_space<vmem_shared>>) offsets(%dma_start3A_103 : memref<128xi32, #tpu.memory_space<vmem>>) semaphore(%run_scoped3A_100 : memref<!tpu.dma_semaphore, #tpu.memory_space<semaphore_mem>>) {add = true}
          %dma_wait3A_107 = arith.constant 0 : i32
          %dma_wait3A_108 = tpu.memref_slice %arg7[%add3A_71, %dma_wait3A_107] : memref<60x128xi32, #tpu.memory_space<vmem>> -> memref<1x128xi32, #tpu.memory_space<vmem>>
          %dma_wait3A_109 = tpu.memref_squeeze %dma_wait3A_108 : memref<1x128xi32, #tpu.memory_space<vmem>> -> memref<128xi32, #tpu.memory_space<vmem>>
          %dma_wait3A_110 = arith.constant 0 : i32
          %dma_wait3A_111 = arith.constant 0 : i32
          %dma_wait3A_112 = tpu.memref_slice %arg10[%dma_wait3A_110, %dma_wait3A_111] : memref<10240x128xf32, #tpu.memory_space<vmem_shared>> -> memref<10240x128xf32, #tpu.memory_space<vmem_shared>>
          tpu.wait_indirect_dma semaphore(%run_scoped3A_100 : memref<!tpu.dma_semaphore, #tpu.memory_space<semaphore_mem>>) src(%arg8 : memref<128x128xf32, #tpu.memory_space<vmem>>) dst(%dma_wait3A_112 : memref<10240x128xf32, #tpu.memory_space<vmem_shared>>)
          tpu.yield
        }) : () -> ()
        %mul3A_83 = arith.constant 2 : i32
        %mul3A_84 = arith.muli %scan3A_67, %mul3A_83 : i32
        %add3A_85 = arith.constant 1 : i32
        %add3A_86 = arith.addi %mul3A_84, %add3A_85 : i32
        %dma_wait3A_87 = arith.constant 0 : i32
        %dma_wait3A_88 = tpu.memref_slice %arg6[%add3A_86, %dma_wait3A_87] : memref<60x128xi32, #tpu.memory_space<vmem>> -> memref<1x128xi32, #tpu.memory_space<vmem>>
        %dma_wait3A_89 = tpu.memref_squeeze %dma_wait3A_88 : memref<1x128xi32, #tpu.memory_space<vmem>> -> memref<128xi32, #tpu.memory_space<vmem>>
        %dma_wait3A_90 = arith.constant 0 : i32
        %dma_wait3A_91 = arith.constant 0 : i32
        %dma_wait3A_92 = tpu.memref_slice %arg2[%dma_wait3A_90, %dma_wait3A_91] : memref<10240x128xf32, #tpu.memory_space<hbm>> -> memref<10240x128xf32, #tpu.memory_space<hbm>>
        tpu.wait_indirect_dma semaphore(%arg12 : memref<!tpu.dma_semaphore, #tpu.memory_space<semaphore_mem>>) src(%dma_wait3A_92 : memref<10240x128xf32, #tpu.memory_space<hbm>>) dst(%arg9 : memref<128x128xf32, #tpu.memory_space<vmem>>)
        %add3A_93 = arith.constant 1 : i32
        %add3A_94 = arith.addi %add3A_86, %add3A_93 : i32
        %lt3A_95 = arith.constant 60 : i32
        %lt3A_96 = arith.cmpi slt, %add3A_94, %lt3A_95 : i32
        %convert_element_type3A_97 = arith.extui %lt3A_96 : i1 to i32
        %cond3A_98 = arith.constant 0 : i32
        %cond3A_99 = arith.cmpi ne, %convert_element_type3A_97, %cond3A_98 : i32
        scf.if %cond3A_99 {
          %add3A_100 = arith.constant 1 : i32
          %add3A_101 = arith.addi %add3A_86, %add3A_100 : i32
          %dma_start3A_102 = arith.constant 0 : i32
          %dma_start3A_103 = tpu.memref_slice %arg6[%add3A_101, %dma_start3A_102] : memref<60x128xi32, #tpu.memory_space<vmem>> -> memref<1x128xi32, #tpu.memory_space<vmem>>
          %dma_start3A_104 = tpu.memref_squeeze %dma_start3A_103 : memref<1x128xi32, #tpu.memory_space<vmem>> -> memref<128xi32, #tpu.memory_space<vmem>>
          %dma_start3A_105 = arith.constant 0 : i32
          %dma_start3A_106 = arith.constant 0 : i32
          %dma_start3A_107 = tpu.memref_slice %arg2[%dma_start3A_105, %dma_start3A_106] : memref<10240x128xf32, #tpu.memory_space<hbm>> -> memref<10240x128xf32, #tpu.memory_space<hbm>>
          tpu.enqueue_indirect_dma source(%dma_start3A_107 : memref<10240x128xf32, #tpu.memory_space<hbm>>) target(%arg8 : memref<128x128xf32, #tpu.memory_space<vmem>>) offsets(%dma_start3A_104 : memref<128xi32, #tpu.memory_space<vmem>>) semaphore(%arg11 : memref<!tpu.dma_semaphore, #tpu.memory_space<semaphore_mem>>)
        } else {
        }
        "tpu.region"() ({
          %run_scoped3A_100 = tpu.sem_alloc : memref<!tpu.dma_semaphore, #tpu.memory_space<semaphore_mem>>
          %dma_start3A_101 = arith.constant 0 : i32
          %dma_start3A_102 = tpu.memref_slice %arg7[%add3A_86, %dma_start3A_101] : memref<60x128xi32, #tpu.memory_space<vmem>> -> memref<1x128xi32, #tpu.memory_space<vmem>>
          %dma_start3A_103 = tpu.memref_squeeze %dma_start3A_102 : memref<1x128xi32, #tpu.memory_space<vmem>> -> memref<128xi32, #tpu.memory_space<vmem>>
          %dma_start3A_104 = arith.constant 0 : i32
          %dma_start3A_105 = arith.constant 0 : i32
          %dma_start3A_106 = tpu.memref_slice %arg10[%dma_start3A_104, %dma_start3A_105] : memref<10240x128xf32, #tpu.memory_space<vmem_shared>> -> memref<10240x128xf32, #tpu.memory_space<vmem_shared>>
          tpu.enqueue_indirect_dma source(%arg9 : memref<128x128xf32, #tpu.memory_space<vmem>>) target(%dma_start3A_106 : memref<10240x128xf32, #tpu.memory_space<vmem_shared>>) offsets(%dma_start3A_103 : memref<128xi32, #tpu.memory_space<vmem>>) semaphore(%run_scoped3A_100 : memref<!tpu.dma_semaphore, #tpu.memory_space<semaphore_mem>>) {add = true}
          %dma_wait3A_107 = arith.constant 0 : i32
          %dma_wait3A_108 = tpu.memref_slice %arg7[%add3A_86, %dma_wait3A_107] : memref<60x128xi32, #tpu.memory_space<vmem>> -> memref<1x128xi32, #tpu.memory_space<vmem>>
          %dma_wait3A_109 = tpu.memref_squeeze %dma_wait3A_108 : memref<1x128xi32, #tpu.memory_space<vmem>> -> memref<128xi32, #tpu.memory_space<vmem>>
          %dma_wait3A_110 = arith.constant 0 : i32
          %dma_wait3A_111 = arith.constant 0 : i32
          %dma_wait3A_112 = tpu.memref_slice %arg10[%dma_wait3A_110, %dma_wait3A_111] : memref<10240x128xf32, #tpu.memory_space<vmem_shared>> -> memref<10240x128xf32, #tpu.memory_space<vmem_shared>>
          tpu.wait_indirect_dma semaphore(%run_scoped3A_100 : memref<!tpu.dma_semaphore, #tpu.memory_space<semaphore_mem>>) src(%arg9 : memref<128x128xf32, #tpu.memory_space<vmem>>) dst(%dma_wait3A_112 : memref<10240x128xf32, #tpu.memory_space<vmem_shared>>)
          tpu.yield
        }) : () -> ()
      }
      %scan3A_66 = arith.constant 30 : i32
    } else {
    }
    %eq3A_42 = arith.constant 1 : i32
    %eq3A_43 = arith.cmpi eq, %arg0, %eq3A_42 : i32
    %convert_element_type3A_44 = arith.extui %eq3A_43 : i1 to i32
    %cond3A_45 = arith.constant 0 : i32
    %cond3A_46 = arith.cmpi ne, %convert_element_type3A_44, %cond3A_45 : i32
    scf.if %cond3A_46 {
      %scan3A_55 = arith.constant 0 : i32
      %scan3A_56 = arith.constant 0 : i32
      %scan3A_57 = arith.constant 20 : i32
      %scan3A_58 = arith.addi %scan3A_56, %scan3A_57 : i32
      %scan3A_59 = arith.constant 1 : i32
      scf.for %scan3A_61 = %scan3A_56 to %scan3A_58 step %scan3A_59  : i32 {
        %dma_start3A = arith.constant 0 : i32
        %dma_start3A_62 = tpu.memref_slice %arg6[%scan3A_61, %dma_start3A] : memref<60x128xi32, #tpu.memory_space<vmem>> -> memref<1x128xi32, #tpu.memory_space<vmem>>
        %dma_start3A_63 = tpu.memref_squeeze %dma_start3A_62 : memref<1x128xi32, #tpu.memory_space<vmem>> -> memref<128xi32, #tpu.memory_space<vmem>>
        %dma_start3A_64 = arith.constant 0 : i32
        %dma_start3A_65 = arith.constant 0 : i32
        %dma_start3A_66 = tpu.memref_slice %arg2[%dma_start3A_64, %dma_start3A_65] : memref<10240x128xf32, #tpu.memory_space<hbm>> -> memref<10240x128xf32, #tpu.memory_space<hbm>>
        tpu.enqueue_indirect_dma source(%dma_start3A_66 : memref<10240x128xf32, #tpu.memory_space<hbm>>) target(%arg8 : memref<128x128xf32, #tpu.memory_space<vmem>>) offsets(%dma_start3A_63 : memref<128xi32, #tpu.memory_space<vmem>>) semaphore(%arg11 : memref<!tpu.dma_semaphore, #tpu.memory_space<semaphore_mem>>)
        %dma_wait3A = arith.constant 0 : i32
        %dma_wait3A_67 = tpu.memref_slice %arg6[%scan3A_61, %dma_wait3A] : memref<60x128xi32, #tpu.memory_space<vmem>> -> memref<1x128xi32, #tpu.memory_space<vmem>>
        %dma_wait3A_68 = tpu.memref_squeeze %dma_wait3A_67 : memref<1x128xi32, #tpu.memory_space<vmem>> -> memref<128xi32, #tpu.memory_space<vmem>>
        %dma_wait3A_69 = arith.constant 0 : i32
        %dma_wait3A_70 = arith.constant 0 : i32
        %dma_wait3A_71 = tpu.memref_slice %arg2[%dma_wait3A_69, %dma_wait3A_70] : memref<10240x128xf32, #tpu.memory_space<hbm>> -> memref<10240x128xf32, #tpu.memory_space<hbm>>
        tpu.wait_indirect_dma semaphore(%arg11 : memref<!tpu.dma_semaphore, #tpu.memory_space<semaphore_mem>>) src(%dma_wait3A_71 : memref<10240x128xf32, #tpu.memory_space<hbm>>) dst(%arg8 : memref<128x128xf32, #tpu.memory_space<vmem>>)
        "tpu.region"() ({
          %run_scoped3A_72 = tpu.sem_alloc : memref<!tpu.dma_semaphore, #tpu.memory_space<semaphore_mem>>
          %dma_start3A_73 = arith.constant 0 : i32
          %dma_start3A_74 = tpu.memref_slice %arg7[%scan3A_61, %dma_start3A_73] : memref<60x128xi32, #tpu.memory_space<vmem>> -> memref<1x128xi32, #tpu.memory_space<vmem>>
          %dma_start3A_75 = tpu.memref_squeeze %dma_start3A_74 : memref<1x128xi32, #tpu.memory_space<vmem>> -> memref<128xi32, #tpu.memory_space<vmem>>
          %dma_start3A_76 = arith.constant 0 : i32
          %dma_start3A_77 = arith.constant 0 : i32
          %dma_start3A_78 = tpu.memref_slice %arg10[%dma_start3A_76, %dma_start3A_77] : memref<10240x128xf32, #tpu.memory_space<vmem_shared>> -> memref<10240x128xf32, #tpu.memory_space<vmem_shared>>
          tpu.enqueue_indirect_dma source(%arg8 : memref<128x128xf32, #tpu.memory_space<vmem>>) target(%dma_start3A_78 : memref<10240x128xf32, #tpu.memory_space<vmem_shared>>) offsets(%dma_start3A_75 : memref<128xi32, #tpu.memory_space<vmem>>) semaphore(%run_scoped3A_72 : memref<!tpu.dma_semaphore, #tpu.memory_space<semaphore_mem>>) {add = true}
          %dma_wait3A_79 = arith.constant 0 : i32
          %dma_wait3A_80 = tpu.memref_slice %arg7[%scan3A_61, %dma_wait3A_79] : memref<60x128xi32, #tpu.memory_space<vmem>> -> memref<1x128xi32, #tpu.memory_space<vmem>>
          %dma_wait3A_81 = tpu.memref_squeeze %dma_wait3A_80 : memref<1x128xi32, #tpu.memory_space<vmem>> -> memref<128xi32, #tpu.memory_space<vmem>>
          %dma_wait3A_82 = arith.constant 0 : i32
          %dma_wait3A_83 = arith.constant 0 : i32
          %dma_wait3A_84 = tpu.memref_slice %arg10[%dma_wait3A_82, %dma_wait3A_83] : memref<10240x128xf32, #tpu.memory_space<vmem_shared>> -> memref<10240x128xf32, #tpu.memory_space<vmem_shared>>
          tpu.wait_indirect_dma semaphore(%run_scoped3A_72 : memref<!tpu.dma_semaphore, #tpu.memory_space<semaphore_mem>>) src(%arg8 : memref<128x128xf32, #tpu.memory_space<vmem>>) dst(%dma_wait3A_84 : memref<10240x128xf32, #tpu.memory_space<vmem_shared>>)
          tpu.yield
        }) : () -> ()
      }
      %scan3A_60 = arith.constant 20 : i32
    } else {
    }
    %barrier3A_47 = arith.constant 0 : index
    tpu.barrier barrier_id(%barrier3A_47)
    %mul3A_48 = arith.constant 640 : i32
    %mul3A_49 = arith.muli %arg1, %mul3A_48 : i32
    %mul3A_50 = arith.constant 10240 : i32
    %mul3A_51 = arith.muli %arg0, %mul3A_50 : i32
    %mul3A_52 = arith.constant 640 : i32
    %mul3A_53 = arith.muli %arg1, %mul3A_52 : i32
    %add3A_54 = arith.addi %mul3A_51, %mul3A_53 : i32
    "tpu.region"() ({
      %run_scoped3A_55 = tpu.sem_alloc : memref<!tpu.dma_semaphore, #tpu.memory_space<semaphore_mem>>
      %dma_start3A = arith.constant 0 : i32
      %dma_start3A_56 = tpu.memref_slice %arg5[%add3A_54, %dma_start3A] : memref<20480x128xf32, #tpu.memory_space<hbm>> -> memref<640x128xf32, #tpu.memory_space<hbm>>
      %dma_start3A_57 = arith.constant 0 : i32
      %dma_start3A_58 = tpu.memref_slice %arg10[%mul3A_49, %dma_start3A_57] : memref<10240x128xf32, #tpu.memory_space<vmem_shared>> -> memref<640x128xf32, #tpu.memory_space<vmem_shared>>
      tpu.enqueue_dma source(%dma_start3A_58 : memref<640x128xf32, #tpu.memory_space<vmem_shared>>) target(%dma_start3A_56 : memref<640x128xf32, #tpu.memory_space<hbm>>) target_semaphore(%run_scoped3A_55 : memref<!tpu.dma_semaphore, #tpu.memory_space<semaphore_mem>>)
      %dma_wait3A = arith.constant 0 : i32
      %dma_wait3A_59 = tpu.memref_slice %arg5[%add3A_54, %dma_wait3A] : memref<20480x128xf32, #tpu.memory_space<hbm>> -> memref<640x128xf32, #tpu.memory_space<hbm>>
      %dma_wait3A_60 = arith.constant 0 : i32
      %dma_wait3A_61 = tpu.memref_slice %arg10[%mul3A_49, %dma_wait3A_60] : memref<10240x128xf32, #tpu.memory_space<vmem_shared>> -> memref<640x128xf32, #tpu.memory_space<vmem_shared>>
      tpu.wait_dma2 semaphore(%run_scoped3A_55 : memref<!tpu.dma_semaphore, #tpu.memory_space<semaphore_mem>>) src(%dma_wait3A_61 : memref<640x128xf32, #tpu.memory_space<vmem_shared>>) dst(%dma_wait3A_59 : memref<640x128xf32, #tpu.memory_space<hbm>>)
      tpu.yield
    }) : () -> ()
    return
  }
}

#map = affine_map<(d0, d1) -> (0, 0)>
#map1 = affine_map<(d0, d1) -> (0, 0, 0)>
module attributes {stable_mosaic.version = 14 : i64} {
  func.func @_sc_gather(%arg0: i32, %arg1: i32, %arg2: memref<10240x128xf32, #tpu.memory_space<hbm>>, %arg3: memref<32x8x128xi32, #tpu.memory_space<hbm>>, %arg4: memref<32768x128xf32, #tpu.memory_space<hbm>>, %arg5: memref<8x128xi32, #tpu.memory_space<vmem>>, %arg6: memref<128x128xf32, #tpu.memory_space<vmem>>, %arg7: memref<128x128xf32, #tpu.memory_space<vmem>>, %arg8: memref<128x128xf32, #tpu.memory_space<vmem>>, %arg9: memref<128x128xf32, #tpu.memory_space<vmem>>, %arg10: memref<!tpu.dma_semaphore, #tpu.memory_space<semaphore_mem>>, %arg11: memref<!tpu.dma_semaphore, #tpu.memory_space<semaphore_mem>>, %arg12: memref<!tpu.dma_semaphore, #tpu.memory_space<semaphore_mem>>, %arg13: memref<!tpu.dma_semaphore, #tpu.memory_space<semaphore_mem>>, %arg14: memref<!tpu.dma_semaphore, #tpu.memory_space<semaphore_mem>>, %arg15: memref<!tpu.dma_semaphore, #tpu.memory_space<semaphore_mem>>, %arg16: memref<!tpu.dma_semaphore, #tpu.memory_space<semaphore_mem>>, %arg17: memref<!tpu.dma_semaphore, #tpu.memory_space<semaphore_mem>>) attributes {dimension_semantics = [#tpu.dimension_semantics<core_parallel>, #tpu.dimension_semantics<subcore_parallel>], iteration_bounds = array<i64: 2, 16>, scalar_prefetch = 0 : i64, scratch_operands = 13 : i64, tpu.core_type = #tpu.core_type<sc_vector_subcore>, window_params = [{transform_indices = #map}, {transform_indices = #map1}, {transform_indices = #map}]} {
    %mul3A = arith.constant 2 : i32
    %mul3A_0 = arith.muli %arg1, %mul3A : i32
    %add3A = arith.addi %mul3A_0, %arg0 : i32
    "tpu.region"() ({
      %run_scoped3A = tpu.sem_alloc : memref<!tpu.dma_semaphore, #tpu.memory_space<semaphore_mem>>
      %dma_start3A_31 = arith.constant 0 : i32
      %dma_start3A_32 = arith.constant 0 : i32
      %dma_start3A_33 = tpu.memref_slice %arg3[%add3A, %dma_start3A_31, %dma_start3A_32] : memref<32x8x128xi32, #tpu.memory_space<hbm>> -> memref<1x8x128xi32, #tpu.memory_space<hbm>>
      %dma_start3A_34 = tpu.memref_squeeze %dma_start3A_33 : memref<1x8x128xi32, #tpu.memory_space<hbm>> -> memref<8x128xi32, #tpu.memory_space<hbm>>
      %dma_start3A_35 = arith.constant 0 : i32
      %dma_start3A_36 = arith.constant 0 : i32
      %dma_start3A_37 = tpu.memref_slice %arg3[%add3A, %dma_start3A_35, %dma_start3A_36] : memref<32x8x128xi32, #tpu.memory_space<hbm>> -> memref<1x8x128xi32, #tpu.memory_space<hbm>>
      %dma_start3A_38 = tpu.memref_squeeze %dma_start3A_37 : memref<1x8x128xi32, #tpu.memory_space<hbm>> -> memref<8x128xi32, #tpu.memory_space<hbm>>
      tpu.enqueue_dma source(%dma_start3A_38 : memref<8x128xi32, #tpu.memory_space<hbm>>) target(%arg5 : memref<8x128xi32, #tpu.memory_space<vmem>>) target_semaphore(%run_scoped3A : memref<!tpu.dma_semaphore, #tpu.memory_space<semaphore_mem>>)
      %dma_wait3A_39 = arith.constant 0 : i32
      %dma_wait3A_40 = arith.constant 0 : i32
      %dma_wait3A_41 = tpu.memref_slice %arg3[%add3A, %dma_wait3A_39, %dma_wait3A_40] : memref<32x8x128xi32, #tpu.memory_space<hbm>> -> memref<1x8x128xi32, #tpu.memory_space<hbm>>
      %dma_wait3A_42 = tpu.memref_squeeze %dma_wait3A_41 : memref<1x8x128xi32, #tpu.memory_space<hbm>> -> memref<8x128xi32, #tpu.memory_space<hbm>>
      %dma_wait3A_43 = arith.constant 0 : i32
      %dma_wait3A_44 = arith.constant 0 : i32
      %dma_wait3A_45 = tpu.memref_slice %arg3[%add3A, %dma_wait3A_43, %dma_wait3A_44] : memref<32x8x128xi32, #tpu.memory_space<hbm>> -> memref<1x8x128xi32, #tpu.memory_space<hbm>>
      %dma_wait3A_46 = tpu.memref_squeeze %dma_wait3A_45 : memref<1x8x128xi32, #tpu.memory_space<hbm>> -> memref<8x128xi32, #tpu.memory_space<hbm>>
      tpu.wait_dma2 semaphore(%run_scoped3A : memref<!tpu.dma_semaphore, #tpu.memory_space<semaphore_mem>>) src(%dma_wait3A_46 : memref<8x128xi32, #tpu.memory_space<hbm>>) dst(%arg5 : memref<8x128xi32, #tpu.memory_space<vmem>>)
      tpu.yield
    }) : () -> ()
    %dma_start3A = arith.constant 0 : i32
    %dma_start3A_1 = arith.constant 0 : i32
    %dma_start3A_2 = tpu.memref_slice %arg5[%dma_start3A, %dma_start3A_1] : memref<8x128xi32, #tpu.memory_space<vmem>> -> memref<1x128xi32, #tpu.memory_space<vmem>>
    %dma_start3A_3 = tpu.memref_squeeze %dma_start3A_2 : memref<1x128xi32, #tpu.memory_space<vmem>> -> memref<128xi32, #tpu.memory_space<vmem>>
    %dma_start3A_4 = arith.constant 0 : i32
    %dma_start3A_5 = arith.constant 0 : i32
    %dma_start3A_6 = tpu.memref_slice %arg2[%dma_start3A_4, %dma_start3A_5] : memref<10240x128xf32, #tpu.memory_space<hbm>> -> memref<10240x128xf32, #tpu.memory_space<hbm>>
    tpu.enqueue_indirect_dma source(%dma_start3A_6 : memref<10240x128xf32, #tpu.memory_space<hbm>>) target(%arg6 : memref<128x128xf32, #tpu.memory_space<vmem>>) offsets(%dma_start3A_3 : memref<128xi32, #tpu.memory_space<vmem>>) semaphore(%arg10 : memref<!tpu.dma_semaphore, #tpu.memory_space<semaphore_mem>>)
    %dma_start3A_7 = arith.constant 1 : i32
    %dma_start3A_8 = arith.constant 0 : i32
    %dma_start3A_9 = tpu.memref_slice %arg5[%dma_start3A_7, %dma_start3A_8] : memref<8x128xi32, #tpu.memory_space<vmem>> -> memref<1x128xi32, #tpu.memory_space<vmem>>
    %dma_start3A_10 = tpu.memref_squeeze %dma_start3A_9 : memref<1x128xi32, #tpu.memory_space<vmem>> -> memref<128xi32, #tpu.memory_space<vmem>>
    %dma_start3A_11 = arith.constant 0 : i32
    %dma_start3A_12 = arith.constant 0 : i32
    %dma_start3A_13 = tpu.memref_slice %arg2[%dma_start3A_11, %dma_start3A_12] : memref<10240x128xf32, #tpu.memory_space<hbm>> -> memref<10240x128xf32, #tpu.memory_space<hbm>>
    tpu.enqueue_indirect_dma source(%dma_start3A_13 : memref<10240x128xf32, #tpu.memory_space<hbm>>) target(%arg7 : memref<128x128xf32, #tpu.memory_space<vmem>>) offsets(%dma_start3A_10 : memref<128xi32, #tpu.memory_space<vmem>>) semaphore(%arg11 : memref<!tpu.dma_semaphore, #tpu.memory_space<semaphore_mem>>)
    %dma_start3A_14 = arith.constant 2 : i32
    %dma_start3A_15 = arith.constant 0 : i32
    %dma_start3A_16 = tpu.memref_slice %arg5[%dma_start3A_14, %dma_start3A_15] : memref<8x128xi32, #tpu.memory_space<vmem>> -> memref<1x128xi32, #tpu.memory_space<vmem>>
    %dma_start3A_17 = tpu.memref_squeeze %dma_start3A_16 : memref<1x128xi32, #tpu.memory_space<vmem>> -> memref<128xi32, #tpu.memory_space<vmem>>
    %dma_start3A_18 = arith.constant 0 : i32
    %dma_start3A_19 = arith.constant 0 : i32
    %dma_start3A_20 = tpu.memref_slice %arg2[%dma_start3A_18, %dma_start3A_19] : memref<10240x128xf32, #tpu.memory_space<hbm>> -> memref<10240x128xf32, #tpu.memory_space<hbm>>
    tpu.enqueue_indirect_dma source(%dma_start3A_20 : memref<10240x128xf32, #tpu.memory_space<hbm>>) target(%arg8 : memref<128x128xf32, #tpu.memory_space<vmem>>) offsets(%dma_start3A_17 : memref<128xi32, #tpu.memory_space<vmem>>) semaphore(%arg12 : memref<!tpu.dma_semaphore, #tpu.memory_space<semaphore_mem>>)
    %scan3A = arith.constant 0 : i32
    %scan3A_21 = arith.constant 0 : i32
    %scan3A_22 = arith.constant 2 : i32
    %scan3A_23 = arith.addi %scan3A_21, %scan3A_22 : i32
    %scan3A_24 = arith.constant 1 : i32
    scf.for %scan3A_31 = %scan3A_21 to %scan3A_23 step %scan3A_24  : i32 {
      %mul3A_32 = arith.constant 4 : i32
      %mul3A_33 = arith.muli %scan3A_31, %mul3A_32 : i32
      %add3A_34 = arith.constant 0 : i32
      %add3A_35 = arith.addi %mul3A_33, %add3A_34 : i32
      %dma_wait3A_36 = arith.constant 0 : i32
      %dma_wait3A_37 = tpu.memref_slice %arg5[%add3A_35, %dma_wait3A_36] : memref<8x128xi32, #tpu.memory_space<vmem>> -> memref<1x128xi32, #tpu.memory_space<vmem>>
      %dma_wait3A_38 = tpu.memref_squeeze %dma_wait3A_37 : memref<1x128xi32, #tpu.memory_space<vmem>> -> memref<128xi32, #tpu.memory_space<vmem>>
      %dma_wait3A_39 = arith.constant 0 : i32
      %dma_wait3A_40 = arith.constant 0 : i32
      %dma_wait3A_41 = tpu.memref_slice %arg2[%dma_wait3A_39, %dma_wait3A_40] : memref<10240x128xf32, #tpu.memory_space<hbm>> -> memref<10240x128xf32, #tpu.memory_space<hbm>>
      tpu.wait_indirect_dma semaphore(%arg10 : memref<!tpu.dma_semaphore, #tpu.memory_space<semaphore_mem>>) src(%dma_wait3A_41 : memref<10240x128xf32, #tpu.memory_space<hbm>>) dst(%arg6 : memref<128x128xf32, #tpu.memory_space<vmem>>)
      %mul3A_42 = arith.constant 1024 : i32
      %mul3A_43 = arith.muli %add3A, %mul3A_42 : i32
      %mul3A_44 = arith.constant 128 : i32
      %mul3A_45 = arith.muli %add3A_35, %mul3A_44 : i32
      %add3A_46 = arith.addi %mul3A_43, %mul3A_45 : i32
      %dma_start3A_47 = arith.constant 0 : i32
      %dma_start3A_48 = tpu.memref_slice %arg4[%add3A_46, %dma_start3A_47] : memref<32768x128xf32, #tpu.memory_space<hbm>> -> memref<128x128xf32, #tpu.memory_space<hbm>>
      %dma_start3A_49 = arith.constant 0 : i32
      %dma_start3A_50 = tpu.memref_slice %arg4[%add3A_46, %dma_start3A_49] : memref<32768x128xf32, #tpu.memory_space<hbm>> -> memref<128x128xf32, #tpu.memory_space<hbm>>
      tpu.enqueue_dma source(%arg6 : memref<128x128xf32, #tpu.memory_space<vmem>>) target(%dma_start3A_50 : memref<128x128xf32, #tpu.memory_space<hbm>>) target_semaphore(%arg14 : memref<!tpu.dma_semaphore, #tpu.memory_space<semaphore_mem>>)
      %ge3A = arith.constant 1 : i32
      %ge3A_51 = arith.cmpi sge, %add3A_35, %ge3A : i32
      %convert_element_type3A = arith.extui %ge3A_51 : i1 to i32
      %cond3A = arith.constant 0 : i32
      %cond3A_52 = arith.cmpi ne, %convert_element_type3A, %cond3A : i32
      scf.if %cond3A_52 {
        %mul3A_152 = arith.constant 1024 : i32
        %mul3A_153 = arith.muli %add3A, %mul3A_152 : i32
        %dma_wait3A_154 = arith.constant 0 : i32
        %dma_wait3A_155 = tpu.memref_slice %arg4[%mul3A_153, %dma_wait3A_154] : memref<32768x128xf32, #tpu.memory_space<hbm>> -> memref<128x128xf32, #tpu.memory_space<hbm>>
        %dma_wait3A_156 = arith.constant 0 : i32
        %dma_wait3A_157 = tpu.memref_slice %arg4[%mul3A_153, %dma_wait3A_156] : memref<32768x128xf32, #tpu.memory_space<hbm>> -> memref<128x128xf32, #tpu.memory_space<hbm>>
        tpu.wait_dma2 semaphore(%arg17 : memref<!tpu.dma_semaphore, #tpu.memory_space<semaphore_mem>>) src(%arg9 : memref<128x128xf32, #tpu.memory_space<vmem>>) dst(%dma_wait3A_157 : memref<128x128xf32, #tpu.memory_space<hbm>>)
      } else {
      }
      %add3A_53 = arith.constant 3 : i32
      %add3A_54 = arith.addi %add3A_35, %add3A_53 : i32
      %lt3A = arith.constant 8 : i32
      %lt3A_55 = arith.cmpi slt, %add3A_54, %lt3A : i32
      %convert_element_type3A_56 = arith.extui %lt3A_55 : i1 to i32
      %cond3A_57 = arith.constant 0 : i32
      %cond3A_58 = arith.cmpi ne, %convert_element_type3A_56, %cond3A_57 : i32
      scf.if %cond3A_58 {
        %add3A_152 = arith.constant 3 : i32
        %add3A_153 = arith.addi %add3A_35, %add3A_152 : i32
        %dma_start3A_154 = arith.constant 0 : i32
        %dma_start3A_155 = tpu.memref_slice %arg5[%add3A_153, %dma_start3A_154] : memref<8x128xi32, #tpu.memory_space<vmem>> -> memref<1x128xi32, #tpu.memory_space<vmem>>
        %dma_start3A_156 = tpu.memref_squeeze %dma_start3A_155 : memref<1x128xi32, #tpu.memory_space<vmem>> -> memref<128xi32, #tpu.memory_space<vmem>>
        %dma_start3A_157 = arith.constant 0 : i32
        %dma_start3A_158 = arith.constant 0 : i32
        %dma_start3A_159 = tpu.memref_slice %arg2[%dma_start3A_157, %dma_start3A_158] : memref<10240x128xf32, #tpu.memory_space<hbm>> -> memref<10240x128xf32, #tpu.memory_space<hbm>>
        tpu.enqueue_indirect_dma source(%dma_start3A_159 : memref<10240x128xf32, #tpu.memory_space<hbm>>) target(%arg9 : memref<128x128xf32, #tpu.memory_space<vmem>>) offsets(%dma_start3A_156 : memref<128xi32, #tpu.memory_space<vmem>>) semaphore(%arg13 : memref<!tpu.dma_semaphore, #tpu.memory_space<semaphore_mem>>)
      } else {
      }
      %mul3A_59 = arith.constant 4 : i32
      %mul3A_60 = arith.muli %scan3A_31, %mul3A_59 : i32
      %add3A_61 = arith.constant 1 : i32
      %add3A_62 = arith.addi %mul3A_60, %add3A_61 : i32
      %dma_wait3A_63 = arith.constant 0 : i32
      %dma_wait3A_64 = tpu.memref_slice %arg5[%add3A_62, %dma_wait3A_63] : memref<8x128xi32, #tpu.memory_space<vmem>> -> memref<1x128xi32, #tpu.memory_space<vmem>>
      %dma_wait3A_65 = tpu.memref_squeeze %dma_wait3A_64 : memref<1x128xi32, #tpu.memory_space<vmem>> -> memref<128xi32, #tpu.memory_space<vmem>>
      %dma_wait3A_66 = arith.constant 0 : i32
      %dma_wait3A_67 = arith.constant 0 : i32
      %dma_wait3A_68 = tpu.memref_slice %arg2[%dma_wait3A_66, %dma_wait3A_67] : memref<10240x128xf32, #tpu.memory_space<hbm>> -> memref<10240x128xf32, #tpu.memory_space<hbm>>
      tpu.wait_indirect_dma semaphore(%arg11 : memref<!tpu.dma_semaphore, #tpu.memory_space<semaphore_mem>>) src(%dma_wait3A_68 : memref<10240x128xf32, #tpu.memory_space<hbm>>) dst(%arg7 : memref<128x128xf32, #tpu.memory_space<vmem>>)
      %mul3A_69 = arith.constant 1024 : i32
      %mul3A_70 = arith.muli %add3A, %mul3A_69 : i32
      %mul3A_71 = arith.constant 128 : i32
      %mul3A_72 = arith.muli %add3A_62, %mul3A_71 : i32
      %add3A_73 = arith.addi %mul3A_70, %mul3A_72 : i32
      %dma_start3A_74 = arith.constant 0 : i32
      %dma_start3A_75 = tpu.memref_slice %arg4[%add3A_73, %dma_start3A_74] : memref<32768x128xf32, #tpu.memory_space<hbm>> -> memref<128x128xf32, #tpu.memory_space<hbm>>
      %dma_start3A_76 = arith.constant 0 : i32
      %dma_start3A_77 = tpu.memref_slice %arg4[%add3A_73, %dma_start3A_76] : memref<32768x128xf32, #tpu.memory_space<hbm>> -> memref<128x128xf32, #tpu.memory_space<hbm>>
      tpu.enqueue_dma source(%arg7 : memref<128x128xf32, #tpu.memory_space<vmem>>) target(%dma_start3A_77 : memref<128x128xf32, #tpu.memory_space<hbm>>) target_semaphore(%arg15 : memref<!tpu.dma_semaphore, #tpu.memory_space<semaphore_mem>>)
      %ge3A_78 = arith.constant 1 : i32
      %ge3A_79 = arith.cmpi sge, %add3A_62, %ge3A_78 : i32
      %convert_element_type3A_80 = arith.extui %ge3A_79 : i1 to i32
      %cond3A_81 = arith.constant 0 : i32
      %cond3A_82 = arith.cmpi ne, %convert_element_type3A_80, %cond3A_81 : i32
      scf.if %cond3A_82 {
        %mul3A_152 = arith.constant 1024 : i32
        %mul3A_153 = arith.muli %add3A, %mul3A_152 : i32
        %dma_wait3A_154 = arith.constant 0 : i32
        %dma_wait3A_155 = tpu.memref_slice %arg4[%mul3A_153, %dma_wait3A_154] : memref<32768x128xf32, #tpu.memory_space<hbm>> -> memref<128x128xf32, #tpu.memory_space<hbm>>
        %dma_wait3A_156 = arith.constant 0 : i32
        %dma_wait3A_157 = tpu.memref_slice %arg4[%mul3A_153, %dma_wait3A_156] : memref<32768x128xf32, #tpu.memory_space<hbm>> -> memref<128x128xf32, #tpu.memory_space<hbm>>
        tpu.wait_dma2 semaphore(%arg14 : memref<!tpu.dma_semaphore, #tpu.memory_space<semaphore_mem>>) src(%arg6 : memref<128x128xf32, #tpu.memory_space<vmem>>) dst(%dma_wait3A_157 : memref<128x128xf32, #tpu.memory_space<hbm>>)
      } else {
      }
      %add3A_83 = arith.constant 3 : i32
      %add3A_84 = arith.addi %add3A_62, %add3A_83 : i32
      %lt3A_85 = arith.constant 8 : i32
      %lt3A_86 = arith.cmpi slt, %add3A_84, %lt3A_85 : i32
      %convert_element_type3A_87 = arith.extui %lt3A_86 : i1 to i32
      %cond3A_88 = arith.constant 0 : i32
      %cond3A_89 = arith.cmpi ne, %convert_element_type3A_87, %cond3A_88 : i32
      scf.if %cond3A_89 {
        %add3A_152 = arith.constant 3 : i32
        %add3A_153 = arith.addi %add3A_62, %add3A_152 : i32
        %dma_start3A_154 = arith.constant 0 : i32
        %dma_start3A_155 = tpu.memref_slice %arg5[%add3A_153, %dma_start3A_154] : memref<8x128xi32, #tpu.memory_space<vmem>> -> memref<1x128xi32, #tpu.memory_space<vmem>>
        %dma_start3A_156 = tpu.memref_squeeze %dma_start3A_155 : memref<1x128xi32, #tpu.memory_space<vmem>> -> memref<128xi32, #tpu.memory_space<vmem>>
        %dma_start3A_157 = arith.constant 0 : i32
        %dma_start3A_158 = arith.constant 0 : i32
        %dma_start3A_159 = tpu.memref_slice %arg2[%dma_start3A_157, %dma_start3A_158] : memref<10240x128xf32, #tpu.memory_space<hbm>> -> memref<10240x128xf32, #tpu.memory_space<hbm>>
        tpu.enqueue_indirect_dma source(%dma_start3A_159 : memref<10240x128xf32, #tpu.memory_space<hbm>>) target(%arg6 : memref<128x128xf32, #tpu.memory_space<vmem>>) offsets(%dma_start3A_156 : memref<128xi32, #tpu.memory_space<vmem>>) semaphore(%arg10 : memref<!tpu.dma_semaphore, #tpu.memory_space<semaphore_mem>>)
      } else {
      }
      %mul3A_90 = arith.constant 4 : i32
      %mul3A_91 = arith.muli %scan3A_31, %mul3A_90 : i32
      %add3A_92 = arith.constant 2 : i32
      %add3A_93 = arith.addi %mul3A_91, %add3A_92 : i32
      %dma_wait3A_94 = arith.constant 0 : i32
      %dma_wait3A_95 = tpu.memref_slice %arg5[%add3A_93, %dma_wait3A_94] : memref<8x128xi32, #tpu.memory_space<vmem>> -> memref<1x128xi32, #tpu.memory_space<vmem>>
      %dma_wait3A_96 = tpu.memref_squeeze %dma_wait3A_95 : memref<1x128xi32, #tpu.memory_space<vmem>> -> memref<128xi32, #tpu.memory_space<vmem>>
      %dma_wait3A_97 = arith.constant 0 : i32
      %dma_wait3A_98 = arith.constant 0 : i32
      %dma_wait3A_99 = tpu.memref_slice %arg2[%dma_wait3A_97, %dma_wait3A_98] : memref<10240x128xf32, #tpu.memory_space<hbm>> -> memref<10240x128xf32, #tpu.memory_space<hbm>>
      tpu.wait_indirect_dma semaphore(%arg12 : memref<!tpu.dma_semaphore, #tpu.memory_space<semaphore_mem>>) src(%dma_wait3A_99 : memref<10240x128xf32, #tpu.memory_space<hbm>>) dst(%arg8 : memref<128x128xf32, #tpu.memory_space<vmem>>)
      %mul3A_100 = arith.constant 1024 : i32
      %mul3A_101 = arith.muli %add3A, %mul3A_100 : i32
      %mul3A_102 = arith.constant 128 : i32
      %mul3A_103 = arith.muli %add3A_93, %mul3A_102 : i32
      %add3A_104 = arith.addi %mul3A_101, %mul3A_103 : i32
      %dma_start3A_105 = arith.constant 0 : i32
      %dma_start3A_106 = tpu.memref_slice %arg4[%add3A_104, %dma_start3A_105] : memref<32768x128xf32, #tpu.memory_space<hbm>> -> memref<128x128xf32, #tpu.memory_space<hbm>>
      %dma_start3A_107 = arith.constant 0 : i32
      %dma_start3A_108 = tpu.memref_slice %arg4[%add3A_104, %dma_start3A_107] : memref<32768x128xf32, #tpu.memory_space<hbm>> -> memref<128x128xf32, #tpu.memory_space<hbm>>
      tpu.enqueue_dma source(%arg8 : memref<128x128xf32, #tpu.memory_space<vmem>>) target(%dma_start3A_108 : memref<128x128xf32, #tpu.memory_space<hbm>>) target_semaphore(%arg16 : memref<!tpu.dma_semaphore, #tpu.memory_space<semaphore_mem>>)
      %ge3A_109 = arith.constant 1 : i32
      %ge3A_110 = arith.cmpi sge, %add3A_93, %ge3A_109 : i32
      %convert_element_type3A_111 = arith.extui %ge3A_110 : i1 to i32
      %cond3A_112 = arith.constant 0 : i32
      %cond3A_113 = arith.cmpi ne, %convert_element_type3A_111, %cond3A_112 : i32
      scf.if %cond3A_113 {
        %mul3A_152 = arith.constant 1024 : i32
        %mul3A_153 = arith.muli %add3A, %mul3A_152 : i32
        %dma_wait3A_154 = arith.constant 0 : i32
        %dma_wait3A_155 = tpu.memref_slice %arg4[%mul3A_153, %dma_wait3A_154] : memref<32768x128xf32, #tpu.memory_space<hbm>> -> memref<128x128xf32, #tpu.memory_space<hbm>>
        %dma_wait3A_156 = arith.constant 0 : i32
        %dma_wait3A_157 = tpu.memref_slice %arg4[%mul3A_153, %dma_wait3A_156] : memref<32768x128xf32, #tpu.memory_space<hbm>> -> memref<128x128xf32, #tpu.memory_space<hbm>>
        tpu.wait_dma2 semaphore(%arg15 : memref<!tpu.dma_semaphore, #tpu.memory_space<semaphore_mem>>) src(%arg7 : memref<128x128xf32, #tpu.memory_space<vmem>>) dst(%dma_wait3A_157 : memref<128x128xf32, #tpu.memory_space<hbm>>)
      } else {
      }
      %add3A_114 = arith.constant 3 : i32
      %add3A_115 = arith.addi %add3A_93, %add3A_114 : i32
      %lt3A_116 = arith.constant 8 : i32
      %lt3A_117 = arith.cmpi slt, %add3A_115, %lt3A_116 : i32
      %convert_element_type3A_118 = arith.extui %lt3A_117 : i1 to i32
      %cond3A_119 = arith.constant 0 : i32
      %cond3A_120 = arith.cmpi ne, %convert_element_type3A_118, %cond3A_119 : i32
      scf.if %cond3A_120 {
        %add3A_152 = arith.constant 3 : i32
        %add3A_153 = arith.addi %add3A_93, %add3A_152 : i32
        %dma_start3A_154 = arith.constant 0 : i32
        %dma_start3A_155 = tpu.memref_slice %arg5[%add3A_153, %dma_start3A_154] : memref<8x128xi32, #tpu.memory_space<vmem>> -> memref<1x128xi32, #tpu.memory_space<vmem>>
        %dma_start3A_156 = tpu.memref_squeeze %dma_start3A_155 : memref<1x128xi32, #tpu.memory_space<vmem>> -> memref<128xi32, #tpu.memory_space<vmem>>
        %dma_start3A_157 = arith.constant 0 : i32
        %dma_start3A_158 = arith.constant 0 : i32
        %dma_start3A_159 = tpu.memref_slice %arg2[%dma_start3A_157, %dma_start3A_158] : memref<10240x128xf32, #tpu.memory_space<hbm>> -> memref<10240x128xf32, #tpu.memory_space<hbm>>
        tpu.enqueue_indirect_dma source(%dma_start3A_159 : memref<10240x128xf32, #tpu.memory_space<hbm>>) target(%arg7 : memref<128x128xf32, #tpu.memory_space<vmem>>) offsets(%dma_start3A_156 : memref<128xi32, #tpu.memory_space<vmem>>) semaphore(%arg11 : memref<!tpu.dma_semaphore, #tpu.memory_space<semaphore_mem>>)
      } else {
      }
      %mul3A_121 = arith.constant 4 : i32
      %mul3A_122 = arith.muli %scan3A_31, %mul3A_121 : i32
      %add3A_123 = arith.constant 3 : i32
      %add3A_124 = arith.addi %mul3A_122, %add3A_123 : i32
      %dma_wait3A_125 = arith.constant 0 : i32
      %dma_wait3A_126 = tpu.memref_slice %arg5[%add3A_124, %dma_wait3A_125] : memref<8x128xi32, #tpu.memory_space<vmem>> -> memref<1x128xi32, #tpu.memory_space<vmem>>
      %dma_wait3A_127 = tpu.memref_squeeze %dma_wait3A_126 : memref<1x128xi32, #tpu.memory_space<vmem>> -> memref<128xi32, #tpu.memory_space<vmem>>
      %dma_wait3A_128 = arith.constant 0 : i32
      %dma_wait3A_129 = arith.constant 0 : i32
      %dma_wait3A_130 = tpu.memref_slice %arg2[%dma_wait3A_128, %dma_wait3A_129] : memref<10240x128xf32, #tpu.memory_space<hbm>> -> memref<10240x128xf32, #tpu.memory_space<hbm>>
      tpu.wait_indirect_dma semaphore(%arg13 : memref<!tpu.dma_semaphore, #tpu.memory_space<semaphore_mem>>) src(%dma_wait3A_130 : memref<10240x128xf32, #tpu.memory_space<hbm>>) dst(%arg9 : memref<128x128xf32, #tpu.memory_space<vmem>>)
      %mul3A_131 = arith.constant 1024 : i32
      %mul3A_132 = arith.muli %add3A, %mul3A_131 : i32
      %mul3A_133 = arith.constant 128 : i32
      %mul3A_134 = arith.muli %add3A_124, %mul3A_133 : i32
      %add3A_135 = arith.addi %mul3A_132, %mul3A_134 : i32
      %dma_start3A_136 = arith.constant 0 : i32
      %dma_start3A_137 = tpu.memref_slice %arg4[%add3A_135, %dma_start3A_136] : memref<32768x128xf32, #tpu.memory_space<hbm>> -> memref<128x128xf32, #tpu.memory_space<hbm>>
      %dma_start3A_138 = arith.constant 0 : i32
      %dma_start3A_139 = tpu.memref_slice %arg4[%add3A_135, %dma_start3A_138] : memref<32768x128xf32, #tpu.memory_space<hbm>> -> memref<128x128xf32, #tpu.memory_space<hbm>>
      tpu.enqueue_dma source(%arg9 : memref<128x128xf32, #tpu.memory_space<vmem>>) target(%dma_start3A_139 : memref<128x128xf32, #tpu.memory_space<hbm>>) target_semaphore(%arg17 : memref<!tpu.dma_semaphore, #tpu.memory_space<semaphore_mem>>)
      %ge3A_140 = arith.constant 1 : i32
      %ge3A_141 = arith.cmpi sge, %add3A_124, %ge3A_140 : i32
      %convert_element_type3A_142 = arith.extui %ge3A_141 : i1 to i32
      %cond3A_143 = arith.constant 0 : i32
      %cond3A_144 = arith.cmpi ne, %convert_element_type3A_142, %cond3A_143 : i32
      scf.if %cond3A_144 {
        %mul3A_152 = arith.constant 1024 : i32
        %mul3A_153 = arith.muli %add3A, %mul3A_152 : i32
        %dma_wait3A_154 = arith.constant 0 : i32
        %dma_wait3A_155 = tpu.memref_slice %arg4[%mul3A_153, %dma_wait3A_154] : memref<32768x128xf32, #tpu.memory_space<hbm>> -> memref<128x128xf32, #tpu.memory_space<hbm>>
        %dma_wait3A_156 = arith.constant 0 : i32
        %dma_wait3A_157 = tpu.memref_slice %arg4[%mul3A_153, %dma_wait3A_156] : memref<32768x128xf32, #tpu.memory_space<hbm>> -> memref<128x128xf32, #tpu.memory_space<hbm>>
        tpu.wait_dma2 semaphore(%arg16 : memref<!tpu.dma_semaphore, #tpu.memory_space<semaphore_mem>>) src(%arg8 : memref<128x128xf32, #tpu.memory_space<vmem>>) dst(%dma_wait3A_157 : memref<128x128xf32, #tpu.memory_space<hbm>>)
      } else {
      }
      %add3A_145 = arith.constant 3 : i32
      %add3A_146 = arith.addi %add3A_124, %add3A_145 : i32
      %lt3A_147 = arith.constant 8 : i32
      %lt3A_148 = arith.cmpi slt, %add3A_146, %lt3A_147 : i32
      %convert_element_type3A_149 = arith.extui %lt3A_148 : i1 to i32
      %cond3A_150 = arith.constant 0 : i32
      %cond3A_151 = arith.cmpi ne, %convert_element_type3A_149, %cond3A_150 : i32
      scf.if %cond3A_151 {
        %add3A_152 = arith.constant 3 : i32
        %add3A_153 = arith.addi %add3A_124, %add3A_152 : i32
        %dma_start3A_154 = arith.constant 0 : i32
        %dma_start3A_155 = tpu.memref_slice %arg5[%add3A_153, %dma_start3A_154] : memref<8x128xi32, #tpu.memory_space<vmem>> -> memref<1x128xi32, #tpu.memory_space<vmem>>
        %dma_start3A_156 = tpu.memref_squeeze %dma_start3A_155 : memref<1x128xi32, #tpu.memory_space<vmem>> -> memref<128xi32, #tpu.memory_space<vmem>>
        %dma_start3A_157 = arith.constant 0 : i32
        %dma_start3A_158 = arith.constant 0 : i32
        %dma_start3A_159 = tpu.memref_slice %arg2[%dma_start3A_157, %dma_start3A_158] : memref<10240x128xf32, #tpu.memory_space<hbm>> -> memref<10240x128xf32, #tpu.memory_space<hbm>>
        tpu.enqueue_indirect_dma source(%dma_start3A_159 : memref<10240x128xf32, #tpu.memory_space<hbm>>) target(%arg8 : memref<128x128xf32, #tpu.memory_space<vmem>>) offsets(%dma_start3A_156 : memref<128xi32, #tpu.memory_space<vmem>>) semaphore(%arg12 : memref<!tpu.dma_semaphore, #tpu.memory_space<semaphore_mem>>)
      } else {
      }
    }
    %scan3A_25 = arith.constant 2 : i32
    %mul3A_26 = arith.constant 1024 : i32
    %mul3A_27 = arith.muli %add3A, %mul3A_26 : i32
    %dma_wait3A = arith.constant 0 : i32
    %dma_wait3A_28 = tpu.memref_slice %arg4[%mul3A_27, %dma_wait3A] : memref<32768x128xf32, #tpu.memory_space<hbm>> -> memref<128x128xf32, #tpu.memory_space<hbm>>
    %dma_wait3A_29 = arith.constant 0 : i32
    %dma_wait3A_30 = tpu.memref_slice %arg4[%mul3A_27, %dma_wait3A_29] : memref<32768x128xf32, #tpu.memory_space<hbm>> -> memref<128x128xf32, #tpu.memory_space<hbm>>
    tpu.wait_dma2 semaphore(%arg17 : memref<!tpu.dma_semaphore, #tpu.memory_space<semaphore_mem>>) src(%arg9 : memref<128x128xf32, #tpu.memory_space<vmem>>) dst(%dma_wait3A_30 : memref<128x128xf32, #tpu.memory_space<hbm>>)
    return
  }
}

module attributes {stable_mosaic.version = 14 : i64} {
  func.func @_tenc_body(%arg0: i32, %arg1: memref<1280x128xf32, #tpu.memory_space<vmem>>, %arg2: memref<128x128xf32, #tpu.memory_space<vmem>>, %arg3: memref<1x128xf32, #tpu.memory_space<vmem>>, %arg4: memref<1280x128xf32, #tpu.memory_space<vmem>>) attributes {dimension_semantics = [#tpu.dimension_semantics<arbitrary>], iteration_bounds = array<i64: 8>, scalar_prefetch = 0 : i64, scratch_operands = 0 : i64, tpu.core_type = #tpu.core_type<tc>, window_params = [{transform_indices = @transform_0, window_bounds = array<i64: 1280, 128>}, {pipeline_mode = #tpu.pipeline_mode<synchronous>, transform_indices = @transform_1, window_bounds = array<i64: 128, 128>}, {pipeline_mode = #tpu.pipeline_mode<synchronous>, transform_indices = @transform_2, window_bounds = array<i64: 1, 128>}, {transform_indices = @transform_3, window_bounds = array<i64: 1280, 128>}]} {
    %get3A = arith.constant 0 : index
    %get3A_0 = arith.constant 0 : index
    %get3A_1 = vector.load %arg1[%get3A, %get3A_0] : memref<1280x128xf32, #tpu.memory_space<vmem>>, vector<1280x128xf32>
    %get3A_2 = arith.constant 0 : index
    %get3A_3 = arith.constant 0 : index
    %get3A_4 = vector.load %arg2[%get3A_2, %get3A_3] : memref<128x128xf32, #tpu.memory_space<vmem>>, vector<128x128xf32>
    %dot_general3A = arith.constant dense<0.000000e+00> : vector<1280x128xf32>
    %dot_general3A_5 = tpu.matmul %get3A_1, %get3A_4, %dot_general3A {dimension_numbers = #tpu.dot_dimension_numbers<[1], [0], [0], [1], [0, 0, 1, 1], [], []>, transpose_lhs_hint = false} : vector<1280x128xf32>, vector<128x128xf32>, vector<1280x128xf32> -> vector<1280x128xf32>
    %get3A_6 = arith.constant 0 : index
    %get3A_7 = arith.constant 0 : index
    %get3A_8 = vector.load %arg3[%get3A_6, %get3A_7] : memref<1x128xf32, #tpu.memory_space<vmem>>, vector<1x128xf32>
    %add3A = vector.broadcast %get3A_8 : vector<1x128xf32> to vector<1280x128xf32>
    %add3A_9 = arith.addf %dot_general3A_5, %add3A : vector<1280x128xf32>
    %swap3A = arith.constant 0 : index
    %swap3A_10 = arith.constant 0 : index
    %swap3A_11 = vector.load %arg4[%swap3A, %swap3A_10] : memref<1280x128xf32, #tpu.memory_space<vmem>>, vector<1280x128xf32>
    tpu.vector_store %arg4[%swap3A, %swap3A_10], %add3A_9 {strides = array<i32>} : memref<1280x128xf32, #tpu.memory_space<vmem>>, vector<1280x128xf32>,
    return
  }
  func.func @transform_0(%arg0: i32) -> (i32, i32) {
    %c0_i32 = arith.constant 0 : i32
    %c0_i32_0 = arith.constant 0 : i32
    return %arg0, %c0_i32 : i32, i32
  }
  func.func @transform_1(%arg0: i32) -> (i32, i32) {
    %c0_i32 = arith.constant 0 : i32
    %c0_i32_0 = arith.constant 0 : i32
    %c0_i32_1 = arith.constant 0 : i32
    return %c0_i32, %c0_i32_0 : i32, i32
  }
  func.func @transform_2(%arg0: i32) -> (i32, i32) {
    %c0_i32 = arith.constant 0 : i32
    %c0_i32_0 = arith.constant 0 : i32
    %c0_i32_1 = arith.constant 0 : i32
    return %c0_i32, %c0_i32_0 : i32, i32
  }
  func.func @transform_3(%arg0: i32) -> (i32, i32) {
    %c0_i32 = arith.constant 0 : i32
    %c0_i32_0 = arith.constant 0 : i32
    return %arg0, %c0_i32 : i32, i32
  }
}

module attributes {stable_mosaic.version = 14 : i64} {
  func.func @_t0_body(%arg0: i32, %arg1: memref<1280x128xf32, #tpu.memory_space<vmem>>, %arg2: memref<128x128xf32, #tpu.memory_space<vmem>>, %arg3: memref<2x1280x1xf32, #tpu.memory_space<vmem>>, %arg4: memref<1280x128xf32, #tpu.memory_space<vmem>>) attributes {dimension_semantics = [#tpu.dimension_semantics<arbitrary>], iteration_bounds = array<i64: 8>, scalar_prefetch = 0 : i64, scratch_operands = 0 : i64, tpu.core_type = #tpu.core_type<tc>, window_params = [{transform_indices = @transform_0, window_bounds = array<i64: 1280, 128>}, {pipeline_mode = #tpu.pipeline_mode<synchronous>, transform_indices = @transform_1, window_bounds = array<i64: 128, 128>}, {transform_indices = @transform_2, window_bounds = array<i64: 2, 1280, 1>}, {transform_indices = @transform_3, window_bounds = array<i64: 1280, 128>}]} {
    %get3A = arith.constant 0 : index
    %get3A_0 = arith.constant 0 : index
    %get3A_1 = arith.constant 0 : index
    %get3A_2 = vector.load %arg3[%get3A, %get3A_0, %get3A_1] : memref<2x1280x1xf32, #tpu.memory_space<vmem>>, vector<1x1280x1xf32>
    %get3A_3 = vector.shape_cast %get3A_2 : vector<1x1280x1xf32> to vector<1280x1xf32>
    %get3A_4 = arith.constant 1 : index
    %get3A_5 = arith.constant 0 : index
    %get3A_6 = arith.constant 0 : index
    %get3A_7 = vector.load %arg3[%get3A_4, %get3A_5, %get3A_6] : memref<2x1280x1xf32, #tpu.memory_space<vmem>>, vector<1x1280x1xf32>
    %get3A_8 = vector.shape_cast %get3A_7 : vector<1x1280x1xf32> to vector<1280x1xf32>
    %add3A = arith.addf %get3A_3, %get3A_8 : vector<1280x1xf32>
    %add3A_9 = arith.constant 1.000000e+00 : f32
    %add3A_10 = vector.broadcast %add3A_9 : f32 to vector<1280x1xf32>
    %add3A_11 = arith.addf %add3A, %add3A_10 : vector<1280x1xf32>
    %rsqrt3A = math.rsqrt %add3A_11 : vector<1280x1xf32>
    %get3A_12 = arith.constant 0 : index
    %get3A_13 = arith.constant 0 : index
    %get3A_14 = vector.load %arg1[%get3A_12, %get3A_13] : memref<1280x128xf32, #tpu.memory_space<vmem>>, vector<1280x128xf32>
    %get3A_15 = arith.constant 0 : index
    %get3A_16 = arith.constant 0 : index
    %get3A_17 = vector.load %arg2[%get3A_15, %get3A_16] : memref<128x128xf32, #tpu.memory_space<vmem>>, vector<128x128xf32>
    %dot_general3A = arith.constant dense<0.000000e+00> : vector<1280x128xf32>
    %dot_general3A_18 = tpu.matmul %get3A_14, %get3A_17, %dot_general3A {dimension_numbers = #tpu.dot_dimension_numbers<[1], [0], [0], [1], [0, 0, 1, 1], [], []>, transpose_lhs_hint = false} : vector<1280x128xf32>, vector<128x128xf32>, vector<1280x128xf32> -> vector<1280x128xf32>
    %mul3A = vector.broadcast %rsqrt3A : vector<1280x1xf32> to vector<1280x128xf32>
    %mul3A_19 = arith.mulf %mul3A, %dot_general3A_18 : vector<1280x128xf32>
    %swap3A = arith.constant 0 : index
    %swap3A_20 = arith.constant 0 : index
    %swap3A_21 = vector.load %arg4[%swap3A, %swap3A_20] : memref<1280x128xf32, #tpu.memory_space<vmem>>, vector<1280x128xf32>
    tpu.vector_store %arg4[%swap3A, %swap3A_20], %mul3A_19 {strides = array<i32>} : memref<1280x128xf32, #tpu.memory_space<vmem>>, vector<1280x128xf32>,
    return
  }
  func.func @transform_0(%arg0: i32) -> (i32, i32) {
    %c0_i32 = arith.constant 0 : i32
    %c0_i32_0 = arith.constant 0 : i32
    return %arg0, %c0_i32 : i32, i32
  }
  func.func @transform_1(%arg0: i32) -> (i32, i32) {
    %c0_i32 = arith.constant 0 : i32
    %c0_i32_0 = arith.constant 0 : i32
    %c0_i32_1 = arith.constant 0 : i32
    return %c0_i32, %c0_i32_0 : i32, i32
  }
  func.func @transform_2(%arg0: i32) -> (i32, i32, i32) {
    %c0_i32 = arith.constant 0 : i32
    %c0_i32_0 = arith.constant 0 : i32
    %c0_i32_1 = arith.constant 0 : i32
    return %c0_i32, %arg0, %c0_i32_0 : i32, i32, i32
  }
  func.func @transform_3(%arg0: i32) -> (i32, i32) {
    %c0_i32 = arith.constant 0 : i32
    %c0_i32_0 = arith.constant 0 : i32
    return %arg0, %c0_i32 : i32, i32
  }
}

module attributes {stable_mosaic.version = 14 : i64} {
  func.func @_tl_body(%arg0: i32, %arg1: memref<2x1280x128xf32, #tpu.memory_space<vmem>>, %arg2: memref<1280x128xf32, #tpu.memory_space<vmem>>, %arg3: memref<1280x128xf32, #tpu.memory_space<vmem>>, %arg4: memref<2x1280x1xf32, #tpu.memory_space<vmem>>, %arg5: memref<1x128xf32, #tpu.memory_space<vmem>>, %arg6: memref<1x128xf32, #tpu.memory_space<vmem>>, %arg7: memref<1x128xf32, #tpu.memory_space<vmem>>, %arg8: memref<1x128xf32, #tpu.memory_space<vmem>>, %arg9: memref<1x128xf32, #tpu.memory_space<vmem>>, %arg10: memref<128x128xf32, #tpu.memory_space<vmem>>, %arg11: memref<1280x128xf32, #tpu.memory_space<vmem>>, %arg12: memref<1280x128xf32, #tpu.memory_space<vmem>>) attributes {dimension_semantics = [#tpu.dimension_semantics<arbitrary>], iteration_bounds = array<i64: 8>, scalar_prefetch = 0 : i64, scratch_operands = 0 : i64, tpu.core_type = #tpu.core_type<tc>, window_params = [{transform_indices = @transform_0, window_bounds = array<i64: 2, 1280, 128>}, {transform_indices = @transform_1, window_bounds = array<i64: 1280, 128>}, {transform_indices = @transform_2, window_bounds = array<i64: 1280, 128>}, {transform_indices = @transform_3, window_bounds = array<i64: 2, 1280, 1>}, {pipeline_mode = #tpu.pipeline_mode<synchronous>, transform_indices = @transform_4, window_bounds = array<i64: 1, 128>}, {pipeline_mode = #tpu.pipeline_mode<synchronous>, transform_indices = @transform_5, window_bounds = array<i64: 1, 128>}, {pipeline_mode = #tpu.pipeline_mode<synchronous>, transform_indices = @transform_6, window_bounds = array<i64: 1, 128>}, {pipeline_mode = #tpu.pipeline_mode<synchronous>, transform_indices = @transform_7, window_bounds = array<i64: 1, 128>}, {pipeline_mode = #tpu.pipeline_mode<synchronous>, transform_indices = @transform_8, window_bounds = array<i64: 1, 128>}, {pipeline_mode = #tpu.pipeline_mode<synchronous>, transform_indices = @transform_9, window_bounds = array<i64: 128, 128>}, {transform_indices = @transform_10, window_bounds = array<i64: 1280, 128>}, {transform_indices = @transform_11, window_bounds = array<i64: 1280, 128>}]} {
    %get3A = arith.constant 0 : index
    %get3A_0 = arith.constant 0 : index
    %get3A_1 = arith.constant 0 : index
    %get3A_2 = vector.load %arg4[%get3A, %get3A_0, %get3A_1] : memref<2x1280x1xf32, #tpu.memory_space<vmem>>, vector<1x1280x1xf32>
    %get3A_3 = vector.shape_cast %get3A_2 : vector<1x1280x1xf32> to vector<1280x1xf32>
    %get3A_4 = arith.constant 1 : index
    %get3A_5 = arith.constant 0 : index
    %get3A_6 = arith.constant 0 : index
    %get3A_7 = vector.load %arg4[%get3A_4, %get3A_5, %get3A_6] : memref<2x1280x1xf32, #tpu.memory_space<vmem>>, vector<1x1280x1xf32>
    %get3A_8 = vector.shape_cast %get3A_7 : vector<1x1280x1xf32> to vector<1280x1xf32>
    %add3A = arith.addf %get3A_3, %get3A_8 : vector<1280x1xf32>
    %add3A_9 = arith.constant 1.000000e+00 : f32
    %add3A_10 = vector.broadcast %add3A_9 : f32 to vector<1280x1xf32>
    %add3A_11 = arith.addf %add3A, %add3A_10 : vector<1280x1xf32>
    %rsqrt3A = math.rsqrt %add3A_11 : vector<1280x1xf32>
    %get3A_12 = arith.constant 0 : index
    %get3A_13 = arith.constant 0 : index
    %get3A_14 = arith.constant 0 : index
    %get3A_15 = vector.load %arg1[%get3A_12, %get3A_13, %get3A_14] : memref<2x1280x128xf32, #tpu.memory_space<vmem>>, vector<1x1280x128xf32>
    %get3A_16 = vector.shape_cast %get3A_15 : vector<1x1280x128xf32> to vector<1280x128xf32>
    %get3A_17 = arith.constant 1 : index
    %get3A_18 = arith.constant 0 : index
    %get3A_19 = arith.constant 0 : index
    %get3A_20 = vector.load %arg1[%get3A_17, %get3A_18, %get3A_19] : memref<2x1280x128xf32, #tpu.memory_space<vmem>>, vector<1x1280x128xf32>
    %get3A_21 = vector.shape_cast %get3A_20 : vector<1x1280x128xf32> to vector<1280x128xf32>
    %add3A_22 = arith.addf %get3A_16, %get3A_21 : vector<1280x128xf32>
    %get3A_23 = arith.constant 0 : index
    %get3A_24 = arith.constant 0 : index
    %get3A_25 = vector.load %arg2[%get3A_23, %get3A_24] : memref<1280x128xf32, #tpu.memory_space<vmem>>, vector<1280x128xf32>
    %add3A_26 = arith.addf %add3A_22, %get3A_25 : vector<1280x128xf32>
    %mul3A = vector.broadcast %rsqrt3A : vector<1280x1xf32> to vector<1280x128xf32>
    %mul3A_27 = arith.mulf %mul3A, %add3A_26 : vector<1280x128xf32>
    %get3A_28 = arith.constant 0 : index
    %get3A_29 = arith.constant 0 : index
    %get3A_30 = vector.load %arg5[%get3A_28, %get3A_29] : memref<1x128xf32, #tpu.memory_space<vmem>>, vector<1x128xf32>
    %add3A_31 = vector.broadcast %get3A_30 : vector<1x128xf32> to vector<1280x128xf32>
    %add3A_32 = arith.addf %mul3A_27, %add3A_31 : vector<1280x128xf32>
    %get3A_33 = arith.constant 0 : index
    %get3A_34 = arith.constant 0 : index
    %get3A_35 = vector.load %arg9[%get3A_33, %get3A_34] : memref<1x128xf32, #tpu.memory_space<vmem>>, vector<1x128xf32>
    %add3A_36 = arith.constant 9.99999974E-6 : f32
    %add3A_37 = vector.broadcast %add3A_36 : f32 to vector<1x128xf32>
    %add3A_38 = arith.addf %get3A_35, %add3A_37 : vector<1x128xf32>
    %rsqrt3A_39 = math.rsqrt %add3A_38 : vector<1x128xf32>
    %get3A_40 = arith.constant 0 : index
    %get3A_41 = arith.constant 0 : index
    %get3A_42 = vector.load %arg8[%get3A_40, %get3A_41] : memref<1x128xf32, #tpu.memory_space<vmem>>, vector<1x128xf32>
    %sub3A = vector.broadcast %get3A_42 : vector<1x128xf32> to vector<1280x128xf32>
    %sub3A_43 = arith.subf %add3A_32, %sub3A : vector<1280x128xf32>
    %mul3A_44 = vector.broadcast %rsqrt3A_39 : vector<1x128xf32> to vector<1280x128xf32>
    %mul3A_45 = arith.mulf %sub3A_43, %mul3A_44 : vector<1280x128xf32>
    %get3A_46 = arith.constant 0 : index
    %get3A_47 = arith.constant 0 : index
    %get3A_48 = vector.load %arg6[%get3A_46, %get3A_47] : memref<1x128xf32, #tpu.memory_space<vmem>>, vector<1x128xf32>
    %mul3A_49 = vector.broadcast %get3A_48 : vector<1x128xf32> to vector<1280x128xf32>
    %mul3A_50 = arith.mulf %mul3A_45, %mul3A_49 : vector<1280x128xf32>
    %get3A_51 = arith.constant 0 : index
    %get3A_52 = arith.constant 0 : index
    %get3A_53 = vector.load %arg7[%get3A_51, %get3A_52] : memref<1x128xf32, #tpu.memory_space<vmem>>, vector<1x128xf32>
    %add3A_54 = vector.broadcast %get3A_53 : vector<1x128xf32> to vector<1280x128xf32>
    %add3A_55 = arith.addf %mul3A_50, %add3A_54 : vector<1280x128xf32>
    %max3A = arith.constant 0.000000e+00 : f32
    %max3A_56 = vector.broadcast %max3A : f32 to vector<1280x128xf32>
    %max3A_57 = arith.maximumf %add3A_55, %max3A_56 : vector<1280x128xf32>
    %get3A_58 = arith.constant 0 : index
    %get3A_59 = arith.constant 0 : index
    %get3A_60 = vector.load %arg3[%get3A_58, %get3A_59] : memref<1280x128xf32, #tpu.memory_space<vmem>>, vector<1280x128xf32>
    %add3A_61 = arith.addf %max3A_57, %get3A_60 : vector<1280x128xf32>
    %swap3A = arith.constant 0 : index
    %swap3A_62 = arith.constant 0 : index
    %swap3A_63 = vector.load %arg11[%swap3A, %swap3A_62] : memref<1280x128xf32, #tpu.memory_space<vmem>>, vector<1280x128xf32>
    tpu.vector_store %arg11[%swap3A, %swap3A_62], %add3A_61 {strides = array<i32>} : memref<1280x128xf32, #tpu.memory_space<vmem>>, vector<1280x128xf32>,
    %get3A_64 = arith.constant 0 : index
    %get3A_65 = arith.constant 0 : index
    %get3A_66 = vector.load %arg10[%get3A_64, %get3A_65] : memref<128x128xf32, #tpu.memory_space<vmem>>, vector<128x128xf32>
    %dot_general3A = arith.constant dense<0.000000e+00> : vector<1280x128xf32>
    %dot_general3A_67 = tpu.matmul %add3A_61, %get3A_66, %dot_general3A {dimension_numbers = #tpu.dot_dimension_numbers<[1], [0], [0], [1], [0, 0, 1, 1], [], []>, transpose_lhs_hint = false} : vector<1280x128xf32>, vector<128x128xf32>, vector<1280x128xf32> -> vector<1280x128xf32>
    %mul3A_68 = vector.broadcast %rsqrt3A : vector<1280x1xf32> to vector<1280x128xf32>
    %mul3A_69 = arith.mulf %mul3A_68, %dot_general3A_67 : vector<1280x128xf32>
    %swap3A_70 = arith.constant 0 : index
    %swap3A_71 = arith.constant 0 : index
    %swap3A_72 = vector.load %arg12[%swap3A_70, %swap3A_71] : memref<1280x128xf32, #tpu.memory_space<vmem>>, vector<1280x128xf32>
    tpu.vector_store %arg12[%swap3A_70, %swap3A_71], %mul3A_69 {strides = array<i32>} : memref<1280x128xf32, #tpu.memory_space<vmem>>, vector<1280x128xf32>,
    return
  }
  func.func @transform_0(%arg0: i32) -> (i32, i32, i32) {
    %c0_i32 = arith.constant 0 : i32
    %c0_i32_0 = arith.constant 0 : i32
    %c0_i32_1 = arith.constant 0 : i32
    return %c0_i32, %arg0, %c0_i32_0 : i32, i32, i32
  }
  func.func @transform_1(%arg0: i32) -> (i32, i32) {
    %c0_i32 = arith.constant 0 : i32
    %c0_i32_0 = arith.constant 0 : i32
    return %arg0, %c0_i32 : i32, i32
  }
  func.func @transform_2(%arg0: i32) -> (i32, i32) {
    %c0_i32 = arith.constant 0 : i32
    %c0_i32_0 = arith.constant 0 : i32
    return %arg0, %c0_i32 : i32, i32
  }
  func.func @transform_3(%arg0: i32) -> (i32, i32, i32) {
    %c0_i32 = arith.constant 0 : i32
    %c0_i32_0 = arith.constant 0 : i32
    %c0_i32_1 = arith.constant 0 : i32
    return %c0_i32, %arg0, %c0_i32_0 : i32, i32, i32
  }
  func.func @transform_4(%arg0: i32) -> (i32, i32) {
    %c0_i32 = arith.constant 0 : i32
    %c0_i32_0 = arith.constant 0 : i32
    %c0_i32_1 = arith.constant 0 : i32
    return %c0_i32, %c0_i32_0 : i32, i32
  }
  func.func @transform_5(%arg0: i32) -> (i32, i32) {
    %c0_i32 = arith.constant 0 : i32
    %c0_i32_0 = arith.constant 0 : i32
    %c0_i32_1 = arith.constant 0 : i32
    return %c0_i32, %c0_i32_0 : i32, i32
  }
  func.func @transform_6(%arg0: i32) -> (i32, i32) {
    %c0_i32 = arith.constant 0 : i32
    %c0_i32_0 = arith.constant 0 : i32
    %c0_i32_1 = arith.constant 0 : i32
    return %c0_i32, %c0_i32_0 : i32, i32
  }
  func.func @transform_7(%arg0: i32) -> (i32, i32) {
    %c0_i32 = arith.constant 0 : i32
    %c0_i32_0 = arith.constant 0 : i32
    %c0_i32_1 = arith.constant 0 : i32
    return %c0_i32, %c0_i32_0 : i32, i32
  }
  func.func @transform_8(%arg0: i32) -> (i32, i32) {
    %c0_i32 = arith.constant 0 : i32
    %c0_i32_0 = arith.constant 0 : i32
    %c0_i32_1 = arith.constant 0 : i32
    return %c0_i32, %c0_i32_0 : i32, i32
  }
  func.func @transform_9(%arg0: i32) -> (i32, i32) {
    %c0_i32 = arith.constant 0 : i32
    %c0_i32_0 = arith.constant 0 : i32
    %c0_i32_1 = arith.constant 0 : i32
    return %c0_i32, %c0_i32_0 : i32, i32
  }
  func.func @transform_10(%arg0: i32) -> (i32, i32) {
    %c0_i32 = arith.constant 0 : i32
    %c0_i32_0 = arith.constant 0 : i32
    return %arg0, %c0_i32 : i32, i32
  }
  func.func @transform_11(%arg0: i32) -> (i32, i32) {
    %c0_i32 = arith.constant 0 : i32
    %c0_i32_0 = arith.constant 0 : i32
    return %arg0, %c0_i32 : i32, i32
  }
}

module attributes {stable_mosaic.version = 14 : i64} {
  func.func @_tl_last_body(%arg0: i32, %arg1: memref<2x1280x128xf32, #tpu.memory_space<vmem>>, %arg2: memref<1280x128xf32, #tpu.memory_space<vmem>>, %arg3: memref<1280x128xf32, #tpu.memory_space<vmem>>, %arg4: memref<2x1280x1xf32, #tpu.memory_space<vmem>>, %arg5: memref<1x128xf32, #tpu.memory_space<vmem>>, %arg6: memref<1x128xf32, #tpu.memory_space<vmem>>, %arg7: memref<1x128xf32, #tpu.memory_space<vmem>>, %arg8: memref<1x128xf32, #tpu.memory_space<vmem>>, %arg9: memref<1x128xf32, #tpu.memory_space<vmem>>, %arg10: memref<1280x128xf32, #tpu.memory_space<vmem>>) attributes {dimension_semantics = [#tpu.dimension_semantics<arbitrary>], iteration_bounds = array<i64: 8>, scalar_prefetch = 0 : i64, scratch_operands = 0 : i64, tpu.core_type = #tpu.core_type<tc>, window_params = [{transform_indices = @transform_0, window_bounds = array<i64: 2, 1280, 128>}, {transform_indices = @transform_1, window_bounds = array<i64: 1280, 128>}, {transform_indices = @transform_2, window_bounds = array<i64: 1280, 128>}, {transform_indices = @transform_3, window_bounds = array<i64: 2, 1280, 1>}, {pipeline_mode = #tpu.pipeline_mode<synchronous>, transform_indices = @transform_4, window_bounds = array<i64: 1, 128>}, {pipeline_mode = #tpu.pipeline_mode<synchronous>, transform_indices = @transform_5, window_bounds = array<i64: 1, 128>}, {pipeline_mode = #tpu.pipeline_mode<synchronous>, transform_indices = @transform_6, window_bounds = array<i64: 1, 128>}, {pipeline_mode = #tpu.pipeline_mode<synchronous>, transform_indices = @transform_7, window_bounds = array<i64: 1, 128>}, {pipeline_mode = #tpu.pipeline_mode<synchronous>, transform_indices = @transform_8, window_bounds = array<i64: 1, 128>}, {transform_indices = @transform_9, window_bounds = array<i64: 1280, 128>}]} {
    %get3A = arith.constant 0 : index
    %get3A_0 = arith.constant 0 : index
    %get3A_1 = arith.constant 0 : index
    %get3A_2 = vector.load %arg4[%get3A, %get3A_0, %get3A_1] : memref<2x1280x1xf32, #tpu.memory_space<vmem>>, vector<1x1280x1xf32>
    %get3A_3 = vector.shape_cast %get3A_2 : vector<1x1280x1xf32> to vector<1280x1xf32>
    %get3A_4 = arith.constant 1 : index
    %get3A_5 = arith.constant 0 : index
    %get3A_6 = arith.constant 0 : index
    %get3A_7 = vector.load %arg4[%get3A_4, %get3A_5, %get3A_6] : memref<2x1280x1xf32, #tpu.memory_space<vmem>>, vector<1x1280x1xf32>
    %get3A_8 = vector.shape_cast %get3A_7 : vector<1x1280x1xf32> to vector<1280x1xf32>
    %add3A = arith.addf %get3A_3, %get3A_8 : vector<1280x1xf32>
    %add3A_9 = arith.constant 1.000000e+00 : f32
    %add3A_10 = vector.broadcast %add3A_9 : f32 to vector<1280x1xf32>
    %add3A_11 = arith.addf %add3A, %add3A_10 : vector<1280x1xf32>
    %rsqrt3A = math.rsqrt %add3A_11 : vector<1280x1xf32>
    %get3A_12 = arith.constant 0 : index
    %get3A_13 = arith.constant 0 : index
    %get3A_14 = arith.constant 0 : index
    %get3A_15 = vector.load %arg1[%get3A_12, %get3A_13, %get3A_14] : memref<2x1280x128xf32, #tpu.memory_space<vmem>>, vector<1x1280x128xf32>
    %get3A_16 = vector.shape_cast %get3A_15 : vector<1x1280x128xf32> to vector<1280x128xf32>
    %get3A_17 = arith.constant 1 : index
    %get3A_18 = arith.constant 0 : index
    %get3A_19 = arith.constant 0 : index
    %get3A_20 = vector.load %arg1[%get3A_17, %get3A_18, %get3A_19] : memref<2x1280x128xf32, #tpu.memory_space<vmem>>, vector<1x1280x128xf32>
    %get3A_21 = vector.shape_cast %get3A_20 : vector<1x1280x128xf32> to vector<1280x128xf32>
    %add3A_22 = arith.addf %get3A_16, %get3A_21 : vector<1280x128xf32>
    %get3A_23 = arith.constant 0 : index
    %get3A_24 = arith.constant 0 : index
    %get3A_25 = vector.load %arg2[%get3A_23, %get3A_24] : memref<1280x128xf32, #tpu.memory_space<vmem>>, vector<1280x128xf32>
    %add3A_26 = arith.addf %add3A_22, %get3A_25 : vector<1280x128xf32>
    %mul3A = vector.broadcast %rsqrt3A : vector<1280x1xf32> to vector<1280x128xf32>
    %mul3A_27 = arith.mulf %mul3A, %add3A_26 : vector<1280x128xf32>
    %get3A_28 = arith.constant 0 : index
    %get3A_29 = arith.constant 0 : index
    %get3A_30 = vector.load %arg5[%get3A_28, %get3A_29] : memref<1x128xf32, #tpu.memory_space<vmem>>, vector<1x128xf32>
    %add3A_31 = vector.broadcast %get3A_30 : vector<1x128xf32> to vector<1280x128xf32>
    %add3A_32 = arith.addf %mul3A_27, %add3A_31 : vector<1280x128xf32>
    %get3A_33 = arith.constant 0 : index
    %get3A_34 = arith.constant 0 : index
    %get3A_35 = vector.load %arg9[%get3A_33, %get3A_34] : memref<1x128xf32, #tpu.memory_space<vmem>>, vector<1x128xf32>
    %add3A_36 = arith.constant 9.99999974E-6 : f32
    %add3A_37 = vector.broadcast %add3A_36 : f32 to vector<1x128xf32>
    %add3A_38 = arith.addf %get3A_35, %add3A_37 : vector<1x128xf32>
    %rsqrt3A_39 = math.rsqrt %add3A_38 : vector<1x128xf32>
    %get3A_40 = arith.constant 0 : index
    %get3A_41 = arith.constant 0 : index
    %get3A_42 = vector.load %arg8[%get3A_40, %get3A_41] : memref<1x128xf32, #tpu.memory_space<vmem>>, vector<1x128xf32>
    %sub3A = vector.broadcast %get3A_42 : vector<1x128xf32> to vector<1280x128xf32>
    %sub3A_43 = arith.subf %add3A_32, %sub3A : vector<1280x128xf32>
    %mul3A_44 = vector.broadcast %rsqrt3A_39 : vector<1x128xf32> to vector<1280x128xf32>
    %mul3A_45 = arith.mulf %sub3A_43, %mul3A_44 : vector<1280x128xf32>
    %get3A_46 = arith.constant 0 : index
    %get3A_47 = arith.constant 0 : index
    %get3A_48 = vector.load %arg6[%get3A_46, %get3A_47] : memref<1x128xf32, #tpu.memory_space<vmem>>, vector<1x128xf32>
    %mul3A_49 = vector.broadcast %get3A_48 : vector<1x128xf32> to vector<1280x128xf32>
    %mul3A_50 = arith.mulf %mul3A_45, %mul3A_49 : vector<1280x128xf32>
    %get3A_51 = arith.constant 0 : index
    %get3A_52 = arith.constant 0 : index
    %get3A_53 = vector.load %arg7[%get3A_51, %get3A_52] : memref<1x128xf32, #tpu.memory_space<vmem>>, vector<1x128xf32>
    %add3A_54 = vector.broadcast %get3A_53 : vector<1x128xf32> to vector<1280x128xf32>
    %add3A_55 = arith.addf %mul3A_50, %add3A_54 : vector<1280x128xf32>
    %max3A = arith.constant 0.000000e+00 : f32
    %max3A_56 = vector.broadcast %max3A : f32 to vector<1280x128xf32>
    %max3A_57 = arith.maximumf %add3A_55, %max3A_56 : vector<1280x128xf32>
    %get3A_58 = arith.constant 0 : index
    %get3A_59 = arith.constant 0 : index
    %get3A_60 = vector.load %arg3[%get3A_58, %get3A_59] : memref<1280x128xf32, #tpu.memory_space<vmem>>, vector<1280x128xf32>
    %add3A_61 = arith.addf %max3A_57, %get3A_60 : vector<1280x128xf32>
    %swap3A = arith.constant 0 : index
    %swap3A_62 = arith.constant 0 : index
    %swap3A_63 = vector.load %arg10[%swap3A, %swap3A_62] : memref<1280x128xf32, #tpu.memory_space<vmem>>, vector<1280x128xf32>
    tpu.vector_store %arg10[%swap3A, %swap3A_62], %add3A_61 {strides = array<i32>} : memref<1280x128xf32, #tpu.memory_space<vmem>>, vector<1280x128xf32>,
    return
  }
  func.func @transform_0(%arg0: i32) -> (i32, i32, i32) {
    %c0_i32 = arith.constant 0 : i32
    %c0_i32_0 = arith.constant 0 : i32
    %c0_i32_1 = arith.constant 0 : i32
    return %c0_i32, %arg0, %c0_i32_0 : i32, i32, i32
  }
  func.func @transform_1(%arg0: i32) -> (i32, i32) {
    %c0_i32 = arith.constant 0 : i32
    %c0_i32_0 = arith.constant 0 : i32
    return %arg0, %c0_i32 : i32, i32
  }
  func.func @transform_2(%arg0: i32) -> (i32, i32) {
    %c0_i32 = arith.constant 0 : i32
    %c0_i32_0 = arith.constant 0 : i32
    return %arg0, %c0_i32 : i32, i32
  }
  func.func @transform_3(%arg0: i32) -> (i32, i32, i32) {
    %c0_i32 = arith.constant 0 : i32
    %c0_i32_0 = arith.constant 0 : i32
    %c0_i32_1 = arith.constant 0 : i32
    return %c0_i32, %arg0, %c0_i32_0 : i32, i32, i32
  }
  func.func @transform_4(%arg0: i32) -> (i32, i32) {
    %c0_i32 = arith.constant 0 : i32
    %c0_i32_0 = arith.constant 0 : i32
    %c0_i32_1 = arith.constant 0 : i32
    return %c0_i32, %c0_i32_0 : i32, i32
  }
  func.func @transform_5(%arg0: i32) -> (i32, i32) {
    %c0_i32 = arith.constant 0 : i32
    %c0_i32_0 = arith.constant 0 : i32
    %c0_i32_1 = arith.constant 0 : i32
    return %c0_i32, %c0_i32_0 : i32, i32
  }
  func.func @transform_6(%arg0: i32) -> (i32, i32) {
    %c0_i32 = arith.constant 0 : i32
    %c0_i32_0 = arith.constant 0 : i32
    %c0_i32_1 = arith.constant 0 : i32
    return %c0_i32, %c0_i32_0 : i32, i32
  }
  func.func @transform_7(%arg0: i32) -> (i32, i32) {
    %c0_i32 = arith.constant 0 : i32
    %c0_i32_0 = arith.constant 0 : i32
    %c0_i32_1 = arith.constant 0 : i32
    return %c0_i32, %c0_i32_0 : i32, i32
  }
  func.func @transform_8(%arg0: i32) -> (i32, i32) {
    %c0_i32 = arith.constant 0 : i32
    %c0_i32_0 = arith.constant 0 : i32
    %c0_i32_1 = arith.constant 0 : i32
    return %c0_i32, %c0_i32_0 : i32, i32
  }
  func.func @transform_9(%arg0: i32) -> (i32, i32) {
    %c0_i32 = arith.constant 0 : i32
    %c0_i32_0 = arith.constant 0 : i32
    return %arg0, %c0_i32 : i32, i32
  }
}

module attributes {stable_mosaic.version = 14 : i64} {
  func.func @_mlp_body(%arg0: i32, %arg1: memref<2048x128xf32, #tpu.memory_space<vmem>>, %arg2: memref<2048x128xf32, #tpu.memory_space<vmem>>, %arg3: memref<128x128xf32, #tpu.memory_space<vmem>>, %arg4: memref<128x128xf32, #tpu.memory_space<vmem>>, %arg5: memref<1x128xf32, #tpu.memory_space<vmem>>, %arg6: memref<128x1xf32, #tpu.memory_space<vmem>>, %arg7: memref<1x1xf32, #tpu.memory_space<vmem>>, %arg8: memref<2048x1xf32, #tpu.memory_space<vmem>>) attributes {dimension_semantics = [#tpu.dimension_semantics<arbitrary>], iteration_bounds = array<i64: 8>, scalar_prefetch = 0 : i64, scratch_operands = 0 : i64, tpu.core_type = #tpu.core_type<tc>, window_params = [{transform_indices = @transform_0, window_bounds = array<i64: 2048, 128>}, {transform_indices = @transform_1, window_bounds = array<i64: 2048, 128>}, {pipeline_mode = #tpu.pipeline_mode<synchronous>, transform_indices = @transform_2, window_bounds = array<i64: 128, 128>}, {pipeline_mode = #tpu.pipeline_mode<synchronous>, transform_indices = @transform_3, window_bounds = array<i64: 128, 128>}, {pipeline_mode = #tpu.pipeline_mode<synchronous>, transform_indices = @transform_4, window_bounds = array<i64: 1, 128>}, {pipeline_mode = #tpu.pipeline_mode<synchronous>, transform_indices = @transform_5, window_bounds = array<i64: 128, 1>}, {pipeline_mode = #tpu.pipeline_mode<synchronous>, transform_indices = @transform_6, window_bounds = array<i64: 1, 1>}, {transform_indices = @transform_7, window_bounds = array<i64: 2048, 1>}]} {
    %get3A = arith.constant 0 : index
    %get3A_0 = arith.constant 0 : index
    %get3A_1 = vector.load %arg1[%get3A, %get3A_0] : memref<2048x128xf32, #tpu.memory_space<vmem>>, vector<2048x128xf32>
    %get3A_2 = arith.constant 0 : index
    %get3A_3 = arith.constant 0 : index
    %get3A_4 = vector.load %arg3[%get3A_2, %get3A_3] : memref<128x128xf32, #tpu.memory_space<vmem>>, vector<128x128xf32>
    %dot_general3A = arith.constant dense<0.000000e+00> : vector<2048x128xf32>
    %dot_general3A_5 = tpu.matmul %get3A_1, %get3A_4, %dot_general3A {dimension_numbers = #tpu.dot_dimension_numbers<[1], [0], [0], [1], [0, 0, 1, 1], [], []>, transpose_lhs_hint = false} : vector<2048x128xf32>, vector<128x128xf32>, vector<2048x128xf32> -> vector<2048x128xf32>
    %get3A_6 = arith.constant 0 : index
    %get3A_7 = arith.constant 0 : index
    %get3A_8 = vector.load %arg2[%get3A_6, %get3A_7] : memref<2048x128xf32, #tpu.memory_space<vmem>>, vector<2048x128xf32>
    %get3A_9 = arith.constant 0 : index
    %get3A_10 = arith.constant 0 : index
    %get3A_11 = vector.load %arg4[%get3A_9, %get3A_10] : memref<128x128xf32, #tpu.memory_space<vmem>>, vector<128x128xf32>
    %dot_general3A_12 = arith.constant dense<0.000000e+00> : vector<2048x128xf32>
    %dot_general3A_13 = tpu.matmul %get3A_8, %get3A_11, %dot_general3A_12 {dimension_numbers = #tpu.dot_dimension_numbers<[1], [0], [0], [1], [0, 0, 1, 1], [], []>, transpose_lhs_hint = false} : vector<2048x128xf32>, vector<128x128xf32>, vector<2048x128xf32> -> vector<2048x128xf32>
    %add3A = arith.addf %dot_general3A_5, %dot_general3A_13 : vector<2048x128xf32>
    %get3A_14 = arith.constant 0 : index
    %get3A_15 = arith.constant 0 : index
    %get3A_16 = vector.load %arg5[%get3A_14, %get3A_15] : memref<1x128xf32, #tpu.memory_space<vmem>>, vector<1x128xf32>
    %add3A_17 = vector.broadcast %get3A_16 : vector<1x128xf32> to vector<2048x128xf32>
    %add3A_18 = arith.addf %add3A, %add3A_17 : vector<2048x128xf32>
    %max3A = arith.constant 0.000000e+00 : f32
    %max3A_19 = vector.broadcast %max3A : f32 to vector<2048x128xf32>
    %max3A_20 = arith.maximumf %add3A_18, %max3A_19 : vector<2048x128xf32>
    %get3A_21 = arith.constant 0 : index
    %get3A_22 = arith.constant 0 : index
    %get3A_23 = vector.load %arg6[%get3A_21, %get3A_22] : memref<128x1xf32, #tpu.memory_space<vmem>>, vector<128x1xf32>
    %dot_general3A_24 = arith.constant dense<0.000000e+00> : vector<2048x1xf32>
    %dot_general3A_25 = tpu.matmul %max3A_20, %get3A_23, %dot_general3A_24 {dimension_numbers = #tpu.dot_dimension_numbers<[1], [0], [0], [1], [0, 0, 1, 1], [], []>, transpose_lhs_hint = false} : vector<2048x128xf32>, vector<128x1xf32>, vector<2048x1xf32> -> vector<2048x1xf32>
    %get3A_26 = arith.constant 0 : index
    %get3A_27 = arith.constant 0 : index
    %get3A_28 = vector.load %arg7[%get3A_26, %get3A_27] : memref<1x1xf32, #tpu.memory_space<vmem>>, vector<1x1xf32>
    %add3A_29 = vector.broadcast %get3A_28 : vector<1x1xf32> to vector<2048x1xf32>
    %add3A_30 = arith.addf %dot_general3A_25, %add3A_29 : vector<2048x1xf32>
    %swap3A = arith.constant 0 : index
    %swap3A_31 = arith.constant 0 : index
    %swap3A_32 = vector.load %arg8[%swap3A, %swap3A_31] : memref<2048x1xf32, #tpu.memory_space<vmem>>, vector<2048x1xf32>
    tpu.vector_store %arg8[%swap3A, %swap3A_31], %add3A_30 {strides = array<i32>} : memref<2048x1xf32, #tpu.memory_space<vmem>>, vector<2048x1xf32>,
    return
  }
  func.func @transform_0(%arg0: i32) -> (i32, i32) {
    %c0_i32 = arith.constant 0 : i32
    %c0_i32_0 = arith.constant 0 : i32
    return %arg0, %c0_i32 : i32, i32
  }
  func.func @transform_1(%arg0: i32) -> (i32, i32) {
    %c0_i32 = arith.constant 0 : i32
    %c0_i32_0 = arith.constant 0 : i32
    return %arg0, %c0_i32 : i32, i32
  }
  func.func @transform_2(%arg0: i32) -> (i32, i32) {
    %c0_i32 = arith.constant 0 : i32
    %c0_i32_0 = arith.constant 0 : i32
    %c0_i32_1 = arith.constant 0 : i32
    return %c0_i32, %c0_i32_0 : i32, i32
  }
  func.func @transform_3(%arg0: i32) -> (i32, i32) {
    %c0_i32 = arith.constant 0 : i32
    %c0_i32_0 = arith.constant 0 : i32
    %c0_i32_1 = arith.constant 0 : i32
    return %c0_i32, %c0_i32_0 : i32, i32
  }
  func.func @transform_4(%arg0: i32) -> (i32, i32) {
    %c0_i32 = arith.constant 0 : i32
    %c0_i32_0 = arith.constant 0 : i32
    %c0_i32_1 = arith.constant 0 : i32
    return %c0_i32, %c0_i32_0 : i32, i32
  }
  func.func @transform_5(%arg0: i32) -> (i32, i32) {
    %c0_i32 = arith.constant 0 : i32
    %c0_i32_0 = arith.constant 0 : i32
    %c0_i32_1 = arith.constant 0 : i32
    return %c0_i32, %c0_i32_0 : i32, i32
  }
  func.func @transform_6(%arg0: i32) -> (i32, i32) {
    %c0_i32 = arith.constant 0 : i32
    %c0_i32_0 = arith.constant 0 : i32
    %c0_i32_1 = arith.constant 0 : i32
    return %c0_i32, %c0_i32_0 : i32, i32
  }
  func.func @transform_7(%arg0: i32) -> (i32, i32) {
    %c0_i32 = arith.constant 0 : i32
    %c0_i32_0 = arith.constant 0 : i32
    return %arg0, %c0_i32 : i32, i32
  }
}

</mosaic_0001>

<sc_bundles>
// kernel: kernel.13.cloned.1.call-start
scs
__scs_entry_jumppad:
0x0: {  	(pc) =	sbr.rel $0x88, $3  }
0x1: {  	(tag) =	ssettag $0x0;
	lr =	simm.s32 $0x1  }
0x2: {  	[smem:$0x3F90] =	sst lr;
	_ =	strace $0xD0000000  }
0x3: {  	_ = 	snop  }
0x4: {  	_ = 	snop  }
0x5: {  	_ = 	snop  }
0x6: {  	_ = 	snop  }
0x7: {  	_ = 	snop  }
__scs_overlays_trampoline_lowered:
0x8: {  	[smem:$0x3F9F] =	sst s0  }
0x9: {  	[smem:$0x3FA0] =	sst s1  }
0xa: {  	[smem:$0x3FA1] =	sst s2  }
0xb: {  	[smem:$0x3FA2] =	sst s3  }
0xc: {  	[smem:$0x3FA3] =	sst s4  }
0xd: {  	[smem:$0x3FA4] =	sst s5  }
0xe: {  	[smem:$0x3FA5] =	sst s6  }
0xf: {  	[smem:$0x3FA6] =	sst s7  }
0x10: {  	[smem:$0x3FA7] =	sst s8  }
0x11: {  	[smem:$0x3FA8] =	sst s9;
	s0 =	simm.s32 @!p0 $0x0  }
0x12: {  	s1 =	sld [smem:$0x3F8E];
	s0 =	simm.s32 @p0 $0x1  }
0x13: {  	[smem:$0x3FA9] =	sst s0;
	s0 =	simm.s32 @!p1 $0x0  }
0x14: {  	s2 =	sld [smem:$0x3F8D];
	s0 =	simm.s32 @p1 $0x1  }
0x15: {  	[smem:$0x3FAA] =	sst s0;
	s0 =	simm.s32 @!p2 $0x0  }
0x16: {  	s3 =	sld [smem:$0x3FDB];
	s0 =	simm.s32 @p2 $0x1  }
0x17: {  	s4 =	simm.s32 $0x1BF5;
	[smem:$0x3FAC] =	sst s0  }
0x18: {  	s0 =	sld [smem:$0x3F8F];
	_ =	swait.ge [sflag:s4], $0x0  }
0x19: {  	s7 =	sld [smem:$0x3F90]  }
0x1a: {  	s8 =	sadd.s32 $0xFFFFE003, lr  }
0x1b: {  	s9 =	sadd.s32 $0xFFFFFEF7, lr;
	s5 =	simm.s32 $0xFFFFFFFF;
	p2 =	slt.u32 s8, $0xFFFFF086  }
0x1c: {  	p1 =	slt.u32 s9, $0xF7A;
	s5 =	simm.s32 @!p2 $0x0  }
0x1d: {  	s5 =	simm.s32 @p1 $0x1;
	p0 =	seq.s32 s7, s2  }
0x1e: {  	s7 =	smul.u32 @!p0 $0xF7A, s2;
	p2 =	seq.s32 @!p0 s5, $0x0  }
0x1f: {  	s9 =	smul.u32 $0xF7A, s1;
	s8 =	simm.s32 @!p0 $0x1BF5;
	p2 =	por !p2, p0  }
0x20: {  	[sflag:s8] =	ssyncset.s32 @!p0 $0xFFFFF086;
	s6 =	sadd.s32 @!p0 s3, s7;
	s7 =	simm.s32 @!p0 $0x108  }
0x21: {  	s3 =	sadd.s32 s3, s9;
	s6 =	sadd.s32 @!p0 $0x88, s6;
	s7 =	simm.s32 @p2 $0x1082  }
0x22: {  	[simem:s7], [sflag:s8] =	dma.local @!p0 [hbm:s6], $0xF7A  }
0x23: {  	s9 =	sor.u32 $0xD0000000, s2;
	s6 =	simm.s32 $0x108;
	_ =	swait.ge @!p0 [sflag:s8], $0x0  }
0x24: {  	s3 =	sadd.s32 $0x88, s3;
	s6 =	simm.s32 @!p1 $0x1082;
	[sflag:s4] =	ssyncset.s32 $0xFFFFF086  }
0x25: {  	[simem:s6], [sflag:s4] =	dma.local [hbm:s3], $0xF7A  }
0x26: {  	[smem:$0x3F90] =	sst s1;
	(tag) =	ssettag s2;
	_ =	strace s9  }
0x27: {  	s1 =	sld [smem:$0x3FA0]  }
0x28: {  	s2 =	sld [smem:$0x3FA1]  }
0x29: {  	s4 =	sld [smem:$0x3FA3]  }
0x2a: {  	p0 =	seq.s32 s5, $0x0;
	s5 =	sld [smem:$0x3FA4]  }
0x2b: {  	s6 =	sld [smem:$0x3FA5]  }
0x2c: {  	s7 =	sld [smem:$0x3FA6]  }
0x2d: {  	s3 =	simm.s32 $0x108;
	s8 =	sld [smem:$0x3FA7]  }
0x2e: {  	s3 =	simm.s32 @!p0 $0x1082;
	s9 =	sld [smem:$0x3FA8]  }
0x2f: {  	lr =	sadd.s32 s0, s3;
	s0 =	sld [smem:$0x3F9F]  }
0x30: {  	s3 =	sld [smem:$0x3FA2]  }
0x31: {  	[smem:$0x3FAB] =	sst s10  }
0x32: {  	s10 =	sld [smem:$0x3FA9];
	_ =	sdelay $0x3  }
0x33: {  	p0 =	seq.s32 s10, $0x1;
	s10 =	sld [smem:$0x3FAB];
	_ =	sdelay $0x3  }
0x34: {  	[smem:$0x3FAB] =	sst s10  }
0x35: {  	s10 =	sld [smem:$0x3FAA];
	_ =	sdelay $0x3  }
0x36: {  	p1 =	seq.s32 s10, $0x1;
	s10 =	sld [smem:$0x3FAB];
	_ =	sdelay $0x3  }
0x37: {  	[smem:$0x3FAB] =	sst s10  }
0x38: {  	s10 =	sld [smem:$0x3FAC]  }
0x39: {  	_ = 	snop;
	(pc) =	sbr.ind lr, $3  }
0x3a: {  	_ = 	snop  }
0x3b: {  	_ = 	snop  }
0x3c: {  	p2 =	seq.s32 s10, $0x1;
	s10 =	sld [smem:$0x3FAB]  }
0x3d: {  	_ =	shalt  }
0x3e: {  	_ =	shalt  }
0x3f: {  	_ =	shalt  }
0x40: {  	_ =	shalt  }
0x41: {  	_ =	shalt  }
0x42: {  	_ =	shalt  }
0x43: {  	_ =	shalt  }
0x44: {  	_ =	shalt  }
0x45: {  	_ =	shalt  }
0x46: {  	_ =	shalt  }
0x47: {  	_ =	shalt  }
0x48: {  	_ =	shalt  }
0x49: {  	_ =	shalt  }
0x4a: {  	_ =	shalt  }
0x4b: {  	_ =	shalt  }
0x4c: {  	_ =	shalt  }
0x4d: {  	_ =	shalt  }
0x4e: {  	_ =	shalt  }
0x4f: {  	_ =	shalt  }
0x50: {  	_ =	shalt  }
0x51: {  	_ =	shalt  }
0x52: {  	_ =	shalt  }
0x53: {  	_ =	shalt  }
0x54: {  	_ =	shalt  }
0x55: {  	_ =	shalt  }
0x56: {  	_ =	shalt  }
0x57: {  	_ =	shalt  }
0x58: {  	_ =	shalt  }
0x59: {  	_ =	shalt  }
0x5a: {  	_ =	shalt  }
0x5b: {  	_ =	shalt  }
0x5c: {  	_ =	shalt  }
0x5d: {  	_ =	shalt  }
0x5e: {  	_ =	shalt  }
0x5f: {  	_ =	shalt  }
0x60: {  	_ =	shalt  }
0x61: {  	_ =	shalt  }
0x62: {  	_ =	shalt  }
0x63: {  	_ =	shalt  }
0x64: {  	_ =	shalt  }
0x65: {  	_ =	shalt  }
0x66: {  	_ =	shalt  }
0x67: {  	_ =	shalt  }
0x68: {  	_ =	shalt  }
0x69: {  	_ =	shalt  }
0x6a: {  	_ =	shalt  }
0x6b: {  	_ =	shalt  }
0x6c: {  	_ =	shalt  }
0x6d: {  	_ =	shalt  }
0x6e: {  	_ =	shalt  }
0x6f: {  	_ =	shalt  }
0x70: {  	_ =	shalt  }
0x71: {  	_ =	shalt  }
0x72: {  	_ =	shalt  }
0x73: {  	_ =	shalt  }
0x74: {  	_ =	shalt  }
0x75: {  	_ =	shalt  }
0x76: {  	_ =	shalt  }
0x77: {  	_ =	shalt  }
0x78: {  	_ =	shalt  }
0x79: {  	_ =	shalt  }
0x7a: {  	_ =	shalt  }
0x7b: {  	_ =	shalt  }
0x7c: {  	_ =	shalt  }
0x7d: {  	_ =	shalt  }
0x7e: {  	_ =	shalt  }
0x7f: {  	_ =	shalt  }
0x80: {  	_ =	shalt  }
0x81: {  	_ =	shalt  }
0x82: {  	_ =	shalt  }
0x83: {  	_ =	shalt  }
0x84: {  	_ =	shalt  }
0x85: {  	_ =	shalt  }
0x86: {  	_ =	shalt  }
0x87: {  	_ =	shalt  }
.Lfunc_end0:
.L_simem_size_0:
called_computation_lowered:
.L_overlay_start_0:
0x88: {  	s2 =	sld [smem:$0x3FD9]  }
0x89: {  	s3 =	sld [smem:$0x3FFE];
	_ =	sdelay $0x1  }
0x8a: {  	s1 =	srdreg.scid  }
0x8b: {  	s0 =	sand.u32 $0x1, s1  }
0x8c: {  	s16 =	sshll.u32 s0, $0xA;
	s2 =	sadd.s32 s3, s2  }
0x8d: {  	s2 =	sadd.s32 s2, s16  }
0x8e: {  	[smem:$0x3FB7] =	sst s2  }
0x8f: {  	_ = 	snop  }
0x90: {  	(tm) =	ssettm $0x1  }
0x91: {  	s17 =	sld [smem:$0x3FFB];
	_ =	sdelay $0x3  }
0x92: {  	_ =	strace s17  }
0x93: {  	s2 =	sld [smem:$0x3FFC];
	_ =	sdelay $0x3  }
0x94: {  	_ =	strace s2  }
0x95: {  	s2 =	sld [smem:$0x3FFD];
	_ =	sdelay $0x3  }
0x96: {  	_ =	strace s2  }
0x97: {  	_ =	strace $0x8FFFFFFF  }
0x98: {  	s18 =	sld [smem:$0x3FDB];
	_ =	sdelay $0x1  }
0x99: {  	s19 =	simm.s32 $_scs_section_size  }
0x9a: {  	s4 =	simm.s32 $_size__tile_overlayer_lowered;
	s5 =	simm.s32 $_tile_overlayer_lowered  }
0x9b: {  	s22 =	simm.s32 $0x1BFF;
	s21 =	sshll.u32 s5, $0x1;
	s2 =	sadd.s32 s19, s18  }
0x9c: {  	s6 =	simm.s32 $0x0;
	s20 =	sshll.u32 s4, $0x1;
	s4 =	sadd.s32 s21, s2  }
0x9d: {  	[timem:s6], [sflag:s22] =	dma.local [hbm:s4], s20  }
0x9e: {  	_ =	swait.ge [sflag:s22], s20  }
0x9f: {  	s3 =	ssub.s32 $0x0, s20;
	[sflag:s22] =	ssyncset.done $0x0  }
0xa0: {  	[sflag:s22] =	ssyncadd.s32 s3;
	_ =	sdelay $0x1  }
0xa1: {  	s23 =	simm.s32 $0x1B8B  }
0xa2: {  	_ =	swait.ge [sflag:s23], $0x1  }
0xa3: {  	[sflag:s23] =	ssyncset.done $0x0  }
0xa4: {  	s25 =	simm.s32 $0x1B8E;
	s24 =	sld [smem:$0x3FFE];
	[sflag:s23] =	ssyncadd.s32 $0xFFFFFFFF  }
0xa5: {  	s26 =	simm.s32 $execute0_lowered;
	[smem:$0x3FD2] =	sst s25  }
0xa6: {  	s4 =	sshll.u32 s26, $0x1;
	_ =	strace $0x80000046;
	[dreg:$0x1] =	wrdreg $0xFFFFFFFF  }
0xa7: {  	s28 =	simm.s32 $_size_execute0_lowered;
	s2 =	sadd.s32 s2, s4;
	[dreg:$0x0] =	wrdreg $0x0  }
0xa8: {  	s4 =	sshll.u32 s28, $0x1;
	[dreg:$0x2] =	wrdreg s2  }
0xa9: {  	[dreg:$0x3] =	wrdreg s4  }
0xaa: {  	[dreg:$0x4] =	wrdreg $0xC0  }
0xab: {  	_ =	task [dreg:s6], $0x5FFFF  }
0xac: {  	[dreg:$0x1] =	wrdreg $0xFFFFFFFF  }
0xad: {  	[dreg:$0x0] =	wrdreg $0x60  }
0xae: {  	[dreg:$0x2] =	wrdreg s24  }
0xaf: {  	[dreg:$0x3] =	wrdreg $0x68000  }
0xb0: {  	[dreg:$0x4] =	wrdreg $0x9  }
0xb1: {  	_ =	task.clear_ibuf [dreg:s6], $0x5FFFF;
	_ =	strace $0x90000046  }
0xb2: {  	s29 =	simm.s32 $0x9;
	_ =	strace $0x80000048  }
0xb3: {  	_ =	swait.ge [sflag:s29], $0x1  }
0xb4: {  	[sflag:s29] =	ssyncadd.s32 $0xFFFFFFFF  }
0xb5: {  	_ =	strace $0x90000048  }
0xb6: {  	_ =	sfence  }
0xb7: {  	s30 =	sld [smem:$0x0];
	_ =	sdelay $0x2  }
0xb8: {  	s31 =	sshll.u32 s1, $0xD;
	s1 =	sshrl.u32 s1, $0x2  }
0xb9: {  	s3 =	sand.u32 $0x4000, s31;
	s1 =	sadd.s32 s1, s30  }
0xba: {  	s0 =	sor.u32 s3, s0;
	s1 =	sshll.u32 s1, $0x11  }
0xbb: {  	s0 =	sor.u32 s1, s0  }
0xbc: {  	s0 =	sadd.s32 $0x8F2B, s0  }
0xbd: {  	[sflag:s0] =	ssyncadd.remote.s32 $0x1  }
0xbe: {  	_ =	sfence.sel $0xFFFF  }
0xbf: {  	[dreg:$0x0] =	wrdreg $0xFFFFFFFF;
	(pc) =	sbr.abs _section_cstart, $3  }
0xc0: {  	[dreg:$0x1] =	wrdreg $0xFFFFFFFF  }
0xc1: {  	_ =	task.clear_ibuf [dreg:s6], $0x2FFFF;
	_ =	strace $0x9FFFFFFF  }
0xc2: {  	(tm) =	ssettm $0x7FFFFFFF  }
0xc3: {  	_ =	shalt  }
tec
execute0_lowered:
.L_overlay_start_1:
0x0: {  	(tag) =	ssettag $0x1  }
0x1: {  	s1 =	srdreg.scid;
	s6 =	rddreg [dreg:$0x0]  }
0x2: {  	s0 =	stileid.u32;
	s2 =	rddreg [dreg:$0x1];
	s3 =	simm.s32 $0x0  }
0x3: {  	s13 =	simm.s32 $0x2800;
	s14 =	simm.s32 $0x2;
	s15 =	simm.s32 $0x80  }
0x4: {  	s16 =	simm.s32 $0x1;
	s5 =	sand.u32 $0x1, s1;
	s7 =	smul.u32 $0x2800, s0  }
0x5: {  	s28 =	sshll.u32 s0, $0x1;
	[smem:$0x7FF] =	sst s3;
	s9 =	smul.u32 $0x50000, s0  }
0x6: {  	s17 =	sshll.u32 s0, $0x6;
	s1 =	sor.u32 s5, s28;
	s8 =	smul.u32 $0x28000, s5  }
0x7: {  	s29 =	ssub.s32 $0x2, s5;
	s17 =	sor.u32 $0x1C02, s17;
	s4 =	smul.u32 $0x500, s1  }
0x8: {  	s1 =	rddreg [dreg:$0x2];
	_ =	strace $0x80000047;
	s30 =	sshrl.u32 s9, $0x2  }
0x9: {  	s31 =	sshrl.u32 s29, $0x1;
	s7 =	sadd.s32 s7, s8;
	s5 =	sadd.s32 s30, s2  }
0xa: {  	s12 =	ssub.s32 s29, s31;
	s10 =	sadd.s32 s4, s6;
	s4 =	sadd.s32 $0xFC00, s6  }
0xb: {  	s11 =	sadd.s32 s7, s6;
	s6 =	sadd.s32 $0x4000, s5;
	s7 =	sadd.s32 $0x8000, s5  }
0xc: {  	s8 =	sadd.s32 $0xC000, s5;
	s9 =	sadd.s32 $0x10000, s5;
	s12 =	smax.u32 s12, $0x1  }
0xd: {  	v0 =	vimm.f32 $0.0e+00;
	s18 =	sshrl.u32 s5, $0x3;
	s10 =	sadd.s32 $0x5C00, s10;
	s11 =	sadd.s32 $0x10400, s11  }
.LBB2_1:
0xe: {  	s19 =	simm.s32 $0x0;
	s20 =	simm.s32 $0x200  }
.LBB2_2:
0xf: {  	p0 =	sne.s32 s20, $0xFE00;
	[tilespmem:s19+$0x2870] =	vst v0  }
0x10: {  	[tilespmem:s19+$0x2800] =	vst v0  }
0x11: {  	[tilespmem:s19+$0x2810] =	vst v0  }
.Ltmp0:
0x12: {  	[tilespmem:s19+$0x2820] =	vst v0;
	(pc) =	sbr.rel @p0 .LBB2_2-.Ltmp0, $4  }
0x13: {  	[tilespmem:s19+$0x2830] =	vst v0  }
0x14: {  	[tilespmem:s19+$0x2840] =	vst v0  }
0x15: {  	[tilespmem:s19+$0x2850] =	vst v0  }
0x16: {  	[tilespmem:s19+$0x2860] =	vst v0;
	s19 =	sshra.s32 s20, $0x2;
	s20 =	sadd.s32 $0x200, s20  }
0x17: {  	[tilespmem:s19+$0x2870] =	vst v0  }
0x18: {  	[tilespmem:s19+$0x2800] =	vst v0  }
0x19: {  	[tilespmem:s19+$0x2810] =	vst v0  }
0x1a: {  	[tilespmem:s19+$0x2820] =	vst v0  }
0x1b: {  	[tilespmem:s19+$0x2830] =	vst v0  }
0x1c: {  	[tilespmem:s19+$0x2840] =	vst v0  }
0x1d: {  	[tilespmem:s19+$0x2850] =	vst v0  }
0x1e: {  	[tilespmem:s19+$0x2860] =	vst v0  }
0x1f: {  	[spmem:s5] =	stream.linear.scatter [tilespmem:s13], [sflag:$0x2], $0x4000, $0x38;
	[tilespmem:$0x1A800] =	vst v63  }
0x20: {  	_ =	swait.ge [sflag:s14], $0x4000  }
0x21: {  	[sflag:s14] =	ssyncset.done $0x0  }
0x22: {  	[sflag:s14] =	ssyncadd.s32 $0xFFFFC000  }
0x23: {  	[spmem:s6] =	stream.linear.scatter [tilespmem:s13], [sflag:$0x2], $0x4000, $0x38;
	[tilespmem:$0x1A800] =	vst v63  }
0x24: {  	_ =	swait.ge [sflag:s14], $0x4000  }
0x25: {  	[sflag:s14] =	ssyncset.done $0x0  }
0x26: {  	[sflag:s14] =	ssyncadd.s32 $0xFFFFC000  }
0x27: {  	[spmem:s7] =	stream.linear.scatter [tilespmem:s13], [sflag:$0x2], $0x4000, $0x38;
	[tilespmem:$0x1A800] =	vst v63  }
0x28: {  	_ =	swait.ge [sflag:s14], $0x4000  }
0x29: {  	[sflag:s14] =	ssyncset.done $0x0  }
0x2a: {  	[sflag:s14] =	ssyncadd.s32 $0xFFFFC000  }
0x2b: {  	[spmem:s8] =	stream.linear.scatter [tilespmem:s13], [sflag:$0x2], $0x4000, $0x38;
	[tilespmem:$0x1A800] =	vst v63  }
0x2c: {  	_ =	swait.ge [sflag:s14], $0x4000  }
0x2d: {  	[sflag:s14] =	ssyncset.done $0x0  }
0x2e: {  	[sflag:s14] =	ssyncadd.s32 $0xFFFFC000  }
0x2f: {  	[spmem:s9] =	stream.linear.scatter [tilespmem:s13], [sflag:$0x2], $0x4000, $0x38;
	[tilespmem:$0x1A800] =	vst v63  }
0x30: {  	_ =	swait.ge [sflag:s14], $0x4000  }
0x31: {  	[sflag:s14] =	ssyncset.done $0x0  }
0x32: {  	s19 =	simm.s32 $0x0;
	[sflag:s14] =	ssyncadd.s32 $0xFFFFC000  }
0x33: {  	[tilespmem:s19], [sflag:$0x2] =	stream.linear.gather [hbm4b:s10+s19], $0x2800, $0x38;
	[tilespmem:$0x1A800] =	vst v63  }
0x34: {  	_ =	swait.ge [sflag:s14], $0x2800  }
0x35: {  	[sflag:s14] =	ssyncset.done $0x0  }
0x36: {  	[sflag:s14] =	ssyncadd.s32 $0xFFFFD800  }
0x37: {  	[tilespmem:s13], [sflag:$0x2] =	stream.linear.gather [hbm4b:s4+s19], $0x4000, $0x38;
	[tilespmem:$0x1A800] =	vst v63  }
0x38: {  	_ =	swait.ge [sflag:s14], $0x4000  }
0x39: {  	[sflag:s14] =	ssyncset.done $0x0  }
0x3a: {  	[sflag:s14] =	ssyncadd.s32 $0xFFFFC000  }
0x3b: {  	[bflag:$0x0] =	sbarrier.arrive $0xFFFF  }
.LBB2_4:
0x3c: {  	p0 =	sne.s32 s19, $0x9E00  }
.Ltmp1:
0x3d: {  	_ = 	snop;
	(pc) =	sbr.rel @p0 .LBB2_4-.Ltmp1, $3  }
0x3e: {  	_ =	sdelay $0x1  }
0x3f: {  	s20 =	sshra.s32 s19, $0x2;
	s19 =	sadd.s32 $0x200, s19  }
0x40: {  	[spmem:s2] =	stream.indirect.scatter.add.f32 [tilespmem:s13], [sflag:$0x1], $0x80, s20, s15, $0xb8;
	[tilespmem:$0x1A800] =	vst v63  }
0x41: {  	_ =	swait.ge [sflag:s16], $0x4000  }
0x42: {  	s19 =	simm.s32 $0x4F;
	[sflag:s16] =	ssyncset.done $0x0  }
.LBB2_6:
0x43: {  	p0 =	sne.s32 s19, $0x1;
	s19 =	sadd.s32 $0xFFFFFFFF, s19;
	[sflag:s16] =	ssyncadd.s32 $0xFFFFC000  }
.Ltmp2:
0x44: {  	(pc) =	sbr.rel @p0 .LBB2_6-.Ltmp2, $3  }
0x45: {  	_ =	sdelay $0x1  }
0x46: {  	_ =	swait.ge [sflag:s16], $0x4000  }
0x47: {  	[sflag:s16] =	ssyncset.done $0x0  }
0x48: {  	s3 =	sadd.s32 $0x1, s3  }
0x49: {  	[sflag:s16] =	ssyncadd.s32 $0xFFFFC000;
	p0 =	sne.s32 s3, s12  }
.Ltmp3:
0x4a: {  	[bflag:$0x0] =	sbarrier.arrive $0xFFFF;
	(pc) =	sbr.rel @p0 .LBB2_1-.Ltmp3, $4  }
0x4b: {  	[hbm:s11], [sflag:s17] =	dma.local [spmem:s18], $0x2800  }
0x4c: {  	_ =	swait.ge [sflag:s14], $0x2800  }
0x4d: {  	[sflag:s14] =	ssyncset.done $0x0  }
0x4e: {  	[sflag:s14] =	ssyncadd.s32 $0xFFFFD800  }
0x4f: {  	_ =	sfence.sel $0x180000  }
0x50: {  	[bflag:$0x0] =	sbarrier.arrive $0xFFFF  }
0x51: {  	p0 =	sne.s32 s0, $0x0;
	_ =	strace $0x90000047  }
0x52: {  	s0 =	sadd.s32 @!p0 $0x100000, s1;
	[bflag:$0x2] =	sbarrier.arrive $0xFFFF  }
0x53: {  	[sflag:s0] =	ssyncadd.tile.s32 @!p0 $0x1;
	_ =	shalt  }
.Lfunc_end2:
_tile_overlayer_lowered:
.L_overlay_start_2:
0x54: {  	(tag) =	ssettag $0x2  }
0x55: {  	s0 =	rddreg [dreg:$0x0];
	s2 =	stileid.u32  }
0x56: {  	s1 =	rddreg [dreg:$0x1];
	p0 =	sne.s32 s2, $0x0  }
0x57: {  	s3 =	rddreg [dreg:$0x2];
	[bflag:$0x3] =	sbarrier.arrive $0xFFFF;
	s2 =	simm.s32 @!p0 $0x1C02  }
0x58: {  	[timem:s3], [sflag:s2] =	dma.local @!p0 [hbm:s0], s1  }
0x59: {  	s0 =	simm.s32 @!p0 $0x2  }
0x5a: {  	_ =	swait.ge @!p0 [sflag:s0], s1  }
0x5b: {  	s1 =	ssub.s32 @!p0 $0x0, s1;
	[sflag:s0] =	ssyncset.done @!p0 $0x0  }
0x5c: {  	[sflag:s0] =	ssyncadd.s32 @!p0 s1  }
0x5d: {  	[bflag:$0x3] =	sbarrier.arrive $0xFFFF  }
0x5e: {  	_ =	shalt  }

// kernel: kernel.16.cloned.1.call-start
scs
__scs_entry_jumppad:
0x0: {  	(pc) =	sbr.rel $0x88, $3  }
0x1: {  	(tag) =	ssettag $0x0;
	lr =	simm.s32 $0x1  }
0x2: {  	[smem:$0x3F90] =	sst lr;
	_ =	strace $0xD0000000  }
0x3: {  	_ = 	snop  }
0x4: {  	_ = 	snop  }
0x5: {  	_ = 	snop  }
0x6: {  	_ = 	snop  }
0x7: {  	_ = 	snop  }
__scs_overlays_trampoline_lowered:
0x8: {  	[smem:$0x3F9F] =	sst s0  }
0x9: {  	[smem:$0x3FA0] =	sst s1  }
0xa: {  	[smem:$0x3FA1] =	sst s2  }
0xb: {  	[smem:$0x3FA2] =	sst s3  }
0xc: {  	[smem:$0x3FA3] =	sst s4  }
0xd: {  	[smem:$0x3FA4] =	sst s5  }
0xe: {  	[smem:$0x3FA5] =	sst s6  }
0xf: {  	[smem:$0x3FA6] =	sst s7  }
0x10: {  	[smem:$0x3FA7] =	sst s8  }
0x11: {  	[smem:$0x3FA8] =	sst s9;
	s0 =	simm.s32 @!p0 $0x0  }
0x12: {  	s1 =	sld [smem:$0x3F8E];
	s0 =	simm.s32 @p0 $0x1  }
0x13: {  	[smem:$0x3FA9] =	sst s0;
	s0 =	simm.s32 @!p1 $0x0  }
0x14: {  	s2 =	sld [smem:$0x3F8D];
	s0 =	simm.s32 @p1 $0x1  }
0x15: {  	[smem:$0x3FAA] =	sst s0;
	s0 =	simm.s32 @!p2 $0x0  }
0x16: {  	s3 =	sld [smem:$0x3FDB];
	s0 =	simm.s32 @p2 $0x1  }
0x17: {  	s4 =	simm.s32 $0x1BF5;
	[smem:$0x3FAC] =	sst s0  }
0x18: {  	s0 =	sld [smem:$0x3F8F];
	_ =	swait.ge [sflag:s4], $0x0  }
0x19: {  	s7 =	sld [smem:$0x3F90]  }
0x1a: {  	s8 =	sadd.s32 $0xFFFFE003, lr  }
0x1b: {  	s9 =	sadd.s32 $0xFFFFFEF7, lr;
	s5 =	simm.s32 $0xFFFFFFFF;
	p2 =	slt.u32 s8, $0xFFFFF086  }
0x1c: {  	p1 =	slt.u32 s9, $0xF7A;
	s5 =	simm.s32 @!p2 $0x0  }
0x1d: {  	s5 =	simm.s32 @p1 $0x1;
	p0 =	seq.s32 s7, s2  }
0x1e: {  	s7 =	smul.u32 @!p0 $0xF7A, s2;
	p2 =	seq.s32 @!p0 s5, $0x0  }
0x1f: {  	s9 =	smul.u32 $0xF7A, s1;
	s8 =	simm.s32 @!p0 $0x1BF5;
	p2 =	por !p2, p0  }
0x20: {  	[sflag:s8] =	ssyncset.s32 @!p0 $0xFFFFF086;
	s6 =	sadd.s32 @!p0 s3, s7;
	s7 =	simm.s32 @!p0 $0x108  }
0x21: {  	s3 =	sadd.s32 s3, s9;
	s6 =	sadd.s32 @!p0 $0x88, s6;
	s7 =	simm.s32 @p2 $0x1082  }
0x22: {  	[simem:s7], [sflag:s8] =	dma.local @!p0 [hbm:s6], $0xF7A  }
0x23: {  	s9 =	sor.u32 $0xD0000000, s2;
	s6 =	simm.s32 $0x108;
	_ =	swait.ge @!p0 [sflag:s8], $0x0  }
0x24: {  	s3 =	sadd.s32 $0x88, s3;
	s6 =	simm.s32 @!p1 $0x1082;
	[sflag:s4] =	ssyncset.s32 $0xFFFFF086  }
0x25: {  	[simem:s6], [sflag:s4] =	dma.local [hbm:s3], $0xF7A  }
0x26: {  	[smem:$0x3F90] =	sst s1;
	(tag) =	ssettag s2;
	_ =	strace s9  }
0x27: {  	s1 =	sld [smem:$0x3FA0]  }
0x28: {  	s2 =	sld [smem:$0x3FA1]  }
0x29: {  	s4 =	sld [smem:$0x3FA3]  }
0x2a: {  	p0 =	seq.s32 s5, $0x0;
	s5 =	sld [smem:$0x3FA4]  }
0x2b: {  	s6 =	sld [smem:$0x3FA5]  }
0x2c: {  	s7 =	sld [smem:$0x3FA6]  }
0x2d: {  	s3 =	simm.s32 $0x108;
	s8 =	sld [smem:$0x3FA7]  }
0x2e: {  	s3 =	simm.s32 @!p0 $0x1082;
	s9 =	sld [smem:$0x3FA8]  }
0x2f: {  	lr =	sadd.s32 s0, s3;
	s0 =	sld [smem:$0x3F9F]  }
0x30: {  	s3 =	sld [smem:$0x3FA2]  }
0x31: {  	[smem:$0x3FAB] =	sst s10  }
0x32: {  	s10 =	sld [smem:$0x3FA9];
	_ =	sdelay $0x3  }
0x33: {  	p0 =	seq.s32 s10, $0x1;
	s10 =	sld [smem:$0x3FAB];
	_ =	sdelay $0x3  }
0x34: {  	[smem:$0x3FAB] =	sst s10  }
0x35: {  	s10 =	sld [smem:$0x3FAA];
	_ =	sdelay $0x3  }
0x36: {  	p1 =	seq.s32 s10, $0x1;
	s10 =	sld [smem:$0x3FAB];
	_ =	sdelay $0x3  }
0x37: {  	[smem:$0x3FAB] =	sst s10  }
0x38: {  	s10 =	sld [smem:$0x3FAC]  }
0x39: {  	_ = 	snop;
	(pc) =	sbr.ind lr, $3  }
0x3a: {  	_ = 	snop  }
0x3b: {  	_ = 	snop  }
0x3c: {  	p2 =	seq.s32 s10, $0x1;
	s10 =	sld [smem:$0x3FAB]  }
0x3d: {  	_ =	shalt  }
0x3e: {  	_ =	shalt  }
0x3f: {  	_ =	shalt  }
0x40: {  	_ =	shalt  }
0x41: {  	_ =	shalt  }
0x42: {  	_ =	shalt  }
0x43: {  	_ =	shalt  }
0x44: {  	_ =	shalt  }
0x45: {  	_ =	shalt  }
0x46: {  	_ =	shalt  }
0x47: {  	_ =	shalt  }
0x48: {  	_ =	shalt  }
0x49: {  	_ =	shalt  }
0x4a: {  	_ =	shalt  }
0x4b: {  	_ =	shalt  }
0x4c: {  	_ =	shalt  }
0x4d: {  	_ =	shalt  }
0x4e: {  	_ =	shalt  }
0x4f: {  	_ =	shalt  }
0x50: {  	_ =	shalt  }
0x51: {  	_ =	shalt  }
0x52: {  	_ =	shalt  }
0x53: {  	_ =	shalt  }
0x54: {  	_ =	shalt  }
0x55: {  	_ =	shalt  }
0x56: {  	_ =	shalt  }
0x57: {  	_ =	shalt  }
0x58: {  	_ =	shalt  }
0x59: {  	_ =	shalt  }
0x5a: {  	_ =	shalt  }
0x5b: {  	_ =	shalt  }
0x5c: {  	_ =	shalt  }
0x5d: {  	_ =	shalt  }
0x5e: {  	_ =	shalt  }
0x5f: {  	_ =	shalt  }
0x60: {  	_ =	shalt  }
0x61: {  	_ =	shalt  }
0x62: {  	_ =	shalt  }
0x63: {  	_ =	shalt  }
0x64: {  	_ =	shalt  }
0x65: {  	_ =	shalt  }
0x66: {  	_ =	shalt  }
0x67: {  	_ =	shalt  }
0x68: {  	_ =	shalt  }
0x69: {  	_ =	shalt  }
0x6a: {  	_ =	shalt  }
0x6b: {  	_ =	shalt  }
0x6c: {  	_ =	shalt  }
0x6d: {  	_ =	shalt  }
0x6e: {  	_ =	shalt  }
0x6f: {  	_ =	shalt  }
0x70: {  	_ =	shalt  }
0x71: {  	_ =	shalt  }
0x72: {  	_ =	shalt  }
0x73: {  	_ =	shalt  }
0x74: {  	_ =	shalt  }
0x75: {  	_ =	shalt  }
0x76: {  	_ =	shalt  }
0x77: {  	_ =	shalt  }
0x78: {  	_ =	shalt  }
0x79: {  	_ =	shalt  }
0x7a: {  	_ =	shalt  }
0x7b: {  	_ =	shalt  }
0x7c: {  	_ =	shalt  }
0x7d: {  	_ =	shalt  }
0x7e: {  	_ =	shalt  }
0x7f: {  	_ =	shalt  }
0x80: {  	_ =	shalt  }
0x81: {  	_ =	shalt  }
0x82: {  	_ =	shalt  }
0x83: {  	_ =	shalt  }
0x84: {  	_ =	shalt  }
0x85: {  	_ =	shalt  }
0x86: {  	_ =	shalt  }
0x87: {  	_ =	shalt  }
.Lfunc_end0:
.L_simem_size_0:
called_computation.1_lowered:
.L_overlay_start_0:
0x88: {  	s2 =	sld [smem:$0x3FD9]  }
0x89: {  	s3 =	sld [smem:$0x3FFE];
	_ =	sdelay $0x1  }
0x8a: {  	s1 =	srdreg.scid  }
0x8b: {  	s0 =	sand.u32 $0x1, s1  }
0x8c: {  	s16 =	sshll.u32 s0, $0xA;
	s2 =	sadd.s32 s3, s2  }
0x8d: {  	s2 =	sadd.s32 s2, s16  }
0x8e: {  	[smem:$0x3FB7] =	sst s2  }
0x8f: {  	_ = 	snop  }
0x90: {  	(tm) =	ssettm $0x1  }
0x91: {  	s17 =	sld [smem:$0x3FFB];
	_ =	sdelay $0x3  }
0x92: {  	_ =	strace s17  }
0x93: {  	s2 =	sld [smem:$0x3FFC];
	_ =	sdelay $0x3  }
0x94: {  	_ =	strace s2  }
0x95: {  	s2 =	sld [smem:$0x3FFD];
	_ =	sdelay $0x3  }
0x96: {  	_ =	strace s2  }
0x97: {  	_ =	strace $0x8FFFFFFF  }
0x98: {  	s18 =	sld [smem:$0x3FDB];
	_ =	sdelay $0x1  }
0x99: {  	s19 =	simm.s32 $_scs_section_size  }
0x9a: {  	s4 =	simm.s32 $_size__tile_overlayer_lowered;
	s5 =	simm.s32 $_tile_overlayer_lowered  }
0x9b: {  	s22 =	simm.s32 $0x1BFF;
	s21 =	sshll.u32 s5, $0x1;
	s2 =	sadd.s32 s19, s18  }
0x9c: {  	s6 =	simm.s32 $0x0;
	s20 =	sshll.u32 s4, $0x1;
	s4 =	sadd.s32 s21, s2  }
0x9d: {  	[timem:s6], [sflag:s22] =	dma.local [hbm:s4], s20  }
0x9e: {  	_ =	swait.ge [sflag:s22], s20  }
0x9f: {  	s3 =	ssub.s32 $0x0, s20;
	[sflag:s22] =	ssyncset.done $0x0  }
0xa0: {  	[sflag:s22] =	ssyncadd.s32 s3;
	_ =	sdelay $0x1  }
0xa1: {  	s23 =	simm.s32 $0x1B8B  }
0xa2: {  	_ =	swait.ge [sflag:s23], $0x1  }
0xa3: {  	[sflag:s23] =	ssyncset.done $0x0  }
0xa4: {  	s25 =	simm.s32 $0x1B8E;
	s24 =	sld [smem:$0x3FFE];
	[sflag:s23] =	ssyncadd.s32 $0xFFFFFFFF  }
0xa5: {  	s26 =	simm.s32 $execute0_lowered;
	[smem:$0x3FD2] =	sst s25  }
0xa6: {  	s4 =	sshll.u32 s26, $0x1;
	_ =	strace $0x80000049;
	[dreg:$0x1] =	wrdreg $0xFFFFFFFF  }
0xa7: {  	s28 =	simm.s32 $_size_execute0_lowered;
	s2 =	sadd.s32 s2, s4;
	[dreg:$0x0] =	wrdreg $0x0  }
0xa8: {  	s4 =	sshll.u32 s28, $0x1;
	[dreg:$0x2] =	wrdreg s2  }
0xa9: {  	[dreg:$0x3] =	wrdreg s4  }
0xaa: {  	[dreg:$0x4] =	wrdreg $0xC0  }
0xab: {  	_ =	task [dreg:s6], $0x5FFFF  }
0xac: {  	[dreg:$0x1] =	wrdreg $0xFFFFFFFF  }
0xad: {  	[dreg:$0x0] =	wrdreg $0x60  }
0xae: {  	[dreg:$0x2] =	wrdreg s24  }
0xaf: {  	[dreg:$0x3] =	wrdreg $0xC0000  }
0xb0: {  	[dreg:$0x4] =	wrdreg $0x9  }
0xb1: {  	_ =	task.clear_ibuf [dreg:s6], $0x5FFFF;
	_ =	strace $0x90000049  }
0xb2: {  	s29 =	simm.s32 $0x9;
	_ =	strace $0x8000004B  }
0xb3: {  	_ =	swait.ge [sflag:s29], $0x1  }
0xb4: {  	[sflag:s29] =	ssyncadd.s32 $0xFFFFFFFF  }
0xb5: {  	_ =	strace $0x9000004B  }
0xb6: {  	_ =	sfence  }
0xb7: {  	s30 =	sld [smem:$0x0];
	_ =	sdelay $0x2  }
0xb8: {  	s31 =	sshll.u32 s1, $0xD;
	s1 =	sshrl.u32 s1, $0x2  }
0xb9: {  	s3 =	sand.u32 $0x4000, s31;
	s1 =	sadd.s32 s1, s30  }
0xba: {  	s0 =	sor.u32 s3, s0;
	s1 =	sshll.u32 s1, $0x11  }
0xbb: {  	s0 =	sor.u32 s1, s0  }
0xbc: {  	s0 =	sadd.s32 $0x8F2B, s0  }
0xbd: {  	[sflag:s0] =	ssyncadd.remote.s32 $0x1  }
0xbe: {  	_ =	sfence.sel $0xFFFF  }
0xbf: {  	[dreg:$0x0] =	wrdreg $0xFFFFFFFF;
	(pc) =	sbr.abs _section_cstart, $3  }
0xc0: {  	[dreg:$0x1] =	wrdreg $0xFFFFFFFF  }
0xc1: {  	_ =	task.clear_ibuf [dreg:s6], $0x2FFFF;
	_ =	strace $0x9FFFFFFF  }
0xc2: {  	(tm) =	ssettm $0x7FFFFFFF  }
0xc3: {  	_ =	shalt  }
tec
execute0_lowered:
.L_overlay_start_1:
0x0: {  	(tag) =	ssettag $0x1  }
0x1: {  	s6 =	rddreg [dreg:$0x0]  }
0x2: {  	s2 =	rddreg [dreg:$0x1]  }
0x3: {  	s0 =	rddreg [dreg:$0x2]  }
0x4: {  	s3 =	simm.s32 $0x0;
	s1 =	stileid.u32;
	s4 =	srdreg.scid  }
0x5: {  	s18 =	simm.s32 $0x2000;
	s19 =	simm.s32 $0x80;
	s20 =	simm.s32 $0x1  }
0x6: {  	s21 =	simm.s32 $0x8000;
	s22 =	simm.s32 $0x2;
	s23 =	simm.s32 $0x1D80  }
0x7: {  	s24 =	simm.s32 $0x3D00;
	s25 =	simm.s32 $0x3D80;
	s5 =	smul.u32 $0x2800, s1  }
0x8: {  	[smem:$0x7FF] =	sst s3;
	s16 =	sand.u32 $0x1, s4;
	s7 =	smul.u32 $0x50000, s1  }
0x9: {  	s4 =	sadd.s32 $0x80400, s6;
	s12 =	sadd.s32 $0x70400, s6;
	s13 =	sadd.s32 $0x60400, s6  }
0xa: {  	s31 =	sshll.u32 s1, $0xC;
	_ =	strace $0x8000004A;
	s8 =	smul.u32 $0x28000, s16  }
0xb: {  	s9 =	ssub.s32 $0x2, s16;
	s11 =	sshll.u32 s16, $0xB;
	p0 =	sne.s32 s16, $0x0  }
0xc: {  	s16 =	simm.s32 $0x4000;
	s7 =	sshrl.u32 s7, $0x2;
	s10 =	sshrl.u32 s9, $0x1  }
0xd: {  	s17 =	sor.u32 s11, s31;
	s8 =	sadd.s32 s5, s8;
	s5 =	sadd.s32 s7, s2  }
.Ltmp0:
0xe: {  	s15 =	ssub.s32 s9, s10;
	s10 =	sadd.s32 s12, s17;
	(pc) =	sbr.rel .LBB2_1-.Ltmp0, $4  }
0xf: {  	s11 =	sadd.s32 s13, s17;
	s17 =	sor.u32 $0x400, s17;
	s14 =	sadd.s32 s8, s6  }
0x10: {  	s6 =	sadd.s32 $0x4000, s5;
	s7 =	sadd.s32 $0x8000, s5;
	s8 =	sadd.s32 $0xC000, s5  }
0x11: {  	s9 =	sadd.s32 $0x10000, s5;
	s12 =	sadd.s32 s12, s17;
	s13 =	sadd.s32 s13, s17  }
0x12: {  	v0 =	vimm.f32 $0.0e+00;
	s15 =	smax.u32 s15, $0x1;
	s17 =	simm.s32 $0x3;
	s14 =	sadd.s32 $0xA8400, s14  }
.LBB2_16:
0x13: {  	s26 =	sshra.s32 s26, $0x2;
	[sflag:s17] =	ssyncadd.s32 $0xFFFFC000  }
0x14: {  	[tilespmem:s16], [sflag:$0x1] =	stream.indirect.gather [hbm4b:s4+s19], $0x80, s26, s19, $0xb8;
	v63 =	vld [tilespmem:$0x0]  }
0x15: {  	_ =	swait.ge [sflag:s20], $0x4000  }
0x16: {  	[sflag:s20] =	ssyncset.done $0x0  }
0x17: {  	s26 =	sadd.s32 $0x2000, s26;
	[sflag:s20] =	ssyncadd.s32 $0xFFFFC000  }
0x18: {  	[spmem:s2] =	stream.indirect.scatter.add.f32 [tilespmem:s16], [sflag:$0x3], $0x80, s26, s19, $0xb8;
	v63 =	vld [tilespmem:$0x0]  }
0x19: {  	_ =	swait.ge [sflag:s17], $0x4000  }
0x1a: {  	[sflag:s17] =	ssyncset.done $0x0  }
0x1b: {  	[sflag:s17] =	ssyncadd.s32 $0xFFFFC000  }
.LBB2_17:
0x1c: {  	s3 =	sadd.s32 $0x1, s3  }
0x1d: {  	s26 =	sshll.u32 s1, $0x6;
	[bflag:$0x0] =	sbarrier.arrive $0xFFFF;
	p1 =	sne.s32 s3, s15  }
.Ltmp1:
0x1e: {  	s28 =	sshrl.u32 s5, $0x3;
	s26 =	sor.u32 $0x1C03, s26;
	(pc) =	sbr.rel @!p1 .LBB2_18-.Ltmp1, $4  }
0x1f: {  	[hbm:s14], [sflag:s26] =	dma.local [spmem:s28], $0x2800  }
0x20: {  	_ =	swait.ge [sflag:s17], $0x2800  }
0x21: {  	[sflag:s17] =	ssyncset.done $0x0  }
0x22: {  	[sflag:s17] =	ssyncadd.s32 $0xFFFFD800  }
.LBB2_1:
0x23: {  	s26 =	simm.s32 $0x0;
	s28 =	simm.s32 $0x200  }
.LBB2_2:
0x24: {  	p1 =	sne.s32 s28, $0xFE00;
	[tilespmem:s26+$0x4070] =	vst v0  }
0x25: {  	[tilespmem:s26+$0x4000] =	vst v0  }
0x26: {  	[tilespmem:s26+$0x4010] =	vst v0  }
.Ltmp2:
0x27: {  	[tilespmem:s26+$0x4020] =	vst v0;
	(pc) =	sbr.rel @p1 .LBB2_2-.Ltmp2, $4  }
0x28: {  	[tilespmem:s26+$0x4030] =	vst v0  }
0x29: {  	[tilespmem:s26+$0x4040] =	vst v0  }
0x2a: {  	[tilespmem:s26+$0x4050] =	vst v0  }
0x2b: {  	[tilespmem:s26+$0x4060] =	vst v0;
	s26 =	sshra.s32 s28, $0x2;
	s28 =	sadd.s32 $0x200, s28  }
0x2c: {  	[tilespmem:s26+$0x4070] =	vst v0  }
0x2d: {  	[tilespmem:s26+$0x4000] =	vst v0  }
0x2e: {  	[tilespmem:s26+$0x4010] =	vst v0  }
0x2f: {  	[tilespmem:s26+$0x4020] =	vst v0  }
0x30: {  	[tilespmem:s26+$0x4030] =	vst v0  }
0x31: {  	[tilespmem:s26+$0x4040] =	vst v0  }
0x32: {  	[tilespmem:s26+$0x4050] =	vst v0  }
0x33: {  	[tilespmem:s26+$0x4060] =	vst v0  }
0x34: {  	[spmem:s5] =	stream.linear.scatter [tilespmem:s16], [sflag:$0x3], $0x4000, $0x38;
	v63 =	vld [tilespmem:$0x0]  }
0x35: {  	_ =	swait.ge [sflag:s17], $0x4000  }
0x36: {  	[sflag:s17] =	ssyncset.done $0x0  }
0x37: {  	[sflag:s17] =	ssyncadd.s32 $0xFFFFC000  }
0x38: {  	[spmem:s6] =	stream.linear.scatter [tilespmem:s16], [sflag:$0x3], $0x4000, $0x38;
	v63 =	vld [tilespmem:$0x0]  }
0x39: {  	_ =	swait.ge [sflag:s17], $0x4000  }
0x3a: {  	[sflag:s17] =	ssyncset.done $0x0  }
0x3b: {  	[sflag:s17] =	ssyncadd.s32 $0xFFFFC000  }
0x3c: {  	[spmem:s7] =	stream.linear.scatter [tilespmem:s16], [sflag:$0x3], $0x4000, $0x38;
	v63 =	vld [tilespmem:$0x0]  }
0x3d: {  	_ =	swait.ge [sflag:s17], $0x4000  }
0x3e: {  	[sflag:s17] =	ssyncset.done $0x0  }
0x3f: {  	[sflag:s17] =	ssyncadd.s32 $0xFFFFC000  }
0x40: {  	[spmem:s8] =	stream.linear.scatter [tilespmem:s16], [sflag:$0x3], $0x4000, $0x38;
	v63 =	vld [tilespmem:$0x0]  }
0x41: {  	_ =	swait.ge [sflag:s17], $0x4000  }
0x42: {  	[sflag:s17] =	ssyncset.done $0x0  }
0x43: {  	[sflag:s17] =	ssyncadd.s32 $0xFFFFC000  }
0x44: {  	[spmem:s9] =	stream.linear.scatter [tilespmem:s16], [sflag:$0x3], $0x4000, $0x38;
	v63 =	vld [tilespmem:$0x0]  }
0x45: {  	_ =	swait.ge [sflag:s17], $0x4000  }
0x46: {  	[sflag:s17] =	ssyncset.done $0x0  }
0x47: {  	[sflag:s17] =	ssyncadd.s32 $0xFFFFC000  }
0x48: {  	s26 =	simm.s32 $0x0;
	[bflag:$0x0] =	sbarrier.arrive $0xFFFF  }
0x49: {  	[tilespmem:s26], [sflag:$0x3] =	stream.linear.gather [hbm4b:s10+s26], $0x1E00, $0x38;
	v63 =	vld [tilespmem:$0x0]  }
0x4a: {  	_ =	swait.ge [sflag:s17], $0x1E00  }
0x4b: {  	[sflag:s17] =	ssyncset.done $0x0  }
.Ltmp3:
0x4c: {  	[sflag:s17] =	ssyncadd.s32 $0xFFFFE200;
	(pc) =	sbr.rel @p0 .LBB2_7-.Ltmp3, $4  }
0x4d: {  	[tilespmem:s18], [sflag:$0x3] =	stream.linear.gather [hbm4b:s11+s26], $0x1E00, $0x38;
	v63 =	vld [tilespmem:$0x0]  }
0x4e: {  	_ =	swait.ge [sflag:s17], $0x1E00  }
0x4f: {  	[sflag:s17] =	ssyncset.done $0x0  }
0x50: {  	[sflag:s17] =	ssyncadd.s32 $0xFFFFE200  }
0x51: {  	[tilespmem:s16], [sflag:$0x1] =	stream.indirect.gather [hbm4b:s4+s19], $0x80, s26, s19, $0xb8;
	v63 =	vld [tilespmem:$0x0]  }
0x52: {  	_ =	swait.ge [sflag:s20], $0x4000  }
0x53: {  	[sflag:s20] =	ssyncset.done $0x0  }
0x54: {  	s28 =	simm.s32 $0x80;
	[sflag:s20] =	ssyncadd.s32 $0xFFFFC000  }
0x55: {  	[tilespmem:s21], [sflag:$0x2] =	stream.indirect.gather [hbm4b:s4+s19], $0x80, s28, s19, $0xb8;
	v63 =	vld [tilespmem:$0x0]  }
0x56: {  	s29 =	simm.s32 $0x2000  }
0x57: {  	[spmem:s2] =	stream.indirect.scatter.add.f32 [tilespmem:s16], [sflag:$0x3], $0x80, s29, s19, $0xb8;
	v63 =	vld [tilespmem:$0x0]  }
0x58: {  	_ =	swait.ge [sflag:s17], $0x4000  }
0x59: {  	[sflag:s17] =	ssyncset.done $0x0  }
0x5a: {  	[sflag:s17] =	ssyncadd.s32 $0xFFFFC000  }
0x5b: {  	_ =	swait.ge [sflag:s22], $0x4000  }
0x5c: {  	[sflag:s22] =	ssyncset.done $0x0  }
0x5d: {  	s30 =	simm.s32 $0x100;
	[sflag:s22] =	ssyncadd.s32 $0xFFFFC000  }
0x5e: {  	[tilespmem:s16], [sflag:$0x1] =	stream.indirect.gather [hbm4b:s4+s19], $0x80, s30, s19, $0xb8;
	v63 =	vld [tilespmem:$0x0]  }
0x5f: {  	s31 =	simm.s32 $0x2080  }
0x60: {  	[spmem:s2] =	stream.indirect.scatter.add.f32 [tilespmem:s21], [sflag:$0x3], $0x80, s31, s19, $0xb8;
	v63 =	vld [tilespmem:$0x0]  }
0x61: {  	_ =	swait.ge [sflag:s17], $0x4000  }
0x62: {  	s26 =	simm.s32 $0x400;
	[sflag:s17] =	ssyncset.done $0x0  }
.LBB2_5:
0x63: {  	p1 =	seq.s32 s26, $0x7000  }
0x64: {  	[sflag:s17] =	ssyncadd.s32 $0xFFFFC000;
	s28 =	smov.u32 s26;
	s26 =	sadd.s32 $0x400, s26  }
0x65: {  	_ = 	snop  }
0x66: {  	_ =	swait.ge [sflag:s20], $0x4000  }
0x67: {  	s28 =	sshra.s32 s28, $0x2;
	[sflag:s20] =	ssyncset.done $0x0  }
0x68: {  	s29 =	sadd.s32 $0x80, s28;
	[sflag:s20] =	ssyncadd.s32 $0xFFFFC000  }
0x69: {  	[tilespmem:s21], [sflag:$0x2] =	stream.indirect.gather [hbm4b:s4+s19], $0x80, s29, s19, $0xb8;
	v63 =	vld [tilespmem:$0x0]  }
0x6a: {  	s29 =	sadd.s32 $0x2000, s28  }
0x6b: {  	[spmem:s2] =	stream.indirect.scatter.add.f32 [tilespmem:s16], [sflag:$0x3], $0x80, s29, s19, $0xb8;
	v63 =	vld [tilespmem:$0x0]  }
0x6c: {  	_ =	swait.ge [sflag:s17], $0x4000  }
0x6d: {  	[sflag:s17] =	ssyncset.done $0x0  }
0x6e: {  	[sflag:s17] =	ssyncadd.s32 $0xFFFFC000  }
0x6f: {  	_ =	swait.ge [sflag:s22], $0x4000  }
0x70: {  	[sflag:s22] =	ssyncset.done $0x0  }
0x71: {  	s29 =	sadd.s32 $0x100, s28;
	[sflag:s22] =	ssyncadd.s32 $0xFFFFC000  }
0x72: {  	[tilespmem:s16], [sflag:$0x1] =	stream.indirect.gather [hbm4b:s4+s19], $0x80, s29, s19, $0xb8;
	v63 =	vld [tilespmem:$0x0]  }
.Ltmp4:
0x73: {  	_ = 	snop;
	(pc) =	sbr.rel @!p1 .LBB2_5-.Ltmp4, $4  }
0x74: {  	s28 =	sadd.s32 $0x2080, s28  }
0x75: {  	[spmem:s2] =	stream.indirect.scatter.add.f32 [tilespmem:s21], [sflag:$0x3], $0x80, s28, s19, $0xb8;
	v63 =	vld [tilespmem:$0x0]  }
0x76: {  	_ =	swait.ge [sflag:s17], $0x4000  }
0x77: {  	[sflag:s17] =	ssyncset.done $0x0  }
0x78: {  	[sflag:s17] =	ssyncadd.s32 $0xFFFFC000  }
0x79: {  	_ =	swait.ge [sflag:s20], $0x4000  }
0x7a: {  	[sflag:s20] =	ssyncset.done $0x0  }
0x7b: {  	[sflag:s20] =	ssyncadd.s32 $0xFFFFC000  }
0x7c: {  	[tilespmem:s21], [sflag:$0x2] =	stream.indirect.gather [hbm4b:s4+s19], $0x80, s23, s19, $0xb8;
	v63 =	vld [tilespmem:$0x0]  }
0x7d: {  	_ = 	snop  }
0x7e: {  	[spmem:s2] =	stream.indirect.scatter.add.f32 [tilespmem:s16], [sflag:$0x3], $0x80, s24, s19, $0xb8;
	v63 =	vld [tilespmem:$0x0]  }
0x7f: {  	_ =	swait.ge [sflag:s17], $0x4000  }
0x80: {  	[sflag:s17] =	ssyncset.done $0x0  }
0x81: {  	[sflag:s17] =	ssyncadd.s32 $0xFFFFC000  }
0x82: {  	_ =	swait.ge [sflag:s22], $0x4000  }
0x83: {  	[sflag:s22] =	ssyncset.done $0x0  }
.Ltmp5:
0x84: {  	[sflag:s22] =	ssyncadd.s32 $0xFFFFC000;
	(pc) =	sbr.rel .LBB2_10-.Ltmp5, $4  }
0x85: {  	[spmem:s2] =	stream.indirect.scatter.add.f32 [tilespmem:s21], [sflag:$0x3], $0x80, s25, s19, $0xb8;
	v63 =	vld [tilespmem:$0x0]  }
0x86: {  	_ =	swait.ge [sflag:s17], $0x4000  }
0x87: {  	[sflag:s17] =	ssyncset.done $0x0  }
0x88: {  	[sflag:s17] =	ssyncadd.s32 $0xFFFFC000  }
.LBB2_7:
0x89: {  	s26 =	simm.s32 $0x0  }
0x8a: {  	[tilespmem:s16], [sflag:$0x1] =	stream.indirect.gather [hbm4b:s4+s19], $0x80, s26, s19, $0xb8;
	v63 =	vld [tilespmem:$0x0]  }
0x8b: {  	_ =	swait.ge [sflag:s20], $0x4000  }
0x8c: {  	[sflag:s20] =	ssyncset.done $0x0  }
0x8d: {  	s31 =	simm.s32 $0x2000;
	[sflag:s20] =	ssyncadd.s32 $0xFFFFC000  }
0x8e: {  	[spmem:s2] =	stream.indirect.scatter.add.f32 [tilespmem:s16], [sflag:$0x3], $0x80, s31, s19, $0xb8;
	v63 =	vld [tilespmem:$0x0]  }
0x8f: {  	_ =	swait.ge [sflag:s17], $0x4000  }
0x90: {  	s28 =	simm.s32 $0x400;
	s26 =	simm.s32 $0x200;
	[sflag:s17] =	ssyncset.done $0x0  }
.LBB2_8:
0x91: {  	s29 =	sshra.s32 s26, $0x2  }
0x92: {  	[sflag:s17] =	ssyncadd.s32 $0xFFFFC000;
	s26 =	smov.u32 s28;
	s30 =	sadd.s32 $0x200, s28  }
0x93: {  	[tilespmem:s16], [sflag:$0x1] =	stream.indirect.gather [hbm4b:s4+s19], $0x80, s29, s19, $0xb8;
	v63 =	vld [tilespmem:$0x0]  }
0x94: {  	p1 =	seq.s32 s28, $0x2600;
	_ =	swait.ge [sflag:s20], $0x4000  }
.Ltmp6:
0x95: {  	[sflag:s20] =	ssyncset.done $0x0;
	(pc) =	sbr.rel @!p1 .LBB2_8-.Ltmp6, $4  }
0x96: {  	s28 =	sadd.s32 $0x2000, s29;
	[sflag:s20] =	ssyncadd.s32 $0xFFFFC000  }
0x97: {  	[spmem:s2] =	stream.indirect.scatter.add.f32 [tilespmem:s16], [sflag:$0x3], $0x80, s28, s19, $0xb8;
	v63 =	vld [tilespmem:$0x0]  }
0x98: {  	_ =	swait.ge [sflag:s17], $0x4000  }
0x99: {  	s28 =	smov.u32 s30;
	[sflag:s17] =	ssyncset.done $0x0  }
0x9a: {  	s26 =	sshra.s32 s26, $0x2;
	[sflag:s17] =	ssyncadd.s32 $0xFFFFC000  }
0x9b: {  	[tilespmem:s16], [sflag:$0x1] =	stream.indirect.gather [hbm4b:s4+s19], $0x80, s26, s19, $0xb8;
	v63 =	vld [tilespmem:$0x0]  }
0x9c: {  	_ =	swait.ge [sflag:s20], $0x4000  }
0x9d: {  	[sflag:s20] =	ssyncset.done $0x0  }
0x9e: {  	s26 =	sadd.s32 $0x2000, s26;
	[sflag:s20] =	ssyncadd.s32 $0xFFFFC000  }
0x9f: {  	[spmem:s2] =	stream.indirect.scatter.add.f32 [tilespmem:s16], [sflag:$0x3], $0x80, s26, s19, $0xb8;
	v63 =	vld [tilespmem:$0x0]  }
0xa0: {  	_ =	swait.ge [sflag:s17], $0x4000  }
0xa1: {  	[sflag:s17] =	ssyncset.done $0x0  }
0xa2: {  	[sflag:s17] =	ssyncadd.s32 $0xFFFFC000  }
.LBB2_10:
0xa3: {  	s26 =	simm.s32 $0x0  }
0xa4: {  	[tilespmem:s26], [sflag:$0x3] =	stream.linear.gather [hbm4b:s12+s26], $0x1E00, $0x38;
	v63 =	vld [tilespmem:$0x0]  }
0xa5: {  	_ =	swait.ge [sflag:s17], $0x1E00  }
0xa6: {  	[sflag:s17] =	ssyncset.done $0x0  }
.Ltmp7:
0xa7: {  	[sflag:s17] =	ssyncadd.s32 $0xFFFFE200;
	(pc) =	sbr.rel @p0 .LBB2_14-.Ltmp7, $4  }
0xa8: {  	[tilespmem:s18], [sflag:$0x3] =	stream.linear.gather [hbm4b:s13+s26], $0x1E00, $0x38;
	v63 =	vld [tilespmem:$0x0]  }
0xa9: {  	_ =	swait.ge [sflag:s17], $0x1E00  }
0xaa: {  	[sflag:s17] =	ssyncset.done $0x0  }
0xab: {  	[sflag:s17] =	ssyncadd.s32 $0xFFFFE200  }
0xac: {  	[tilespmem:s16], [sflag:$0x1] =	stream.indirect.gather [hbm4b:s4+s19], $0x80, s26, s19, $0xb8;
	v63 =	vld [tilespmem:$0x0]  }
0xad: {  	_ =	swait.ge [sflag:s20], $0x4000  }
0xae: {  	[sflag:s20] =	ssyncset.done $0x0  }
0xaf: {  	s28 =	simm.s32 $0x80;
	[sflag:s20] =	ssyncadd.s32 $0xFFFFC000  }
0xb0: {  	[tilespmem:s21], [sflag:$0x2] =	stream.indirect.gather [hbm4b:s4+s19], $0x80, s28, s19, $0xb8;
	v63 =	vld [tilespmem:$0x0]  }
0xb1: {  	s29 =	simm.s32 $0x2000  }
0xb2: {  	[spmem:s2] =	stream.indirect.scatter.add.f32 [tilespmem:s16], [sflag:$0x3], $0x80, s29, s19, $0xb8;
	v63 =	vld [tilespmem:$0x0]  }
0xb3: {  	_ =	swait.ge [sflag:s17], $0x4000  }
0xb4: {  	[sflag:s17] =	ssyncset.done $0x0  }
0xb5: {  	[sflag:s17] =	ssyncadd.s32 $0xFFFFC000  }
0xb6: {  	_ =	swait.ge [sflag:s22], $0x4000  }
0xb7: {  	[sflag:s22] =	ssyncset.done $0x0  }
0xb8: {  	s30 =	simm.s32 $0x100;
	[sflag:s22] =	ssyncadd.s32 $0xFFFFC000  }
0xb9: {  	[tilespmem:s16], [sflag:$0x1] =	stream.indirect.gather [hbm4b:s4+s19], $0x80, s30, s19, $0xb8;
	v63 =	vld [tilespmem:$0x0]  }
0xba: {  	s31 =	simm.s32 $0x2080  }
0xbb: {  	[spmem:s2] =	stream.indirect.scatter.add.f32 [tilespmem:s21], [sflag:$0x3], $0x80, s31, s19, $0xb8;
	v63 =	vld [tilespmem:$0x0]  }
0xbc: {  	_ =	swait.ge [sflag:s17], $0x4000  }
0xbd: {  	s26 =	simm.s32 $0x400;
	[sflag:s17] =	ssyncset.done $0x0  }
.LBB2_12:
0xbe: {  	p1 =	seq.s32 s26, $0x7000  }
0xbf: {  	[sflag:s17] =	ssyncadd.s32 $0xFFFFC000;
	s28 =	smov.u32 s26;
	s26 =	sadd.s32 $0x400, s26  }
0xc0: {  	_ = 	snop  }
0xc1: {  	_ =	swait.ge [sflag:s20], $0x4000  }
0xc2: {  	s28 =	sshra.s32 s28, $0x2;
	[sflag:s20] =	ssyncset.done $0x0  }
0xc3: {  	s29 =	sadd.s32 $0x80, s28;
	[sflag:s20] =	ssyncadd.s32 $0xFFFFC000  }
0xc4: {  	[tilespmem:s21], [sflag:$0x2] =	stream.indirect.gather [hbm4b:s4+s19], $0x80, s29, s19, $0xb8;
	v63 =	vld [tilespmem:$0x0]  }
0xc5: {  	s29 =	sadd.s32 $0x2000, s28  }
0xc6: {  	[spmem:s2] =	stream.indirect.scatter.add.f32 [tilespmem:s16], [sflag:$0x3], $0x80, s29, s19, $0xb8;
	v63 =	vld [tilespmem:$0x0]  }
0xc7: {  	_ =	swait.ge [sflag:s17], $0x4000  }
0xc8: {  	[sflag:s17] =	ssyncset.done $0x0  }
0xc9: {  	[sflag:s17] =	ssyncadd.s32 $0xFFFFC000  }
0xca: {  	_ =	swait.ge [sflag:s22], $0x4000  }
0xcb: {  	[sflag:s22] =	ssyncset.done $0x0  }
0xcc: {  	s29 =	sadd.s32 $0x100, s28;
	[sflag:s22] =	ssyncadd.s32 $0xFFFFC000  }
0xcd: {  	[tilespmem:s16], [sflag:$0x1] =	stream.indirect.gather [hbm4b:s4+s19], $0x80, s29, s19, $0xb8;
	v63 =	vld [tilespmem:$0x0]  }
.Ltmp8:
0xce: {  	_ = 	snop;
	(pc) =	sbr.rel @!p1 .LBB2_12-.Ltmp8, $4  }
0xcf: {  	s28 =	sadd.s32 $0x2080, s28  }
0xd0: {  	[spmem:s2] =	stream.indirect.scatter.add.f32 [tilespmem:s21], [sflag:$0x3], $0x80, s28, s19, $0xb8;
	v63 =	vld [tilespmem:$0x0]  }
0xd1: {  	_ =	swait.ge [sflag:s17], $0x4000  }
0xd2: {  	[sflag:s17] =	ssyncset.done $0x0  }
0xd3: {  	[sflag:s17] =	ssyncadd.s32 $0xFFFFC000  }
0xd4: {  	_ =	swait.ge [sflag:s20], $0x4000  }
0xd5: {  	[sflag:s20] =	ssyncset.done $0x0  }
0xd6: {  	[sflag:s20] =	ssyncadd.s32 $0xFFFFC000  }
0xd7: {  	[tilespmem:s21], [sflag:$0x2] =	stream.indirect.gather [hbm4b:s4+s19], $0x80, s23, s19, $0xb8;
	v63 =	vld [tilespmem:$0x0]  }
0xd8: {  	_ = 	snop  }
0xd9: {  	[spmem:s2] =	stream.indirect.scatter.add.f32 [tilespmem:s16], [sflag:$0x3], $0x80, s24, s19, $0xb8;
	v63 =	vld [tilespmem:$0x0]  }
0xda: {  	_ =	swait.ge [sflag:s17], $0x4000  }
0xdb: {  	[sflag:s17] =	ssyncset.done $0x0  }
0xdc: {  	[sflag:s17] =	ssyncadd.s32 $0xFFFFC000  }
0xdd: {  	_ =	swait.ge [sflag:s22], $0x4000  }
0xde: {  	[sflag:s22] =	ssyncset.done $0x0  }
.Ltmp9:
0xdf: {  	[sflag:s22] =	ssyncadd.s32 $0xFFFFC000;
	(pc) =	sbr.rel .LBB2_17-.Ltmp9, $4  }
0xe0: {  	[spmem:s2] =	stream.indirect.scatter.add.f32 [tilespmem:s21], [sflag:$0x3], $0x80, s25, s19, $0xb8;
	v63 =	vld [tilespmem:$0x0]  }
0xe1: {  	_ =	swait.ge [sflag:s17], $0x4000  }
0xe2: {  	[sflag:s17] =	ssyncset.done $0x0  }
0xe3: {  	[sflag:s17] =	ssyncadd.s32 $0xFFFFC000  }
.LBB2_14:
0xe4: {  	s26 =	simm.s32 $0x0  }
0xe5: {  	[tilespmem:s16], [sflag:$0x1] =	stream.indirect.gather [hbm4b:s4+s19], $0x80, s26, s19, $0xb8;
	v63 =	vld [tilespmem:$0x0]  }
0xe6: {  	_ =	swait.ge [sflag:s20], $0x4000  }
0xe7: {  	[sflag:s20] =	ssyncset.done $0x0  }
0xe8: {  	s31 =	simm.s32 $0x2000;
	[sflag:s20] =	ssyncadd.s32 $0xFFFFC000  }
0xe9: {  	[spmem:s2] =	stream.indirect.scatter.add.f32 [tilespmem:s16], [sflag:$0x3], $0x80, s31, s19, $0xb8;
	v63 =	vld [tilespmem:$0x0]  }
0xea: {  	_ =	swait.ge [sflag:s17], $0x4000  }
0xeb: {  	s28 =	simm.s32 $0x400;
	s26 =	simm.s32 $0x200;
	[sflag:s17] =	ssyncset.done $0x0  }
.LBB2_15:
0xec: {  	s29 =	sshra.s32 s26, $0x2  }
0xed: {  	[sflag:s17] =	ssyncadd.s32 $0xFFFFC000;
	s26 =	smov.u32 s28;
	s30 =	sadd.s32 $0x200, s28  }
0xee: {  	[tilespmem:s16], [sflag:$0x1] =	stream.indirect.gather [hbm4b:s4+s19], $0x80, s29, s19, $0xb8;
	v63 =	vld [tilespmem:$0x0]  }
0xef: {  	p1 =	seq.s32 s28, $0x2600;
	_ =	swait.ge [sflag:s20], $0x4000  }
.Ltmp10:
0xf0: {  	[sflag:s20] =	ssyncset.done $0x0;
	(pc) =	sbr.rel @!p1 .LBB2_15-.Ltmp10, $4  }
0xf1: {  	s28 =	sadd.s32 $0x2000, s29;
	[sflag:s20] =	ssyncadd.s32 $0xFFFFC000  }
0xf2: {  	[spmem:s2] =	stream.indirect.scatter.add.f32 [tilespmem:s16], [sflag:$0x3], $0x80, s28, s19, $0xb8;
	v63 =	vld [tilespmem:$0x0]  }
0xf3: {  	_ =	swait.ge [sflag:s17], $0x4000  }
0xf4: {  	s28 =	smov.u32 s30;
	[sflag:s17] =	ssyncset.done $0x0  }
.Ltmp11:
0xf5: {  	_ = 	snop;
	(pc) =	sbr.rel .LBB2_16-.Ltmp11, $1  }
0xf6: {  	_ =	sdelay $0x3  }
.LBB2_18:
0xf7: {  	_ =	sfence.sel $0x180000  }
0xf8: {  	[bflag:$0x0] =	sbarrier.arrive $0xFFFF  }
0xf9: {  	p0 =	sne.s32 s1, $0x0;
	_ =	strace $0x9000004A  }
0xfa: {  	s0 =	sadd.s32 @!p0 $0x100000, s0;
	[bflag:$0x2] =	sbarrier.arrive $0xFFFF  }
0xfb: {  	[sflag:s0] =	ssyncadd.tile.s32 @!p0 $0x1;
	_ =	shalt  }
.Lfunc_end2:
_tile_overlayer_lowered:
.L_overlay_start_2:
0xfc: {  	(tag) =	ssettag $0x2  }
0xfd: {  	s0 =	rddreg [dreg:$0x0];
	s2 =	stileid.u32  }
0xfe: {  	s1 =	rddreg [dreg:$0x1];
	p0 =	sne.s32 s2, $0x0  }
0xff: {  	s3 =	rddreg [dreg:$0x2];
	[bflag:$0x3] =	sbarrier.arrive $0xFFFF;
	s2 =	simm.s32 @!p0 $0x1C03  }
0x100: {  	[timem:s3], [sflag:s2] =	dma.local @!p0 [hbm:s0], s1  }
0x101: {  	s0 =	simm.s32 @!p0 $0x3  }
0x102: {  	_ =	swait.ge @!p0 [sflag:s0], s1  }
0x103: {  	s1 =	ssub.s32 @!p0 $0x0, s1;
	[sflag:s0] =	ssyncset.done @!p0 $0x0  }
0x104: {  	[sflag:s0] =	ssyncadd.s32 @!p0 s1  }
0x105: {  	[bflag:$0x3] =	sbarrier.arrive $0xFFFF  }
0x106: {  	_ =	shalt  }

// kernel: kernel.19.cloned.1.call-start
scs
__scs_entry_jumppad:
0x0: {  	(pc) =	sbr.rel $0x88, $3  }
0x1: {  	(tag) =	ssettag $0x0;
	lr =	simm.s32 $0x1  }
0x2: {  	[smem:$0x3F90] =	sst lr;
	_ =	strace $0xD0000000  }
0x3: {  	_ = 	snop  }
0x4: {  	_ = 	snop  }
0x5: {  	_ = 	snop  }
0x6: {  	_ = 	snop  }
0x7: {  	_ = 	snop  }
__scs_overlays_trampoline_lowered:
0x8: {  	[smem:$0x3F9F] =	sst s0  }
0x9: {  	[smem:$0x3FA0] =	sst s1  }
0xa: {  	[smem:$0x3FA1] =	sst s2  }
0xb: {  	[smem:$0x3FA2] =	sst s3  }
0xc: {  	[smem:$0x3FA3] =	sst s4  }
0xd: {  	[smem:$0x3FA4] =	sst s5  }
0xe: {  	[smem:$0x3FA5] =	sst s6  }
0xf: {  	[smem:$0x3FA6] =	sst s7  }
0x10: {  	[smem:$0x3FA7] =	sst s8  }
0x11: {  	[smem:$0x3FA8] =	sst s9;
	s0 =	simm.s32 @!p0 $0x0  }
0x12: {  	s1 =	sld [smem:$0x3F8E];
	s0 =	simm.s32 @p0 $0x1  }
0x13: {  	[smem:$0x3FA9] =	sst s0;
	s0 =	simm.s32 @!p1 $0x0  }
0x14: {  	s2 =	sld [smem:$0x3F8D];
	s0 =	simm.s32 @p1 $0x1  }
0x15: {  	[smem:$0x3FAA] =	sst s0;
	s0 =	simm.s32 @!p2 $0x0  }
0x16: {  	s3 =	sld [smem:$0x3FDB];
	s0 =	simm.s32 @p2 $0x1  }
0x17: {  	s4 =	simm.s32 $0x1BF5;
	[smem:$0x3FAC] =	sst s0  }
0x18: {  	s0 =	sld [smem:$0x3F8F];
	_ =	swait.ge [sflag:s4], $0x0  }
0x19: {  	s7 =	sld [smem:$0x3F90]  }
0x1a: {  	s8 =	sadd.s32 $0xFFFFE003, lr  }
0x1b: {  	s9 =	sadd.s32 $0xFFFFFEF7, lr;
	s5 =	simm.s32 $0xFFFFFFFF;
	p2 =	slt.u32 s8, $0xFFFFF086  }
0x1c: {  	p1 =	slt.u32 s9, $0xF7A;
	s5 =	simm.s32 @!p2 $0x0  }
0x1d: {  	s5 =	simm.s32 @p1 $0x1;
	p0 =	seq.s32 s7, s2  }
0x1e: {  	s7 =	smul.u32 @!p0 $0xF7A, s2;
	p2 =	seq.s32 @!p0 s5, $0x0  }
0x1f: {  	s9 =	smul.u32 $0xF7A, s1;
	s8 =	simm.s32 @!p0 $0x1BF5;
	p2 =	por !p2, p0  }
0x20: {  	[sflag:s8] =	ssyncset.s32 @!p0 $0xFFFFF086;
	s6 =	sadd.s32 @!p0 s3, s7;
	s7 =	simm.s32 @!p0 $0x108  }
0x21: {  	s3 =	sadd.s32 s3, s9;
	s6 =	sadd.s32 @!p0 $0x88, s6;
	s7 =	simm.s32 @p2 $0x1082  }
0x22: {  	[simem:s7], [sflag:s8] =	dma.local @!p0 [hbm:s6], $0xF7A  }
0x23: {  	s9 =	sor.u32 $0xD0000000, s2;
	s6 =	simm.s32 $0x108;
	_ =	swait.ge @!p0 [sflag:s8], $0x0  }
0x24: {  	s3 =	sadd.s32 $0x88, s3;
	s6 =	simm.s32 @!p1 $0x1082;
	[sflag:s4] =	ssyncset.s32 $0xFFFFF086  }
0x25: {  	[simem:s6], [sflag:s4] =	dma.local [hbm:s3], $0xF7A  }
0x26: {  	[smem:$0x3F90] =	sst s1;
	(tag) =	ssettag s2;
	_ =	strace s9  }
0x27: {  	s1 =	sld [smem:$0x3FA0]  }
0x28: {  	s2 =	sld [smem:$0x3FA1]  }
0x29: {  	s4 =	sld [smem:$0x3FA3]  }
0x2a: {  	p0 =	seq.s32 s5, $0x0;
	s5 =	sld [smem:$0x3FA4]  }
0x2b: {  	s6 =	sld [smem:$0x3FA5]  }
0x2c: {  	s7 =	sld [smem:$0x3FA6]  }
0x2d: {  	s3 =	simm.s32 $0x108;
	s8 =	sld [smem:$0x3FA7]  }
0x2e: {  	s3 =	simm.s32 @!p0 $0x1082;
	s9 =	sld [smem:$0x3FA8]  }
0x2f: {  	lr =	sadd.s32 s0, s3;
	s0 =	sld [smem:$0x3F9F]  }
0x30: {  	s3 =	sld [smem:$0x3FA2]  }
0x31: {  	[smem:$0x3FAB] =	sst s10  }
0x32: {  	s10 =	sld [smem:$0x3FA9];
	_ =	sdelay $0x3  }
0x33: {  	p0 =	seq.s32 s10, $0x1;
	s10 =	sld [smem:$0x3FAB];
	_ =	sdelay $0x3  }
0x34: {  	[smem:$0x3FAB] =	sst s10  }
0x35: {  	s10 =	sld [smem:$0x3FAA];
	_ =	sdelay $0x3  }
0x36: {  	p1 =	seq.s32 s10, $0x1;
	s10 =	sld [smem:$0x3FAB];
	_ =	sdelay $0x3  }
0x37: {  	[smem:$0x3FAB] =	sst s10  }
0x38: {  	s10 =	sld [smem:$0x3FAC]  }
0x39: {  	_ = 	snop;
	(pc) =	sbr.ind lr, $3  }
0x3a: {  	_ = 	snop  }
0x3b: {  	_ = 	snop  }
0x3c: {  	p2 =	seq.s32 s10, $0x1;
	s10 =	sld [smem:$0x3FAB]  }
0x3d: {  	_ =	shalt  }
0x3e: {  	_ =	shalt  }
0x3f: {  	_ =	shalt  }
0x40: {  	_ =	shalt  }
0x41: {  	_ =	shalt  }
0x42: {  	_ =	shalt  }
0x43: {  	_ =	shalt  }
0x44: {  	_ =	shalt  }
0x45: {  	_ =	shalt  }
0x46: {  	_ =	shalt  }
0x47: {  	_ =	shalt  }
0x48: {  	_ =	shalt  }
0x49: {  	_ =	shalt  }
0x4a: {  	_ =	shalt  }
0x4b: {  	_ =	shalt  }
0x4c: {  	_ =	shalt  }
0x4d: {  	_ =	shalt  }
0x4e: {  	_ =	shalt  }
0x4f: {  	_ =	shalt  }
0x50: {  	_ =	shalt  }
0x51: {  	_ =	shalt  }
0x52: {  	_ =	shalt  }
0x53: {  	_ =	shalt  }
0x54: {  	_ =	shalt  }
0x55: {  	_ =	shalt  }
0x56: {  	_ =	shalt  }
0x57: {  	_ =	shalt  }
0x58: {  	_ =	shalt  }
0x59: {  	_ =	shalt  }
0x5a: {  	_ =	shalt  }
0x5b: {  	_ =	shalt  }
0x5c: {  	_ =	shalt  }
0x5d: {  	_ =	shalt  }
0x5e: {  	_ =	shalt  }
0x5f: {  	_ =	shalt  }
0x60: {  	_ =	shalt  }
0x61: {  	_ =	shalt  }
0x62: {  	_ =	shalt  }
0x63: {  	_ =	shalt  }
0x64: {  	_ =	shalt  }
0x65: {  	_ =	shalt  }
0x66: {  	_ =	shalt  }
0x67: {  	_ =	shalt  }
0x68: {  	_ =	shalt  }
0x69: {  	_ =	shalt  }
0x6a: {  	_ =	shalt  }
0x6b: {  	_ =	shalt  }
0x6c: {  	_ =	shalt  }
0x6d: {  	_ =	shalt  }
0x6e: {  	_ =	shalt  }
0x6f: {  	_ =	shalt  }
0x70: {  	_ =	shalt  }
0x71: {  	_ =	shalt  }
0x72: {  	_ =	shalt  }
0x73: {  	_ =	shalt  }
0x74: {  	_ =	shalt  }
0x75: {  	_ =	shalt  }
0x76: {  	_ =	shalt  }
0x77: {  	_ =	shalt  }
0x78: {  	_ =	shalt  }
0x79: {  	_ =	shalt  }
0x7a: {  	_ =	shalt  }
0x7b: {  	_ =	shalt  }
0x7c: {  	_ =	shalt  }
0x7d: {  	_ =	shalt  }
0x7e: {  	_ =	shalt  }
0x7f: {  	_ =	shalt  }
0x80: {  	_ =	shalt  }
0x81: {  	_ =	shalt  }
0x82: {  	_ =	shalt  }
0x83: {  	_ =	shalt  }
0x84: {  	_ =	shalt  }
0x85: {  	_ =	shalt  }
0x86: {  	_ =	shalt  }
0x87: {  	_ =	shalt  }
.Lfunc_end0:
.L_simem_size_0:
called_computation.2_lowered:
.L_overlay_start_0:
0x88: {  	s2 =	sld [smem:$0x3FD9]  }
0x89: {  	s3 =	sld [smem:$0x3FFE];
	_ =	sdelay $0x1  }
0x8a: {  	s1 =	srdreg.scid  }
0x8b: {  	s0 =	sand.u32 $0x1, s1  }
0x8c: {  	s16 =	sshll.u32 s0, $0xA;
	s2 =	sadd.s32 s3, s2  }
0x8d: {  	s2 =	sadd.s32 s2, s16  }
0x8e: {  	[smem:$0x3FB7] =	sst s2  }
0x8f: {  	_ = 	snop  }
0x90: {  	(tm) =	ssettm $0x1  }
0x91: {  	s17 =	sld [smem:$0x3FFB];
	_ =	sdelay $0x3  }
0x92: {  	_ =	strace s17  }
0x93: {  	s2 =	sld [smem:$0x3FFC];
	_ =	sdelay $0x3  }
0x94: {  	_ =	strace s2  }
0x95: {  	s2 =	sld [smem:$0x3FFD];
	_ =	sdelay $0x3  }
0x96: {  	_ =	strace s2  }
0x97: {  	_ =	strace $0x8FFFFFFF  }
0x98: {  	s18 =	sld [smem:$0x3FDB];
	_ =	sdelay $0x1  }
0x99: {  	s19 =	simm.s32 $_scs_section_size  }
0x9a: {  	s4 =	simm.s32 $_size__tile_overlayer_lowered;
	s5 =	simm.s32 $_tile_overlayer_lowered  }
0x9b: {  	s22 =	simm.s32 $0x1BFF;
	s21 =	sshll.u32 s5, $0x1;
	s2 =	sadd.s32 s19, s18  }
0x9c: {  	s6 =	simm.s32 $0x0;
	s20 =	sshll.u32 s4, $0x1;
	s4 =	sadd.s32 s21, s2  }
0x9d: {  	[timem:s6], [sflag:s22] =	dma.local [hbm:s4], s20  }
0x9e: {  	_ =	swait.ge [sflag:s22], s20  }
0x9f: {  	s3 =	ssub.s32 $0x0, s20;
	[sflag:s22] =	ssyncset.done $0x0  }
0xa0: {  	[sflag:s22] =	ssyncadd.s32 s3;
	_ =	sdelay $0x1  }
0xa1: {  	s23 =	simm.s32 $0x1B8B  }
0xa2: {  	_ =	swait.ge [sflag:s23], $0x1  }
0xa3: {  	[sflag:s23] =	ssyncset.done $0x0  }
0xa4: {  	s25 =	simm.s32 $0x1B8E;
	s24 =	sld [smem:$0x3FFE];
	[sflag:s23] =	ssyncadd.s32 $0xFFFFFFFF  }
0xa5: {  	s26 =	simm.s32 $execute0_lowered;
	[smem:$0x3FD2] =	sst s25  }
0xa6: {  	s4 =	sshll.u32 s26, $0x1;
	_ =	strace $0x8000004C;
	[dreg:$0x1] =	wrdreg $0xFFFFFFFF  }
0xa7: {  	s28 =	simm.s32 $_size_execute0_lowered;
	s2 =	sadd.s32 s2, s4;
	[dreg:$0x0] =	wrdreg $0x0  }
0xa8: {  	s4 =	sshll.u32 s28, $0x1;
	[dreg:$0x2] =	wrdreg s2  }
0xa9: {  	[dreg:$0x3] =	wrdreg s4  }
0xaa: {  	[dreg:$0x4] =	wrdreg $0xC0  }
0xab: {  	_ =	task [dreg:s6], $0x5FFFF  }
0xac: {  	[dreg:$0x1] =	wrdreg $0xFFFFFFFF  }
0xad: {  	[dreg:$0x0] =	wrdreg $0x60  }
0xae: {  	[dreg:$0x2] =	wrdreg s24  }
0xaf: {  	[dreg:$0x3] =	wrdreg $0xC0000  }
0xb0: {  	[dreg:$0x4] =	wrdreg $0x9  }
0xb1: {  	_ =	task.clear_ibuf [dreg:s6], $0x5FFFF;
	_ =	strace $0x9000004C  }
0xb2: {  	s29 =	simm.s32 $0x9;
	_ =	strace $0x8000004E  }
0xb3: {  	_ =	swait.ge [sflag:s29], $0x1  }
0xb4: {  	[sflag:s29] =	ssyncadd.s32 $0xFFFFFFFF  }
0xb5: {  	_ =	strace $0x9000004E  }
0xb6: {  	_ =	sfence  }
0xb7: {  	s30 =	sld [smem:$0x0];
	_ =	sdelay $0x2  }
0xb8: {  	s31 =	sshll.u32 s1, $0xD;
	s1 =	sshrl.u32 s1, $0x2  }
0xb9: {  	s3 =	sand.u32 $0x4000, s31;
	s1 =	sadd.s32 s1, s30  }
0xba: {  	s0 =	sor.u32 s3, s0;
	s1 =	sshll.u32 s1, $0x11  }
0xbb: {  	s0 =	sor.u32 s1, s0  }
0xbc: {  	s0 =	sadd.s32 $0x8F2B, s0  }
0xbd: {  	[sflag:s0] =	ssyncadd.remote.s32 $0x1  }
0xbe: {  	_ =	sfence.sel $0xFFFF  }
0xbf: {  	[dreg:$0x0] =	wrdreg $0xFFFFFFFF;
	(pc) =	sbr.abs _section_cstart, $3  }
0xc0: {  	[dreg:$0x1] =	wrdreg $0xFFFFFFFF  }
0xc1: {  	_ =	task.clear_ibuf [dreg:s6], $0x2FFFF;
	_ =	strace $0x9FFFFFFF  }
0xc2: {  	(tm) =	ssettm $0x7FFFFFFF  }
0xc3: {  	_ =	shalt  }
tec
execute0_lowered:
.L_overlay_start_1:
0x0: {  	(tag) =	ssettag $0x1  }
0x1: {  	s6 =	rddreg [dreg:$0x0]  }
0x2: {  	s2 =	rddreg [dreg:$0x1]  }
0x3: {  	s0 =	rddreg [dreg:$0x2]  }
0x4: {  	s3 =	simm.s32 $0x0;
	s1 =	stileid.u32;
	s4 =	srdreg.scid  }
0x5: {  	s18 =	simm.s32 $0x2000;
	s19 =	simm.s32 $0x80;
	s20 =	simm.s32 $0x1  }
0x6: {  	s21 =	simm.s32 $0x8000;
	s22 =	simm.s32 $0x2;
	s23 =	simm.s32 $0x1D80  }
0x7: {  	s24 =	simm.s32 $0x3D00;
	s25 =	simm.s32 $0x3D80;
	s5 =	smul.u32 $0x2800, s1  }
0x8: {  	[smem:$0x7FF] =	sst s3;
	s16 =	sand.u32 $0x1, s4;
	s7 =	smul.u32 $0x50000, s1  }
0x9: {  	s4 =	sadd.s32 $0x80400, s6;
	s12 =	sadd.s32 $0x70400, s6;
	s13 =	sadd.s32 $0x60400, s6  }
0xa: {  	s31 =	sshll.u32 s1, $0xC;
	_ =	strace $0x8000004D;
	s8 =	smul.u32 $0x28000, s16  }
0xb: {  	s9 =	ssub.s32 $0x2, s16;
	s11 =	sshll.u32 s16, $0xB;
	p0 =	sne.s32 s16, $0x0  }
0xc: {  	s16 =	simm.s32 $0x4000;
	s7 =	sshrl.u32 s7, $0x2;
	s10 =	sshrl.u32 s9, $0x1  }
0xd: {  	s17 =	sor.u32 s11, s31;
	s8 =	sadd.s32 s5, s8;
	s5 =	sadd.s32 s7, s2  }
.Ltmp0:
0xe: {  	s15 =	ssub.s32 s9, s10;
	s10 =	sadd.s32 s12, s17;
	(pc) =	sbr.rel .LBB2_1-.Ltmp0, $4  }
0xf: {  	s11 =	sadd.s32 s13, s17;
	s17 =	sor.u32 $0x400, s17;
	s14 =	sadd.s32 s8, s6  }
0x10: {  	s6 =	sadd.s32 $0x4000, s5;
	s7 =	sadd.s32 $0x8000, s5;
	s8 =	sadd.s32 $0xC000, s5  }
0x11: {  	s9 =	sadd.s32 $0x10000, s5;
	s12 =	sadd.s32 s12, s17;
	s13 =	sadd.s32 s13, s17  }
0x12: {  	v0 =	vimm.f32 $0.0e+00;
	s15 =	smax.u32 s15, $0x1;
	s17 =	simm.s32 $0x3;
	s14 =	sadd.s32 $0xA8400, s14  }
.LBB2_16:
0x13: {  	s26 =	sshra.s32 s26, $0x2;
	[sflag:s17] =	ssyncadd.s32 $0xFFFFC000  }
0x14: {  	[tilespmem:s16], [sflag:$0x1] =	stream.indirect.gather [hbm4b:s4+s19], $0x80, s26, s19, $0xb8;
	v63 =	vld [tilespmem:$0x0]  }
0x15: {  	_ =	swait.ge [sflag:s20], $0x4000  }
0x16: {  	[sflag:s20] =	ssyncset.done $0x0  }
0x17: {  	s26 =	sadd.s32 $0x2000, s26;
	[sflag:s20] =	ssyncadd.s32 $0xFFFFC000  }
0x18: {  	[spmem:s2] =	stream.indirect.scatter.add.f32 [tilespmem:s16], [sflag:$0x3], $0x80, s26, s19, $0xb8;
	v63 =	vld [tilespmem:$0x0]  }
0x19: {  	_ =	swait.ge [sflag:s17], $0x4000  }
0x1a: {  	[sflag:s17] =	ssyncset.done $0x0  }
0x1b: {  	[sflag:s17] =	ssyncadd.s32 $0xFFFFC000  }
.LBB2_17:
0x1c: {  	s3 =	sadd.s32 $0x1, s3  }
0x1d: {  	s26 =	sshll.u32 s1, $0x6;
	[bflag:$0x0] =	sbarrier.arrive $0xFFFF;
	p1 =	sne.s32 s3, s15  }
.Ltmp1:
0x1e: {  	s28 =	sshrl.u32 s5, $0x3;
	s26 =	sor.u32 $0x1C03, s26;
	(pc) =	sbr.rel @!p1 .LBB2_18-.Ltmp1, $4  }
0x1f: {  	[hbm:s14], [sflag:s26] =	dma.local [spmem:s28], $0x2800  }
0x20: {  	_ =	swait.ge [sflag:s17], $0x2800  }
0x21: {  	[sflag:s17] =	ssyncset.done $0x0  }
0x22: {  	[sflag:s17] =	ssyncadd.s32 $0xFFFFD800  }
.LBB2_1:
0x23: {  	s26 =	simm.s32 $0x0;
	s28 =	simm.s32 $0x200  }
.LBB2_2:
0x24: {  	p1 =	sne.s32 s28, $0xFE00;
	[tilespmem:s26+$0x4070] =	vst v0  }
0x25: {  	[tilespmem:s26+$0x4000] =	vst v0  }
0x26: {  	[tilespmem:s26+$0x4010] =	vst v0  }
.Ltmp2:
0x27: {  	[tilespmem:s26+$0x4020] =	vst v0;
	(pc) =	sbr.rel @p1 .LBB2_2-.Ltmp2, $4  }
0x28: {  	[tilespmem:s26+$0x4030] =	vst v0  }
0x29: {  	[tilespmem:s26+$0x4040] =	vst v0  }
0x2a: {  	[tilespmem:s26+$0x4050] =	vst v0  }
0x2b: {  	[tilespmem:s26+$0x4060] =	vst v0;
	s26 =	sshra.s32 s28, $0x2;
	s28 =	sadd.s32 $0x200, s28  }
0x2c: {  	[tilespmem:s26+$0x4070] =	vst v0  }
0x2d: {  	[tilespmem:s26+$0x4000] =	vst v0  }
0x2e: {  	[tilespmem:s26+$0x4010] =	vst v0  }
0x2f: {  	[tilespmem:s26+$0x4020] =	vst v0  }
0x30: {  	[tilespmem:s26+$0x4030] =	vst v0  }
0x31: {  	[tilespmem:s26+$0x4040] =	vst v0  }
0x32: {  	[tilespmem:s26+$0x4050] =	vst v0  }
0x33: {  	[tilespmem:s26+$0x4060] =	vst v0  }
0x34: {  	[spmem:s5] =	stream.linear.scatter [tilespmem:s16], [sflag:$0x3], $0x4000, $0x38;
	v63 =	vld [tilespmem:$0x0]  }
0x35: {  	_ =	swait.ge [sflag:s17], $0x4000  }
0x36: {  	[sflag:s17] =	ssyncset.done $0x0  }
0x37: {  	[sflag:s17] =	ssyncadd.s32 $0xFFFFC000  }
0x38: {  	[spmem:s6] =	stream.linear.scatter [tilespmem:s16], [sflag:$0x3], $0x4000, $0x38;
	v63 =	vld [tilespmem:$0x0]  }
0x39: {  	_ =	swait.ge [sflag:s17], $0x4000  }
0x3a: {  	[sflag:s17] =	ssyncset.done $0x0  }
0x3b: {  	[sflag:s17] =	ssyncadd.s32 $0xFFFFC000  }
0x3c: {  	[spmem:s7] =	stream.linear.scatter [tilespmem:s16], [sflag:$0x3], $0x4000, $0x38;
	v63 =	vld [tilespmem:$0x0]  }
0x3d: {  	_ =	swait.ge [sflag:s17], $0x4000  }
0x3e: {  	[sflag:s17] =	ssyncset.done $0x0  }
0x3f: {  	[sflag:s17] =	ssyncadd.s32 $0xFFFFC000  }
0x40: {  	[spmem:s8] =	stream.linear.scatter [tilespmem:s16], [sflag:$0x3], $0x4000, $0x38;
	v63 =	vld [tilespmem:$0x0]  }
0x41: {  	_ =	swait.ge [sflag:s17], $0x4000  }
0x42: {  	[sflag:s17] =	ssyncset.done $0x0  }
0x43: {  	[sflag:s17] =	ssyncadd.s32 $0xFFFFC000  }
0x44: {  	[spmem:s9] =	stream.linear.scatter [tilespmem:s16], [sflag:$0x3], $0x4000, $0x38;
	v63 =	vld [tilespmem:$0x0]  }
0x45: {  	_ =	swait.ge [sflag:s17], $0x4000  }
0x46: {  	[sflag:s17] =	ssyncset.done $0x0  }
0x47: {  	[sflag:s17] =	ssyncadd.s32 $0xFFFFC000  }
0x48: {  	s26 =	simm.s32 $0x0;
	[bflag:$0x0] =	sbarrier.arrive $0xFFFF  }
0x49: {  	[tilespmem:s26], [sflag:$0x3] =	stream.linear.gather [hbm4b:s10+s26], $0x1E00, $0x38;
	v63 =	vld [tilespmem:$0x0]  }
0x4a: {  	_ =	swait.ge [sflag:s17], $0x1E00  }
0x4b: {  	[sflag:s17] =	ssyncset.done $0x0  }
.Ltmp3:
0x4c: {  	[sflag:s17] =	ssyncadd.s32 $0xFFFFE200;
	(pc) =	sbr.rel @p0 .LBB2_7-.Ltmp3, $4  }
0x4d: {  	[tilespmem:s18], [sflag:$0x3] =	stream.linear.gather [hbm4b:s11+s26], $0x1E00, $0x38;
	v63 =	vld [tilespmem:$0x0]  }
0x4e: {  	_ =	swait.ge [sflag:s17], $0x1E00  }
0x4f: {  	[sflag:s17] =	ssyncset.done $0x0  }
0x50: {  	[sflag:s17] =	ssyncadd.s32 $0xFFFFE200  }
0x51: {  	[tilespmem:s16], [sflag:$0x1] =	stream.indirect.gather [hbm4b:s4+s19], $0x80, s26, s19, $0xb8;
	v63 =	vld [tilespmem:$0x0]  }
0x52: {  	_ =	swait.ge [sflag:s20], $0x4000  }
0x53: {  	[sflag:s20] =	ssyncset.done $0x0  }
0x54: {  	s28 =	simm.s32 $0x80;
	[sflag:s20] =	ssyncadd.s32 $0xFFFFC000  }
0x55: {  	[tilespmem:s21], [sflag:$0x2] =	stream.indirect.gather [hbm4b:s4+s19], $0x80, s28, s19, $0xb8;
	v63 =	vld [tilespmem:$0x0]  }
0x56: {  	s29 =	simm.s32 $0x2000  }
0x57: {  	[spmem:s2] =	stream.indirect.scatter.add.f32 [tilespmem:s16], [sflag:$0x3], $0x80, s29, s19, $0xb8;
	v63 =	vld [tilespmem:$0x0]  }
0x58: {  	_ =	swait.ge [sflag:s17], $0x4000  }
0x59: {  	[sflag:s17] =	ssyncset.done $0x0  }
0x5a: {  	[sflag:s17] =	ssyncadd.s32 $0xFFFFC000  }
0x5b: {  	_ =	swait.ge [sflag:s22], $0x4000  }
0x5c: {  	[sflag:s22] =	ssyncset.done $0x0  }
0x5d: {  	s30 =	simm.s32 $0x100;
	[sflag:s22] =	ssyncadd.s32 $0xFFFFC000  }
0x5e: {  	[tilespmem:s16], [sflag:$0x1] =	stream.indirect.gather [hbm4b:s4+s19], $0x80, s30, s19, $0xb8;
	v63 =	vld [tilespmem:$0x0]  }
0x5f: {  	s31 =	simm.s32 $0x2080  }
0x60: {  	[spmem:s2] =	stream.indirect.scatter.add.f32 [tilespmem:s21], [sflag:$0x3], $0x80, s31, s19, $0xb8;
	v63 =	vld [tilespmem:$0x0]  }
0x61: {  	_ =	swait.ge [sflag:s17], $0x4000  }
0x62: {  	s26 =	simm.s32 $0x400;
	[sflag:s17] =	ssyncset.done $0x0  }
.LBB2_5:
0x63: {  	p1 =	seq.s32 s26, $0x7000  }
0x64: {  	[sflag:s17] =	ssyncadd.s32 $0xFFFFC000;
	s28 =	smov.u32 s26;
	s26 =	sadd.s32 $0x400, s26  }
0x65: {  	_ = 	snop  }
0x66: {  	_ =	swait.ge [sflag:s20], $0x4000  }
0x67: {  	s28 =	sshra.s32 s28, $0x2;
	[sflag:s20] =	ssyncset.done $0x0  }
0x68: {  	s29 =	sadd.s32 $0x80, s28;
	[sflag:s20] =	ssyncadd.s32 $0xFFFFC000  }
0x69: {  	[tilespmem:s21], [sflag:$0x2] =	stream.indirect.gather [hbm4b:s4+s19], $0x80, s29, s19, $0xb8;
	v63 =	vld [tilespmem:$0x0]  }
0x6a: {  	s29 =	sadd.s32 $0x2000, s28  }
0x6b: {  	[spmem:s2] =	stream.indirect.scatter.add.f32 [tilespmem:s16], [sflag:$0x3], $0x80, s29, s19, $0xb8;
	v63 =	vld [tilespmem:$0x0]  }
0x6c: {  	_ =	swait.ge [sflag:s17], $0x4000  }
0x6d: {  	[sflag:s17] =	ssyncset.done $0x0  }
0x6e: {  	[sflag:s17] =	ssyncadd.s32 $0xFFFFC000  }
0x6f: {  	_ =	swait.ge [sflag:s22], $0x4000  }
0x70: {  	[sflag:s22] =	ssyncset.done $0x0  }
0x71: {  	s29 =	sadd.s32 $0x100, s28;
	[sflag:s22] =	ssyncadd.s32 $0xFFFFC000  }
0x72: {  	[tilespmem:s16], [sflag:$0x1] =	stream.indirect.gather [hbm4b:s4+s19], $0x80, s29, s19, $0xb8;
	v63 =	vld [tilespmem:$0x0]  }
.Ltmp4:
0x73: {  	_ = 	snop;
	(pc) =	sbr.rel @!p1 .LBB2_5-.Ltmp4, $4  }
0x74: {  	s28 =	sadd.s32 $0x2080, s28  }
0x75: {  	[spmem:s2] =	stream.indirect.scatter.add.f32 [tilespmem:s21], [sflag:$0x3], $0x80, s28, s19, $0xb8;
	v63 =	vld [tilespmem:$0x0]  }
0x76: {  	_ =	swait.ge [sflag:s17], $0x4000  }
0x77: {  	[sflag:s17] =	ssyncset.done $0x0  }
0x78: {  	[sflag:s17] =	ssyncadd.s32 $0xFFFFC000  }
0x79: {  	_ =	swait.ge [sflag:s20], $0x4000  }
0x7a: {  	[sflag:s20] =	ssyncset.done $0x0  }
0x7b: {  	[sflag:s20] =	ssyncadd.s32 $0xFFFFC000  }
0x7c: {  	[tilespmem:s21], [sflag:$0x2] =	stream.indirect.gather [hbm4b:s4+s19], $0x80, s23, s19, $0xb8;
	v63 =	vld [tilespmem:$0x0]  }
0x7d: {  	_ = 	snop  }
0x7e: {  	[spmem:s2] =	stream.indirect.scatter.add.f32 [tilespmem:s16], [sflag:$0x3], $0x80, s24, s19, $0xb8;
	v63 =	vld [tilespmem:$0x0]  }
0x7f: {  	_ =	swait.ge [sflag:s17], $0x4000  }
0x80: {  	[sflag:s17] =	ssyncset.done $0x0  }
0x81: {  	[sflag:s17] =	ssyncadd.s32 $0xFFFFC000  }
0x82: {  	_ =	swait.ge [sflag:s22], $0x4000  }
0x83: {  	[sflag:s22] =	ssyncset.done $0x0  }
.Ltmp5:
0x84: {  	[sflag:s22] =	ssyncadd.s32 $0xFFFFC000;
	(pc) =	sbr.rel .LBB2_10-.Ltmp5, $4  }
0x85: {  	[spmem:s2] =	stream.indirect.scatter.add.f32 [tilespmem:s21], [sflag:$0x3], $0x80, s25, s19, $0xb8;
	v63 =	vld [tilespmem:$0x0]  }
0x86: {  	_ =	swait.ge [sflag:s17], $0x4000  }
0x87: {  	[sflag:s17] =	ssyncset.done $0x0  }
0x88: {  	[sflag:s17] =	ssyncadd.s32 $0xFFFFC000  }
.LBB2_7:
0x89: {  	s26 =	simm.s32 $0x0  }
0x8a: {  	[tilespmem:s16], [sflag:$0x1] =	stream.indirect.gather [hbm4b:s4+s19], $0x80, s26, s19, $0xb8;
	v63 =	vld [tilespmem:$0x0]  }
0x8b: {  	_ =	swait.ge [sflag:s20], $0x4000  }
0x8c: {  	[sflag:s20] =	ssyncset.done $0x0  }
0x8d: {  	s31 =	simm.s32 $0x2000;
	[sflag:s20] =	ssyncadd.s32 $0xFFFFC000  }
0x8e: {  	[spmem:s2] =	stream.indirect.scatter.add.f32 [tilespmem:s16], [sflag:$0x3], $0x80, s31, s19, $0xb8;
	v63 =	vld [tilespmem:$0x0]  }
0x8f: {  	_ =	swait.ge [sflag:s17], $0x4000  }
0x90: {  	s28 =	simm.s32 $0x400;
	s26 =	simm.s32 $0x200;
	[sflag:s17] =	ssyncset.done $0x0  }
.LBB2_8:
0x91: {  	s29 =	sshra.s32 s26, $0x2  }
0x92: {  	[sflag:s17] =	ssyncadd.s32 $0xFFFFC000;
	s26 =	smov.u32 s28;
	s30 =	sadd.s32 $0x200, s28  }
0x93: {  	[tilespmem:s16], [sflag:$0x1] =	stream.indirect.gather [hbm4b:s4+s19], $0x80, s29, s19, $0xb8;
	v63 =	vld [tilespmem:$0x0]  }
0x94: {  	p1 =	seq.s32 s28, $0x2600;
	_ =	swait.ge [sflag:s20], $0x4000  }
.Ltmp6:
0x95: {  	[sflag:s20] =	ssyncset.done $0x0;
	(pc) =	sbr.rel @!p1 .LBB2_8-.Ltmp6, $4  }
0x96: {  	s28 =	sadd.s32 $0x2000, s29;
	[sflag:s20] =	ssyncadd.s32 $0xFFFFC000  }
0x97: {  	[spmem:s2] =	stream.indirect.scatter.add.f32 [tilespmem:s16], [sflag:$0x3], $0x80, s28, s19, $0xb8;
	v63 =	vld [tilespmem:$0x0]  }
0x98: {  	_ =	swait.ge [sflag:s17], $0x4000  }
0x99: {  	s28 =	smov.u32 s30;
	[sflag:s17] =	ssyncset.done $0x0  }
0x9a: {  	s26 =	sshra.s32 s26, $0x2;
	[sflag:s17] =	ssyncadd.s32 $0xFFFFC000  }
0x9b: {  	[tilespmem:s16], [sflag:$0x1] =	stream.indirect.gather [hbm4b:s4+s19], $0x80, s26, s19, $0xb8;
	v63 =	vld [tilespmem:$0x0]  }
0x9c: {  	_ =	swait.ge [sflag:s20], $0x4000  }
0x9d: {  	[sflag:s20] =	ssyncset.done $0x0  }
0x9e: {  	s26 =	sadd.s32 $0x2000, s26;
	[sflag:s20] =	ssyncadd.s32 $0xFFFFC000  }
0x9f: {  	[spmem:s2] =	stream.indirect.scatter.add.f32 [tilespmem:s16], [sflag:$0x3], $0x80, s26, s19, $0xb8;
	v63 =	vld [tilespmem:$0x0]  }
0xa0: {  	_ =	swait.ge [sflag:s17], $0x4000  }
0xa1: {  	[sflag:s17] =	ssyncset.done $0x0  }
0xa2: {  	[sflag:s17] =	ssyncadd.s32 $0xFFFFC000  }
.LBB2_10:
0xa3: {  	s26 =	simm.s32 $0x0  }
0xa4: {  	[tilespmem:s26], [sflag:$0x3] =	stream.linear.gather [hbm4b:s12+s26], $0x1E00, $0x38;
	v63 =	vld [tilespmem:$0x0]  }
0xa5: {  	_ =	swait.ge [sflag:s17], $0x1E00  }
0xa6: {  	[sflag:s17] =	ssyncset.done $0x0  }
.Ltmp7:
0xa7: {  	[sflag:s17] =	ssyncadd.s32 $0xFFFFE200;
	(pc) =	sbr.rel @p0 .LBB2_14-.Ltmp7, $4  }
0xa8: {  	[tilespmem:s18], [sflag:$0x3] =	stream.linear.gather [hbm4b:s13+s26], $0x1E00, $0x38;
	v63 =	vld [tilespmem:$0x0]  }
0xa9: {  	_ =	swait.ge [sflag:s17], $0x1E00  }
0xaa: {  	[sflag:s17] =	ssyncset.done $0x0  }
0xab: {  	[sflag:s17] =	ssyncadd.s32 $0xFFFFE200  }
0xac: {  	[tilespmem:s16], [sflag:$0x1] =	stream.indirect.gather [hbm4b:s4+s19], $0x80, s26, s19, $0xb8;
	v63 =	vld [tilespmem:$0x0]  }
0xad: {  	_ =	swait.ge [sflag:s20], $0x4000  }
0xae: {  	[sflag:s20] =	ssyncset.done $0x0  }
0xaf: {  	s28 =	simm.s32 $0x80;
	[sflag:s20] =	ssyncadd.s32 $0xFFFFC000  }
0xb0: {  	[tilespmem:s21], [sflag:$0x2] =	stream.indirect.gather [hbm4b:s4+s19], $0x80, s28, s19, $0xb8;
	v63 =	vld [tilespmem:$0x0]  }
0xb1: {  	s29 =	simm.s32 $0x2000  }
0xb2: {  	[spmem:s2] =	stream.indirect.scatter.add.f32 [tilespmem:s16], [sflag:$0x3], $0x80, s29, s19, $0xb8;
	v63 =	vld [tilespmem:$0x0]  }
0xb3: {  	_ =	swait.ge [sflag:s17], $0x4000  }
0xb4: {  	[sflag:s17] =	ssyncset.done $0x0  }
0xb5: {  	[sflag:s17] =	ssyncadd.s32 $0xFFFFC000  }
0xb6: {  	_ =	swait.ge [sflag:s22], $0x4000  }
0xb7: {  	[sflag:s22] =	ssyncset.done $0x0  }
0xb8: {  	s30 =	simm.s32 $0x100;
	[sflag:s22] =	ssyncadd.s32 $0xFFFFC000  }
0xb9: {  	[tilespmem:s16], [sflag:$0x1] =	stream.indirect.gather [hbm4b:s4+s19], $0x80, s30, s19, $0xb8;
	v63 =	vld [tilespmem:$0x0]  }
0xba: {  	s31 =	simm.s32 $0x2080  }
0xbb: {  	[spmem:s2] =	stream.indirect.scatter.add.f32 [tilespmem:s21], [sflag:$0x3], $0x80, s31, s19, $0xb8;
	v63 =	vld [tilespmem:$0x0]  }
0xbc: {  	_ =	swait.ge [sflag:s17], $0x4000  }
0xbd: {  	s26 =	simm.s32 $0x400;
	[sflag:s17] =	ssyncset.done $0x0  }
.LBB2_12:
0xbe: {  	p1 =	seq.s32 s26, $0x7000  }
0xbf: {  	[sflag:s17] =	ssyncadd.s32 $0xFFFFC000;
	s28 =	smov.u32 s26;
	s26 =	sadd.s32 $0x400, s26  }
0xc0: {  	_ = 	snop  }
0xc1: {  	_ =	swait.ge [sflag:s20], $0x4000  }
0xc2: {  	s28 =	sshra.s32 s28, $0x2;
	[sflag:s20] =	ssyncset.done $0x0  }
0xc3: {  	s29 =	sadd.s32 $0x80, s28;
	[sflag:s20] =	ssyncadd.s32 $0xFFFFC000  }
0xc4: {  	[tilespmem:s21], [sflag:$0x2] =	stream.indirect.gather [hbm4b:s4+s19], $0x80, s29, s19, $0xb8;
	v63 =	vld [tilespmem:$0x0]  }
0xc5: {  	s29 =	sadd.s32 $0x2000, s28  }
0xc6: {  	[spmem:s2] =	stream.indirect.scatter.add.f32 [tilespmem:s16], [sflag:$0x3], $0x80, s29, s19, $0xb8;
	v63 =	vld [tilespmem:$0x0]  }
0xc7: {  	_ =	swait.ge [sflag:s17], $0x4000  }
0xc8: {  	[sflag:s17] =	ssyncset.done $0x0  }
0xc9: {  	[sflag:s17] =	ssyncadd.s32 $0xFFFFC000  }
0xca: {  	_ =	swait.ge [sflag:s22], $0x4000  }
0xcb: {  	[sflag:s22] =	ssyncset.done $0x0  }
0xcc: {  	s29 =	sadd.s32 $0x100, s28;
	[sflag:s22] =	ssyncadd.s32 $0xFFFFC000  }
0xcd: {  	[tilespmem:s16], [sflag:$0x1] =	stream.indirect.gather [hbm4b:s4+s19], $0x80, s29, s19, $0xb8;
	v63 =	vld [tilespmem:$0x0]  }
.Ltmp8:
0xce: {  	_ = 	snop;
	(pc) =	sbr.rel @!p1 .LBB2_12-.Ltmp8, $4  }
0xcf: {  	s28 =	sadd.s32 $0x2080, s28  }
0xd0: {  	[spmem:s2] =	stream.indirect.scatter.add.f32 [tilespmem:s21], [sflag:$0x3], $0x80, s28, s19, $0xb8;
	v63 =	vld [tilespmem:$0x0]  }
0xd1: {  	_ =	swait.ge [sflag:s17], $0x4000  }
0xd2: {  	[sflag:s17] =	ssyncset.done $0x0  }
0xd3: {  	[sflag:s17] =	ssyncadd.s32 $0xFFFFC000  }
0xd4: {  	_ =	swait.ge [sflag:s20], $0x4000  }
0xd5: {  	[sflag:s20] =	ssyncset.done $0x0  }
0xd6: {  	[sflag:s20] =	ssyncadd.s32 $0xFFFFC000  }
0xd7: {  	[tilespmem:s21], [sflag:$0x2] =	stream.indirect.gather [hbm4b:s4+s19], $0x80, s23, s19, $0xb8;
	v63 =	vld [tilespmem:$0x0]  }
0xd8: {  	_ = 	snop  }
0xd9: {  	[spmem:s2] =	stream.indirect.scatter.add.f32 [tilespmem:s16], [sflag:$0x3], $0x80, s24, s19, $0xb8;
	v63 =	vld [tilespmem:$0x0]  }
0xda: {  	_ =	swait.ge [sflag:s17], $0x4000  }
0xdb: {  	[sflag:s17] =	ssyncset.done $0x0  }
0xdc: {  	[sflag:s17] =	ssyncadd.s32 $0xFFFFC000  }
0xdd: {  	_ =	swait.ge [sflag:s22], $0x4000  }
0xde: {  	[sflag:s22] =	ssyncset.done $0x0  }
.Ltmp9:
0xdf: {  	[sflag:s22] =	ssyncadd.s32 $0xFFFFC000;
	(pc) =	sbr.rel .LBB2_17-.Ltmp9, $4  }
0xe0: {  	[spmem:s2] =	stream.indirect.scatter.add.f32 [tilespmem:s21], [sflag:$0x3], $0x80, s25, s19, $0xb8;
	v63 =	vld [tilespmem:$0x0]  }
0xe1: {  	_ =	swait.ge [sflag:s17], $0x4000  }
0xe2: {  	[sflag:s17] =	ssyncset.done $0x0  }
0xe3: {  	[sflag:s17] =	ssyncadd.s32 $0xFFFFC000  }
.LBB2_14:
0xe4: {  	s26 =	simm.s32 $0x0  }
0xe5: {  	[tilespmem:s16], [sflag:$0x1] =	stream.indirect.gather [hbm4b:s4+s19], $0x80, s26, s19, $0xb8;
	v63 =	vld [tilespmem:$0x0]  }
0xe6: {  	_ =	swait.ge [sflag:s20], $0x4000  }
0xe7: {  	[sflag:s20] =	ssyncset.done $0x0  }
0xe8: {  	s31 =	simm.s32 $0x2000;
	[sflag:s20] =	ssyncadd.s32 $0xFFFFC000  }
0xe9: {  	[spmem:s2] =	stream.indirect.scatter.add.f32 [tilespmem:s16], [sflag:$0x3], $0x80, s31, s19, $0xb8;
	v63 =	vld [tilespmem:$0x0]  }
0xea: {  	_ =	swait.ge [sflag:s17], $0x4000  }
0xeb: {  	s28 =	simm.s32 $0x400;
	s26 =	simm.s32 $0x200;
	[sflag:s17] =	ssyncset.done $0x0  }
.LBB2_15:
0xec: {  	s29 =	sshra.s32 s26, $0x2  }
0xed: {  	[sflag:s17] =	ssyncadd.s32 $0xFFFFC000;
	s26 =	smov.u32 s28;
	s30 =	sadd.s32 $0x200, s28  }
0xee: {  	[tilespmem:s16], [sflag:$0x1] =	stream.indirect.gather [hbm4b:s4+s19], $0x80, s29, s19, $0xb8;
	v63 =	vld [tilespmem:$0x0]  }
0xef: {  	p1 =	seq.s32 s28, $0x2600;
	_ =	swait.ge [sflag:s20], $0x4000  }
.Ltmp10:
0xf0: {  	[sflag:s20] =	ssyncset.done $0x0;
	(pc) =	sbr.rel @!p1 .LBB2_15-.Ltmp10, $4  }
0xf1: {  	s28 =	sadd.s32 $0x2000, s29;
	[sflag:s20] =	ssyncadd.s32 $0xFFFFC000  }
0xf2: {  	[spmem:s2] =	stream.indirect.scatter.add.f32 [tilespmem:s16], [sflag:$0x3], $0x80, s28, s19, $0xb8;
	v63 =	vld [tilespmem:$0x0]  }
0xf3: {  	_ =	swait.ge [sflag:s17], $0x4000  }
0xf4: {  	s28 =	smov.u32 s30;
	[sflag:s17] =	ssyncset.done $0x0  }
.Ltmp11:
0xf5: {  	_ = 	snop;
	(pc) =	sbr.rel .LBB2_16-.Ltmp11, $1  }
0xf6: {  	_ =	sdelay $0x3  }
.LBB2_18:
0xf7: {  	_ =	sfence.sel $0x180000  }
0xf8: {  	[bflag:$0x0] =	sbarrier.arrive $0xFFFF  }
0xf9: {  	p0 =	sne.s32 s1, $0x0;
	_ =	strace $0x9000004D  }
0xfa: {  	s0 =	sadd.s32 @!p0 $0x100000, s0;
	[bflag:$0x2] =	sbarrier.arrive $0xFFFF  }
0xfb: {  	[sflag:s0] =	ssyncadd.tile.s32 @!p0 $0x1;
	_ =	shalt  }
.Lfunc_end2:
_tile_overlayer_lowered:
.L_overlay_start_2:
0xfc: {  	(tag) =	ssettag $0x2  }
0xfd: {  	s0 =	rddreg [dreg:$0x0];
	s2 =	stileid.u32  }
0xfe: {  	s1 =	rddreg [dreg:$0x1];
	p0 =	sne.s32 s2, $0x0  }
0xff: {  	s3 =	rddreg [dreg:$0x2];
	[bflag:$0x3] =	sbarrier.arrive $0xFFFF;
	s2 =	simm.s32 @!p0 $0x1C03  }
0x100: {  	[timem:s3], [sflag:s2] =	dma.local @!p0 [hbm:s0], s1  }
0x101: {  	s0 =	simm.s32 @!p0 $0x3  }
0x102: {  	_ =	swait.ge @!p0 [sflag:s0], s1  }
0x103: {  	s1 =	ssub.s32 @!p0 $0x0, s1;
	[sflag:s0] =	ssyncset.done @!p0 $0x0  }
0x104: {  	[sflag:s0] =	ssyncadd.s32 @!p0 s1  }
0x105: {  	[bflag:$0x3] =	sbarrier.arrive $0xFFFF  }
0x106: {  	_ =	shalt  }

// kernel: kernel.22.cloned.1.call-start
scs
__scs_entry_jumppad:
0x0: {  	(pc) =	sbr.rel $0x88, $3  }
0x1: {  	(tag) =	ssettag $0x0;
	lr =	simm.s32 $0x1  }
0x2: {  	[smem:$0x3F90] =	sst lr;
	_ =	strace $0xD0000000  }
0x3: {  	_ = 	snop  }
0x4: {  	_ = 	snop  }
0x5: {  	_ = 	snop  }
0x6: {  	_ = 	snop  }
0x7: {  	_ = 	snop  }
__scs_overlays_trampoline_lowered:
0x8: {  	[smem:$0x3F9F] =	sst s0  }
0x9: {  	[smem:$0x3FA0] =	sst s1  }
0xa: {  	[smem:$0x3FA1] =	sst s2  }
0xb: {  	[smem:$0x3FA2] =	sst s3  }
0xc: {  	[smem:$0x3FA3] =	sst s4  }
0xd: {  	[smem:$0x3FA4] =	sst s5  }
0xe: {  	[smem:$0x3FA5] =	sst s6  }
0xf: {  	[smem:$0x3FA6] =	sst s7  }
0x10: {  	[smem:$0x3FA7] =	sst s8  }
0x11: {  	[smem:$0x3FA8] =	sst s9;
	s0 =	simm.s32 @!p0 $0x0  }
0x12: {  	s1 =	sld [smem:$0x3F8E];
	s0 =	simm.s32 @p0 $0x1  }
0x13: {  	[smem:$0x3FA9] =	sst s0;
	s0 =	simm.s32 @!p1 $0x0  }
0x14: {  	s2 =	sld [smem:$0x3F8D];
	s0 =	simm.s32 @p1 $0x1  }
0x15: {  	[smem:$0x3FAA] =	sst s0;
	s0 =	simm.s32 @!p2 $0x0  }
0x16: {  	s3 =	sld [smem:$0x3FDB];
	s0 =	simm.s32 @p2 $0x1  }
0x17: {  	s4 =	simm.s32 $0x1BF5;
	[smem:$0x3FAC] =	sst s0  }
0x18: {  	s0 =	sld [smem:$0x3F8F];
	_ =	swait.ge [sflag:s4], $0x0  }
0x19: {  	s7 =	sld [smem:$0x3F90]  }
0x1a: {  	s8 =	sadd.s32 $0xFFFFE003, lr  }
0x1b: {  	s9 =	sadd.s32 $0xFFFFFEF7, lr;
	s5 =	simm.s32 $0xFFFFFFFF;
	p2 =	slt.u32 s8, $0xFFFFF086  }
0x1c: {  	p1 =	slt.u32 s9, $0xF7A;
	s5 =	simm.s32 @!p2 $0x0  }
0x1d: {  	s5 =	simm.s32 @p1 $0x1;
	p0 =	seq.s32 s7, s2  }
0x1e: {  	s7 =	smul.u32 @!p0 $0xF7A, s2;
	p2 =	seq.s32 @!p0 s5, $0x0  }
0x1f: {  	s9 =	smul.u32 $0xF7A, s1;
	s8 =	simm.s32 @!p0 $0x1BF5;
	p2 =	por !p2, p0  }
0x20: {  	[sflag:s8] =	ssyncset.s32 @!p0 $0xFFFFF086;
	s6 =	sadd.s32 @!p0 s3, s7;
	s7 =	simm.s32 @!p0 $0x108  }
0x21: {  	s3 =	sadd.s32 s3, s9;
	s6 =	sadd.s32 @!p0 $0x88, s6;
	s7 =	simm.s32 @p2 $0x1082  }
0x22: {  	[simem:s7], [sflag:s8] =	dma.local @!p0 [hbm:s6], $0xF7A  }
0x23: {  	s9 =	sor.u32 $0xD0000000, s2;
	s6 =	simm.s32 $0x108;
	_ =	swait.ge @!p0 [sflag:s8], $0x0  }
0x24: {  	s3 =	sadd.s32 $0x88, s3;
	s6 =	simm.s32 @!p1 $0x1082;
	[sflag:s4] =	ssyncset.s32 $0xFFFFF086  }
0x25: {  	[simem:s6], [sflag:s4] =	dma.local [hbm:s3], $0xF7A  }
0x26: {  	[smem:$0x3F90] =	sst s1;
	(tag) =	ssettag s2;
	_ =	strace s9  }
0x27: {  	s1 =	sld [smem:$0x3FA0]  }
0x28: {  	s2 =	sld [smem:$0x3FA1]  }
0x29: {  	s4 =	sld [smem:$0x3FA3]  }
0x2a: {  	p0 =	seq.s32 s5, $0x0;
	s5 =	sld [smem:$0x3FA4]  }
0x2b: {  	s6 =	sld [smem:$0x3FA5]  }
0x2c: {  	s7 =	sld [smem:$0x3FA6]  }
0x2d: {  	s3 =	simm.s32 $0x108;
	s8 =	sld [smem:$0x3FA7]  }
0x2e: {  	s3 =	simm.s32 @!p0 $0x1082;
	s9 =	sld [smem:$0x3FA8]  }
0x2f: {  	lr =	sadd.s32 s0, s3;
	s0 =	sld [smem:$0x3F9F]  }
0x30: {  	s3 =	sld [smem:$0x3FA2]  }
0x31: {  	[smem:$0x3FAB] =	sst s10  }
0x32: {  	s10 =	sld [smem:$0x3FA9];
	_ =	sdelay $0x3  }
0x33: {  	p0 =	seq.s32 s10, $0x1;
	s10 =	sld [smem:$0x3FAB];
	_ =	sdelay $0x3  }
0x34: {  	[smem:$0x3FAB] =	sst s10  }
0x35: {  	s10 =	sld [smem:$0x3FAA];
	_ =	sdelay $0x3  }
0x36: {  	p1 =	seq.s32 s10, $0x1;
	s10 =	sld [smem:$0x3FAB];
	_ =	sdelay $0x3  }
0x37: {  	[smem:$0x3FAB] =	sst s10  }
0x38: {  	s10 =	sld [smem:$0x3FAC]  }
0x39: {  	_ = 	snop;
	(pc) =	sbr.ind lr, $3  }
0x3a: {  	_ = 	snop  }
0x3b: {  	_ = 	snop  }
0x3c: {  	p2 =	seq.s32 s10, $0x1;
	s10 =	sld [smem:$0x3FAB]  }
0x3d: {  	_ =	shalt  }
0x3e: {  	_ =	shalt  }
0x3f: {  	_ =	shalt  }
0x40: {  	_ =	shalt  }
0x41: {  	_ =	shalt  }
0x42: {  	_ =	shalt  }
0x43: {  	_ =	shalt  }
0x44: {  	_ =	shalt  }
0x45: {  	_ =	shalt  }
0x46: {  	_ =	shalt  }
0x47: {  	_ =	shalt  }
0x48: {  	_ =	shalt  }
0x49: {  	_ =	shalt  }
0x4a: {  	_ =	shalt  }
0x4b: {  	_ =	shalt  }
0x4c: {  	_ =	shalt  }
0x4d: {  	_ =	shalt  }
0x4e: {  	_ =	shalt  }
0x4f: {  	_ =	shalt  }
0x50: {  	_ =	shalt  }
0x51: {  	_ =	shalt  }
0x52: {  	_ =	shalt  }
0x53: {  	_ =	shalt  }
0x54: {  	_ =	shalt  }
0x55: {  	_ =	shalt  }
0x56: {  	_ =	shalt  }
0x57: {  	_ =	shalt  }
0x58: {  	_ =	shalt  }
0x59: {  	_ =	shalt  }
0x5a: {  	_ =	shalt  }
0x5b: {  	_ =	shalt  }
0x5c: {  	_ =	shalt  }
0x5d: {  	_ =	shalt  }
0x5e: {  	_ =	shalt  }
0x5f: {  	_ =	shalt  }
0x60: {  	_ =	shalt  }
0x61: {  	_ =	shalt  }
0x62: {  	_ =	shalt  }
0x63: {  	_ =	shalt  }
0x64: {  	_ =	shalt  }
0x65: {  	_ =	shalt  }
0x66: {  	_ =	shalt  }
0x67: {  	_ =	shalt  }
0x68: {  	_ =	shalt  }
0x69: {  	_ =	shalt  }
0x6a: {  	_ =	shalt  }
0x6b: {  	_ =	shalt  }
0x6c: {  	_ =	shalt  }
0x6d: {  	_ =	shalt  }
0x6e: {  	_ =	shalt  }
0x6f: {  	_ =	shalt  }
0x70: {  	_ =	shalt  }
0x71: {  	_ =	shalt  }
0x72: {  	_ =	shalt  }
0x73: {  	_ =	shalt  }
0x74: {  	_ =	shalt  }
0x75: {  	_ =	shalt  }
0x76: {  	_ =	shalt  }
0x77: {  	_ =	shalt  }
0x78: {  	_ =	shalt  }
0x79: {  	_ =	shalt  }
0x7a: {  	_ =	shalt  }
0x7b: {  	_ =	shalt  }
0x7c: {  	_ =	shalt  }
0x7d: {  	_ =	shalt  }
0x7e: {  	_ =	shalt  }
0x7f: {  	_ =	shalt  }
0x80: {  	_ =	shalt  }
0x81: {  	_ =	shalt  }
0x82: {  	_ =	shalt  }
0x83: {  	_ =	shalt  }
0x84: {  	_ =	shalt  }
0x85: {  	_ =	shalt  }
0x86: {  	_ =	shalt  }
0x87: {  	_ =	shalt  }
.Lfunc_end0:
.L_simem_size_0:
called_computation.3_lowered:
.L_overlay_start_0:
0x88: {  	s2 =	sld [smem:$0x3FD9]  }
0x89: {  	s3 =	sld [smem:$0x3FFE];
	_ =	sdelay $0x1  }
0x8a: {  	s1 =	srdreg.scid  }
0x8b: {  	s0 =	sand.u32 $0x1, s1  }
0x8c: {  	s16 =	sshll.u32 s0, $0xA;
	s2 =	sadd.s32 s3, s2  }
0x8d: {  	s2 =	sadd.s32 s2, s16  }
0x8e: {  	[smem:$0x3FB7] =	sst s2  }
0x8f: {  	_ = 	snop  }
0x90: {  	(tm) =	ssettm $0x1  }
0x91: {  	s17 =	sld [smem:$0x3FFB];
	_ =	sdelay $0x3  }
0x92: {  	_ =	strace s17  }
0x93: {  	s2 =	sld [smem:$0x3FFC];
	_ =	sdelay $0x3  }
0x94: {  	_ =	strace s2  }
0x95: {  	s2 =	sld [smem:$0x3FFD];
	_ =	sdelay $0x3  }
0x96: {  	_ =	strace s2  }
0x97: {  	_ =	strace $0x8FFFFFFF  }
0x98: {  	s18 =	sld [smem:$0x3FDB];
	_ =	sdelay $0x1  }
0x99: {  	s19 =	simm.s32 $_scs_section_size  }
0x9a: {  	s4 =	simm.s32 $_size__tile_overlayer_lowered;
	s5 =	simm.s32 $_tile_overlayer_lowered  }
0x9b: {  	s22 =	simm.s32 $0x1BFF;
	s21 =	sshll.u32 s5, $0x1;
	s2 =	sadd.s32 s19, s18  }
0x9c: {  	s6 =	simm.s32 $0x0;
	s20 =	sshll.u32 s4, $0x1;
	s4 =	sadd.s32 s21, s2  }
0x9d: {  	[timem:s6], [sflag:s22] =	dma.local [hbm:s4], s20  }
0x9e: {  	_ =	swait.ge [sflag:s22], s20  }
0x9f: {  	s3 =	ssub.s32 $0x0, s20;
	[sflag:s22] =	ssyncset.done $0x0  }
0xa0: {  	[sflag:s22] =	ssyncadd.s32 s3;
	_ =	sdelay $0x1  }
0xa1: {  	s23 =	simm.s32 $0x1B8B  }
0xa2: {  	_ =	swait.ge [sflag:s23], $0x1  }
0xa3: {  	[sflag:s23] =	ssyncset.done $0x0  }
0xa4: {  	s25 =	simm.s32 $0x1B8E;
	s24 =	sld [smem:$0x3FFE];
	[sflag:s23] =	ssyncadd.s32 $0xFFFFFFFF  }
0xa5: {  	s26 =	simm.s32 $execute0_lowered;
	[smem:$0x3FD2] =	sst s25  }
0xa6: {  	s4 =	sshll.u32 s26, $0x1;
	_ =	strace $0x8000004F;
	[dreg:$0x1] =	wrdreg $0xFFFFFFFF  }
0xa7: {  	s28 =	simm.s32 $_size_execute0_lowered;
	s2 =	sadd.s32 s2, s4;
	[dreg:$0x0] =	wrdreg $0x0  }
0xa8: {  	s4 =	sshll.u32 s28, $0x1;
	[dreg:$0x2] =	wrdreg s2  }
0xa9: {  	[dreg:$0x3] =	wrdreg s4  }
0xaa: {  	[dreg:$0x4] =	wrdreg $0xC0  }
0xab: {  	_ =	task [dreg:s6], $0x5FFFF  }
0xac: {  	[dreg:$0x1] =	wrdreg $0xFFFFFFFF  }
0xad: {  	[dreg:$0x0] =	wrdreg $0x60  }
0xae: {  	[dreg:$0x2] =	wrdreg s24  }
0xaf: {  	[dreg:$0x3] =	wrdreg $0xC0000  }
0xb0: {  	[dreg:$0x4] =	wrdreg $0x9  }
0xb1: {  	_ =	task.clear_ibuf [dreg:s6], $0x5FFFF;
	_ =	strace $0x9000004F  }
0xb2: {  	s29 =	simm.s32 $0x9;
	_ =	strace $0x80000051  }
0xb3: {  	_ =	swait.ge [sflag:s29], $0x1  }
0xb4: {  	[sflag:s29] =	ssyncadd.s32 $0xFFFFFFFF  }
0xb5: {  	_ =	strace $0x90000051  }
0xb6: {  	_ =	sfence  }
0xb7: {  	s30 =	sld [smem:$0x0];
	_ =	sdelay $0x2  }
0xb8: {  	s31 =	sshll.u32 s1, $0xD;
	s1 =	sshrl.u32 s1, $0x2  }
0xb9: {  	s3 =	sand.u32 $0x4000, s31;
	s1 =	sadd.s32 s1, s30  }
0xba: {  	s0 =	sor.u32 s3, s0;
	s1 =	sshll.u32 s1, $0x11  }
0xbb: {  	s0 =	sor.u32 s1, s0  }
0xbc: {  	s0 =	sadd.s32 $0x8F2B, s0  }
0xbd: {  	[sflag:s0] =	ssyncadd.remote.s32 $0x1  }
0xbe: {  	_ =	sfence.sel $0xFFFF  }
0xbf: {  	[dreg:$0x0] =	wrdreg $0xFFFFFFFF;
	(pc) =	sbr.abs _section_cstart, $3  }
0xc0: {  	[dreg:$0x1] =	wrdreg $0xFFFFFFFF  }
0xc1: {  	_ =	task.clear_ibuf [dreg:s6], $0x2FFFF;
	_ =	strace $0x9FFFFFFF  }
0xc2: {  	(tm) =	ssettm $0x7FFFFFFF  }
0xc3: {  	_ =	shalt  }
tec
execute0_lowered:
.L_overlay_start_1:
0x0: {  	(tag) =	ssettag $0x1  }
0x1: {  	s6 =	rddreg [dreg:$0x0]  }
0x2: {  	s2 =	rddreg [dreg:$0x1]  }
0x3: {  	s0 =	rddreg [dreg:$0x2]  }
0x4: {  	s3 =	simm.s32 $0x0;
	s1 =	stileid.u32;
	s4 =	srdreg.scid  }
0x5: {  	s18 =	simm.s32 $0x2000;
	s19 =	simm.s32 $0x80;
	s20 =	simm.s32 $0x1  }
0x6: {  	s21 =	simm.s32 $0x8000;
	s22 =	simm.s32 $0x2;
	s23 =	simm.s32 $0x1D80  }
0x7: {  	s24 =	simm.s32 $0x3D00;
	s25 =	simm.s32 $0x3D80;
	s5 =	smul.u32 $0x2800, s1  }
0x8: {  	[smem:$0x7FF] =	sst s3;
	s16 =	sand.u32 $0x1, s4;
	s7 =	smul.u32 $0x50000, s1  }
0x9: {  	s4 =	sadd.s32 $0x80400, s6;
	s12 =	sadd.s32 $0x70400, s6;
	s13 =	sadd.s32 $0x60400, s6  }
0xa: {  	s31 =	sshll.u32 s1, $0xC;
	_ =	strace $0x80000050;
	s8 =	smul.u32 $0x28000, s16  }
0xb: {  	s9 =	ssub.s32 $0x2, s16;
	s11 =	sshll.u32 s16, $0xB;
	p0 =	sne.s32 s16, $0x0  }
0xc: {  	s16 =	simm.s32 $0x4000;
	s7 =	sshrl.u32 s7, $0x2;
	s10 =	sshrl.u32 s9, $0x1  }
0xd: {  	s17 =	sor.u32 s11, s31;
	s8 =	sadd.s32 s5, s8;
	s5 =	sadd.s32 s7, s2  }
.Ltmp0:
0xe: {  	s15 =	ssub.s32 s9, s10;
	s10 =	sadd.s32 s12, s17;
	(pc) =	sbr.rel .LBB2_1-.Ltmp0, $4  }
0xf: {  	s11 =	sadd.s32 s13, s17;
	s17 =	sor.u32 $0x400, s17;
	s14 =	sadd.s32 s8, s6  }
0x10: {  	s6 =	sadd.s32 $0x4000, s5;
	s7 =	sadd.s32 $0x8000, s5;
	s8 =	sadd.s32 $0xC000, s5  }
0x11: {  	s9 =	sadd.s32 $0x10000, s5;
	s12 =	sadd.s32 s12, s17;
	s13 =	sadd.s32 s13, s17  }
0x12: {  	v0 =	vimm.f32 $0.0e+00;
	s15 =	smax.u32 s15, $0x1;
	s17 =	simm.s32 $0x3;
	s14 =	sadd.s32 $0xA8400, s14  }
.LBB2_16:
0x13: {  	s26 =	sshra.s32 s26, $0x2;
	[sflag:s17] =	ssyncadd.s32 $0xFFFFC000  }
0x14: {  	[tilespmem:s16], [sflag:$0x1] =	stream.indirect.gather [hbm4b:s4+s19], $0x80, s26, s19, $0xb8;
	v63 =	vld [tilespmem:$0x0]  }
0x15: {  	_ =	swait.ge [sflag:s20], $0x4000  }
0x16: {  	[sflag:s20] =	ssyncset.done $0x0  }
0x17: {  	s26 =	sadd.s32 $0x2000, s26;
	[sflag:s20] =	ssyncadd.s32 $0xFFFFC000  }
0x18: {  	[spmem:s2] =	stream.indirect.scatter.add.f32 [tilespmem:s16], [sflag:$0x3], $0x80, s26, s19, $0xb8;
	v63 =	vld [tilespmem:$0x0]  }
0x19: {  	_ =	swait.ge [sflag:s17], $0x4000  }
0x1a: {  	[sflag:s17] =	ssyncset.done $0x0  }
0x1b: {  	[sflag:s17] =	ssyncadd.s32 $0xFFFFC000  }
.LBB2_17:
0x1c: {  	s3 =	sadd.s32 $0x1, s3  }
0x1d: {  	s26 =	sshll.u32 s1, $0x6;
	[bflag:$0x0] =	sbarrier.arrive $0xFFFF;
	p1 =	sne.s32 s3, s15  }
.Ltmp1:
0x1e: {  	s28 =	sshrl.u32 s5, $0x3;
	s26 =	sor.u32 $0x1C03, s26;
	(pc) =	sbr.rel @!p1 .LBB2_18-.Ltmp1, $4  }
0x1f: {  	[hbm:s14], [sflag:s26] =	dma.local [spmem:s28], $0x2800  }
0x20: {  	_ =	swait.ge [sflag:s17], $0x2800  }
0x21: {  	[sflag:s17] =	ssyncset.done $0x0  }
0x22: {  	[sflag:s17] =	ssyncadd.s32 $0xFFFFD800  }
.LBB2_1:
0x23: {  	s26 =	simm.s32 $0x0;
	s28 =	simm.s32 $0x200  }
.LBB2_2:
0x24: {  	p1 =	sne.s32 s28, $0xFE00;
	[tilespmem:s26+$0x4070] =	vst v0  }
0x25: {  	[tilespmem:s26+$0x4000] =	vst v0  }
0x26: {  	[tilespmem:s26+$0x4010] =	vst v0  }
.Ltmp2:
0x27: {  	[tilespmem:s26+$0x4020] =	vst v0;
	(pc) =	sbr.rel @p1 .LBB2_2-.Ltmp2, $4  }
0x28: {  	[tilespmem:s26+$0x4030] =	vst v0  }
0x29: {  	[tilespmem:s26+$0x4040] =	vst v0  }
0x2a: {  	[tilespmem:s26+$0x4050] =	vst v0  }
0x2b: {  	[tilespmem:s26+$0x4060] =	vst v0;
	s26 =	sshra.s32 s28, $0x2;
	s28 =	sadd.s32 $0x200, s28  }
0x2c: {  	[tilespmem:s26+$0x4070] =	vst v0  }
0x2d: {  	[tilespmem:s26+$0x4000] =	vst v0  }
0x2e: {  	[tilespmem:s26+$0x4010] =	vst v0  }
0x2f: {  	[tilespmem:s26+$0x4020] =	vst v0  }
0x30: {  	[tilespmem:s26+$0x4030] =	vst v0  }
0x31: {  	[tilespmem:s26+$0x4040] =	vst v0  }
0x32: {  	[tilespmem:s26+$0x4050] =	vst v0  }
0x33: {  	[tilespmem:s26+$0x4060] =	vst v0  }
0x34: {  	[spmem:s5] =	stream.linear.scatter [tilespmem:s16], [sflag:$0x3], $0x4000, $0x38;
	v63 =	vld [tilespmem:$0x0]  }
0x35: {  	_ =	swait.ge [sflag:s17], $0x4000  }
0x36: {  	[sflag:s17] =	ssyncset.done $0x0  }
0x37: {  	[sflag:s17] =	ssyncadd.s32 $0xFFFFC000  }
0x38: {  	[spmem:s6] =	stream.linear.scatter [tilespmem:s16], [sflag:$0x3], $0x4000, $0x38;
	v63 =	vld [tilespmem:$0x0]  }
0x39: {  	_ =	swait.ge [sflag:s17], $0x4000  }
0x3a: {  	[sflag:s17] =	ssyncset.done $0x0  }
0x3b: {  	[sflag:s17] =	ssyncadd.s32 $0xFFFFC000  }
0x3c: {  	[spmem:s7] =	stream.linear.scatter [tilespmem:s16], [sflag:$0x3], $0x4000, $0x38;
	v63 =	vld [tilespmem:$0x0]  }
0x3d: {  	_ =	swait.ge [sflag:s17], $0x4000  }
0x3e: {  	[sflag:s17] =	ssyncset.done $0x0  }
0x3f: {  	[sflag:s17] =	ssyncadd.s32 $0xFFFFC000  }
0x40: {  	[spmem:s8] =	stream.linear.scatter [tilespmem:s16], [sflag:$0x3], $0x4000, $0x38;
	v63 =	vld [tilespmem:$0x0]  }
0x41: {  	_ =	swait.ge [sflag:s17], $0x4000  }
0x42: {  	[sflag:s17] =	ssyncset.done $0x0  }
0x43: {  	[sflag:s17] =	ssyncadd.s32 $0xFFFFC000  }
0x44: {  	[spmem:s9] =	stream.linear.scatter [tilespmem:s16], [sflag:$0x3], $0x4000, $0x38;
	v63 =	vld [tilespmem:$0x0]  }
0x45: {  	_ =	swait.ge [sflag:s17], $0x4000  }
0x46: {  	[sflag:s17] =	ssyncset.done $0x0  }
0x47: {  	[sflag:s17] =	ssyncadd.s32 $0xFFFFC000  }
0x48: {  	s26 =	simm.s32 $0x0;
	[bflag:$0x0] =	sbarrier.arrive $0xFFFF  }
0x49: {  	[tilespmem:s26], [sflag:$0x3] =	stream.linear.gather [hbm4b:s10+s26], $0x1E00, $0x38;
	v63 =	vld [tilespmem:$0x0]  }
0x4a: {  	_ =	swait.ge [sflag:s17], $0x1E00  }
0x4b: {  	[sflag:s17] =	ssyncset.done $0x0  }
.Ltmp3:
0x4c: {  	[sflag:s17] =	ssyncadd.s32 $0xFFFFE200;
	(pc) =	sbr.rel @p0 .LBB2_7-.Ltmp3, $4  }
0x4d: {  	[tilespmem:s18], [sflag:$0x3] =	stream.linear.gather [hbm4b:s11+s26], $0x1E00, $0x38;
	v63 =	vld [tilespmem:$0x0]  }
0x4e: {  	_ =	swait.ge [sflag:s17], $0x1E00  }
0x4f: {  	[sflag:s17] =	ssyncset.done $0x0  }
0x50: {  	[sflag:s17] =	ssyncadd.s32 $0xFFFFE200  }
0x51: {  	[tilespmem:s16], [sflag:$0x1] =	stream.indirect.gather [hbm4b:s4+s19], $0x80, s26, s19, $0xb8;
	v63 =	vld [tilespmem:$0x0]  }
0x52: {  	_ =	swait.ge [sflag:s20], $0x4000  }
0x53: {  	[sflag:s20] =	ssyncset.done $0x0  }
0x54: {  	s28 =	simm.s32 $0x80;
	[sflag:s20] =	ssyncadd.s32 $0xFFFFC000  }
0x55: {  	[tilespmem:s21], [sflag:$0x2] =	stream.indirect.gather [hbm4b:s4+s19], $0x80, s28, s19, $0xb8;
	v63 =	vld [tilespmem:$0x0]  }
0x56: {  	s29 =	simm.s32 $0x2000  }
0x57: {  	[spmem:s2] =	stream.indirect.scatter.add.f32 [tilespmem:s16], [sflag:$0x3], $0x80, s29, s19, $0xb8;
	v63 =	vld [tilespmem:$0x0]  }
0x58: {  	_ =	swait.ge [sflag:s17], $0x4000  }
0x59: {  	[sflag:s17] =	ssyncset.done $0x0  }
0x5a: {  	[sflag:s17] =	ssyncadd.s32 $0xFFFFC000  }
0x5b: {  	_ =	swait.ge [sflag:s22], $0x4000  }
0x5c: {  	[sflag:s22] =	ssyncset.done $0x0  }
0x5d: {  	s30 =	simm.s32 $0x100;
	[sflag:s22] =	ssyncadd.s32 $0xFFFFC000  }
0x5e: {  	[tilespmem:s16], [sflag:$0x1] =	stream.indirect.gather [hbm4b:s4+s19], $0x80, s30, s19, $0xb8;
	v63 =	vld [tilespmem:$0x0]  }
0x5f: {  	s31 =	simm.s32 $0x2080  }
0x60: {  	[spmem:s2] =	stream.indirect.scatter.add.f32 [tilespmem:s21], [sflag:$0x3], $0x80, s31, s19, $0xb8;
	v63 =	vld [tilespmem:$0x0]  }
0x61: {  	_ =	swait.ge [sflag:s17], $0x4000  }
0x62: {  	s26 =	simm.s32 $0x400;
	[sflag:s17] =	ssyncset.done $0x0  }
.LBB2_5:
0x63: {  	p1 =	seq.s32 s26, $0x7000  }
0x64: {  	[sflag:s17] =	ssyncadd.s32 $0xFFFFC000;
	s28 =	smov.u32 s26;
	s26 =	sadd.s32 $0x400, s26  }
0x65: {  	_ = 	snop  }
0x66: {  	_ =	swait.ge [sflag:s20], $0x4000  }
0x67: {  	s28 =	sshra.s32 s28, $0x2;
	[sflag:s20] =	ssyncset.done $0x0  }
0x68: {  	s29 =	sadd.s32 $0x80, s28;
	[sflag:s20] =	ssyncadd.s32 $0xFFFFC000  }
0x69: {  	[tilespmem:s21], [sflag:$0x2] =	stream.indirect.gather [hbm4b:s4+s19], $0x80, s29, s19, $0xb8;
	v63 =	vld [tilespmem:$0x0]  }
0x6a: {  	s29 =	sadd.s32 $0x2000, s28  }
0x6b: {  	[spmem:s2] =	stream.indirect.scatter.add.f32 [tilespmem:s16], [sflag:$0x3], $0x80, s29, s19, $0xb8;
	v63 =	vld [tilespmem:$0x0]  }
0x6c: {  	_ =	swait.ge [sflag:s17], $0x4000  }
0x6d: {  	[sflag:s17] =	ssyncset.done $0x0  }
0x6e: {  	[sflag:s17] =	ssyncadd.s32 $0xFFFFC000  }
0x6f: {  	_ =	swait.ge [sflag:s22], $0x4000  }
0x70: {  	[sflag:s22] =	ssyncset.done $0x0  }
0x71: {  	s29 =	sadd.s32 $0x100, s28;
	[sflag:s22] =	ssyncadd.s32 $0xFFFFC000  }
0x72: {  	[tilespmem:s16], [sflag:$0x1] =	stream.indirect.gather [hbm4b:s4+s19], $0x80, s29, s19, $0xb8;
	v63 =	vld [tilespmem:$0x0]  }
.Ltmp4:
0x73: {  	_ = 	snop;
	(pc) =	sbr.rel @!p1 .LBB2_5-.Ltmp4, $4  }
0x74: {  	s28 =	sadd.s32 $0x2080, s28  }
0x75: {  	[spmem:s2] =	stream.indirect.scatter.add.f32 [tilespmem:s21], [sflag:$0x3], $0x80, s28, s19, $0xb8;
	v63 =	vld [tilespmem:$0x0]  }
0x76: {  	_ =	swait.ge [sflag:s17], $0x4000  }
0x77: {  	[sflag:s17] =	ssyncset.done $0x0  }
0x78: {  	[sflag:s17] =	ssyncadd.s32 $0xFFFFC000  }
0x79: {  	_ =	swait.ge [sflag:s20], $0x4000  }
0x7a: {  	[sflag:s20] =	ssyncset.done $0x0  }
0x7b: {  	[sflag:s20] =	ssyncadd.s32 $0xFFFFC000  }
0x7c: {  	[tilespmem:s21], [sflag:$0x2] =	stream.indirect.gather [hbm4b:s4+s19], $0x80, s23, s19, $0xb8;
	v63 =	vld [tilespmem:$0x0]  }
0x7d: {  	_ = 	snop  }
0x7e: {  	[spmem:s2] =	stream.indirect.scatter.add.f32 [tilespmem:s16], [sflag:$0x3], $0x80, s24, s19, $0xb8;
	v63 =	vld [tilespmem:$0x0]  }
0x7f: {  	_ =	swait.ge [sflag:s17], $0x4000  }
0x80: {  	[sflag:s17] =	ssyncset.done $0x0  }
0x81: {  	[sflag:s17] =	ssyncadd.s32 $0xFFFFC000  }
0x82: {  	_ =	swait.ge [sflag:s22], $0x4000  }
0x83: {  	[sflag:s22] =	ssyncset.done $0x0  }
.Ltmp5:
0x84: {  	[sflag:s22] =	ssyncadd.s32 $0xFFFFC000;
	(pc) =	sbr.rel .LBB2_10-.Ltmp5, $4  }
0x85: {  	[spmem:s2] =	stream.indirect.scatter.add.f32 [tilespmem:s21], [sflag:$0x3], $0x80, s25, s19, $0xb8;
	v63 =	vld [tilespmem:$0x0]  }
0x86: {  	_ =	swait.ge [sflag:s17], $0x4000  }
0x87: {  	[sflag:s17] =	ssyncset.done $0x0  }
0x88: {  	[sflag:s17] =	ssyncadd.s32 $0xFFFFC000  }
.LBB2_7:
0x89: {  	s26 =	simm.s32 $0x0  }
0x8a: {  	[tilespmem:s16], [sflag:$0x1] =	stream.indirect.gather [hbm4b:s4+s19], $0x80, s26, s19, $0xb8;
	v63 =	vld [tilespmem:$0x0]  }
0x8b: {  	_ =	swait.ge [sflag:s20], $0x4000  }
0x8c: {  	[sflag:s20] =	ssyncset.done $0x0  }
0x8d: {  	s31 =	simm.s32 $0x2000;
	[sflag:s20] =	ssyncadd.s32 $0xFFFFC000  }
0x8e: {  	[spmem:s2] =	stream.indirect.scatter.add.f32 [tilespmem:s16], [sflag:$0x3], $0x80, s31, s19, $0xb8;
	v63 =	vld [tilespmem:$0x0]  }
0x8f: {  	_ =	swait.ge [sflag:s17], $0x4000  }
0x90: {  	s28 =	simm.s32 $0x400;
	s26 =	simm.s32 $0x200;
	[sflag:s17] =	ssyncset.done $0x0  }
.LBB2_8:
0x91: {  	s29 =	sshra.s32 s26, $0x2  }
0x92: {  	[sflag:s17] =	ssyncadd.s32 $0xFFFFC000;
	s26 =	smov.u32 s28;
	s30 =	sadd.s32 $0x200, s28  }
0x93: {  	[tilespmem:s16], [sflag:$0x1] =	stream.indirect.gather [hbm4b:s4+s19], $0x80, s29, s19, $0xb8;
	v63 =	vld [tilespmem:$0x0]  }
0x94: {  	p1 =	seq.s32 s28, $0x2600;
	_ =	swait.ge [sflag:s20], $0x4000  }
.Ltmp6:
0x95: {  	[sflag:s20] =	ssyncset.done $0x0;
	(pc) =	sbr.rel @!p1 .LBB2_8-.Ltmp6, $4  }
0x96: {  	s28 =	sadd.s32 $0x2000, s29;
	[sflag:s20] =	ssyncadd.s32 $0xFFFFC000  }
0x97: {  	[spmem:s2] =	stream.indirect.scatter.add.f32 [tilespmem:s16], [sflag:$0x3], $0x80, s28, s19, $0xb8;
	v63 =	vld [tilespmem:$0x0]  }
0x98: {  	_ =	swait.ge [sflag:s17], $0x4000  }
0x99: {  	s28 =	smov.u32 s30;
	[sflag:s17] =	ssyncset.done $0x0  }
0x9a: {  	s26 =	sshra.s32 s26, $0x2;
	[sflag:s17] =	ssyncadd.s32 $0xFFFFC000  }
0x9b: {  	[tilespmem:s16], [sflag:$0x1] =	stream.indirect.gather [hbm4b:s4+s19], $0x80, s26, s19, $0xb8;
	v63 =	vld [tilespmem:$0x0]  }
0x9c: {  	_ =	swait.ge [sflag:s20], $0x4000  }
0x9d: {  	[sflag:s20] =	ssyncset.done $0x0  }
0x9e: {  	s26 =	sadd.s32 $0x2000, s26;
	[sflag:s20] =	ssyncadd.s32 $0xFFFFC000  }
0x9f: {  	[spmem:s2] =	stream.indirect.scatter.add.f32 [tilespmem:s16], [sflag:$0x3], $0x80, s26, s19, $0xb8;
	v63 =	vld [tilespmem:$0x0]  }
0xa0: {  	_ =	swait.ge [sflag:s17], $0x4000  }
0xa1: {  	[sflag:s17] =	ssyncset.done $0x0  }
0xa2: {  	[sflag:s17] =	ssyncadd.s32 $0xFFFFC000  }
.LBB2_10:
0xa3: {  	s26 =	simm.s32 $0x0  }
0xa4: {  	[tilespmem:s26], [sflag:$0x3] =	stream.linear.gather [hbm4b:s12+s26], $0x1E00, $0x38;
	v63 =	vld [tilespmem:$0x0]  }
0xa5: {  	_ =	swait.ge [sflag:s17], $0x1E00  }
0xa6: {  	[sflag:s17] =	ssyncset.done $0x0  }
.Ltmp7:
0xa7: {  	[sflag:s17] =	ssyncadd.s32 $0xFFFFE200;
	(pc) =	sbr.rel @p0 .LBB2_14-.Ltmp7, $4  }
0xa8: {  	[tilespmem:s18], [sflag:$0x3] =	stream.linear.gather [hbm4b:s13+s26], $0x1E00, $0x38;
	v63 =	vld [tilespmem:$0x0]  }
0xa9: {  	_ =	swait.ge [sflag:s17], $0x1E00  }
0xaa: {  	[sflag:s17] =	ssyncset.done $0x0  }
0xab: {  	[sflag:s17] =	ssyncadd.s32 $0xFFFFE200  }
0xac: {  	[tilespmem:s16], [sflag:$0x1] =	stream.indirect.gather [hbm4b:s4+s19], $0x80, s26, s19, $0xb8;
	v63 =	vld [tilespmem:$0x0]  }
0xad: {  	_ =	swait.ge [sflag:s20], $0x4000  }
0xae: {  	[sflag:s20] =	ssyncset.done $0x0  }
0xaf: {  	s28 =	simm.s32 $0x80;
	[sflag:s20] =	ssyncadd.s32 $0xFFFFC000  }
0xb0: {  	[tilespmem:s21], [sflag:$0x2] =	stream.indirect.gather [hbm4b:s4+s19], $0x80, s28, s19, $0xb8;
	v63 =	vld [tilespmem:$0x0]  }
0xb1: {  	s29 =	simm.s32 $0x2000  }
0xb2: {  	[spmem:s2] =	stream.indirect.scatter.add.f32 [tilespmem:s16], [sflag:$0x3], $0x80, s29, s19, $0xb8;
	v63 =	vld [tilespmem:$0x0]  }
0xb3: {  	_ =	swait.ge [sflag:s17], $0x4000  }
0xb4: {  	[sflag:s17] =	ssyncset.done $0x0  }
0xb5: {  	[sflag:s17] =	ssyncadd.s32 $0xFFFFC000  }
0xb6: {  	_ =	swait.ge [sflag:s22], $0x4000  }
0xb7: {  	[sflag:s22] =	ssyncset.done $0x0  }
0xb8: {  	s30 =	simm.s32 $0x100;
	[sflag:s22] =	ssyncadd.s32 $0xFFFFC000  }
0xb9: {  	[tilespmem:s16], [sflag:$0x1] =	stream.indirect.gather [hbm4b:s4+s19], $0x80, s30, s19, $0xb8;
	v63 =	vld [tilespmem:$0x0]  }
0xba: {  	s31 =	simm.s32 $0x2080  }
0xbb: {  	[spmem:s2] =	stream.indirect.scatter.add.f32 [tilespmem:s21], [sflag:$0x3], $0x80, s31, s19, $0xb8;
	v63 =	vld [tilespmem:$0x0]  }
0xbc: {  	_ =	swait.ge [sflag:s17], $0x4000  }
0xbd: {  	s26 =	simm.s32 $0x400;
	[sflag:s17] =	ssyncset.done $0x0  }
.LBB2_12:
0xbe: {  	p1 =	seq.s32 s26, $0x7000  }
0xbf: {  	[sflag:s17] =	ssyncadd.s32 $0xFFFFC000;
	s28 =	smov.u32 s26;
	s26 =	sadd.s32 $0x400, s26  }
0xc0: {  	_ = 	snop  }
0xc1: {  	_ =	swait.ge [sflag:s20], $0x4000  }
0xc2: {  	s28 =	sshra.s32 s28, $0x2;
	[sflag:s20] =	ssyncset.done $0x0  }
0xc3: {  	s29 =	sadd.s32 $0x80, s28;
	[sflag:s20] =	ssyncadd.s32 $0xFFFFC000  }
0xc4: {  	[tilespmem:s21], [sflag:$0x2] =	stream.indirect.gather [hbm4b:s4+s19], $0x80, s29, s19, $0xb8;
	v63 =	vld [tilespmem:$0x0]  }
0xc5: {  	s29 =	sadd.s32 $0x2000, s28  }
0xc6: {  	[spmem:s2] =	stream.indirect.scatter.add.f32 [tilespmem:s16], [sflag:$0x3], $0x80, s29, s19, $0xb8;
	v63 =	vld [tilespmem:$0x0]  }
0xc7: {  	_ =	swait.ge [sflag:s17], $0x4000  }
0xc8: {  	[sflag:s17] =	ssyncset.done $0x0  }
0xc9: {  	[sflag:s17] =	ssyncadd.s32 $0xFFFFC000  }
0xca: {  	_ =	swait.ge [sflag:s22], $0x4000  }
0xcb: {  	[sflag:s22] =	ssyncset.done $0x0  }
0xcc: {  	s29 =	sadd.s32 $0x100, s28;
	[sflag:s22] =	ssyncadd.s32 $0xFFFFC000  }
0xcd: {  	[tilespmem:s16], [sflag:$0x1] =	stream.indirect.gather [hbm4b:s4+s19], $0x80, s29, s19, $0xb8;
	v63 =	vld [tilespmem:$0x0]  }
.Ltmp8:
0xce: {  	_ = 	snop;
	(pc) =	sbr.rel @!p1 .LBB2_12-.Ltmp8, $4  }
0xcf: {  	s28 =	sadd.s32 $0x2080, s28  }
0xd0: {  	[spmem:s2] =	stream.indirect.scatter.add.f32 [tilespmem:s21], [sflag:$0x3], $0x80, s28, s19, $0xb8;
	v63 =	vld [tilespmem:$0x0]  }
0xd1: {  	_ =	swait.ge [sflag:s17], $0x4000  }
0xd2: {  	[sflag:s17] =	ssyncset.done $0x0  }
0xd3: {  	[sflag:s17] =	ssyncadd.s32 $0xFFFFC000  }
0xd4: {  	_ =	swait.ge [sflag:s20], $0x4000  }
0xd5: {  	[sflag:s20] =	ssyncset.done $0x0  }
0xd6: {  	[sflag:s20] =	ssyncadd.s32 $0xFFFFC000  }
0xd7: {  	[tilespmem:s21], [sflag:$0x2] =	stream.indirect.gather [hbm4b:s4+s19], $0x80, s23, s19, $0xb8;
	v63 =	vld [tilespmem:$0x0]  }
0xd8: {  	_ = 	snop  }
0xd9: {  	[spmem:s2] =	stream.indirect.scatter.add.f32 [tilespmem:s16], [sflag:$0x3], $0x80, s24, s19, $0xb8;
	v63 =	vld [tilespmem:$0x0]  }
0xda: {  	_ =	swait.ge [sflag:s17], $0x4000  }
0xdb: {  	[sflag:s17] =	ssyncset.done $0x0  }
0xdc: {  	[sflag:s17] =	ssyncadd.s32 $0xFFFFC000  }
0xdd: {  	_ =	swait.ge [sflag:s22], $0x4000  }
0xde: {  	[sflag:s22] =	ssyncset.done $0x0  }
.Ltmp9:
0xdf: {  	[sflag:s22] =	ssyncadd.s32 $0xFFFFC000;
	(pc) =	sbr.rel .LBB2_17-.Ltmp9, $4  }
0xe0: {  	[spmem:s2] =	stream.indirect.scatter.add.f32 [tilespmem:s21], [sflag:$0x3], $0x80, s25, s19, $0xb8;
	v63 =	vld [tilespmem:$0x0]  }
0xe1: {  	_ =	swait.ge [sflag:s17], $0x4000  }
0xe2: {  	[sflag:s17] =	ssyncset.done $0x0  }
0xe3: {  	[sflag:s17] =	ssyncadd.s32 $0xFFFFC000  }
.LBB2_14:
0xe4: {  	s26 =	simm.s32 $0x0  }
0xe5: {  	[tilespmem:s16], [sflag:$0x1] =	stream.indirect.gather [hbm4b:s4+s19], $0x80, s26, s19, $0xb8;
	v63 =	vld [tilespmem:$0x0]  }
0xe6: {  	_ =	swait.ge [sflag:s20], $0x4000  }
0xe7: {  	[sflag:s20] =	ssyncset.done $0x0  }
0xe8: {  	s31 =	simm.s32 $0x2000;
	[sflag:s20] =	ssyncadd.s32 $0xFFFFC000  }
0xe9: {  	[spmem:s2] =	stream.indirect.scatter.add.f32 [tilespmem:s16], [sflag:$0x3], $0x80, s31, s19, $0xb8;
	v63 =	vld [tilespmem:$0x0]  }
0xea: {  	_ =	swait.ge [sflag:s17], $0x4000  }
0xeb: {  	s28 =	simm.s32 $0x400;
	s26 =	simm.s32 $0x200;
	[sflag:s17] =	ssyncset.done $0x0  }
.LBB2_15:
0xec: {  	s29 =	sshra.s32 s26, $0x2  }
0xed: {  	[sflag:s17] =	ssyncadd.s32 $0xFFFFC000;
	s26 =	smov.u32 s28;
	s30 =	sadd.s32 $0x200, s28  }
0xee: {  	[tilespmem:s16], [sflag:$0x1] =	stream.indirect.gather [hbm4b:s4+s19], $0x80, s29, s19, $0xb8;
	v63 =	vld [tilespmem:$0x0]  }
0xef: {  	p1 =	seq.s32 s28, $0x2600;
	_ =	swait.ge [sflag:s20], $0x4000  }
.Ltmp10:
0xf0: {  	[sflag:s20] =	ssyncset.done $0x0;
	(pc) =	sbr.rel @!p1 .LBB2_15-.Ltmp10, $4  }
0xf1: {  	s28 =	sadd.s32 $0x2000, s29;
	[sflag:s20] =	ssyncadd.s32 $0xFFFFC000  }
0xf2: {  	[spmem:s2] =	stream.indirect.scatter.add.f32 [tilespmem:s16], [sflag:$0x3], $0x80, s28, s19, $0xb8;
	v63 =	vld [tilespmem:$0x0]  }
0xf3: {  	_ =	swait.ge [sflag:s17], $0x4000  }
0xf4: {  	s28 =	smov.u32 s30;
	[sflag:s17] =	ssyncset.done $0x0  }
.Ltmp11:
0xf5: {  	_ = 	snop;
	(pc) =	sbr.rel .LBB2_16-.Ltmp11, $1  }
0xf6: {  	_ =	sdelay $0x3  }
.LBB2_18:
0xf7: {  	_ =	sfence.sel $0x180000  }
0xf8: {  	[bflag:$0x0] =	sbarrier.arrive $0xFFFF  }
0xf9: {  	p0 =	sne.s32 s1, $0x0;
	_ =	strace $0x90000050  }
0xfa: {  	s0 =	sadd.s32 @!p0 $0x100000, s0;
	[bflag:$0x2] =	sbarrier.arrive $0xFFFF  }
0xfb: {  	[sflag:s0] =	ssyncadd.tile.s32 @!p0 $0x1;
	_ =	shalt  }
.Lfunc_end2:
_tile_overlayer_lowered:
.L_overlay_start_2:
0xfc: {  	(tag) =	ssettag $0x2  }
0xfd: {  	s0 =	rddreg [dreg:$0x0];
	s2 =	stileid.u32  }
0xfe: {  	s1 =	rddreg [dreg:$0x1];
	p0 =	sne.s32 s2, $0x0  }
0xff: {  	s3 =	rddreg [dreg:$0x2];
	[bflag:$0x3] =	sbarrier.arrive $0xFFFF;
	s2 =	simm.s32 @!p0 $0x1C03  }
0x100: {  	[timem:s3], [sflag:s2] =	dma.local @!p0 [hbm:s0], s1  }
0x101: {  	s0 =	simm.s32 @!p0 $0x3  }
0x102: {  	_ =	swait.ge @!p0 [sflag:s0], s1  }
0x103: {  	s1 =	ssub.s32 @!p0 $0x0, s1;
	[sflag:s0] =	ssyncset.done @!p0 $0x0  }
0x104: {  	[sflag:s0] =	ssyncadd.s32 @!p0 s1  }
0x105: {  	[bflag:$0x3] =	sbarrier.arrive $0xFFFF  }
0x106: {  	_ =	shalt  }

// kernel: kernel.25.cloned.1.call-start
scs
__scs_entry_jumppad:
0x0: {  	(pc) =	sbr.rel $0x88, $3  }
0x1: {  	(tag) =	ssettag $0x0;
	lr =	simm.s32 $0x1  }
0x2: {  	[smem:$0x3F90] =	sst lr;
	_ =	strace $0xD0000000  }
0x3: {  	_ = 	snop  }
0x4: {  	_ = 	snop  }
0x5: {  	_ = 	snop  }
0x6: {  	_ = 	snop  }
0x7: {  	_ = 	snop  }
__scs_overlays_trampoline_lowered:
0x8: {  	[smem:$0x3F9F] =	sst s0  }
0x9: {  	[smem:$0x3FA0] =	sst s1  }
0xa: {  	[smem:$0x3FA1] =	sst s2  }
0xb: {  	[smem:$0x3FA2] =	sst s3  }
0xc: {  	[smem:$0x3FA3] =	sst s4  }
0xd: {  	[smem:$0x3FA4] =	sst s5  }
0xe: {  	[smem:$0x3FA5] =	sst s6  }
0xf: {  	[smem:$0x3FA6] =	sst s7  }
0x10: {  	[smem:$0x3FA7] =	sst s8  }
0x11: {  	[smem:$0x3FA8] =	sst s9;
	s0 =	simm.s32 @!p0 $0x0  }
0x12: {  	s1 =	sld [smem:$0x3F8E];
	s0 =	simm.s32 @p0 $0x1  }
0x13: {  	[smem:$0x3FA9] =	sst s0;
	s0 =	simm.s32 @!p1 $0x0  }
0x14: {  	s2 =	sld [smem:$0x3F8D];
	s0 =	simm.s32 @p1 $0x1  }
0x15: {  	[smem:$0x3FAA] =	sst s0;
	s0 =	simm.s32 @!p2 $0x0  }
0x16: {  	s3 =	sld [smem:$0x3FDB];
	s0 =	simm.s32 @p2 $0x1  }
0x17: {  	s4 =	simm.s32 $0x1BF5;
	[smem:$0x3FAC] =	sst s0  }
0x18: {  	s0 =	sld [smem:$0x3F8F];
	_ =	swait.ge [sflag:s4], $0x0  }
0x19: {  	s7 =	sld [smem:$0x3F90]  }
0x1a: {  	s8 =	sadd.s32 $0xFFFFE003, lr  }
0x1b: {  	s9 =	sadd.s32 $0xFFFFFEF7, lr;
	s5 =	simm.s32 $0xFFFFFFFF;
	p2 =	slt.u32 s8, $0xFFFFF086  }
0x1c: {  	p1 =	slt.u32 s9, $0xF7A;
	s5 =	simm.s32 @!p2 $0x0  }
0x1d: {  	s5 =	simm.s32 @p1 $0x1;
	p0 =	seq.s32 s7, s2  }
0x1e: {  	s7 =	smul.u32 @!p0 $0xF7A, s2;
	p2 =	seq.s32 @!p0 s5, $0x0  }
0x1f: {  	s9 =	smul.u32 $0xF7A, s1;
	s8 =	simm.s32 @!p0 $0x1BF5;
	p2 =	por !p2, p0  }
0x20: {  	[sflag:s8] =	ssyncset.s32 @!p0 $0xFFFFF086;
	s6 =	sadd.s32 @!p0 s3, s7;
	s7 =	simm.s32 @!p0 $0x108  }
0x21: {  	s3 =	sadd.s32 s3, s9;
	s6 =	sadd.s32 @!p0 $0x88, s6;
	s7 =	simm.s32 @p2 $0x1082  }
0x22: {  	[simem:s7], [sflag:s8] =	dma.local @!p0 [hbm:s6], $0xF7A  }
0x23: {  	s9 =	sor.u32 $0xD0000000, s2;
	s6 =	simm.s32 $0x108;
	_ =	swait.ge @!p0 [sflag:s8], $0x0  }
0x24: {  	s3 =	sadd.s32 $0x88, s3;
	s6 =	simm.s32 @!p1 $0x1082;
	[sflag:s4] =	ssyncset.s32 $0xFFFFF086  }
0x25: {  	[simem:s6], [sflag:s4] =	dma.local [hbm:s3], $0xF7A  }
0x26: {  	[smem:$0x3F90] =	sst s1;
	(tag) =	ssettag s2;
	_ =	strace s9  }
0x27: {  	s1 =	sld [smem:$0x3FA0]  }
0x28: {  	s2 =	sld [smem:$0x3FA1]  }
0x29: {  	s4 =	sld [smem:$0x3FA3]  }
0x2a: {  	p0 =	seq.s32 s5, $0x0;
	s5 =	sld [smem:$0x3FA4]  }
0x2b: {  	s6 =	sld [smem:$0x3FA5]  }
0x2c: {  	s7 =	sld [smem:$0x3FA6]  }
0x2d: {  	s3 =	simm.s32 $0x108;
	s8 =	sld [smem:$0x3FA7]  }
0x2e: {  	s3 =	simm.s32 @!p0 $0x1082;
	s9 =	sld [smem:$0x3FA8]  }
0x2f: {  	lr =	sadd.s32 s0, s3;
	s0 =	sld [smem:$0x3F9F]  }
0x30: {  	s3 =	sld [smem:$0x3FA2]  }
0x31: {  	[smem:$0x3FAB] =	sst s10  }
0x32: {  	s10 =	sld [smem:$0x3FA9];
	_ =	sdelay $0x3  }
0x33: {  	p0 =	seq.s32 s10, $0x1;
	s10 =	sld [smem:$0x3FAB];
	_ =	sdelay $0x3  }
0x34: {  	[smem:$0x3FAB] =	sst s10  }
0x35: {  	s10 =	sld [smem:$0x3FAA];
	_ =	sdelay $0x3  }
0x36: {  	p1 =	seq.s32 s10, $0x1;
	s10 =	sld [smem:$0x3FAB];
	_ =	sdelay $0x3  }
0x37: {  	[smem:$0x3FAB] =	sst s10  }
0x38: {  	s10 =	sld [smem:$0x3FAC]  }
0x39: {  	_ = 	snop;
	(pc) =	sbr.ind lr, $3  }
0x3a: {  	_ = 	snop  }
0x3b: {  	_ = 	snop  }
0x3c: {  	p2 =	seq.s32 s10, $0x1;
	s10 =	sld [smem:$0x3FAB]  }
0x3d: {  	_ =	shalt  }
0x3e: {  	_ =	shalt  }
0x3f: {  	_ =	shalt  }
0x40: {  	_ =	shalt  }
0x41: {  	_ =	shalt  }
0x42: {  	_ =	shalt  }
0x43: {  	_ =	shalt  }
0x44: {  	_ =	shalt  }
0x45: {  	_ =	shalt  }
0x46: {  	_ =	shalt  }
0x47: {  	_ =	shalt  }
0x48: {  	_ =	shalt  }
0x49: {  	_ =	shalt  }
0x4a: {  	_ =	shalt  }
0x4b: {  	_ =	shalt  }
0x4c: {  	_ =	shalt  }
0x4d: {  	_ =	shalt  }
0x4e: {  	_ =	shalt  }
0x4f: {  	_ =	shalt  }
0x50: {  	_ =	shalt  }
0x51: {  	_ =	shalt  }
0x52: {  	_ =	shalt  }
0x53: {  	_ =	shalt  }
0x54: {  	_ =	shalt  }
0x55: {  	_ =	shalt  }
0x56: {  	_ =	shalt  }
0x57: {  	_ =	shalt  }
0x58: {  	_ =	shalt  }
0x59: {  	_ =	shalt  }
0x5a: {  	_ =	shalt  }
0x5b: {  	_ =	shalt  }
0x5c: {  	_ =	shalt  }
0x5d: {  	_ =	shalt  }
0x5e: {  	_ =	shalt  }
0x5f: {  	_ =	shalt  }
0x60: {  	_ =	shalt  }
0x61: {  	_ =	shalt  }
0x62: {  	_ =	shalt  }
0x63: {  	_ =	shalt  }
0x64: {  	_ =	shalt  }
0x65: {  	_ =	shalt  }
0x66: {  	_ =	shalt  }
0x67: {  	_ =	shalt  }
0x68: {  	_ =	shalt  }
0x69: {  	_ =	shalt  }
0x6a: {  	_ =	shalt  }
0x6b: {  	_ =	shalt  }
0x6c: {  	_ =	shalt  }
0x6d: {  	_ =	shalt  }
0x6e: {  	_ =	shalt  }
0x6f: {  	_ =	shalt  }
0x70: {  	_ =	shalt  }
0x71: {  	_ =	shalt  }
0x72: {  	_ =	shalt  }
0x73: {  	_ =	shalt  }
0x74: {  	_ =	shalt  }
0x75: {  	_ =	shalt  }
0x76: {  	_ =	shalt  }
0x77: {  	_ =	shalt  }
0x78: {  	_ =	shalt  }
0x79: {  	_ =	shalt  }
0x7a: {  	_ =	shalt  }
0x7b: {  	_ =	shalt  }
0x7c: {  	_ =	shalt  }
0x7d: {  	_ =	shalt  }
0x7e: {  	_ =	shalt  }
0x7f: {  	_ =	shalt  }
0x80: {  	_ =	shalt  }
0x81: {  	_ =	shalt  }
0x82: {  	_ =	shalt  }
0x83: {  	_ =	shalt  }
0x84: {  	_ =	shalt  }
0x85: {  	_ =	shalt  }
0x86: {  	_ =	shalt  }
0x87: {  	_ =	shalt  }
.Lfunc_end0:
.L_simem_size_0:
called_computation.4_lowered:
.L_overlay_start_0:
0x88: {  	s2 =	sld [smem:$0x3FD9]  }
0x89: {  	s3 =	sld [smem:$0x3FFE];
	_ =	sdelay $0x1  }
0x8a: {  	s1 =	srdreg.scid  }
0x8b: {  	s0 =	sand.u32 $0x1, s1  }
0x8c: {  	s16 =	sshll.u32 s0, $0xA;
	s2 =	sadd.s32 s3, s2  }
0x8d: {  	s2 =	sadd.s32 s2, s16  }
0x8e: {  	[smem:$0x3FB7] =	sst s2  }
0x8f: {  	_ = 	snop  }
0x90: {  	(tm) =	ssettm $0x1  }
0x91: {  	s17 =	sld [smem:$0x3FFB];
	_ =	sdelay $0x3  }
0x92: {  	_ =	strace s17  }
0x93: {  	s2 =	sld [smem:$0x3FFC];
	_ =	sdelay $0x3  }
0x94: {  	_ =	strace s2  }
0x95: {  	s2 =	sld [smem:$0x3FFD];
	_ =	sdelay $0x3  }
0x96: {  	_ =	strace s2  }
0x97: {  	_ =	strace $0x8FFFFFFF  }
0x98: {  	s18 =	sld [smem:$0x3FDB];
	_ =	sdelay $0x1  }
0x99: {  	s19 =	simm.s32 $_scs_section_size  }
0x9a: {  	s4 =	simm.s32 $_size__tile_overlayer_lowered;
	s5 =	simm.s32 $_tile_overlayer_lowered  }
0x9b: {  	s22 =	simm.s32 $0x1BFF;
	s21 =	sshll.u32 s5, $0x1;
	s2 =	sadd.s32 s19, s18  }
0x9c: {  	s6 =	simm.s32 $0x0;
	s20 =	sshll.u32 s4, $0x1;
	s4 =	sadd.s32 s21, s2  }
0x9d: {  	[timem:s6], [sflag:s22] =	dma.local [hbm:s4], s20  }
0x9e: {  	_ =	swait.ge [sflag:s22], s20  }
0x9f: {  	s3 =	ssub.s32 $0x0, s20;
	[sflag:s22] =	ssyncset.done $0x0  }
0xa0: {  	[sflag:s22] =	ssyncadd.s32 s3;
	_ =	sdelay $0x1  }
0xa1: {  	s23 =	simm.s32 $0x1B8B  }
0xa2: {  	_ =	swait.ge [sflag:s23], $0x1  }
0xa3: {  	[sflag:s23] =	ssyncset.done $0x0  }
0xa4: {  	s25 =	simm.s32 $0x1B8E;
	s24 =	sld [smem:$0x3FFE];
	[sflag:s23] =	ssyncadd.s32 $0xFFFFFFFF  }
0xa5: {  	s26 =	simm.s32 $execute0_lowered;
	[smem:$0x3FD2] =	sst s25  }
0xa6: {  	s4 =	sshll.u32 s26, $0x1;
	_ =	strace $0x80000052;
	[dreg:$0x1] =	wrdreg $0xFFFFFFFF  }
0xa7: {  	s28 =	simm.s32 $_size_execute0_lowered;
	s2 =	sadd.s32 s2, s4;
	[dreg:$0x0] =	wrdreg $0x0  }
0xa8: {  	s4 =	sshll.u32 s28, $0x1;
	[dreg:$0x2] =	wrdreg s2  }
0xa9: {  	[dreg:$0x3] =	wrdreg s4  }
0xaa: {  	[dreg:$0x4] =	wrdreg $0xC0  }
0xab: {  	_ =	task [dreg:s6], $0x5FFFF  }
0xac: {  	[dreg:$0x1] =	wrdreg $0xFFFFFFFF  }
0xad: {  	[dreg:$0x0] =	wrdreg $0x60  }
0xae: {  	[dreg:$0x2] =	wrdreg s24  }
0xaf: {  	[dreg:$0x3] =	wrdreg $0x9  }
0xb0: {  	_ =	task.clear_ibuf [dreg:s6], $0x4FFFF;
	_ =	strace $0x90000052  }
0xb1: {  	s29 =	simm.s32 $0x9;
	_ =	strace $0x80000054  }
0xb2: {  	_ =	swait.ge [sflag:s29], $0x1  }
0xb3: {  	[sflag:s29] =	ssyncadd.s32 $0xFFFFFFFF  }
0xb4: {  	_ =	strace $0x90000054  }
0xb5: {  	_ =	sfence  }
0xb6: {  	s30 =	sld [smem:$0x0];
	_ =	sdelay $0x2  }
0xb7: {  	s31 =	sshll.u32 s1, $0xD;
	s1 =	sshrl.u32 s1, $0x2  }
0xb8: {  	s3 =	sand.u32 $0x4000, s31;
	s1 =	sadd.s32 s1, s30  }
0xb9: {  	s0 =	sor.u32 s3, s0;
	s1 =	sshll.u32 s1, $0x11  }
0xba: {  	s0 =	sor.u32 s1, s0  }
0xbb: {  	s0 =	sadd.s32 $0x8F2B, s0  }
0xbc: {  	[sflag:s0] =	ssyncadd.remote.s32 $0x1  }
0xbd: {  	_ =	sfence.sel $0xFFFF  }
0xbe: {  	[dreg:$0x0] =	wrdreg $0xFFFFFFFF;
	(pc) =	sbr.abs _section_cstart, $3  }
0xbf: {  	[dreg:$0x1] =	wrdreg $0xFFFFFFFF  }
0xc0: {  	_ =	task.clear_ibuf [dreg:s6], $0x2FFFF;
	_ =	strace $0x9FFFFFFF  }
0xc1: {  	(tm) =	ssettm $0x7FFFFFFF  }
tec
execute0_lowered:
.L_overlay_start_1:
0x0: {  	(tag) =	ssettag $0x1  }
0x1: {  	s1 =	srdreg.scid  }
0x2: {  	s0 =	stileid.u32;
	s1 =	sand.u32 $0x1, s1  }
0x3: {  	s18 =	rddreg [dreg:$0x0];
	s2 =	sshll.u32 s0, $0xB;
	s3 =	sshll.u32 s1, $0xA  }
0x4: {  	s29 =	sadd.s32 $0x2F400, s18;
	s3 =	sor.u32 s3, s2  }
0x5: {  	s2 =	simm.s32 $0x0;
	s4 =	sshrl.u32 s3, $0x3;
	s25 =	sshll.u32 s3, $0x4  }
0x6: {  	[smem:$0x7FF] =	sst s2;
	s4 =	sadd.s32 s4, s18;
	s3 =	sadd.s32 s25, s29  }
0x7: {  	_ =	strace $0x80000053;
	s4 =	sadd.s32 $0x5C00, s4;
	[dreg:$0x3] =	wrdreg s3  }
0x8: {  	[dreg:$0x2] =	wrdreg s4  }
0x9: {  	s3 =	simm.s32 $0x9;
	s4 =	rddreg [dreg:$0x2]  }
0xa: {  	[tilespmem:s2], [sflag:$0x9] =	stream.linear.gather [hbm4b:s4+s2], $0x400, $0x38;
	[tilespmem:$0x10400] =	vst v63  }
0xb: {  	_ =	swait.ge [sflag:s3], $0x400  }
0xc: {  	s5 =	simm.s32 $0x80;
	[sflag:s3] =	ssyncset.done $0x0  }
0xd: {  	s6 =	simm.s32 $0x400;
	s4 =	sadd.s32 $0x6C00, s18;
	[sflag:s3] =	ssyncadd.s32 $0xFFFFFC00  }
0xe: {  	[tilespmem:s6], [sflag:$0x1] =	stream.indirect.gather [hbm4b:s4+s5], $0x80, s2, s5, $0xb8;
	[tilespmem:$0x10400] =	vst v63  }
0xf: {  	s7 =	simm.s32 $0x4400  }
0x10: {  	[tilespmem:s7], [sflag:$0x2] =	stream.indirect.gather [hbm4b:s4+s5], $0x80, s5, s5, $0xb8;
	[tilespmem:$0x10400] =	vst v63  }
0x11: {  	s8 =	simm.s32 $0x100;
	s9 =	simm.s32 $0x8400;
	s10 =	simm.s32 $0x1  }
0x12: {  	[tilespmem:s9], [sflag:$0x3] =	stream.indirect.gather [hbm4b:s4+s5], $0x80, s8, s5, $0xb8;
	[tilespmem:$0x10400] =	vst v63  }
0x13: {  	_ =	swait.ge [sflag:s10], $0x4000  }
0x14: {  	s26 =	sadd.s32 $0x2EC00, s18;
	[sflag:s10] =	ssyncset.done $0x0  }
0x15: {  	s11 =	sadd.s32 s26, s25;
	[sflag:s10] =	ssyncadd.s32 $0xFFFFC000  }
0x16: {  	[hbm4b:s11+s2] =	stream.linear.scatter [tilespmem:s6], [sflag:$0x5], $0x4000, $0x38;
	[tilespmem:$0x10400] =	vst v63  }
0x17: {  	s12 =	simm.s32 $0x180;
	s13 =	simm.s32 $0xC400;
	s14 =	simm.s32 $0x2  }
0x18: {  	[tilespmem:s13], [sflag:$0x4] =	stream.indirect.gather [hbm4b:s4+s5], $0x80, s12, s5, $0xb8;
	[tilespmem:$0x10400] =	vst v63  }
0x19: {  	_ =	swait.ge [sflag:s14], $0x4000  }
0x1a: {  	[sflag:s14] =	ssyncset.done $0x0  }
0x1b: {  	s15 =	simm.s32 $0x5;
	s16 =	rddreg [dreg:$0x3];
	[sflag:s14] =	ssyncadd.s32 $0xFFFFC000  }
0x1c: {  	[hbm4b:s16+s2] =	stream.linear.scatter [tilespmem:s7], [sflag:$0x6], $0x4000, $0x38;
	[tilespmem:$0x10400] =	vst v63  }
0x1d: {  	_ =	swait.ge [sflag:s15], $0x4000  }
0x1e: {  	[sflag:s15] =	ssyncset.done $0x0  }
0x1f: {  	s17 =	simm.s32 $0x3;
	s16 =	simm.s32 $0x200;
	[sflag:s15] =	ssyncadd.s32 $0xFFFFC000  }
0x20: {  	[tilespmem:s6], [sflag:$0x1] =	stream.indirect.gather [hbm4b:s4+s5], $0x80, s16, s5, $0xb8;
	[tilespmem:$0x10400] =	vst v63  }
0x21: {  	_ =	swait.ge [sflag:s17], $0x4000  }
0x22: {  	s30 =	sadd.s32 $0x2FC00, s18;
	[sflag:s17] =	ssyncset.done $0x0  }
0x23: {  	s19 =	simm.s32 $0x6;
	s18 =	sadd.s32 s25, s30;
	[sflag:s17] =	ssyncadd.s32 $0xFFFFC000  }
0x24: {  	[hbm4b:s18+s2] =	stream.linear.scatter [tilespmem:s9], [sflag:$0x7], $0x4000, $0x38;
	[tilespmem:$0x10400] =	vst v63  }
0x25: {  	_ =	swait.ge [sflag:s19], $0x4000  }
0x26: {  	[sflag:s19] =	ssyncset.done $0x0  }
0x27: {  	s20 =	simm.s32 $0x280;
	s21 =	simm.s32 $0x4;
	[sflag:s19] =	ssyncadd.s32 $0xFFFFC000  }
0x28: {  	[tilespmem:s7], [sflag:$0x2] =	stream.indirect.gather [hbm4b:s4+s5], $0x80, s20, s5, $0xb8;
	[tilespmem:$0x10400] =	vst v63  }
0x29: {  	_ =	swait.ge [sflag:s21], $0x4000  }
0x2a: {  	[sflag:s21] =	ssyncset.done $0x0  }
0x2b: {  	s23 =	simm.s32 $0x7;
	s22 =	sadd.s32 $0x1800, s11;
	[sflag:s21] =	ssyncadd.s32 $0xFFFFC000  }
0x2c: {  	[hbm4b:s22+s2] =	stream.linear.scatter [tilespmem:s13], [sflag:$0x8], $0x4000, $0x38;
	[tilespmem:$0x10400] =	vst v63  }
0x2d: {  	_ =	swait.ge [sflag:s23], $0x4000  }
0x2e: {  	[sflag:s23] =	ssyncset.done $0x0  }
0x2f: {  	s24 =	simm.s32 $0x300;
	[sflag:s23] =	ssyncadd.s32 $0xFFFFC000  }
0x30: {  	[tilespmem:s9], [sflag:$0x3] =	stream.indirect.gather [hbm4b:s4+s5], $0x80, s24, s5, $0xb8;
	[tilespmem:$0x10400] =	vst v63  }
0x31: {  	_ =	swait.ge [sflag:s10], $0x4000  }
0x32: {  	s31 =	sor.u32 $0x2000, s25;
	[sflag:s10] =	ssyncset.done $0x0  }
0x33: {  	s25 =	sadd.s32 s26, s31;
	s26 =	simm.s32 $0x8;
	[sflag:s10] =	ssyncadd.s32 $0xFFFFC000  }
0x34: {  	[hbm4b:s25+s2] =	stream.linear.scatter [tilespmem:s6], [sflag:$0x5], $0x4000, $0x38;
	[tilespmem:$0x10400] =	vst v63  }
0x35: {  	_ =	swait.ge [sflag:s26], $0x4000  }
0x36: {  	[sflag:s26] =	ssyncset.done $0x0  }
0x37: {  	s28 =	simm.s32 $0x380;
	[sflag:s26] =	ssyncadd.s32 $0xFFFFC000  }
0x38: {  	[tilespmem:s13], [sflag:$0x4] =	stream.indirect.gather [hbm4b:s4+s5], $0x80, s28, s5, $0xb8;
	[tilespmem:$0x10400] =	vst v63  }
0x39: {  	_ =	swait.ge [sflag:s14], $0x4000  }
0x3a: {  	[sflag:s14] =	ssyncset.done $0x0  }
0x3b: {  	s29 =	sadd.s32 s31, s29;
	[sflag:s14] =	ssyncadd.s32 $0xFFFFC000  }
0x3c: {  	[hbm4b:s29+s2] =	stream.linear.scatter [tilespmem:s7], [sflag:$0x6], $0x4000, $0x38;
	[tilespmem:$0x10400] =	vst v63  }
0x3d: {  	_ =	swait.ge [sflag:s15], $0x4000  }
0x3e: {  	[sflag:s15] =	ssyncset.done $0x0  }
0x3f: {  	[sflag:s15] =	ssyncadd.s32 $0xFFFFC000  }
0x40: {  	_ =	swait.ge [sflag:s17], $0x4000  }
0x41: {  	[sflag:s17] =	ssyncset.done $0x0  }
0x42: {  	s30 =	sadd.s32 s31, s30;
	[sflag:s17] =	ssyncadd.s32 $0xFFFFC000  }
0x43: {  	[hbm4b:s30+s2] =	stream.linear.scatter [tilespmem:s9], [sflag:$0x7], $0x4000, $0x38;
	[tilespmem:$0x10400] =	vst v63  }
0x44: {  	_ =	swait.ge [sflag:s19], $0x4000  }
0x45: {  	s1 =	ssub.s32 $0x2, s1;
	[sflag:s19] =	ssyncset.done $0x0  }
0x46: {  	s0 =	sshrl.u32 s1, $0x1;
	[sflag:s19] =	ssyncadd.s32 $0xFFFFC000  }
0x47: {  	s0 =	ssub.s32 s1, s0;
	_ =	swait.ge [sflag:s21], $0x4000  }
0x48: {  	s0 =	smax.u32 s0, $0x1;
	[sflag:s21] =	ssyncset.done $0x0  }
0x49: {  	p0 =	sne.s32 s0, $0x1;
	s31 =	sadd.s32 $0x3800, s11;
	[sflag:s21] =	ssyncadd.s32 $0xFFFFC000  }
0x4a: {  	[hbm4b:s31+s2] =	stream.linear.scatter [tilespmem:s13], [sflag:$0x8], $0x4000, $0x38;
	[tilespmem:$0x10400] =	vst v63  }
.Ltmp0:
0x4b: {  	_ =	swait.ge [sflag:s23], $0x4000;
	(pc) =	sbr.rel @!p0 .LBB2_2-.Ltmp0, $4  }
0x4c: {  	[sflag:s23] =	ssyncset.done $0x0  }
0x4d: {  	[sflag:s23] =	ssyncadd.s32 $0xFFFFC000  }
0x4e: {  	_ =	swait.ge [sflag:s26], $0x4000  }
0x4f: {  	s1 =	sadd.s32 $0xFFFFFFFF, s0;
	[sflag:s26] =	ssyncset.done $0x0  }
.LBB2_1:
0x50: {  	s0 =	rddreg [dreg:$0x2];
	[sflag:s26] =	ssyncadd.s32 $0xFFFFC000  }
0x51: {  	[tilespmem:s2], [sflag:$0x9] =	stream.linear.gather [hbm4b:s0+s2], $0x400, $0x38;
	[tilespmem:$0x10400] =	vst v63  }
0x52: {  	_ =	swait.ge [sflag:s3], $0x400  }
0x53: {  	[sflag:s3] =	ssyncset.done $0x0  }
0x54: {  	[sflag:s3] =	ssyncadd.s32 $0xFFFFFC00  }
0x55: {  	[tilespmem:s6], [sflag:$0x1] =	stream.indirect.gather [hbm4b:s4+s5], $0x80, s2, s5, $0xb8;
	[tilespmem:$0x10400] =	vst v63  }
0x56: {  	_ = 	snop  }
0x57: {  	[tilespmem:s7], [sflag:$0x2] =	stream.indirect.gather [hbm4b:s4+s5], $0x80, s5, s5, $0xb8;
	[tilespmem:$0x10400] =	vst v63  }
0x58: {  	_ = 	snop  }
0x59: {  	[tilespmem:s9], [sflag:$0x3] =	stream.indirect.gather [hbm4b:s4+s5], $0x80, s8, s5, $0xb8;
	[tilespmem:$0x10400] =	vst v63  }
0x5a: {  	_ =	swait.ge [sflag:s10], $0x4000  }
0x5b: {  	[sflag:s10] =	ssyncset.done $0x0  }
0x5c: {  	[sflag:s10] =	ssyncadd.s32 $0xFFFFC000  }
0x5d: {  	[hbm4b:s11+s2] =	stream.linear.scatter [tilespmem:s6], [sflag:$0x5], $0x4000, $0x38;
	[tilespmem:$0x10400] =	vst v63  }
0x5e: {  	_ = 	snop  }
0x5f: {  	[tilespmem:s13], [sflag:$0x4] =	stream.indirect.gather [hbm4b:s4+s5], $0x80, s12, s5, $0xb8;
	[tilespmem:$0x10400] =	vst v63  }
0x60: {  	_ =	swait.ge [sflag:s14], $0x4000  }
0x61: {  	[sflag:s14] =	ssyncset.done $0x0  }
0x62: {  	s0 =	rddreg [dreg:$0x3];
	[sflag:s14] =	ssyncadd.s32 $0xFFFFC000  }
0x63: {  	[hbm4b:s0+s2] =	stream.linear.scatter [tilespmem:s7], [sflag:$0x6], $0x4000, $0x38;
	[tilespmem:$0x10400] =	vst v63  }
0x64: {  	_ =	swait.ge [sflag:s15], $0x4000  }
0x65: {  	[sflag:s15] =	ssyncset.done $0x0  }
0x66: {  	[sflag:s15] =	ssyncadd.s32 $0xFFFFC000  }
0x67: {  	[tilespmem:s6], [sflag:$0x1] =	stream.indirect.gather [hbm4b:s4+s5], $0x80, s16, s5, $0xb8;
	[tilespmem:$0x10400] =	vst v63  }
0x68: {  	_ =	swait.ge [sflag:s17], $0x4000  }
0x69: {  	[sflag:s17] =	ssyncset.done $0x0  }
0x6a: {  	[sflag:s17] =	ssyncadd.s32 $0xFFFFC000  }
0x6b: {  	[hbm4b:s18+s2] =	stream.linear.scatter [tilespmem:s9], [sflag:$0x7], $0x4000, $0x38;
	[tilespmem:$0x10400] =	vst v63  }
0x6c: {  	_ =	swait.ge [sflag:s19], $0x4000  }
0x6d: {  	[sflag:s19] =	ssyncset.done $0x0  }
0x6e: {  	[sflag:s19] =	ssyncadd.s32 $0xFFFFC000  }
0x6f: {  	[tilespmem:s7], [sflag:$0x2] =	stream.indirect.gather [hbm4b:s4+s5], $0x80, s20, s5, $0xb8;
	[tilespmem:$0x10400] =	vst v63  }
0x70: {  	_ =	swait.ge [sflag:s21], $0x4000  }
0x71: {  	[sflag:s21] =	ssyncset.done $0x0  }
0x72: {  	[sflag:s21] =	ssyncadd.s32 $0xFFFFC000  }
0x73: {  	[hbm4b:s22+s2] =	stream.linear.scatter [tilespmem:s13], [sflag:$0x8], $0x4000, $0x38;
	[tilespmem:$0x10400] =	vst v63  }
0x74: {  	_ =	swait.ge [sflag:s23], $0x4000  }
0x75: {  	[sflag:s23] =	ssyncset.done $0x0  }
0x76: {  	[sflag:s23] =	ssyncadd.s32 $0xFFFFC000  }
0x77: {  	[tilespmem:s9], [sflag:$0x3] =	stream.indirect.gather [hbm4b:s4+s5], $0x80, s24, s5, $0xb8;
	[tilespmem:$0x10400] =	vst v63  }
0x78: {  	_ =	swait.ge [sflag:s10], $0x4000  }
0x79: {  	[sflag:s10] =	ssyncset.done $0x0  }
0x7a: {  	[sflag:s10] =	ssyncadd.s32 $0xFFFFC000  }
0x7b: {  	[hbm4b:s25+s2] =	stream.linear.scatter [tilespmem:s6], [sflag:$0x5], $0x4000, $0x38;
	[tilespmem:$0x10400] =	vst v63  }
0x7c: {  	_ =	swait.ge [sflag:s26], $0x4000  }
0x7d: {  	[sflag:s26] =	ssyncset.done $0x0  }
0x7e: {  	[sflag:s26] =	ssyncadd.s32 $0xFFFFC000  }
0x7f: {  	[tilespmem:s13], [sflag:$0x4] =	stream.indirect.gather [hbm4b:s4+s5], $0x80, s28, s5, $0xb8;
	[tilespmem:$0x10400] =	vst v63  }
0x80: {  	_ =	swait.ge [sflag:s14], $0x4000  }
0x81: {  	[sflag:s14] =	ssyncset.done $0x0  }
0x82: {  	[sflag:s14] =	ssyncadd.s32 $0xFFFFC000  }
0x83: {  	[hbm4b:s29+s2] =	stream.linear.scatter [tilespmem:s7], [sflag:$0x6], $0x4000, $0x38;
	[tilespmem:$0x10400] =	vst v63  }
0x84: {  	_ =	swait.ge [sflag:s15], $0x4000  }
0x85: {  	[sflag:s15] =	ssyncset.done $0x0  }
0x86: {  	[sflag:s15] =	ssyncadd.s32 $0xFFFFC000  }
0x87: {  	_ =	swait.ge [sflag:s17], $0x4000  }
0x88: {  	[sflag:s17] =	ssyncset.done $0x0  }
0x89: {  	[sflag:s17] =	ssyncadd.s32 $0xFFFFC000  }
0x8a: {  	[hbm4b:s30+s2] =	stream.linear.scatter [tilespmem:s9], [sflag:$0x7], $0x4000, $0x38;
	[tilespmem:$0x10400] =	vst v63  }
0x8b: {  	_ =	swait.ge [sflag:s19], $0x4000  }
0x8c: {  	[sflag:s19] =	ssyncset.done $0x0  }
0x8d: {  	[sflag:s19] =	ssyncadd.s32 $0xFFFFC000  }
0x8e: {  	_ =	swait.ge [sflag:s21], $0x4000  }
0x8f: {  	[sflag:s21] =	ssyncset.done $0x0  }
0x90: {  	p0 =	sne.s32 s1, $0x1;
	[sflag:s21] =	ssyncadd.s32 $0xFFFFC000  }
0x91: {  	[hbm4b:s31+s2] =	stream.linear.scatter [tilespmem:s13], [sflag:$0x8], $0x4000, $0x38;
	[tilespmem:$0x10400] =	vst v63  }
.Ltmp1:
0x92: {  	_ =	swait.ge [sflag:s23], $0x4000;
	(pc) =	sbr.rel @p0 .LBB2_1-.Ltmp1, $4  }
0x93: {  	[sflag:s23] =	ssyncset.done $0x0  }
0x94: {  	[sflag:s23] =	ssyncadd.s32 $0xFFFFC000  }
0x95: {  	_ =	swait.ge [sflag:s26], $0x4000  }
0x96: {  	s1 =	sadd.s32 $0xFFFFFFFF, s1;
	[sflag:s26] =	ssyncset.done $0x0  }
.LBB2_2:
0x97: {  	[sflag:s26] =	ssyncadd.s32 $0xFFFFC000  }
0x98: {  	_ =	sfence.sel $0x180000  }
0x99: {  	[bflag:$0x0] =	sbarrier.arrive $0xFFFF  }
0x9a: {  	_ =	strace $0x90000053  }
0x9b: {  	s0 =	stileid.u32;
	[bflag:$0x2] =	sbarrier.arrive $0xFFFF  }
0x9c: {  	p0 =	sne.s32 s0, $0x0;
	s0 =	rddreg [dreg:$0x1]  }
0x9d: {  	s0 =	sadd.s32 @!p0 $0x100000, s0  }
0x9e: {  	[sflag:s0] =	ssyncadd.tile.s32 @!p0 $0x1;
	_ =	shalt  }
.Lfunc_end2:
_tile_overlayer_lowered:
.L_overlay_start_2:
0x9f: {  	(tag) =	ssettag $0x2  }
0xa0: {  	s0 =	rddreg [dreg:$0x0];
	s2 =	stileid.u32  }
0xa1: {  	s1 =	rddreg [dreg:$0x1];
	p0 =	sne.s32 s2, $0x0  }
0xa2: {  	s3 =	rddreg [dreg:$0x2];
	[bflag:$0x3] =	sbarrier.arrive $0xFFFF;
	s2 =	simm.s32 @!p0 $0x1C09  }
0xa3: {  	[timem:s3], [sflag:s2] =	dma.local @!p0 [hbm:s0], s1  }
0xa4: {  	s0 =	simm.s32 @!p0 $0x9  }
0xa5: {  	_ =	swait.ge @!p0 [sflag:s0], s1  }
0xa6: {  	s1 =	ssub.s32 @!p0 $0x0, s1;
	[sflag:s0] =	ssyncset.done @!p0 $0x0  }
0xa7: {  	[sflag:s0] =	ssyncadd.s32 @!p0 s1  }
0xa8: {  	[bflag:$0x3] =	sbarrier.arrive $0xFFFF  }
0xa9: {  	_ =	shalt  }

</sc_bundles>
